<compile_context>
chip_gen: v7x
topology: tpu7x:2x2x1
jax: 0.10.2.dev20260603
libtpu: 0.0.44.dev20260713+nightly
codegen_flags: <defaults>
</compile_context>

<pallas_src>
import functools

import jax
import jax.numpy as jnp
from jax import lax
from jax.experimental import pallas as pl
from jax.experimental.pallas import tpu as pltpu
from jax.experimental.pallas import tpu_sc as plsc

B = 16384
NF = 32
LW = 128
BW = 8192

NP_ROWS = 1000000
NQ_ROWS = 100000
NBLK_P = 16
NBLK_Q = 2
QS_P = NBLK_P * BW
QS_Q = NBLK_Q * BW

NC = 2
NS = 16
NW = NC * NS
BPW = B // NW
CH = 128
NCH = BPW // CH

_mesh = plsc.VectorSubcoreMesh(core_axis_name="c", subcore_axis_name="s")


def _bf16_round(iw):
    return iw + jnp.int32(0x8000)


def _precompute_body(x0, x1, x2, x3, x4, x5, x6, x7, w_ref, out_ref):
    lo4 = jnp.concatenate(
        [x0[...], x1[...], x2[...], x3[...]], axis=0).astype(jnp.bfloat16)
    hi4 = jnp.concatenate(
        [x4[...], x5[...], x6[...], x7[...]], axis=0).astype(jnp.bfloat16)
    e_lo = lax.dot_general(
        lo4, w_ref[...], dimension_numbers=(((0,), (0,)), ((), ())),
        preferred_element_type=jnp.float32)
    e_hi = lax.dot_general(
        hi4, w_ref[...], dimension_numbers=(((0,), (0,)), ((), ())),
        preferred_element_type=jnp.float32)
    ilo = _bf16_round(lax.bitcast_convert_type(e_lo, jnp.int32))
    ihi = _bf16_round(lax.bitcast_convert_type(e_hi, jnp.int32))
    word = jnp.bitwise_or(jnp.bitwise_and(ilo, jnp.int32(-65536)),
                          lax.shift_right_logical(ihi, 16))
    out_ref[...] = lax.bitcast_convert_type(word, jnp.float32)


def _make_precompute(nblk, n_cols):
    last = (n_cols + BW - 1) // BW - 1
    in_specs = [
        pl.BlockSpec((NF, BW), functools.partial(
            lambda u, i: (0, jnp.minimum(nblk * u + i, last)), u))
        for u in range(8)
    ]
    in_specs.append(pl.BlockSpec((LW, LW), lambda i: (0, 0)))
    return pl.pallas_call(
        _precompute_body,
        grid=(nblk,),
        in_specs=in_specs,
        out_specs=pl.BlockSpec((BW, LW), lambda i: (i, 0)),
        out_shape=jax.ShapeDtypeStruct((nblk * BW, LW), jnp.float32),
    )


_precompute_p = _make_precompute(NBLK_P, NP_ROWS)
_precompute_q = _make_precompute(NBLK_Q, NQ_ROWS)


def _to_packed(v, qs):
    u = jnp.where(v >= qs, 1, 0)
    for k in range(2, 8):
        u = u + jnp.where(v >= k * qs, 1, 0)
    return v - u * qs


def _make_gather(qs):
    @functools.partial(
        pl.kernel,
        mesh=_mesh,
        out_type=jax.ShapeDtypeStruct((B, LW), jnp.float32),
        scratch_types=[
            pltpu.VMEM((BPW,), jnp.int32),
            pltpu.VMEM((CH, LW), jnp.float32),
            pltpu.VMEM((CH, LW), jnp.float32),
            pltpu.VMEM((CH, LW), jnp.float32),
            pltpu.VMEM((CH, LW), jnp.float32),
            pltpu.SemaphoreType.DMA,
            pltpu.SemaphoreType.DMA,
        ],
    )
    def _g(idx_hbm, t_hbm, row_out, idx_v, b0, b1, b2, b3, gsem, wsem):
        wid = lax.axis_index("s") * NC + lax.axis_index("c")
        base = wid * BPW
        pltpu.sync_copy(idx_hbm.at[0, pl.ds(base, BPW)], idx_v)
        for s in range(BPW // 16):
            sl = pl.ds(s * 16, 16)
            idx_v[sl] = _to_packed(idx_v[sl], qs)
        bufs = (b0, b1, b2, b3)
        gcps = [
            pltpu.async_copy(t_hbm.at[idx_v.at[pl.ds(c * CH, CH)]],
                             bufs[c], gsem)
            for c in range(NCH)
        ]
        for cp in gcps:
            cp.wait()
        wcps = [
            pltpu.async_copy(bufs[c], row_out.at[pl.ds(base + c * CH, CH)],
                             wsem)
            for c in range(NCH)
        ]
        for cp in wcps:
            cp.wait()

    return _g


_gather_p = _make_gather(QS_P)
_gather_q = _make_gather(QS_Q)


NB = 4
BM = B // NB


def _chunk8(v, qs):
    u = jnp.where(v >= qs, 1, 0)
    for k in range(2, 8):
        u = u + jnp.where(v >= k * qs, 1, 0)
    return u


def _unpack_select(idx_row, row_ref, qs):
    chunks = lax.broadcasted_iota(jnp.int32, (8, 1), 0)
    oh = (chunks == _chunk8(idx_row, qs)).astype(jnp.float32)
    lane_blk = lax.broadcasted_iota(jnp.int32, (8, LW), 1) // NF
    is_top = (chunks < 4)
    r_top = ((lane_blk == chunks) & is_top).astype(jnp.float32)
    r_low = ((lane_blk == chunks - 4) & ~is_top).astype(jnp.float32)
    m_top = lax.dot_general(oh, r_top,
                            dimension_numbers=(((0,), (0,)), ((), ())),
                            preferred_element_type=jnp.float32)
    m_low = lax.dot_general(oh, r_low,
                            dimension_numbers=(((0,), (0,)), ((), ())),
                            preferred_element_type=jnp.float32)
    iw = lax.bitcast_convert_type(row_ref[...], jnp.int32)
    top = lax.bitcast_convert_type(
        jnp.bitwise_and(iw, jnp.int32(-65536)), jnp.float32)
    low = lax.bitcast_convert_type(lax.shift_left(iw, 16), jnp.float32)
    return top * m_top + low * m_low


def _mlp_body(u_ref, v_ref, p_ref, q_ref, s_ref, b1_ref, w2t_ref,
              b2_ref, out_ref):
    xp = _unpack_select(u_ref[...], p_ref, QS_P)
    xq = _unpack_select(v_ref[...], q_ref, QS_Q)
    h = lax.dot_general(xp + xq, s_ref[...],
                        dimension_numbers=(((1,), (0,)), ((), ())),
                        preferred_element_type=jnp.float32)
    h = jnp.maximum(h + b1_ref[...], 0.0)
    o = lax.dot_general(w2t_ref[...], h,
                        dimension_numbers=(((1,), (1,)), ((), ())),
                        preferred_element_type=jnp.float32)
    out_ref[...] = o + b2_ref[...]


_mlp = pl.pallas_call(
    _mlp_body,
    grid=(NB,),
    in_specs=[
        pl.BlockSpec((1, BM), lambda i: (0, i)),
        pl.BlockSpec((1, BM), lambda i: (0, i)),
        pl.BlockSpec((BM, LW), lambda i: (i, 0)),
        pl.BlockSpec((BM, LW), lambda i: (i, 0)),
        pl.BlockSpec((LW, NF), lambda i: (0, 0)),
        pl.BlockSpec((1, NF), lambda i: (0, 0)),
        pl.BlockSpec((1, NF), lambda i: (0, 0)),
        pl.BlockSpec((1, 1), lambda i: (0, 0)),
    ],
    out_specs=pl.BlockSpec((1, BM), lambda i: (0, i)),
    out_shape=jax.ShapeDtypeStruct((1, B), jnp.float32),
)


def kernel(user, product, P_table, Q_table, W1, b1, W2, b2):
    pt = P_table.T
    qt = Q_table.T
    eye4 = jnp.eye(4, dtype=jnp.float32)
    w4a = jnp.kron(eye4, W1[:NF]).astype(jnp.bfloat16)
    w4b = jnp.kron(eye4, W1[NF:]).astype(jnp.bfloat16)
    uidx = user.reshape(1, B).astype(jnp.int32)
    pidx = product.reshape(1, B).astype(jnp.int32)
    b_sc = _precompute_q(qt, qt, qt, qt, qt, qt, qt, qt, w4b)
    qrow = _gather_q(pidx, b_sc)
    a_sc = _precompute_p(pt, pt, pt, pt, pt, pt, pt, pt, w4a)
    prow = _gather_p(uidx, a_sc)
    sel = jnp.tile(jnp.eye(NF, dtype=jnp.float32), (4, 1))
    out_t = _mlp(uidx, pidx, prow, qrow, sel, b1.reshape(1, NF),
                 W2.reshape(1, NF), b2.reshape(1, 1))
    return out_t.T

# --- scband reference (transcript-rebuilt; emitter-appended) ---
"""Pipeline reference for scband-deep-collaborative-filtering-33543694581908 (READ-ONLY COPY).

The authoritative reference and input builder live on the scoring server;
editing this copy changes nothing except your own understanding.
"""

import jax, jax.numpy as jnp
import numpy as np

B = 16384
N_CUSTOMERS = 1000000
N_PRODUCTS = 100000
N_FACTORS = 32


def setup_inputs(seed: int = 0) -> dict:
    key = jax.random.key(seed)
    k1, k2, k3, k4, k5, k6, k7, k8 = jax.random.split(key, 8)
    user = jax.random.randint(k1, (B, 1), 0, N_CUSTOMERS)
    product = jax.random.randint(k2, (B, 1), 0, N_PRODUCTS)
    P_table = jax.random.normal(k3, (N_CUSTOMERS, N_FACTORS), dtype=jnp.float32) * 0.05
    Q_table = jax.random.normal(k4, (N_PRODUCTS, N_FACTORS), dtype=jnp.float32) * 0.05
    W1 = jax.random.normal(k5, (2 * N_FACTORS, N_FACTORS), dtype=jnp.float32) * (1.0 / np.sqrt(2 * N_FACTORS))
    b1 = jnp.zeros((N_FACTORS,), dtype=jnp.float32)
    W2 = jax.random.normal(k6, (N_FACTORS, 1), dtype=jnp.float32) * (1.0 / np.sqrt(N_FACTORS))
    b2 = jnp.zeros((1,), dtype=jnp.float32)
    return {"user": user, "product": product, "P_table": P_table, "Q_table": Q_table,
            "W1": W1, "b1": b1, "W2": W2, "b2": b2}


def reference(user, product, P_table, Q_table, W1, b1, W2, b2):
    # Embedding lookups (input_length=1) followed by Reshape((n_factors,))
    p = jnp.take(P_table, user[:, 0], axis=0)  # [B, n_factors]
    q = jnp.take(Q_table, product[:, 0], axis=0)  # [B, n_factors]
    # concatenate([P, Q], axis=1)
    x = jnp.concatenate([p, q], axis=1)  # [B, 2*n_factors]
    # Dropout is identity at inference time
    h = jnp.dot(x, W1) + b1
    h = jax.nn.relu(h)
    # Dropout identity again
    out = jnp.dot(h, W2) + b2  # [B, 1]
    return out

if __name__ == "__main__":
    import jax
    _d = setup_inputs()
    print(jax.jit(kernel)(*tuple(_d.values())))

</pallas_src>

<mosaic_0001>
#map = affine_map<(d0, d1) -> (0, 0)>
module attributes {stable_mosaic.version = 14 : i64} {
  func.func @_g(%arg0: i32, %arg1: i32, %arg2: memref<1x16384xi32, #tpu.memory_space<hbm>>, %arg3: memref<16384x128xf32, #tpu.memory_space<hbm>>, %arg4: memref<16384x128xf32, #tpu.memory_space<hbm>>, %arg5: memref<512xi32, #tpu.memory_space<vmem>>, %arg6: memref<128x128xf32, #tpu.memory_space<vmem>>, %arg7: memref<128x128xf32, #tpu.memory_space<vmem>>, %arg8: memref<128x128xf32, #tpu.memory_space<vmem>>, %arg9: memref<128x128xf32, #tpu.memory_space<vmem>>, %arg10: memref<!tpu.dma_semaphore, #tpu.memory_space<semaphore_mem>>, %arg11: memref<!tpu.dma_semaphore, #tpu.memory_space<semaphore_mem>>) attributes {dimension_semantics = [#tpu.dimension_semantics<core_parallel>, #tpu.dimension_semantics<subcore_parallel>], iteration_bounds = array<i64: 2, 16>, scalar_prefetch = 0 : i64, scratch_operands = 7 : i64, tpu.core_type = #tpu.core_type<sc_vector_subcore>, window_params = [{transform_indices = #map}, {transform_indices = #map}, {transform_indices = #map}]} {
    %mul3A = arith.constant 2 : i32
    %mul3A_0 = arith.muli %arg1, %mul3A : i32
    %add3A = arith.addi %mul3A_0, %arg0 : i32
    %mul3A_1 = arith.constant 512 : i32
    %mul3A_2 = arith.muli %add3A, %mul3A_1 : i32
    %run_scoped3A = arith.constant 0 : i32
    "tpu.region"() ({
      %run_scoped3A_2410 = tpu.sem_alloc : memref<!tpu.dma_semaphore, #tpu.memory_space<semaphore_mem>>
      %dma_start3A_2411 = tpu.memref_slice %arg2[%run_scoped3A, %mul3A_2] : memref<1x16384xi32, #tpu.memory_space<hbm>> -> memref<1x512xi32, #tpu.memory_space<hbm>>
      %dma_start3A_2412 = tpu.memref_squeeze %dma_start3A_2411 : memref<1x512xi32, #tpu.memory_space<hbm>> -> memref<512xi32, #tpu.memory_space<hbm>>
      %dma_start3A_2413 = tpu.memref_slice %arg2[%run_scoped3A, %mul3A_2] : memref<1x16384xi32, #tpu.memory_space<hbm>> -> memref<1x512xi32, #tpu.memory_space<hbm>>
      %dma_start3A_2414 = tpu.memref_squeeze %dma_start3A_2413 : memref<1x512xi32, #tpu.memory_space<hbm>> -> memref<512xi32, #tpu.memory_space<hbm>>
      tpu.enqueue_dma source(%dma_start3A_2414 : memref<512xi32, #tpu.memory_space<hbm>>) target(%arg5 : memref<512xi32, #tpu.memory_space<vmem>>) target_semaphore(%run_scoped3A_2410 : memref<!tpu.dma_semaphore, #tpu.memory_space<semaphore_mem>>)
      %dma_wait3A_2415 = tpu.memref_slice %arg2[%run_scoped3A, %mul3A_2] : memref<1x16384xi32, #tpu.memory_space<hbm>> -> memref<1x512xi32, #tpu.memory_space<hbm>>
      %dma_wait3A_2416 = tpu.memref_squeeze %dma_wait3A_2415 : memref<1x512xi32, #tpu.memory_space<hbm>> -> memref<512xi32, #tpu.memory_space<hbm>>
      %dma_wait3A_2417 = tpu.memref_slice %arg2[%run_scoped3A, %mul3A_2] : memref<1x16384xi32, #tpu.memory_space<hbm>> -> memref<1x512xi32, #tpu.memory_space<hbm>>
      %dma_wait3A_2418 = tpu.memref_squeeze %dma_wait3A_2417 : memref<1x512xi32, #tpu.memory_space<hbm>> -> memref<512xi32, #tpu.memory_space<hbm>>
      tpu.wait_dma2 semaphore(%run_scoped3A_2410 : memref<!tpu.dma_semaphore, #tpu.memory_space<semaphore_mem>>) src(%dma_wait3A_2418 : memref<512xi32, #tpu.memory_space<hbm>>) dst(%arg5 : memref<512xi32, #tpu.memory_space<vmem>>)
      tpu.yield
    }) : () -> ()
    %get3A = arith.constant 0 : index
    %get3A_3 = tpu.vector_load %arg5[%get3A] {strides = array<i32>} : memref<512xi32, #tpu.memory_space<vmem>>, vector<16xi32>,
    %get3A_4 = vector.shape_cast %get3A_3 : vector<16xi32> to vector<16xi32>
    %ge3A = arith.constant 16384 : i32
    %ge3A_5 = vector.broadcast %ge3A : i32 to vector<16xi32>
    %ge3A_6 = arith.cmpi sge, %get3A_4, %ge3A_5 : vector<16xi32>
    %jit3A = arith.constant 1 : i32
    %jit3A_7 = arith.constant 0 : i32
    %broadcast_in_dim3A = vector.broadcast %jit3A : i32 to vector<16xi32>
    %broadcast_in_dim3A_8 = vector.broadcast %jit3A_7 : i32 to vector<16xi32>
    %select_n3A = arith.select %ge3A_6, %broadcast_in_dim3A, %broadcast_in_dim3A_8 : vector<16xi1>, vector<16xi32>
    %ge3A_9 = arith.constant 32768 : i32
    %ge3A_10 = vector.broadcast %ge3A_9 : i32 to vector<16xi32>
    %ge3A_11 = arith.cmpi sge, %get3A_4, %ge3A_10 : vector<16xi32>
    %jit3A_12 = arith.constant 1 : i32
    %jit3A_13 = arith.constant 0 : i32
    %broadcast_in_dim3A_14 = vector.broadcast %jit3A_12 : i32 to vector<16xi32>
    %broadcast_in_dim3A_15 = vector.broadcast %jit3A_13 : i32 to vector<16xi32>
    %select_n3A_16 = arith.select %ge3A_11, %broadcast_in_dim3A_14, %broadcast_in_dim3A_15 : vector<16xi1>, vector<16xi32>
    %add3A_17 = arith.addi %select_n3A, %select_n3A_16 : vector<16xi32>
    %ge3A_18 = arith.constant 49152 : i32
    %ge3A_19 = vector.broadcast %ge3A_18 : i32 to vector<16xi32>
    %ge3A_20 = arith.cmpi sge, %get3A_4, %ge3A_19 : vector<16xi32>
    %jit3A_21 = arith.constant 1 : i32
    %jit3A_22 = arith.constant 0 : i32
    %broadcast_in_dim3A_23 = vector.broadcast %jit3A_21 : i32 to vector<16xi32>
    %broadcast_in_dim3A_24 = vector.broadcast %jit3A_22 : i32 to vector<16xi32>
    %select_n3A_25 = arith.select %ge3A_20, %broadcast_in_dim3A_23, %broadcast_in_dim3A_24 : vector<16xi1>, vector<16xi32>
    %add3A_26 = arith.addi %add3A_17, %select_n3A_25 : vector<16xi32>
    %ge3A_27 = arith.constant 65536 : i32
    %ge3A_28 = vector.broadcast %ge3A_27 : i32 to vector<16xi32>
    %ge3A_29 = arith.cmpi sge, %get3A_4, %ge3A_28 : vector<16xi32>
    %jit3A_30 = arith.constant 1 : i32
    %jit3A_31 = arith.constant 0 : i32
    %broadcast_in_dim3A_32 = vector.broadcast %jit3A_30 : i32 to vector<16xi32>
    %broadcast_in_dim3A_33 = vector.broadcast %jit3A_31 : i32 to vector<16xi32>
    %select_n3A_34 = arith.select %ge3A_29, %broadcast_in_dim3A_32, %broadcast_in_dim3A_33 : vector<16xi1>, vector<16xi32>
    %add3A_35 = arith.addi %add3A_26, %select_n3A_34 : vector<16xi32>
    %ge3A_36 = arith.constant 81920 : i32
    %ge3A_37 = vector.broadcast %ge3A_36 : i32 to vector<16xi32>
    %ge3A_38 = arith.cmpi sge, %get3A_4, %ge3A_37 : vector<16xi32>
    %jit3A_39 = arith.constant 1 : i32
    %jit3A_40 = arith.constant 0 : i32
    %broadcast_in_dim3A_41 = vector.broadcast %jit3A_39 : i32 to vector<16xi32>
    %broadcast_in_dim3A_42 = vector.broadcast %jit3A_40 : i32 to vector<16xi32>
    %select_n3A_43 = arith.select %ge3A_38, %broadcast_in_dim3A_41, %broadcast_in_dim3A_42 : vector<16xi1>, vector<16xi32>
    %add3A_44 = arith.addi %add3A_35, %select_n3A_43 : vector<16xi32>
    %ge3A_45 = arith.constant 98304 : i32
    %ge3A_46 = vector.broadcast %ge3A_45 : i32 to vector<16xi32>
    %ge3A_47 = arith.cmpi sge, %get3A_4, %ge3A_46 : vector<16xi32>
    %jit3A_48 = arith.constant 1 : i32
    %jit3A_49 = arith.constant 0 : i32
    %broadcast_in_dim3A_50 = vector.broadcast %jit3A_48 : i32 to vector<16xi32>
    %broadcast_in_dim3A_51 = vector.broadcast %jit3A_49 : i32 to vector<16xi32>
    %select_n3A_52 = arith.select %ge3A_47, %broadcast_in_dim3A_50, %broadcast_in_dim3A_51 : vector<16xi1>, vector<16xi32>
    %add3A_53 = arith.addi %add3A_44, %select_n3A_52 : vector<16xi32>
    %ge3A_54 = arith.constant 114688 : i32
    %ge3A_55 = vector.broadcast %ge3A_54 : i32 to vector<16xi32>
    %ge3A_56 = arith.cmpi sge, %get3A_4, %ge3A_55 : vector<16xi32>
    %jit3A_57 = arith.constant 1 : i32
    %jit3A_58 = arith.constant 0 : i32
    %broadcast_in_dim3A_59 = vector.broadcast %jit3A_57 : i32 to vector<16xi32>
    %broadcast_in_dim3A_60 = vector.broadcast %jit3A_58 : i32 to vector<16xi32>
    %select_n3A_61 = arith.select %ge3A_56, %broadcast_in_dim3A_59, %broadcast_in_dim3A_60 : vector<16xi1>, vector<16xi32>
    %add3A_62 = arith.addi %add3A_53, %select_n3A_61 : vector<16xi32>
    %mul3A_63 = arith.constant 16384 : i32
    %mul3A_64 = vector.broadcast %mul3A_63 : i32 to vector<16xi32>
    %mul3A_65 = arith.muli %add3A_62, %mul3A_64 : vector<16xi32>
    %sub3A = arith.subi %get3A_4, %mul3A_65 : vector<16xi32>
    %swap3A = arith.constant 0 : index
    %swap3A_66 = tpu.vector_load %arg5[%swap3A] {strides = array<i32>} : memref<512xi32, #tpu.memory_space<vmem>>, vector<16xi32>,
    %swap3A_67 = vector.shape_cast %swap3A_66 : vector<16xi32> to vector<16xi32>
    %swap3A_68 = vector.shape_cast %sub3A : vector<16xi32> to vector<16xi32>
    tpu.vector_store %arg5[%swap3A], %swap3A_68 {strides = array<i32>} : memref<512xi32, #tpu.memory_space<vmem>>, vector<16xi32>,
    %get3A_69 = arith.constant 16 : index
    %get3A_70 = tpu.vector_load %arg5[%get3A_69] {strides = array<i32>} : memref<512xi32, #tpu.memory_space<vmem>>, vector<16xi32>,
    %get3A_71 = vector.shape_cast %get3A_70 : vector<16xi32> to vector<16xi32>
    %ge3A_72 = arith.constant 16384 : i32
    %ge3A_73 = vector.broadcast %ge3A_72 : i32 to vector<16xi32>
    %ge3A_74 = arith.cmpi sge, %get3A_71, %ge3A_73 : vector<16xi32>
    %jit3A_75 = arith.constant 1 : i32
    %jit3A_76 = arith.constant 0 : i32
    %broadcast_in_dim3A_77 = vector.broadcast %jit3A_75 : i32 to vector<16xi32>
    %broadcast_in_dim3A_78 = vector.broadcast %jit3A_76 : i32 to vector<16xi32>
    %select_n3A_79 = arith.select %ge3A_74, %broadcast_in_dim3A_77, %broadcast_in_dim3A_78 : vector<16xi1>, vector<16xi32>
    %ge3A_80 = arith.constant 32768 : i32
    %ge3A_81 = vector.broadcast %ge3A_80 : i32 to vector<16xi32>
    %ge3A_82 = arith.cmpi sge, %get3A_71, %ge3A_81 : vector<16xi32>
    %jit3A_83 = arith.constant 1 : i32
    %jit3A_84 = arith.constant 0 : i32
    %broadcast_in_dim3A_85 = vector.broadcast %jit3A_83 : i32 to vector<16xi32>
    %broadcast_in_dim3A_86 = vector.broadcast %jit3A_84 : i32 to vector<16xi32>
    %select_n3A_87 = arith.select %ge3A_82, %broadcast_in_dim3A_85, %broadcast_in_dim3A_86 : vector<16xi1>, vector<16xi32>
    %add3A_88 = arith.addi %select_n3A_79, %select_n3A_87 : vector<16xi32>
    %ge3A_89 = arith.constant 49152 : i32
    %ge3A_90 = vector.broadcast %ge3A_89 : i32 to vector<16xi32>
    %ge3A_91 = arith.cmpi sge, %get3A_71, %ge3A_90 : vector<16xi32>
    %jit3A_92 = arith.constant 1 : i32
    %jit3A_93 = arith.constant 0 : i32
    %broadcast_in_dim3A_94 = vector.broadcast %jit3A_92 : i32 to vector<16xi32>
    %broadcast_in_dim3A_95 = vector.broadcast %jit3A_93 : i32 to vector<16xi32>
    %select_n3A_96 = arith.select %ge3A_91, %broadcast_in_dim3A_94, %broadcast_in_dim3A_95 : vector<16xi1>, vector<16xi32>
    %add3A_97 = arith.addi %add3A_88, %select_n3A_96 : vector<16xi32>
    %ge3A_98 = arith.constant 65536 : i32
    %ge3A_99 = vector.broadcast %ge3A_98 : i32 to vector<16xi32>
    %ge3A_100 = arith.cmpi sge, %get3A_71, %ge3A_99 : vector<16xi32>
    %jit3A_101 = arith.constant 1 : i32
    %jit3A_102 = arith.constant 0 : i32
    %broadcast_in_dim3A_103 = vector.broadcast %jit3A_101 : i32 to vector<16xi32>
    %broadcast_in_dim3A_104 = vector.broadcast %jit3A_102 : i32 to vector<16xi32>
    %select_n3A_105 = arith.select %ge3A_100, %broadcast_in_dim3A_103, %broadcast_in_dim3A_104 : vector<16xi1>, vector<16xi32>
    %add3A_106 = arith.addi %add3A_97, %select_n3A_105 : vector<16xi32>
    %ge3A_107 = arith.constant 81920 : i32
    %ge3A_108 = vector.broadcast %ge3A_107 : i32 to vector<16xi32>
    %ge3A_109 = arith.cmpi sge, %get3A_71, %ge3A_108 : vector<16xi32>
    %jit3A_110 = arith.constant 1 : i32
    %jit3A_111 = arith.constant 0 : i32
    %broadcast_in_dim3A_112 = vector.broadcast %jit3A_110 : i32 to vector<16xi32>
    %broadcast_in_dim3A_113 = vector.broadcast %jit3A_111 : i32 to vector<16xi32>
    %select_n3A_114 = arith.select %ge3A_109, %broadcast_in_dim3A_112, %broadcast_in_dim3A_113 : vector<16xi1>, vector<16xi32>
    %add3A_115 = arith.addi %add3A_106, %select_n3A_114 : vector<16xi32>
    %ge3A_116 = arith.constant 98304 : i32
    %ge3A_117 = vector.broadcast %ge3A_116 : i32 to vector<16xi32>
    %ge3A_118 = arith.cmpi sge, %get3A_71, %ge3A_117 : vector<16xi32>
    %jit3A_119 = arith.constant 1 : i32
    %jit3A_120 = arith.constant 0 : i32
    %broadcast_in_dim3A_121 = vector.broadcast %jit3A_119 : i32 to vector<16xi32>
    %broadcast_in_dim3A_122 = vector.broadcast %jit3A_120 : i32 to vector<16xi32>
    %select_n3A_123 = arith.select %ge3A_118, %broadcast_in_dim3A_121, %broadcast_in_dim3A_122 : vector<16xi1>, vector<16xi32>
    %add3A_124 = arith.addi %add3A_115, %select_n3A_123 : vector<16xi32>
    %ge3A_125 = arith.constant 114688 : i32
    %ge3A_126 = vector.broadcast %ge3A_125 : i32 to vector<16xi32>
    %ge3A_127 = arith.cmpi sge, %get3A_71, %ge3A_126 : vector<16xi32>
    %jit3A_128 = arith.constant 1 : i32
    %jit3A_129 = arith.constant 0 : i32
    %broadcast_in_dim3A_130 = vector.broadcast %jit3A_128 : i32 to vector<16xi32>
    %broadcast_in_dim3A_131 = vector.broadcast %jit3A_129 : i32 to vector<16xi32>
    %select_n3A_132 = arith.select %ge3A_127, %broadcast_in_dim3A_130, %broadcast_in_dim3A_131 : vector<16xi1>, vector<16xi32>
    %add3A_133 = arith.addi %add3A_124, %select_n3A_132 : vector<16xi32>
    %mul3A_134 = arith.constant 16384 : i32
    %mul3A_135 = vector.broadcast %mul3A_134 : i32 to vector<16xi32>
    %mul3A_136 = arith.muli %add3A_133, %mul3A_135 : vector<16xi32>
    %sub3A_137 = arith.subi %get3A_71, %mul3A_136 : vector<16xi32>
    %swap3A_138 = arith.constant 16 : index
    %swap3A_139 = tpu.vector_load %arg5[%swap3A_138] {strides = array<i32>} : memref<512xi32, #tpu.memory_space<vmem>>, vector<16xi32>,
    %swap3A_140 = vector.shape_cast %swap3A_139 : vector<16xi32> to vector<16xi32>
    %swap3A_141 = vector.shape_cast %sub3A_137 : vector<16xi32> to vector<16xi32>
    tpu.vector_store %arg5[%swap3A_138], %swap3A_141 {strides = array<i32>} : memref<512xi32, #tpu.memory_space<vmem>>, vector<16xi32>,
    %get3A_142 = arith.constant 32 : index
    %get3A_143 = tpu.vector_load %arg5[%get3A_142] {strides = array<i32>} : memref<512xi32, #tpu.memory_space<vmem>>, vector<16xi32>,
    %get3A_144 = vector.shape_cast %get3A_143 : vector<16xi32> to vector<16xi32>
    %ge3A_145 = arith.constant 16384 : i32
    %ge3A_146 = vector.broadcast %ge3A_145 : i32 to vector<16xi32>
    %ge3A_147 = arith.cmpi sge, %get3A_144, %ge3A_146 : vector<16xi32>
    %jit3A_148 = arith.constant 1 : i32
    %jit3A_149 = arith.constant 0 : i32
    %broadcast_in_dim3A_150 = vector.broadcast %jit3A_148 : i32 to vector<16xi32>
    %broadcast_in_dim3A_151 = vector.broadcast %jit3A_149 : i32 to vector<16xi32>
    %select_n3A_152 = arith.select %ge3A_147, %broadcast_in_dim3A_150, %broadcast_in_dim3A_151 : vector<16xi1>, vector<16xi32>
    %ge3A_153 = arith.constant 32768 : i32
    %ge3A_154 = vector.broadcast %ge3A_153 : i32 to vector<16xi32>
    %ge3A_155 = arith.cmpi sge, %get3A_144, %ge3A_154 : vector<16xi32>
    %jit3A_156 = arith.constant 1 : i32
    %jit3A_157 = arith.constant 0 : i32
    %broadcast_in_dim3A_158 = vector.broadcast %jit3A_156 : i32 to vector<16xi32>
    %broadcast_in_dim3A_159 = vector.broadcast %jit3A_157 : i32 to vector<16xi32>
    %select_n3A_160 = arith.select %ge3A_155, %broadcast_in_dim3A_158, %broadcast_in_dim3A_159 : vector<16xi1>, vector<16xi32>
    %add3A_161 = arith.addi %select_n3A_152, %select_n3A_160 : vector<16xi32>
    %ge3A_162 = arith.constant 49152 : i32
    %ge3A_163 = vector.broadcast %ge3A_162 : i32 to vector<16xi32>
    %ge3A_164 = arith.cmpi sge, %get3A_144, %ge3A_163 : vector<16xi32>
    %jit3A_165 = arith.constant 1 : i32
    %jit3A_166 = arith.constant 0 : i32
    %broadcast_in_dim3A_167 = vector.broadcast %jit3A_165 : i32 to vector<16xi32>
    %broadcast_in_dim3A_168 = vector.broadcast %jit3A_166 : i32 to vector<16xi32>
    %select_n3A_169 = arith.select %ge3A_164, %broadcast_in_dim3A_167, %broadcast_in_dim3A_168 : vector<16xi1>, vector<16xi32>
    %add3A_170 = arith.addi %add3A_161, %select_n3A_169 : vector<16xi32>
    %ge3A_171 = arith.constant 65536 : i32
    %ge3A_172 = vector.broadcast %ge3A_171 : i32 to vector<16xi32>
    %ge3A_173 = arith.cmpi sge, %get3A_144, %ge3A_172 : vector<16xi32>
    %jit3A_174 = arith.constant 1 : i32
    %jit3A_175 = arith.constant 0 : i32
    %broadcast_in_dim3A_176 = vector.broadcast %jit3A_174 : i32 to vector<16xi32>
    %broadcast_in_dim3A_177 = vector.broadcast %jit3A_175 : i32 to vector<16xi32>
    %select_n3A_178 = arith.select %ge3A_173, %broadcast_in_dim3A_176, %broadcast_in_dim3A_177 : vector<16xi1>, vector<16xi32>
    %add3A_179 = arith.addi %add3A_170, %select_n3A_178 : vector<16xi32>
    %ge3A_180 = arith.constant 81920 : i32
    %ge3A_181 = vector.broadcast %ge3A_180 : i32 to vector<16xi32>
    %ge3A_182 = arith.cmpi sge, %get3A_144, %ge3A_181 : vector<16xi32>
    %jit3A_183 = arith.constant 1 : i32
    %jit3A_184 = arith.constant 0 : i32
    %broadcast_in_dim3A_185 = vector.broadcast %jit3A_183 : i32 to vector<16xi32>
    %broadcast_in_dim3A_186 = vector.broadcast %jit3A_184 : i32 to vector<16xi32>
    %select_n3A_187 = arith.select %ge3A_182, %broadcast_in_dim3A_185, %broadcast_in_dim3A_186 : vector<16xi1>, vector<16xi32>
    %add3A_188 = arith.addi %add3A_179, %select_n3A_187 : vector<16xi32>
    %ge3A_189 = arith.constant 98304 : i32
    %ge3A_190 = vector.broadcast %ge3A_189 : i32 to vector<16xi32>
    %ge3A_191 = arith.cmpi sge, %get3A_144, %ge3A_190 : vector<16xi32>
    %jit3A_192 = arith.constant 1 : i32
    %jit3A_193 = arith.constant 0 : i32
    %broadcast_in_dim3A_194 = vector.broadcast %jit3A_192 : i32 to vector<16xi32>
    %broadcast_in_dim3A_195 = vector.broadcast %jit3A_193 : i32 to vector<16xi32>
    %select_n3A_196 = arith.select %ge3A_191, %broadcast_in_dim3A_194, %broadcast_in_dim3A_195 : vector<16xi1>, vector<16xi32>
    %add3A_197 = arith.addi %add3A_188, %select_n3A_196 : vector<16xi32>
    %ge3A_198 = arith.constant 114688 : i32
    %ge3A_199 = vector.broadcast %ge3A_198 : i32 to vector<16xi32>
    %ge3A_200 = arith.cmpi sge, %get3A_144, %ge3A_199 : vector<16xi32>
    %jit3A_201 = arith.constant 1 : i32
    %jit3A_202 = arith.constant 0 : i32
    %broadcast_in_dim3A_203 = vector.broadcast %jit3A_201 : i32 to vector<16xi32>
    %broadcast_in_dim3A_204 = vector.broadcast %jit3A_202 : i32 to vector<16xi32>
    %select_n3A_205 = arith.select %ge3A_200, %broadcast_in_dim3A_203, %broadcast_in_dim3A_204 : vector<16xi1>, vector<16xi32>
    %add3A_206 = arith.addi %add3A_197, %select_n3A_205 : vector<16xi32>
    %mul3A_207 = arith.constant 16384 : i32
    %mul3A_208 = vector.broadcast %mul3A_207 : i32 to vector<16xi32>
    %mul3A_209 = arith.muli %add3A_206, %mul3A_208 : vector<16xi32>
    %sub3A_210 = arith.subi %get3A_144, %mul3A_209 : vector<16xi32>
    %swap3A_211 = arith.constant 32 : index
    %swap3A_212 = tpu.vector_load %arg5[%swap3A_211] {strides = array<i32>} : memref<512xi32, #tpu.memory_space<vmem>>, vector<16xi32>,
    %swap3A_213 = vector.shape_cast %swap3A_212 : vector<16xi32> to vector<16xi32>
    %swap3A_214 = vector.shape_cast %sub3A_210 : vector<16xi32> to vector<16xi32>
    tpu.vector_store %arg5[%swap3A_211], %swap3A_214 {strides = array<i32>} : memref<512xi32, #tpu.memory_space<vmem>>, vector<16xi32>,
    %get3A_215 = arith.constant 48 : index
    %get3A_216 = tpu.vector_load %arg5[%get3A_215] {strides = array<i32>} : memref<512xi32, #tpu.memory_space<vmem>>, vector<16xi32>,
    %get3A_217 = vector.shape_cast %get3A_216 : vector<16xi32> to vector<16xi32>
    %ge3A_218 = arith.constant 16384 : i32
    %ge3A_219 = vector.broadcast %ge3A_218 : i32 to vector<16xi32>
    %ge3A_220 = arith.cmpi sge, %get3A_217, %ge3A_219 : vector<16xi32>
    %jit3A_221 = arith.constant 1 : i32
    %jit3A_222 = arith.constant 0 : i32
    %broadcast_in_dim3A_223 = vector.broadcast %jit3A_221 : i32 to vector<16xi32>
    %broadcast_in_dim3A_224 = vector.broadcast %jit3A_222 : i32 to vector<16xi32>
    %select_n3A_225 = arith.select %ge3A_220, %broadcast_in_dim3A_223, %broadcast_in_dim3A_224 : vector<16xi1>, vector<16xi32>
    %ge3A_226 = arith.constant 32768 : i32
    %ge3A_227 = vector.broadcast %ge3A_226 : i32 to vector<16xi32>
    %ge3A_228 = arith.cmpi sge, %get3A_217, %ge3A_227 : vector<16xi32>
    %jit3A_229 = arith.constant 1 : i32
    %jit3A_230 = arith.constant 0 : i32
    %broadcast_in_dim3A_231 = vector.broadcast %jit3A_229 : i32 to vector<16xi32>
    %broadcast_in_dim3A_232 = vector.broadcast %jit3A_230 : i32 to vector<16xi32>
    %select_n3A_233 = arith.select %ge3A_228, %broadcast_in_dim3A_231, %broadcast_in_dim3A_232 : vector<16xi1>, vector<16xi32>
    %add3A_234 = arith.addi %select_n3A_225, %select_n3A_233 : vector<16xi32>
    %ge3A_235 = arith.constant 49152 : i32
    %ge3A_236 = vector.broadcast %ge3A_235 : i32 to vector<16xi32>
    %ge3A_237 = arith.cmpi sge, %get3A_217, %ge3A_236 : vector<16xi32>
    %jit3A_238 = arith.constant 1 : i32
    %jit3A_239 = arith.constant 0 : i32
    %broadcast_in_dim3A_240 = vector.broadcast %jit3A_238 : i32 to vector<16xi32>
    %broadcast_in_dim3A_241 = vector.broadcast %jit3A_239 : i32 to vector<16xi32>
    %select_n3A_242 = arith.select %ge3A_237, %broadcast_in_dim3A_240, %broadcast_in_dim3A_241 : vector<16xi1>, vector<16xi32>
    %add3A_243 = arith.addi %add3A_234, %select_n3A_242 : vector<16xi32>
    %ge3A_244 = arith.constant 65536 : i32
    %ge3A_245 = vector.broadcast %ge3A_244 : i32 to vector<16xi32>
    %ge3A_246 = arith.cmpi sge, %get3A_217, %ge3A_245 : vector<16xi32>
    %jit3A_247 = arith.constant 1 : i32
    %jit3A_248 = arith.constant 0 : i32
    %broadcast_in_dim3A_249 = vector.broadcast %jit3A_247 : i32 to vector<16xi32>
    %broadcast_in_dim3A_250 = vector.broadcast %jit3A_248 : i32 to vector<16xi32>
    %select_n3A_251 = arith.select %ge3A_246, %broadcast_in_dim3A_249, %broadcast_in_dim3A_250 : vector<16xi1>, vector<16xi32>
    %add3A_252 = arith.addi %add3A_243, %select_n3A_251 : vector<16xi32>
    %ge3A_253 = arith.constant 81920 : i32
    %ge3A_254 = vector.broadcast %ge3A_253 : i32 to vector<16xi32>
    %ge3A_255 = arith.cmpi sge, %get3A_217, %ge3A_254 : vector<16xi32>
    %jit3A_256 = arith.constant 1 : i32
    %jit3A_257 = arith.constant 0 : i32
    %broadcast_in_dim3A_258 = vector.broadcast %jit3A_256 : i32 to vector<16xi32>
    %broadcast_in_dim3A_259 = vector.broadcast %jit3A_257 : i32 to vector<16xi32>
    %select_n3A_260 = arith.select %ge3A_255, %broadcast_in_dim3A_258, %broadcast_in_dim3A_259 : vector<16xi1>, vector<16xi32>
    %add3A_261 = arith.addi %add3A_252, %select_n3A_260 : vector<16xi32>
    %ge3A_262 = arith.constant 98304 : i32
    %ge3A_263 = vector.broadcast %ge3A_262 : i32 to vector<16xi32>
    %ge3A_264 = arith.cmpi sge, %get3A_217, %ge3A_263 : vector<16xi32>
    %jit3A_265 = arith.constant 1 : i32
    %jit3A_266 = arith.constant 0 : i32
    %broadcast_in_dim3A_267 = vector.broadcast %jit3A_265 : i32 to vector<16xi32>
    %broadcast_in_dim3A_268 = vector.broadcast %jit3A_266 : i32 to vector<16xi32>
    %select_n3A_269 = arith.select %ge3A_264, %broadcast_in_dim3A_267, %broadcast_in_dim3A_268 : vector<16xi1>, vector<16xi32>
    %add3A_270 = arith.addi %add3A_261, %select_n3A_269 : vector<16xi32>
    %ge3A_271 = arith.constant 114688 : i32
    %ge3A_272 = vector.broadcast %ge3A_271 : i32 to vector<16xi32>
    %ge3A_273 = arith.cmpi sge, %get3A_217, %ge3A_272 : vector<16xi32>
    %jit3A_274 = arith.constant 1 : i32
    %jit3A_275 = arith.constant 0 : i32
    %broadcast_in_dim3A_276 = vector.broadcast %jit3A_274 : i32 to vector<16xi32>
    %broadcast_in_dim3A_277 = vector.broadcast %jit3A_275 : i32 to vector<16xi32>
    %select_n3A_278 = arith.select %ge3A_273, %broadcast_in_dim3A_276, %broadcast_in_dim3A_277 : vector<16xi1>, vector<16xi32>
    %add3A_279 = arith.addi %add3A_270, %select_n3A_278 : vector<16xi32>
    %mul3A_280 = arith.constant 16384 : i32
    %mul3A_281 = vector.broadcast %mul3A_280 : i32 to vector<16xi32>
    %mul3A_282 = arith.muli %add3A_279, %mul3A_281 : vector<16xi32>
    %sub3A_283 = arith.subi %get3A_217, %mul3A_282 : vector<16xi32>
    %swap3A_284 = arith.constant 48 : index
    %swap3A_285 = tpu.vector_load %arg5[%swap3A_284] {strides = array<i32>} : memref<512xi32, #tpu.memory_space<vmem>>, vector<16xi32>,
    %swap3A_286 = vector.shape_cast %swap3A_285 : vector<16xi32> to vector<16xi32>
    %swap3A_287 = vector.shape_cast %sub3A_283 : vector<16xi32> to vector<16xi32>
    tpu.vector_store %arg5[%swap3A_284], %swap3A_287 {strides = array<i32>} : memref<512xi32, #tpu.memory_space<vmem>>, vector<16xi32>,
    %get3A_288 = arith.constant 64 : index
    %get3A_289 = tpu.vector_load %arg5[%get3A_288] {strides = array<i32>} : memref<512xi32, #tpu.memory_space<vmem>>, vector<16xi32>,
    %get3A_290 = vector.shape_cast %get3A_289 : vector<16xi32> to vector<16xi32>
    %ge3A_291 = arith.constant 16384 : i32
    %ge3A_292 = vector.broadcast %ge3A_291 : i32 to vector<16xi32>
    %ge3A_293 = arith.cmpi sge, %get3A_290, %ge3A_292 : vector<16xi32>
    %jit3A_294 = arith.constant 1 : i32
    %jit3A_295 = arith.constant 0 : i32
    %broadcast_in_dim3A_296 = vector.broadcast %jit3A_294 : i32 to vector<16xi32>
    %broadcast_in_dim3A_297 = vector.broadcast %jit3A_295 : i32 to vector<16xi32>
    %select_n3A_298 = arith.select %ge3A_293, %broadcast_in_dim3A_296, %broadcast_in_dim3A_297 : vector<16xi1>, vector<16xi32>
    %ge3A_299 = arith.constant 32768 : i32
    %ge3A_300 = vector.broadcast %ge3A_299 : i32 to vector<16xi32>
    %ge3A_301 = arith.cmpi sge, %get3A_290, %ge3A_300 : vector<16xi32>
    %jit3A_302 = arith.constant 1 : i32
    %jit3A_303 = arith.constant 0 : i32
    %broadcast_in_dim3A_304 = vector.broadcast %jit3A_302 : i32 to vector<16xi32>
    %broadcast_in_dim3A_305 = vector.broadcast %jit3A_303 : i32 to vector<16xi32>
    %select_n3A_306 = arith.select %ge3A_301, %broadcast_in_dim3A_304, %broadcast_in_dim3A_305 : vector<16xi1>, vector<16xi32>
    %add3A_307 = arith.addi %select_n3A_298, %select_n3A_306 : vector<16xi32>
    %ge3A_308 = arith.constant 49152 : i32
    %ge3A_309 = vector.broadcast %ge3A_308 : i32 to vector<16xi32>
    %ge3A_310 = arith.cmpi sge, %get3A_290, %ge3A_309 : vector<16xi32>
    %jit3A_311 = arith.constant 1 : i32
    %jit3A_312 = arith.constant 0 : i32
    %broadcast_in_dim3A_313 = vector.broadcast %jit3A_311 : i32 to vector<16xi32>
    %broadcast_in_dim3A_314 = vector.broadcast %jit3A_312 : i32 to vector<16xi32>
    %select_n3A_315 = arith.select %ge3A_310, %broadcast_in_dim3A_313, %broadcast_in_dim3A_314 : vector<16xi1>, vector<16xi32>
    %add3A_316 = arith.addi %add3A_307, %select_n3A_315 : vector<16xi32>
    %ge3A_317 = arith.constant 65536 : i32
    %ge3A_318 = vector.broadcast %ge3A_317 : i32 to vector<16xi32>
    %ge3A_319 = arith.cmpi sge, %get3A_290, %ge3A_318 : vector<16xi32>
    %jit3A_320 = arith.constant 1 : i32
    %jit3A_321 = arith.constant 0 : i32
    %broadcast_in_dim3A_322 = vector.broadcast %jit3A_320 : i32 to vector<16xi32>
    %broadcast_in_dim3A_323 = vector.broadcast %jit3A_321 : i32 to vector<16xi32>
    %select_n3A_324 = arith.select %ge3A_319, %broadcast_in_dim3A_322, %broadcast_in_dim3A_323 : vector<16xi1>, vector<16xi32>
    %add3A_325 = arith.addi %add3A_316, %select_n3A_324 : vector<16xi32>
    %ge3A_326 = arith.constant 81920 : i32
    %ge3A_327 = vector.broadcast %ge3A_326 : i32 to vector<16xi32>
    %ge3A_328 = arith.cmpi sge, %get3A_290, %ge3A_327 : vector<16xi32>
    %jit3A_329 = arith.constant 1 : i32
    %jit3A_330 = arith.constant 0 : i32
    %broadcast_in_dim3A_331 = vector.broadcast %jit3A_329 : i32 to vector<16xi32>
    %broadcast_in_dim3A_332 = vector.broadcast %jit3A_330 : i32 to vector<16xi32>
    %select_n3A_333 = arith.select %ge3A_328, %broadcast_in_dim3A_331, %broadcast_in_dim3A_332 : vector<16xi1>, vector<16xi32>
    %add3A_334 = arith.addi %add3A_325, %select_n3A_333 : vector<16xi32>
    %ge3A_335 = arith.constant 98304 : i32
    %ge3A_336 = vector.broadcast %ge3A_335 : i32 to vector<16xi32>
    %ge3A_337 = arith.cmpi sge, %get3A_290, %ge3A_336 : vector<16xi32>
    %jit3A_338 = arith.constant 1 : i32
    %jit3A_339 = arith.constant 0 : i32
    %broadcast_in_dim3A_340 = vector.broadcast %jit3A_338 : i32 to vector<16xi32>
    %broadcast_in_dim3A_341 = vector.broadcast %jit3A_339 : i32 to vector<16xi32>
    %select_n3A_342 = arith.select %ge3A_337, %broadcast_in_dim3A_340, %broadcast_in_dim3A_341 : vector<16xi1>, vector<16xi32>
    %add3A_343 = arith.addi %add3A_334, %select_n3A_342 : vector<16xi32>
    %ge3A_344 = arith.constant 114688 : i32
    %ge3A_345 = vector.broadcast %ge3A_344 : i32 to vector<16xi32>
    %ge3A_346 = arith.cmpi sge, %get3A_290, %ge3A_345 : vector<16xi32>
    %jit3A_347 = arith.constant 1 : i32
    %jit3A_348 = arith.constant 0 : i32
    %broadcast_in_dim3A_349 = vector.broadcast %jit3A_347 : i32 to vector<16xi32>
    %broadcast_in_dim3A_350 = vector.broadcast %jit3A_348 : i32 to vector<16xi32>
    %select_n3A_351 = arith.select %ge3A_346, %broadcast_in_dim3A_349, %broadcast_in_dim3A_350 : vector<16xi1>, vector<16xi32>
    %add3A_352 = arith.addi %add3A_343, %select_n3A_351 : vector<16xi32>
    %mul3A_353 = arith.constant 16384 : i32
    %mul3A_354 = vector.broadcast %mul3A_353 : i32 to vector<16xi32>
    %mul3A_355 = arith.muli %add3A_352, %mul3A_354 : vector<16xi32>
    %sub3A_356 = arith.subi %get3A_290, %mul3A_355 : vector<16xi32>
    %swap3A_357 = arith.constant 64 : index
    %swap3A_358 = tpu.vector_load %arg5[%swap3A_357] {strides = array<i32>} : memref<512xi32, #tpu.memory_space<vmem>>, vector<16xi32>,
    %swap3A_359 = vector.shape_cast %swap3A_358 : vector<16xi32> to vector<16xi32>
    %swap3A_360 = vector.shape_cast %sub3A_356 : vector<16xi32> to vector<16xi32>
    tpu.vector_store %arg5[%swap3A_357], %swap3A_360 {strides = array<i32>} : memref<512xi32, #tpu.memory_space<vmem>>, vector<16xi32>,
    %get3A_361 = arith.constant 80 : index
    %get3A_362 = tpu.vector_load %arg5[%get3A_361] {strides = array<i32>} : memref<512xi32, #tpu.memory_space<vmem>>, vector<16xi32>,
    %get3A_363 = vector.shape_cast %get3A_362 : vector<16xi32> to vector<16xi32>
    %ge3A_364 = arith.constant 16384 : i32
    %ge3A_365 = vector.broadcast %ge3A_364 : i32 to vector<16xi32>
    %ge3A_366 = arith.cmpi sge, %get3A_363, %ge3A_365 : vector<16xi32>
    %jit3A_367 = arith.constant 1 : i32
    %jit3A_368 = arith.constant 0 : i32
    %broadcast_in_dim3A_369 = vector.broadcast %jit3A_367 : i32 to vector<16xi32>
    %broadcast_in_dim3A_370 = vector.broadcast %jit3A_368 : i32 to vector<16xi32>
    %select_n3A_371 = arith.select %ge3A_366, %broadcast_in_dim3A_369, %broadcast_in_dim3A_370 : vector<16xi1>, vector<16xi32>
    %ge3A_372 = arith.constant 32768 : i32
    %ge3A_373 = vector.broadcast %ge3A_372 : i32 to vector<16xi32>
    %ge3A_374 = arith.cmpi sge, %get3A_363, %ge3A_373 : vector<16xi32>
    %jit3A_375 = arith.constant 1 : i32
    %jit3A_376 = arith.constant 0 : i32
    %broadcast_in_dim3A_377 = vector.broadcast %jit3A_375 : i32 to vector<16xi32>
    %broadcast_in_dim3A_378 = vector.broadcast %jit3A_376 : i32 to vector<16xi32>
    %select_n3A_379 = arith.select %ge3A_374, %broadcast_in_dim3A_377, %broadcast_in_dim3A_378 : vector<16xi1>, vector<16xi32>
    %add3A_380 = arith.addi %select_n3A_371, %select_n3A_379 : vector<16xi32>
    %ge3A_381 = arith.constant 49152 : i32
    %ge3A_382 = vector.broadcast %ge3A_381 : i32 to vector<16xi32>
    %ge3A_383 = arith.cmpi sge, %get3A_363, %ge3A_382 : vector<16xi32>
    %jit3A_384 = arith.constant 1 : i32
    %jit3A_385 = arith.constant 0 : i32
    %broadcast_in_dim3A_386 = vector.broadcast %jit3A_384 : i32 to vector<16xi32>
    %broadcast_in_dim3A_387 = vector.broadcast %jit3A_385 : i32 to vector<16xi32>
    %select_n3A_388 = arith.select %ge3A_383, %broadcast_in_dim3A_386, %broadcast_in_dim3A_387 : vector<16xi1>, vector<16xi32>
    %add3A_389 = arith.addi %add3A_380, %select_n3A_388 : vector<16xi32>
    %ge3A_390 = arith.constant 65536 : i32
    %ge3A_391 = vector.broadcast %ge3A_390 : i32 to vector<16xi32>
    %ge3A_392 = arith.cmpi sge, %get3A_363, %ge3A_391 : vector<16xi32>
    %jit3A_393 = arith.constant 1 : i32
    %jit3A_394 = arith.constant 0 : i32
    %broadcast_in_dim3A_395 = vector.broadcast %jit3A_393 : i32 to vector<16xi32>
    %broadcast_in_dim3A_396 = vector.broadcast %jit3A_394 : i32 to vector<16xi32>
    %select_n3A_397 = arith.select %ge3A_392, %broadcast_in_dim3A_395, %broadcast_in_dim3A_396 : vector<16xi1>, vector<16xi32>
    %add3A_398 = arith.addi %add3A_389, %select_n3A_397 : vector<16xi32>
    %ge3A_399 = arith.constant 81920 : i32
    %ge3A_400 = vector.broadcast %ge3A_399 : i32 to vector<16xi32>
    %ge3A_401 = arith.cmpi sge, %get3A_363, %ge3A_400 : vector<16xi32>
    %jit3A_402 = arith.constant 1 : i32
    %jit3A_403 = arith.constant 0 : i32
    %broadcast_in_dim3A_404 = vector.broadcast %jit3A_402 : i32 to vector<16xi32>
    %broadcast_in_dim3A_405 = vector.broadcast %jit3A_403 : i32 to vector<16xi32>
    %select_n3A_406 = arith.select %ge3A_401, %broadcast_in_dim3A_404, %broadcast_in_dim3A_405 : vector<16xi1>, vector<16xi32>
    %add3A_407 = arith.addi %add3A_398, %select_n3A_406 : vector<16xi32>
    %ge3A_408 = arith.constant 98304 : i32
    %ge3A_409 = vector.broadcast %ge3A_408 : i32 to vector<16xi32>
    %ge3A_410 = arith.cmpi sge, %get3A_363, %ge3A_409 : vector<16xi32>
    %jit3A_411 = arith.constant 1 : i32
    %jit3A_412 = arith.constant 0 : i32
    %broadcast_in_dim3A_413 = vector.broadcast %jit3A_411 : i32 to vector<16xi32>
    %broadcast_in_dim3A_414 = vector.broadcast %jit3A_412 : i32 to vector<16xi32>
    %select_n3A_415 = arith.select %ge3A_410, %broadcast_in_dim3A_413, %broadcast_in_dim3A_414 : vector<16xi1>, vector<16xi32>
    %add3A_416 = arith.addi %add3A_407, %select_n3A_415 : vector<16xi32>
    %ge3A_417 = arith.constant 114688 : i32
    %ge3A_418 = vector.broadcast %ge3A_417 : i32 to vector<16xi32>
    %ge3A_419 = arith.cmpi sge, %get3A_363, %ge3A_418 : vector<16xi32>
    %jit3A_420 = arith.constant 1 : i32
    %jit3A_421 = arith.constant 0 : i32
    %broadcast_in_dim3A_422 = vector.broadcast %jit3A_420 : i32 to vector<16xi32>
    %broadcast_in_dim3A_423 = vector.broadcast %jit3A_421 : i32 to vector<16xi32>
    %select_n3A_424 = arith.select %ge3A_419, %broadcast_in_dim3A_422, %broadcast_in_dim3A_423 : vector<16xi1>, vector<16xi32>
    %add3A_425 = arith.addi %add3A_416, %select_n3A_424 : vector<16xi32>
    %mul3A_426 = arith.constant 16384 : i32
    %mul3A_427 = vector.broadcast %mul3A_426 : i32 to vector<16xi32>
    %mul3A_428 = arith.muli %add3A_425, %mul3A_427 : vector<16xi32>
    %sub3A_429 = arith.subi %get3A_363, %mul3A_428 : vector<16xi32>
    %swap3A_430 = arith.constant 80 : index
    %swap3A_431 = tpu.vector_load %arg5[%swap3A_430] {strides = array<i32>} : memref<512xi32, #tpu.memory_space<vmem>>, vector<16xi32>,
    %swap3A_432 = vector.shape_cast %swap3A_431 : vector<16xi32> to vector<16xi32>
    %swap3A_433 = vector.shape_cast %sub3A_429 : vector<16xi32> to vector<16xi32>
    tpu.vector_store %arg5[%swap3A_430], %swap3A_433 {strides = array<i32>} : memref<512xi32, #tpu.memory_space<vmem>>, vector<16xi32>,
    %get3A_434 = arith.constant 96 : index
    %get3A_435 = tpu.vector_load %arg5[%get3A_434] {strides = array<i32>} : memref<512xi32, #tpu.memory_space<vmem>>, vector<16xi32>,
    %get3A_436 = vector.shape_cast %get3A_435 : vector<16xi32> to vector<16xi32>
    %ge3A_437 = arith.constant 16384 : i32
    %ge3A_438 = vector.broadcast %ge3A_437 : i32 to vector<16xi32>
    %ge3A_439 = arith.cmpi sge, %get3A_436, %ge3A_438 : vector<16xi32>
    %jit3A_440 = arith.constant 1 : i32
    %jit3A_441 = arith.constant 0 : i32
    %broadcast_in_dim3A_442 = vector.broadcast %jit3A_440 : i32 to vector<16xi32>
    %broadcast_in_dim3A_443 = vector.broadcast %jit3A_441 : i32 to vector<16xi32>
    %select_n3A_444 = arith.select %ge3A_439, %broadcast_in_dim3A_442, %broadcast_in_dim3A_443 : vector<16xi1>, vector<16xi32>
    %ge3A_445 = arith.constant 32768 : i32
    %ge3A_446 = vector.broadcast %ge3A_445 : i32 to vector<16xi32>
    %ge3A_447 = arith.cmpi sge, %get3A_436, %ge3A_446 : vector<16xi32>
    %jit3A_448 = arith.constant 1 : i32
    %jit3A_449 = arith.constant 0 : i32
    %broadcast_in_dim3A_450 = vector.broadcast %jit3A_448 : i32 to vector<16xi32>
    %broadcast_in_dim3A_451 = vector.broadcast %jit3A_449 : i32 to vector<16xi32>
    %select_n3A_452 = arith.select %ge3A_447, %broadcast_in_dim3A_450, %broadcast_in_dim3A_451 : vector<16xi1>, vector<16xi32>
    %add3A_453 = arith.addi %select_n3A_444, %select_n3A_452 : vector<16xi32>
    %ge3A_454 = arith.constant 49152 : i32
    %ge3A_455 = vector.broadcast %ge3A_454 : i32 to vector<16xi32>
    %ge3A_456 = arith.cmpi sge, %get3A_436, %ge3A_455 : vector<16xi32>
    %jit3A_457 = arith.constant 1 : i32
    %jit3A_458 = arith.constant 0 : i32
    %broadcast_in_dim3A_459 = vector.broadcast %jit3A_457 : i32 to vector<16xi32>
    %broadcast_in_dim3A_460 = vector.broadcast %jit3A_458 : i32 to vector<16xi32>
    %select_n3A_461 = arith.select %ge3A_456, %broadcast_in_dim3A_459, %broadcast_in_dim3A_460 : vector<16xi1>, vector<16xi32>
    %add3A_462 = arith.addi %add3A_453, %select_n3A_461 : vector<16xi32>
    %ge3A_463 = arith.constant 65536 : i32
    %ge3A_464 = vector.broadcast %ge3A_463 : i32 to vector<16xi32>
    %ge3A_465 = arith.cmpi sge, %get3A_436, %ge3A_464 : vector<16xi32>
    %jit3A_466 = arith.constant 1 : i32
    %jit3A_467 = arith.constant 0 : i32
    %broadcast_in_dim3A_468 = vector.broadcast %jit3A_466 : i32 to vector<16xi32>
    %broadcast_in_dim3A_469 = vector.broadcast %jit3A_467 : i32 to vector<16xi32>
    %select_n3A_470 = arith.select %ge3A_465, %broadcast_in_dim3A_468, %broadcast_in_dim3A_469 : vector<16xi1>, vector<16xi32>
    %add3A_471 = arith.addi %add3A_462, %select_n3A_470 : vector<16xi32>
    %ge3A_472 = arith.constant 81920 : i32
    %ge3A_473 = vector.broadcast %ge3A_472 : i32 to vector<16xi32>
    %ge3A_474 = arith.cmpi sge, %get3A_436, %ge3A_473 : vector<16xi32>
    %jit3A_475 = arith.constant 1 : i32
    %jit3A_476 = arith.constant 0 : i32
    %broadcast_in_dim3A_477 = vector.broadcast %jit3A_475 : i32 to vector<16xi32>
    %broadcast_in_dim3A_478 = vector.broadcast %jit3A_476 : i32 to vector<16xi32>
    %select_n3A_479 = arith.select %ge3A_474, %broadcast_in_dim3A_477, %broadcast_in_dim3A_478 : vector<16xi1>, vector<16xi32>
    %add3A_480 = arith.addi %add3A_471, %select_n3A_479 : vector<16xi32>
    %ge3A_481 = arith.constant 98304 : i32
    %ge3A_482 = vector.broadcast %ge3A_481 : i32 to vector<16xi32>
    %ge3A_483 = arith.cmpi sge, %get3A_436, %ge3A_482 : vector<16xi32>
    %jit3A_484 = arith.constant 1 : i32
    %jit3A_485 = arith.constant 0 : i32
    %broadcast_in_dim3A_486 = vector.broadcast %jit3A_484 : i32 to vector<16xi32>
    %broadcast_in_dim3A_487 = vector.broadcast %jit3A_485 : i32 to vector<16xi32>
    %select_n3A_488 = arith.select %ge3A_483, %broadcast_in_dim3A_486, %broadcast_in_dim3A_487 : vector<16xi1>, vector<16xi32>
    %add3A_489 = arith.addi %add3A_480, %select_n3A_488 : vector<16xi32>
    %ge3A_490 = arith.constant 114688 : i32
    %ge3A_491 = vector.broadcast %ge3A_490 : i32 to vector<16xi32>
    %ge3A_492 = arith.cmpi sge, %get3A_436, %ge3A_491 : vector<16xi32>
    %jit3A_493 = arith.constant 1 : i32
    %jit3A_494 = arith.constant 0 : i32
    %broadcast_in_dim3A_495 = vector.broadcast %jit3A_493 : i32 to vector<16xi32>
    %broadcast_in_dim3A_496 = vector.broadcast %jit3A_494 : i32 to vector<16xi32>
    %select_n3A_497 = arith.select %ge3A_492, %broadcast_in_dim3A_495, %broadcast_in_dim3A_496 : vector<16xi1>, vector<16xi32>
    %add3A_498 = arith.addi %add3A_489, %select_n3A_497 : vector<16xi32>
    %mul3A_499 = arith.constant 16384 : i32
    %mul3A_500 = vector.broadcast %mul3A_499 : i32 to vector<16xi32>
    %mul3A_501 = arith.muli %add3A_498, %mul3A_500 : vector<16xi32>
    %sub3A_502 = arith.subi %get3A_436, %mul3A_501 : vector<16xi32>
    %swap3A_503 = arith.constant 96 : index
    %swap3A_504 = tpu.vector_load %arg5[%swap3A_503] {strides = array<i32>} : memref<512xi32, #tpu.memory_space<vmem>>, vector<16xi32>,
    %swap3A_505 = vector.shape_cast %swap3A_504 : vector<16xi32> to vector<16xi32>
    %swap3A_506 = vector.shape_cast %sub3A_502 : vector<16xi32> to vector<16xi32>
    tpu.vector_store %arg5[%swap3A_503], %swap3A_506 {strides = array<i32>} : memref<512xi32, #tpu.memory_space<vmem>>, vector<16xi32>,
    %get3A_507 = arith.constant 112 : index
    %get3A_508 = tpu.vector_load %arg5[%get3A_507] {strides = array<i32>} : memref<512xi32, #tpu.memory_space<vmem>>, vector<16xi32>,
    %get3A_509 = vector.shape_cast %get3A_508 : vector<16xi32> to vector<16xi32>
    %ge3A_510 = arith.constant 16384 : i32
    %ge3A_511 = vector.broadcast %ge3A_510 : i32 to vector<16xi32>
    %ge3A_512 = arith.cmpi sge, %get3A_509, %ge3A_511 : vector<16xi32>
    %jit3A_513 = arith.constant 1 : i32
    %jit3A_514 = arith.constant 0 : i32
    %broadcast_in_dim3A_515 = vector.broadcast %jit3A_513 : i32 to vector<16xi32>
    %broadcast_in_dim3A_516 = vector.broadcast %jit3A_514 : i32 to vector<16xi32>
    %select_n3A_517 = arith.select %ge3A_512, %broadcast_in_dim3A_515, %broadcast_in_dim3A_516 : vector<16xi1>, vector<16xi32>
    %ge3A_518 = arith.constant 32768 : i32
    %ge3A_519 = vector.broadcast %ge3A_518 : i32 to vector<16xi32>
    %ge3A_520 = arith.cmpi sge, %get3A_509, %ge3A_519 : vector<16xi32>
    %jit3A_521 = arith.constant 1 : i32
    %jit3A_522 = arith.constant 0 : i32
    %broadcast_in_dim3A_523 = vector.broadcast %jit3A_521 : i32 to vector<16xi32>
    %broadcast_in_dim3A_524 = vector.broadcast %jit3A_522 : i32 to vector<16xi32>
    %select_n3A_525 = arith.select %ge3A_520, %broadcast_in_dim3A_523, %broadcast_in_dim3A_524 : vector<16xi1>, vector<16xi32>
    %add3A_526 = arith.addi %select_n3A_517, %select_n3A_525 : vector<16xi32>
    %ge3A_527 = arith.constant 49152 : i32
    %ge3A_528 = vector.broadcast %ge3A_527 : i32 to vector<16xi32>
    %ge3A_529 = arith.cmpi sge, %get3A_509, %ge3A_528 : vector<16xi32>
    %jit3A_530 = arith.constant 1 : i32
    %jit3A_531 = arith.constant 0 : i32
    %broadcast_in_dim3A_532 = vector.broadcast %jit3A_530 : i32 to vector<16xi32>
    %broadcast_in_dim3A_533 = vector.broadcast %jit3A_531 : i32 to vector<16xi32>
    %select_n3A_534 = arith.select %ge3A_529, %broadcast_in_dim3A_532, %broadcast_in_dim3A_533 : vector<16xi1>, vector<16xi32>
    %add3A_535 = arith.addi %add3A_526, %select_n3A_534 : vector<16xi32>
    %ge3A_536 = arith.constant 65536 : i32
    %ge3A_537 = vector.broadcast %ge3A_536 : i32 to vector<16xi32>
    %ge3A_538 = arith.cmpi sge, %get3A_509, %ge3A_537 : vector<16xi32>
    %jit3A_539 = arith.constant 1 : i32
    %jit3A_540 = arith.constant 0 : i32
    %broadcast_in_dim3A_541 = vector.broadcast %jit3A_539 : i32 to vector<16xi32>
    %broadcast_in_dim3A_542 = vector.broadcast %jit3A_540 : i32 to vector<16xi32>
    %select_n3A_543 = arith.select %ge3A_538, %broadcast_in_dim3A_541, %broadcast_in_dim3A_542 : vector<16xi1>, vector<16xi32>
    %add3A_544 = arith.addi %add3A_535, %select_n3A_543 : vector<16xi32>
    %ge3A_545 = arith.constant 81920 : i32
    %ge3A_546 = vector.broadcast %ge3A_545 : i32 to vector<16xi32>
    %ge3A_547 = arith.cmpi sge, %get3A_509, %ge3A_546 : vector<16xi32>
    %jit3A_548 = arith.constant 1 : i32
    %jit3A_549 = arith.constant 0 : i32
    %broadcast_in_dim3A_550 = vector.broadcast %jit3A_548 : i32 to vector<16xi32>
    %broadcast_in_dim3A_551 = vector.broadcast %jit3A_549 : i32 to vector<16xi32>
    %select_n3A_552 = arith.select %ge3A_547, %broadcast_in_dim3A_550, %broadcast_in_dim3A_551 : vector<16xi1>, vector<16xi32>
    %add3A_553 = arith.addi %add3A_544, %select_n3A_552 : vector<16xi32>
    %ge3A_554 = arith.constant 98304 : i32
    %ge3A_555 = vector.broadcast %ge3A_554 : i32 to vector<16xi32>
    %ge3A_556 = arith.cmpi sge, %get3A_509, %ge3A_555 : vector<16xi32>
    %jit3A_557 = arith.constant 1 : i32
    %jit3A_558 = arith.constant 0 : i32
    %broadcast_in_dim3A_559 = vector.broadcast %jit3A_557 : i32 to vector<16xi32>
    %broadcast_in_dim3A_560 = vector.broadcast %jit3A_558 : i32 to vector<16xi32>
    %select_n3A_561 = arith.select %ge3A_556, %broadcast_in_dim3A_559, %broadcast_in_dim3A_560 : vector<16xi1>, vector<16xi32>
    %add3A_562 = arith.addi %add3A_553, %select_n3A_561 : vector<16xi32>
    %ge3A_563 = arith.constant 114688 : i32
    %ge3A_564 = vector.broadcast %ge3A_563 : i32 to vector<16xi32>
    %ge3A_565 = arith.cmpi sge, %get3A_509, %ge3A_564 : vector<16xi32>
    %jit3A_566 = arith.constant 1 : i32
    %jit3A_567 = arith.constant 0 : i32
    %broadcast_in_dim3A_568 = vector.broadcast %jit3A_566 : i32 to vector<16xi32>
    %broadcast_in_dim3A_569 = vector.broadcast %jit3A_567 : i32 to vector<16xi32>
    %select_n3A_570 = arith.select %ge3A_565, %broadcast_in_dim3A_568, %broadcast_in_dim3A_569 : vector<16xi1>, vector<16xi32>
    %add3A_571 = arith.addi %add3A_562, %select_n3A_570 : vector<16xi32>
    %mul3A_572 = arith.constant 16384 : i32
    %mul3A_573 = vector.broadcast %mul3A_572 : i32 to vector<16xi32>
    %mul3A_574 = arith.muli %add3A_571, %mul3A_573 : vector<16xi32>
    %sub3A_575 = arith.subi %get3A_509, %mul3A_574 : vector<16xi32>
    %swap3A_576 = arith.constant 112 : index
    %swap3A_577 = tpu.vector_load %arg5[%swap3A_576] {strides = array<i32>} : memref<512xi32, #tpu.memory_space<vmem>>, vector<16xi32>,
    %swap3A_578 = vector.shape_cast %swap3A_577 : vector<16xi32> to vector<16xi32>
    %swap3A_579 = vector.shape_cast %sub3A_575 : vector<16xi32> to vector<16xi32>
    tpu.vector_store %arg5[%swap3A_576], %swap3A_579 {strides = array<i32>} : memref<512xi32, #tpu.memory_space<vmem>>, vector<16xi32>,
    %get3A_580 = arith.constant 128 : index
    %get3A_581 = tpu.vector_load %arg5[%get3A_580] {strides = array<i32>} : memref<512xi32, #tpu.memory_space<vmem>>, vector<16xi32>,
    %get3A_582 = vector.shape_cast %get3A_581 : vector<16xi32> to vector<16xi32>
    %ge3A_583 = arith.constant 16384 : i32
    %ge3A_584 = vector.broadcast %ge3A_583 : i32 to vector<16xi32>
    %ge3A_585 = arith.cmpi sge, %get3A_582, %ge3A_584 : vector<16xi32>
    %jit3A_586 = arith.constant 1 : i32
    %jit3A_587 = arith.constant 0 : i32
    %broadcast_in_dim3A_588 = vector.broadcast %jit3A_586 : i32 to vector<16xi32>
    %broadcast_in_dim3A_589 = vector.broadcast %jit3A_587 : i32 to vector<16xi32>
    %select_n3A_590 = arith.select %ge3A_585, %broadcast_in_dim3A_588, %broadcast_in_dim3A_589 : vector<16xi1>, vector<16xi32>
    %ge3A_591 = arith.constant 32768 : i32
    %ge3A_592 = vector.broadcast %ge3A_591 : i32 to vector<16xi32>
    %ge3A_593 = arith.cmpi sge, %get3A_582, %ge3A_592 : vector<16xi32>
    %jit3A_594 = arith.constant 1 : i32
    %jit3A_595 = arith.constant 0 : i32
    %broadcast_in_dim3A_596 = vector.broadcast %jit3A_594 : i32 to vector<16xi32>
    %broadcast_in_dim3A_597 = vector.broadcast %jit3A_595 : i32 to vector<16xi32>
    %select_n3A_598 = arith.select %ge3A_593, %broadcast_in_dim3A_596, %broadcast_in_dim3A_597 : vector<16xi1>, vector<16xi32>
    %add3A_599 = arith.addi %select_n3A_590, %select_n3A_598 : vector<16xi32>
    %ge3A_600 = arith.constant 49152 : i32
    %ge3A_601 = vector.broadcast %ge3A_600 : i32 to vector<16xi32>
    %ge3A_602 = arith.cmpi sge, %get3A_582, %ge3A_601 : vector<16xi32>
    %jit3A_603 = arith.constant 1 : i32
    %jit3A_604 = arith.constant 0 : i32
    %broadcast_in_dim3A_605 = vector.broadcast %jit3A_603 : i32 to vector<16xi32>
    %broadcast_in_dim3A_606 = vector.broadcast %jit3A_604 : i32 to vector<16xi32>
    %select_n3A_607 = arith.select %ge3A_602, %broadcast_in_dim3A_605, %broadcast_in_dim3A_606 : vector<16xi1>, vector<16xi32>
    %add3A_608 = arith.addi %add3A_599, %select_n3A_607 : vector<16xi32>
    %ge3A_609 = arith.constant 65536 : i32
    %ge3A_610 = vector.broadcast %ge3A_609 : i32 to vector<16xi32>
    %ge3A_611 = arith.cmpi sge, %get3A_582, %ge3A_610 : vector<16xi32>
    %jit3A_612 = arith.constant 1 : i32
    %jit3A_613 = arith.constant 0 : i32
    %broadcast_in_dim3A_614 = vector.broadcast %jit3A_612 : i32 to vector<16xi32>
    %broadcast_in_dim3A_615 = vector.broadcast %jit3A_613 : i32 to vector<16xi32>
    %select_n3A_616 = arith.select %ge3A_611, %broadcast_in_dim3A_614, %broadcast_in_dim3A_615 : vector<16xi1>, vector<16xi32>
    %add3A_617 = arith.addi %add3A_608, %select_n3A_616 : vector<16xi32>
    %ge3A_618 = arith.constant 81920 : i32
    %ge3A_619 = vector.broadcast %ge3A_618 : i32 to vector<16xi32>
    %ge3A_620 = arith.cmpi sge, %get3A_582, %ge3A_619 : vector<16xi32>
    %jit3A_621 = arith.constant 1 : i32
    %jit3A_622 = arith.constant 0 : i32
    %broadcast_in_dim3A_623 = vector.broadcast %jit3A_621 : i32 to vector<16xi32>
    %broadcast_in_dim3A_624 = vector.broadcast %jit3A_622 : i32 to vector<16xi32>
    %select_n3A_625 = arith.select %ge3A_620, %broadcast_in_dim3A_623, %broadcast_in_dim3A_624 : vector<16xi1>, vector<16xi32>
    %add3A_626 = arith.addi %add3A_617, %select_n3A_625 : vector<16xi32>
    %ge3A_627 = arith.constant 98304 : i32
    %ge3A_628 = vector.broadcast %ge3A_627 : i32 to vector<16xi32>
    %ge3A_629 = arith.cmpi sge, %get3A_582, %ge3A_628 : vector<16xi32>
    %jit3A_630 = arith.constant 1 : i32
    %jit3A_631 = arith.constant 0 : i32
    %broadcast_in_dim3A_632 = vector.broadcast %jit3A_630 : i32 to vector<16xi32>
    %broadcast_in_dim3A_633 = vector.broadcast %jit3A_631 : i32 to vector<16xi32>
    %select_n3A_634 = arith.select %ge3A_629, %broadcast_in_dim3A_632, %broadcast_in_dim3A_633 : vector<16xi1>, vector<16xi32>
    %add3A_635 = arith.addi %add3A_626, %select_n3A_634 : vector<16xi32>
    %ge3A_636 = arith.constant 114688 : i32
    %ge3A_637 = vector.broadcast %ge3A_636 : i32 to vector<16xi32>
    %ge3A_638 = arith.cmpi sge, %get3A_582, %ge3A_637 : vector<16xi32>
    %jit3A_639 = arith.constant 1 : i32
    %jit3A_640 = arith.constant 0 : i32
    %broadcast_in_dim3A_641 = vector.broadcast %jit3A_639 : i32 to vector<16xi32>
    %broadcast_in_dim3A_642 = vector.broadcast %jit3A_640 : i32 to vector<16xi32>
    %select_n3A_643 = arith.select %ge3A_638, %broadcast_in_dim3A_641, %broadcast_in_dim3A_642 : vector<16xi1>, vector<16xi32>
    %add3A_644 = arith.addi %add3A_635, %select_n3A_643 : vector<16xi32>
    %mul3A_645 = arith.constant 16384 : i32
    %mul3A_646 = vector.broadcast %mul3A_645 : i32 to vector<16xi32>
    %mul3A_647 = arith.muli %add3A_644, %mul3A_646 : vector<16xi32>
    %sub3A_648 = arith.subi %get3A_582, %mul3A_647 : vector<16xi32>
    %swap3A_649 = arith.constant 128 : index
    %swap3A_650 = tpu.vector_load %arg5[%swap3A_649] {strides = array<i32>} : memref<512xi32, #tpu.memory_space<vmem>>, vector<16xi32>,
    %swap3A_651 = vector.shape_cast %swap3A_650 : vector<16xi32> to vector<16xi32>
    %swap3A_652 = vector.shape_cast %sub3A_648 : vector<16xi32> to vector<16xi32>
    tpu.vector_store %arg5[%swap3A_649], %swap3A_652 {strides = array<i32>} : memref<512xi32, #tpu.memory_space<vmem>>, vector<16xi32>,
    %get3A_653 = arith.constant 144 : index
    %get3A_654 = tpu.vector_load %arg5[%get3A_653] {strides = array<i32>} : memref<512xi32, #tpu.memory_space<vmem>>, vector<16xi32>,
    %get3A_655 = vector.shape_cast %get3A_654 : vector<16xi32> to vector<16xi32>
    %ge3A_656 = arith.constant 16384 : i32
    %ge3A_657 = vector.broadcast %ge3A_656 : i32 to vector<16xi32>
    %ge3A_658 = arith.cmpi sge, %get3A_655, %ge3A_657 : vector<16xi32>
    %jit3A_659 = arith.constant 1 : i32
    %jit3A_660 = arith.constant 0 : i32
    %broadcast_in_dim3A_661 = vector.broadcast %jit3A_659 : i32 to vector<16xi32>
    %broadcast_in_dim3A_662 = vector.broadcast %jit3A_660 : i32 to vector<16xi32>
    %select_n3A_663 = arith.select %ge3A_658, %broadcast_in_dim3A_661, %broadcast_in_dim3A_662 : vector<16xi1>, vector<16xi32>
    %ge3A_664 = arith.constant 32768 : i32
    %ge3A_665 = vector.broadcast %ge3A_664 : i32 to vector<16xi32>
    %ge3A_666 = arith.cmpi sge, %get3A_655, %ge3A_665 : vector<16xi32>
    %jit3A_667 = arith.constant 1 : i32
    %jit3A_668 = arith.constant 0 : i32
    %broadcast_in_dim3A_669 = vector.broadcast %jit3A_667 : i32 to vector<16xi32>
    %broadcast_in_dim3A_670 = vector.broadcast %jit3A_668 : i32 to vector<16xi32>
    %select_n3A_671 = arith.select %ge3A_666, %broadcast_in_dim3A_669, %broadcast_in_dim3A_670 : vector<16xi1>, vector<16xi32>
    %add3A_672 = arith.addi %select_n3A_663, %select_n3A_671 : vector<16xi32>
    %ge3A_673 = arith.constant 49152 : i32
    %ge3A_674 = vector.broadcast %ge3A_673 : i32 to vector<16xi32>
    %ge3A_675 = arith.cmpi sge, %get3A_655, %ge3A_674 : vector<16xi32>
    %jit3A_676 = arith.constant 1 : i32
    %jit3A_677 = arith.constant 0 : i32
    %broadcast_in_dim3A_678 = vector.broadcast %jit3A_676 : i32 to vector<16xi32>
    %broadcast_in_dim3A_679 = vector.broadcast %jit3A_677 : i32 to vector<16xi32>
    %select_n3A_680 = arith.select %ge3A_675, %broadcast_in_dim3A_678, %broadcast_in_dim3A_679 : vector<16xi1>, vector<16xi32>
    %add3A_681 = arith.addi %add3A_672, %select_n3A_680 : vector<16xi32>
    %ge3A_682 = arith.constant 65536 : i32
    %ge3A_683 = vector.broadcast %ge3A_682 : i32 to vector<16xi32>
    %ge3A_684 = arith.cmpi sge, %get3A_655, %ge3A_683 : vector<16xi32>
    %jit3A_685 = arith.constant 1 : i32
    %jit3A_686 = arith.constant 0 : i32
    %broadcast_in_dim3A_687 = vector.broadcast %jit3A_685 : i32 to vector<16xi32>
    %broadcast_in_dim3A_688 = vector.broadcast %jit3A_686 : i32 to vector<16xi32>
    %select_n3A_689 = arith.select %ge3A_684, %broadcast_in_dim3A_687, %broadcast_in_dim3A_688 : vector<16xi1>, vector<16xi32>
    %add3A_690 = arith.addi %add3A_681, %select_n3A_689 : vector<16xi32>
    %ge3A_691 = arith.constant 81920 : i32
    %ge3A_692 = vector.broadcast %ge3A_691 : i32 to vector<16xi32>
    %ge3A_693 = arith.cmpi sge, %get3A_655, %ge3A_692 : vector<16xi32>
    %jit3A_694 = arith.constant 1 : i32
    %jit3A_695 = arith.constant 0 : i32
    %broadcast_in_dim3A_696 = vector.broadcast %jit3A_694 : i32 to vector<16xi32>
    %broadcast_in_dim3A_697 = vector.broadcast %jit3A_695 : i32 to vector<16xi32>
    %select_n3A_698 = arith.select %ge3A_693, %broadcast_in_dim3A_696, %broadcast_in_dim3A_697 : vector<16xi1>, vector<16xi32>
    %add3A_699 = arith.addi %add3A_690, %select_n3A_698 : vector<16xi32>
    %ge3A_700 = arith.constant 98304 : i32
    %ge3A_701 = vector.broadcast %ge3A_700 : i32 to vector<16xi32>
    %ge3A_702 = arith.cmpi sge, %get3A_655, %ge3A_701 : vector<16xi32>
    %jit3A_703 = arith.constant 1 : i32
    %jit3A_704 = arith.constant 0 : i32
    %broadcast_in_dim3A_705 = vector.broadcast %jit3A_703 : i32 to vector<16xi32>
    %broadcast_in_dim3A_706 = vector.broadcast %jit3A_704 : i32 to vector<16xi32>
    %select_n3A_707 = arith.select %ge3A_702, %broadcast_in_dim3A_705, %broadcast_in_dim3A_706 : vector<16xi1>, vector<16xi32>
    %add3A_708 = arith.addi %add3A_699, %select_n3A_707 : vector<16xi32>
    %ge3A_709 = arith.constant 114688 : i32
    %ge3A_710 = vector.broadcast %ge3A_709 : i32 to vector<16xi32>
    %ge3A_711 = arith.cmpi sge, %get3A_655, %ge3A_710 : vector<16xi32>
    %jit3A_712 = arith.constant 1 : i32
    %jit3A_713 = arith.constant 0 : i32
    %broadcast_in_dim3A_714 = vector.broadcast %jit3A_712 : i32 to vector<16xi32>
    %broadcast_in_dim3A_715 = vector.broadcast %jit3A_713 : i32 to vector<16xi32>
    %select_n3A_716 = arith.select %ge3A_711, %broadcast_in_dim3A_714, %broadcast_in_dim3A_715 : vector<16xi1>, vector<16xi32>
    %add3A_717 = arith.addi %add3A_708, %select_n3A_716 : vector<16xi32>
    %mul3A_718 = arith.constant 16384 : i32
    %mul3A_719 = vector.broadcast %mul3A_718 : i32 to vector<16xi32>
    %mul3A_720 = arith.muli %add3A_717, %mul3A_719 : vector<16xi32>
    %sub3A_721 = arith.subi %get3A_655, %mul3A_720 : vector<16xi32>
    %swap3A_722 = arith.constant 144 : index
    %swap3A_723 = tpu.vector_load %arg5[%swap3A_722] {strides = array<i32>} : memref<512xi32, #tpu.memory_space<vmem>>, vector<16xi32>,
    %swap3A_724 = vector.shape_cast %swap3A_723 : vector<16xi32> to vector<16xi32>
    %swap3A_725 = vector.shape_cast %sub3A_721 : vector<16xi32> to vector<16xi32>
    tpu.vector_store %arg5[%swap3A_722], %swap3A_725 {strides = array<i32>} : memref<512xi32, #tpu.memory_space<vmem>>, vector<16xi32>,
    %get3A_726 = arith.constant 160 : index
    %get3A_727 = tpu.vector_load %arg5[%get3A_726] {strides = array<i32>} : memref<512xi32, #tpu.memory_space<vmem>>, vector<16xi32>,
    %get3A_728 = vector.shape_cast %get3A_727 : vector<16xi32> to vector<16xi32>
    %ge3A_729 = arith.constant 16384 : i32
    %ge3A_730 = vector.broadcast %ge3A_729 : i32 to vector<16xi32>
    %ge3A_731 = arith.cmpi sge, %get3A_728, %ge3A_730 : vector<16xi32>
    %jit3A_732 = arith.constant 1 : i32
    %jit3A_733 = arith.constant 0 : i32
    %broadcast_in_dim3A_734 = vector.broadcast %jit3A_732 : i32 to vector<16xi32>
    %broadcast_in_dim3A_735 = vector.broadcast %jit3A_733 : i32 to vector<16xi32>
    %select_n3A_736 = arith.select %ge3A_731, %broadcast_in_dim3A_734, %broadcast_in_dim3A_735 : vector<16xi1>, vector<16xi32>
    %ge3A_737 = arith.constant 32768 : i32
    %ge3A_738 = vector.broadcast %ge3A_737 : i32 to vector<16xi32>
    %ge3A_739 = arith.cmpi sge, %get3A_728, %ge3A_738 : vector<16xi32>
    %jit3A_740 = arith.constant 1 : i32
    %jit3A_741 = arith.constant 0 : i32
    %broadcast_in_dim3A_742 = vector.broadcast %jit3A_740 : i32 to vector<16xi32>
    %broadcast_in_dim3A_743 = vector.broadcast %jit3A_741 : i32 to vector<16xi32>
    %select_n3A_744 = arith.select %ge3A_739, %broadcast_in_dim3A_742, %broadcast_in_dim3A_743 : vector<16xi1>, vector<16xi32>
    %add3A_745 = arith.addi %select_n3A_736, %select_n3A_744 : vector<16xi32>
    %ge3A_746 = arith.constant 49152 : i32
    %ge3A_747 = vector.broadcast %ge3A_746 : i32 to vector<16xi32>
    %ge3A_748 = arith.cmpi sge, %get3A_728, %ge3A_747 : vector<16xi32>
    %jit3A_749 = arith.constant 1 : i32
    %jit3A_750 = arith.constant 0 : i32
    %broadcast_in_dim3A_751 = vector.broadcast %jit3A_749 : i32 to vector<16xi32>
    %broadcast_in_dim3A_752 = vector.broadcast %jit3A_750 : i32 to vector<16xi32>
    %select_n3A_753 = arith.select %ge3A_748, %broadcast_in_dim3A_751, %broadcast_in_dim3A_752 : vector<16xi1>, vector<16xi32>
    %add3A_754 = arith.addi %add3A_745, %select_n3A_753 : vector<16xi32>
    %ge3A_755 = arith.constant 65536 : i32
    %ge3A_756 = vector.broadcast %ge3A_755 : i32 to vector<16xi32>
    %ge3A_757 = arith.cmpi sge, %get3A_728, %ge3A_756 : vector<16xi32>
    %jit3A_758 = arith.constant 1 : i32
    %jit3A_759 = arith.constant 0 : i32
    %broadcast_in_dim3A_760 = vector.broadcast %jit3A_758 : i32 to vector<16xi32>
    %broadcast_in_dim3A_761 = vector.broadcast %jit3A_759 : i32 to vector<16xi32>
    %select_n3A_762 = arith.select %ge3A_757, %broadcast_in_dim3A_760, %broadcast_in_dim3A_761 : vector<16xi1>, vector<16xi32>
    %add3A_763 = arith.addi %add3A_754, %select_n3A_762 : vector<16xi32>
    %ge3A_764 = arith.constant 81920 : i32
    %ge3A_765 = vector.broadcast %ge3A_764 : i32 to vector<16xi32>
    %ge3A_766 = arith.cmpi sge, %get3A_728, %ge3A_765 : vector<16xi32>
    %jit3A_767 = arith.constant 1 : i32
    %jit3A_768 = arith.constant 0 : i32
    %broadcast_in_dim3A_769 = vector.broadcast %jit3A_767 : i32 to vector<16xi32>
    %broadcast_in_dim3A_770 = vector.broadcast %jit3A_768 : i32 to vector<16xi32>
    %select_n3A_771 = arith.select %ge3A_766, %broadcast_in_dim3A_769, %broadcast_in_dim3A_770 : vector<16xi1>, vector<16xi32>
    %add3A_772 = arith.addi %add3A_763, %select_n3A_771 : vector<16xi32>
    %ge3A_773 = arith.constant 98304 : i32
    %ge3A_774 = vector.broadcast %ge3A_773 : i32 to vector<16xi32>
    %ge3A_775 = arith.cmpi sge, %get3A_728, %ge3A_774 : vector<16xi32>
    %jit3A_776 = arith.constant 1 : i32
    %jit3A_777 = arith.constant 0 : i32
    %broadcast_in_dim3A_778 = vector.broadcast %jit3A_776 : i32 to vector<16xi32>
    %broadcast_in_dim3A_779 = vector.broadcast %jit3A_777 : i32 to vector<16xi32>
    %select_n3A_780 = arith.select %ge3A_775, %broadcast_in_dim3A_778, %broadcast_in_dim3A_779 : vector<16xi1>, vector<16xi32>
    %add3A_781 = arith.addi %add3A_772, %select_n3A_780 : vector<16xi32>
    %ge3A_782 = arith.constant 114688 : i32
    %ge3A_783 = vector.broadcast %ge3A_782 : i32 to vector<16xi32>
    %ge3A_784 = arith.cmpi sge, %get3A_728, %ge3A_783 : vector<16xi32>
    %jit3A_785 = arith.constant 1 : i32
    %jit3A_786 = arith.constant 0 : i32
    %broadcast_in_dim3A_787 = vector.broadcast %jit3A_785 : i32 to vector<16xi32>
    %broadcast_in_dim3A_788 = vector.broadcast %jit3A_786 : i32 to vector<16xi32>
    %select_n3A_789 = arith.select %ge3A_784, %broadcast_in_dim3A_787, %broadcast_in_dim3A_788 : vector<16xi1>, vector<16xi32>
    %add3A_790 = arith.addi %add3A_781, %select_n3A_789 : vector<16xi32>
    %mul3A_791 = arith.constant 16384 : i32
    %mul3A_792 = vector.broadcast %mul3A_791 : i32 to vector<16xi32>
    %mul3A_793 = arith.muli %add3A_790, %mul3A_792 : vector<16xi32>
    %sub3A_794 = arith.subi %get3A_728, %mul3A_793 : vector<16xi32>
    %swap3A_795 = arith.constant 160 : index
    %swap3A_796 = tpu.vector_load %arg5[%swap3A_795] {strides = array<i32>} : memref<512xi32, #tpu.memory_space<vmem>>, vector<16xi32>,
    %swap3A_797 = vector.shape_cast %swap3A_796 : vector<16xi32> to vector<16xi32>
    %swap3A_798 = vector.shape_cast %sub3A_794 : vector<16xi32> to vector<16xi32>
    tpu.vector_store %arg5[%swap3A_795], %swap3A_798 {strides = array<i32>} : memref<512xi32, #tpu.memory_space<vmem>>, vector<16xi32>,
    %get3A_799 = arith.constant 176 : index
    %get3A_800 = tpu.vector_load %arg5[%get3A_799] {strides = array<i32>} : memref<512xi32, #tpu.memory_space<vmem>>, vector<16xi32>,
    %get3A_801 = vector.shape_cast %get3A_800 : vector<16xi32> to vector<16xi32>
    %ge3A_802 = arith.constant 16384 : i32
    %ge3A_803 = vector.broadcast %ge3A_802 : i32 to vector<16xi32>
    %ge3A_804 = arith.cmpi sge, %get3A_801, %ge3A_803 : vector<16xi32>
    %jit3A_805 = arith.constant 1 : i32
    %jit3A_806 = arith.constant 0 : i32
    %broadcast_in_dim3A_807 = vector.broadcast %jit3A_805 : i32 to vector<16xi32>
    %broadcast_in_dim3A_808 = vector.broadcast %jit3A_806 : i32 to vector<16xi32>
    %select_n3A_809 = arith.select %ge3A_804, %broadcast_in_dim3A_807, %broadcast_in_dim3A_808 : vector<16xi1>, vector<16xi32>
    %ge3A_810 = arith.constant 32768 : i32
    %ge3A_811 = vector.broadcast %ge3A_810 : i32 to vector<16xi32>
    %ge3A_812 = arith.cmpi sge, %get3A_801, %ge3A_811 : vector<16xi32>
    %jit3A_813 = arith.constant 1 : i32
    %jit3A_814 = arith.constant 0 : i32
    %broadcast_in_dim3A_815 = vector.broadcast %jit3A_813 : i32 to vector<16xi32>
    %broadcast_in_dim3A_816 = vector.broadcast %jit3A_814 : i32 to vector<16xi32>
    %select_n3A_817 = arith.select %ge3A_812, %broadcast_in_dim3A_815, %broadcast_in_dim3A_816 : vector<16xi1>, vector<16xi32>
    %add3A_818 = arith.addi %select_n3A_809, %select_n3A_817 : vector<16xi32>
    %ge3A_819 = arith.constant 49152 : i32
    %ge3A_820 = vector.broadcast %ge3A_819 : i32 to vector<16xi32>
    %ge3A_821 = arith.cmpi sge, %get3A_801, %ge3A_820 : vector<16xi32>
    %jit3A_822 = arith.constant 1 : i32
    %jit3A_823 = arith.constant 0 : i32
    %broadcast_in_dim3A_824 = vector.broadcast %jit3A_822 : i32 to vector<16xi32>
    %broadcast_in_dim3A_825 = vector.broadcast %jit3A_823 : i32 to vector<16xi32>
    %select_n3A_826 = arith.select %ge3A_821, %broadcast_in_dim3A_824, %broadcast_in_dim3A_825 : vector<16xi1>, vector<16xi32>
    %add3A_827 = arith.addi %add3A_818, %select_n3A_826 : vector<16xi32>
    %ge3A_828 = arith.constant 65536 : i32
    %ge3A_829 = vector.broadcast %ge3A_828 : i32 to vector<16xi32>
    %ge3A_830 = arith.cmpi sge, %get3A_801, %ge3A_829 : vector<16xi32>
    %jit3A_831 = arith.constant 1 : i32
    %jit3A_832 = arith.constant 0 : i32
    %broadcast_in_dim3A_833 = vector.broadcast %jit3A_831 : i32 to vector<16xi32>
    %broadcast_in_dim3A_834 = vector.broadcast %jit3A_832 : i32 to vector<16xi32>
    %select_n3A_835 = arith.select %ge3A_830, %broadcast_in_dim3A_833, %broadcast_in_dim3A_834 : vector<16xi1>, vector<16xi32>
    %add3A_836 = arith.addi %add3A_827, %select_n3A_835 : vector<16xi32>
    %ge3A_837 = arith.constant 81920 : i32
    %ge3A_838 = vector.broadcast %ge3A_837 : i32 to vector<16xi32>
    %ge3A_839 = arith.cmpi sge, %get3A_801, %ge3A_838 : vector<16xi32>
    %jit3A_840 = arith.constant 1 : i32
    %jit3A_841 = arith.constant 0 : i32
    %broadcast_in_dim3A_842 = vector.broadcast %jit3A_840 : i32 to vector<16xi32>
    %broadcast_in_dim3A_843 = vector.broadcast %jit3A_841 : i32 to vector<16xi32>
    %select_n3A_844 = arith.select %ge3A_839, %broadcast_in_dim3A_842, %broadcast_in_dim3A_843 : vector<16xi1>, vector<16xi32>
    %add3A_845 = arith.addi %add3A_836, %select_n3A_844 : vector<16xi32>
    %ge3A_846 = arith.constant 98304 : i32
    %ge3A_847 = vector.broadcast %ge3A_846 : i32 to vector<16xi32>
    %ge3A_848 = arith.cmpi sge, %get3A_801, %ge3A_847 : vector<16xi32>
    %jit3A_849 = arith.constant 1 : i32
    %jit3A_850 = arith.constant 0 : i32
    %broadcast_in_dim3A_851 = vector.broadcast %jit3A_849 : i32 to vector<16xi32>
    %broadcast_in_dim3A_852 = vector.broadcast %jit3A_850 : i32 to vector<16xi32>
    %select_n3A_853 = arith.select %ge3A_848, %broadcast_in_dim3A_851, %broadcast_in_dim3A_852 : vector<16xi1>, vector<16xi32>
    %add3A_854 = arith.addi %add3A_845, %select_n3A_853 : vector<16xi32>
    %ge3A_855 = arith.constant 114688 : i32
    %ge3A_856 = vector.broadcast %ge3A_855 : i32 to vector<16xi32>
    %ge3A_857 = arith.cmpi sge, %get3A_801, %ge3A_856 : vector<16xi32>
    %jit3A_858 = arith.constant 1 : i32
    %jit3A_859 = arith.constant 0 : i32
    %broadcast_in_dim3A_860 = vector.broadcast %jit3A_858 : i32 to vector<16xi32>
    %broadcast_in_dim3A_861 = vector.broadcast %jit3A_859 : i32 to vector<16xi32>
    %select_n3A_862 = arith.select %ge3A_857, %broadcast_in_dim3A_860, %broadcast_in_dim3A_861 : vector<16xi1>, vector<16xi32>
    %add3A_863 = arith.addi %add3A_854, %select_n3A_862 : vector<16xi32>
    %mul3A_864 = arith.constant 16384 : i32
    %mul3A_865 = vector.broadcast %mul3A_864 : i32 to vector<16xi32>
    %mul3A_866 = arith.muli %add3A_863, %mul3A_865 : vector<16xi32>
    %sub3A_867 = arith.subi %get3A_801, %mul3A_866 : vector<16xi32>
    %swap3A_868 = arith.constant 176 : index
    %swap3A_869 = tpu.vector_load %arg5[%swap3A_868] {strides = array<i32>} : memref<512xi32, #tpu.memory_space<vmem>>, vector<16xi32>,
    %swap3A_870 = vector.shape_cast %swap3A_869 : vector<16xi32> to vector<16xi32>
    %swap3A_871 = vector.shape_cast %sub3A_867 : vector<16xi32> to vector<16xi32>
    tpu.vector_store %arg5[%swap3A_868], %swap3A_871 {strides = array<i32>} : memref<512xi32, #tpu.memory_space<vmem>>, vector<16xi32>,
    %get3A_872 = arith.constant 192 : index
    %get3A_873 = tpu.vector_load %arg5[%get3A_872] {strides = array<i32>} : memref<512xi32, #tpu.memory_space<vmem>>, vector<16xi32>,
    %get3A_874 = vector.shape_cast %get3A_873 : vector<16xi32> to vector<16xi32>
    %ge3A_875 = arith.constant 16384 : i32
    %ge3A_876 = vector.broadcast %ge3A_875 : i32 to vector<16xi32>
    %ge3A_877 = arith.cmpi sge, %get3A_874, %ge3A_876 : vector<16xi32>
    %jit3A_878 = arith.constant 1 : i32
    %jit3A_879 = arith.constant 0 : i32
    %broadcast_in_dim3A_880 = vector.broadcast %jit3A_878 : i32 to vector<16xi32>
    %broadcast_in_dim3A_881 = vector.broadcast %jit3A_879 : i32 to vector<16xi32>
    %select_n3A_882 = arith.select %ge3A_877, %broadcast_in_dim3A_880, %broadcast_in_dim3A_881 : vector<16xi1>, vector<16xi32>
    %ge3A_883 = arith.constant 32768 : i32
    %ge3A_884 = vector.broadcast %ge3A_883 : i32 to vector<16xi32>
    %ge3A_885 = arith.cmpi sge, %get3A_874, %ge3A_884 : vector<16xi32>
    %jit3A_886 = arith.constant 1 : i32
    %jit3A_887 = arith.constant 0 : i32
    %broadcast_in_dim3A_888 = vector.broadcast %jit3A_886 : i32 to vector<16xi32>
    %broadcast_in_dim3A_889 = vector.broadcast %jit3A_887 : i32 to vector<16xi32>
    %select_n3A_890 = arith.select %ge3A_885, %broadcast_in_dim3A_888, %broadcast_in_dim3A_889 : vector<16xi1>, vector<16xi32>
    %add3A_891 = arith.addi %select_n3A_882, %select_n3A_890 : vector<16xi32>
    %ge3A_892 = arith.constant 49152 : i32
    %ge3A_893 = vector.broadcast %ge3A_892 : i32 to vector<16xi32>
    %ge3A_894 = arith.cmpi sge, %get3A_874, %ge3A_893 : vector<16xi32>
    %jit3A_895 = arith.constant 1 : i32
    %jit3A_896 = arith.constant 0 : i32
    %broadcast_in_dim3A_897 = vector.broadcast %jit3A_895 : i32 to vector<16xi32>
    %broadcast_in_dim3A_898 = vector.broadcast %jit3A_896 : i32 to vector<16xi32>
    %select_n3A_899 = arith.select %ge3A_894, %broadcast_in_dim3A_897, %broadcast_in_dim3A_898 : vector<16xi1>, vector<16xi32>
    %add3A_900 = arith.addi %add3A_891, %select_n3A_899 : vector<16xi32>
    %ge3A_901 = arith.constant 65536 : i32
    %ge3A_902 = vector.broadcast %ge3A_901 : i32 to vector<16xi32>
    %ge3A_903 = arith.cmpi sge, %get3A_874, %ge3A_902 : vector<16xi32>
    %jit3A_904 = arith.constant 1 : i32
    %jit3A_905 = arith.constant 0 : i32
    %broadcast_in_dim3A_906 = vector.broadcast %jit3A_904 : i32 to vector<16xi32>
    %broadcast_in_dim3A_907 = vector.broadcast %jit3A_905 : i32 to vector<16xi32>
    %select_n3A_908 = arith.select %ge3A_903, %broadcast_in_dim3A_906, %broadcast_in_dim3A_907 : vector<16xi1>, vector<16xi32>
    %add3A_909 = arith.addi %add3A_900, %select_n3A_908 : vector<16xi32>
    %ge3A_910 = arith.constant 81920 : i32
    %ge3A_911 = vector.broadcast %ge3A_910 : i32 to vector<16xi32>
    %ge3A_912 = arith.cmpi sge, %get3A_874, %ge3A_911 : vector<16xi32>
    %jit3A_913 = arith.constant 1 : i32
    %jit3A_914 = arith.constant 0 : i32
    %broadcast_in_dim3A_915 = vector.broadcast %jit3A_913 : i32 to vector<16xi32>
    %broadcast_in_dim3A_916 = vector.broadcast %jit3A_914 : i32 to vector<16xi32>
    %select_n3A_917 = arith.select %ge3A_912, %broadcast_in_dim3A_915, %broadcast_in_dim3A_916 : vector<16xi1>, vector<16xi32>
    %add3A_918 = arith.addi %add3A_909, %select_n3A_917 : vector<16xi32>
    %ge3A_919 = arith.constant 98304 : i32
    %ge3A_920 = vector.broadcast %ge3A_919 : i32 to vector<16xi32>
    %ge3A_921 = arith.cmpi sge, %get3A_874, %ge3A_920 : vector<16xi32>
    %jit3A_922 = arith.constant 1 : i32
    %jit3A_923 = arith.constant 0 : i32
    %broadcast_in_dim3A_924 = vector.broadcast %jit3A_922 : i32 to vector<16xi32>
    %broadcast_in_dim3A_925 = vector.broadcast %jit3A_923 : i32 to vector<16xi32>
    %select_n3A_926 = arith.select %ge3A_921, %broadcast_in_dim3A_924, %broadcast_in_dim3A_925 : vector<16xi1>, vector<16xi32>
    %add3A_927 = arith.addi %add3A_918, %select_n3A_926 : vector<16xi32>
    %ge3A_928 = arith.constant 114688 : i32
    %ge3A_929 = vector.broadcast %ge3A_928 : i32 to vector<16xi32>
    %ge3A_930 = arith.cmpi sge, %get3A_874, %ge3A_929 : vector<16xi32>
    %jit3A_931 = arith.constant 1 : i32
    %jit3A_932 = arith.constant 0 : i32
    %broadcast_in_dim3A_933 = vector.broadcast %jit3A_931 : i32 to vector<16xi32>
    %broadcast_in_dim3A_934 = vector.broadcast %jit3A_932 : i32 to vector<16xi32>
    %select_n3A_935 = arith.select %ge3A_930, %broadcast_in_dim3A_933, %broadcast_in_dim3A_934 : vector<16xi1>, vector<16xi32>
    %add3A_936 = arith.addi %add3A_927, %select_n3A_935 : vector<16xi32>
    %mul3A_937 = arith.constant 16384 : i32
    %mul3A_938 = vector.broadcast %mul3A_937 : i32 to vector<16xi32>
    %mul3A_939 = arith.muli %add3A_936, %mul3A_938 : vector<16xi32>
    %sub3A_940 = arith.subi %get3A_874, %mul3A_939 : vector<16xi32>
    %swap3A_941 = arith.constant 192 : index
    %swap3A_942 = tpu.vector_load %arg5[%swap3A_941] {strides = array<i32>} : memref<512xi32, #tpu.memory_space<vmem>>, vector<16xi32>,
    %swap3A_943 = vector.shape_cast %swap3A_942 : vector<16xi32> to vector<16xi32>
    %swap3A_944 = vector.shape_cast %sub3A_940 : vector<16xi32> to vector<16xi32>
    tpu.vector_store %arg5[%swap3A_941], %swap3A_944 {strides = array<i32>} : memref<512xi32, #tpu.memory_space<vmem>>, vector<16xi32>,
    %get3A_945 = arith.constant 208 : index
    %get3A_946 = tpu.vector_load %arg5[%get3A_945] {strides = array<i32>} : memref<512xi32, #tpu.memory_space<vmem>>, vector<16xi32>,
    %get3A_947 = vector.shape_cast %get3A_946 : vector<16xi32> to vector<16xi32>
    %ge3A_948 = arith.constant 16384 : i32
    %ge3A_949 = vector.broadcast %ge3A_948 : i32 to vector<16xi32>
    %ge3A_950 = arith.cmpi sge, %get3A_947, %ge3A_949 : vector<16xi32>
    %jit3A_951 = arith.constant 1 : i32
    %jit3A_952 = arith.constant 0 : i32
    %broadcast_in_dim3A_953 = vector.broadcast %jit3A_951 : i32 to vector<16xi32>
    %broadcast_in_dim3A_954 = vector.broadcast %jit3A_952 : i32 to vector<16xi32>
    %select_n3A_955 = arith.select %ge3A_950, %broadcast_in_dim3A_953, %broadcast_in_dim3A_954 : vector<16xi1>, vector<16xi32>
    %ge3A_956 = arith.constant 32768 : i32
    %ge3A_957 = vector.broadcast %ge3A_956 : i32 to vector<16xi32>
    %ge3A_958 = arith.cmpi sge, %get3A_947, %ge3A_957 : vector<16xi32>
    %jit3A_959 = arith.constant 1 : i32
    %jit3A_960 = arith.constant 0 : i32
    %broadcast_in_dim3A_961 = vector.broadcast %jit3A_959 : i32 to vector<16xi32>
    %broadcast_in_dim3A_962 = vector.broadcast %jit3A_960 : i32 to vector<16xi32>
    %select_n3A_963 = arith.select %ge3A_958, %broadcast_in_dim3A_961, %broadcast_in_dim3A_962 : vector<16xi1>, vector<16xi32>
    %add3A_964 = arith.addi %select_n3A_955, %select_n3A_963 : vector<16xi32>
    %ge3A_965 = arith.constant 49152 : i32
    %ge3A_966 = vector.broadcast %ge3A_965 : i32 to vector<16xi32>
    %ge3A_967 = arith.cmpi sge, %get3A_947, %ge3A_966 : vector<16xi32>
    %jit3A_968 = arith.constant 1 : i32
    %jit3A_969 = arith.constant 0 : i32
    %broadcast_in_dim3A_970 = vector.broadcast %jit3A_968 : i32 to vector<16xi32>
    %broadcast_in_dim3A_971 = vector.broadcast %jit3A_969 : i32 to vector<16xi32>
    %select_n3A_972 = arith.select %ge3A_967, %broadcast_in_dim3A_970, %broadcast_in_dim3A_971 : vector<16xi1>, vector<16xi32>
    %add3A_973 = arith.addi %add3A_964, %select_n3A_972 : vector<16xi32>
    %ge3A_974 = arith.constant 65536 : i32
    %ge3A_975 = vector.broadcast %ge3A_974 : i32 to vector<16xi32>
    %ge3A_976 = arith.cmpi sge, %get3A_947, %ge3A_975 : vector<16xi32>
    %jit3A_977 = arith.constant 1 : i32
    %jit3A_978 = arith.constant 0 : i32
    %broadcast_in_dim3A_979 = vector.broadcast %jit3A_977 : i32 to vector<16xi32>
    %broadcast_in_dim3A_980 = vector.broadcast %jit3A_978 : i32 to vector<16xi32>
    %select_n3A_981 = arith.select %ge3A_976, %broadcast_in_dim3A_979, %broadcast_in_dim3A_980 : vector<16xi1>, vector<16xi32>
    %add3A_982 = arith.addi %add3A_973, %select_n3A_981 : vector<16xi32>
    %ge3A_983 = arith.constant 81920 : i32
    %ge3A_984 = vector.broadcast %ge3A_983 : i32 to vector<16xi32>
    %ge3A_985 = arith.cmpi sge, %get3A_947, %ge3A_984 : vector<16xi32>
    %jit3A_986 = arith.constant 1 : i32
    %jit3A_987 = arith.constant 0 : i32
    %broadcast_in_dim3A_988 = vector.broadcast %jit3A_986 : i32 to vector<16xi32>
    %broadcast_in_dim3A_989 = vector.broadcast %jit3A_987 : i32 to vector<16xi32>
    %select_n3A_990 = arith.select %ge3A_985, %broadcast_in_dim3A_988, %broadcast_in_dim3A_989 : vector<16xi1>, vector<16xi32>
    %add3A_991 = arith.addi %add3A_982, %select_n3A_990 : vector<16xi32>
    %ge3A_992 = arith.constant 98304 : i32
    %ge3A_993 = vector.broadcast %ge3A_992 : i32 to vector<16xi32>
    %ge3A_994 = arith.cmpi sge, %get3A_947, %ge3A_993 : vector<16xi32>
    %jit3A_995 = arith.constant 1 : i32
    %jit3A_996 = arith.constant 0 : i32
    %broadcast_in_dim3A_997 = vector.broadcast %jit3A_995 : i32 to vector<16xi32>
    %broadcast_in_dim3A_998 = vector.broadcast %jit3A_996 : i32 to vector<16xi32>
    %select_n3A_999 = arith.select %ge3A_994, %broadcast_in_dim3A_997, %broadcast_in_dim3A_998 : vector<16xi1>, vector<16xi32>
    %add3A_1000 = arith.addi %add3A_991, %select_n3A_999 : vector<16xi32>
    %ge3A_1001 = arith.constant 114688 : i32
    %ge3A_1002 = vector.broadcast %ge3A_1001 : i32 to vector<16xi32>
    %ge3A_1003 = arith.cmpi sge, %get3A_947, %ge3A_1002 : vector<16xi32>
    %jit3A_1004 = arith.constant 1 : i32
    %jit3A_1005 = arith.constant 0 : i32
    %broadcast_in_dim3A_1006 = vector.broadcast %jit3A_1004 : i32 to vector<16xi32>
    %broadcast_in_dim3A_1007 = vector.broadcast %jit3A_1005 : i32 to vector<16xi32>
    %select_n3A_1008 = arith.select %ge3A_1003, %broadcast_in_dim3A_1006, %broadcast_in_dim3A_1007 : vector<16xi1>, vector<16xi32>
    %add3A_1009 = arith.addi %add3A_1000, %select_n3A_1008 : vector<16xi32>
    %mul3A_1010 = arith.constant 16384 : i32
    %mul3A_1011 = vector.broadcast %mul3A_1010 : i32 to vector<16xi32>
    %mul3A_1012 = arith.muli %add3A_1009, %mul3A_1011 : vector<16xi32>
    %sub3A_1013 = arith.subi %get3A_947, %mul3A_1012 : vector<16xi32>
    %swap3A_1014 = arith.constant 208 : index
    %swap3A_1015 = tpu.vector_load %arg5[%swap3A_1014] {strides = array<i32>} : memref<512xi32, #tpu.memory_space<vmem>>, vector<16xi32>,
    %swap3A_1016 = vector.shape_cast %swap3A_1015 : vector<16xi32> to vector<16xi32>
    %swap3A_1017 = vector.shape_cast %sub3A_1013 : vector<16xi32> to vector<16xi32>
    tpu.vector_store %arg5[%swap3A_1014], %swap3A_1017 {strides = array<i32>} : memref<512xi32, #tpu.memory_space<vmem>>, vector<16xi32>,
    %get3A_1018 = arith.constant 224 : index
    %get3A_1019 = tpu.vector_load %arg5[%get3A_1018] {strides = array<i32>} : memref<512xi32, #tpu.memory_space<vmem>>, vector<16xi32>,
    %get3A_1020 = vector.shape_cast %get3A_1019 : vector<16xi32> to vector<16xi32>
    %ge3A_1021 = arith.constant 16384 : i32
    %ge3A_1022 = vector.broadcast %ge3A_1021 : i32 to vector<16xi32>
    %ge3A_1023 = arith.cmpi sge, %get3A_1020, %ge3A_1022 : vector<16xi32>
    %jit3A_1024 = arith.constant 1 : i32
    %jit3A_1025 = arith.constant 0 : i32
    %broadcast_in_dim3A_1026 = vector.broadcast %jit3A_1024 : i32 to vector<16xi32>
    %broadcast_in_dim3A_1027 = vector.broadcast %jit3A_1025 : i32 to vector<16xi32>
    %select_n3A_1028 = arith.select %ge3A_1023, %broadcast_in_dim3A_1026, %broadcast_in_dim3A_1027 : vector<16xi1>, vector<16xi32>
    %ge3A_1029 = arith.constant 32768 : i32
    %ge3A_1030 = vector.broadcast %ge3A_1029 : i32 to vector<16xi32>
    %ge3A_1031 = arith.cmpi sge, %get3A_1020, %ge3A_1030 : vector<16xi32>
    %jit3A_1032 = arith.constant 1 : i32
    %jit3A_1033 = arith.constant 0 : i32
    %broadcast_in_dim3A_1034 = vector.broadcast %jit3A_1032 : i32 to vector<16xi32>
    %broadcast_in_dim3A_1035 = vector.broadcast %jit3A_1033 : i32 to vector<16xi32>
    %select_n3A_1036 = arith.select %ge3A_1031, %broadcast_in_dim3A_1034, %broadcast_in_dim3A_1035 : vector<16xi1>, vector<16xi32>
    %add3A_1037 = arith.addi %select_n3A_1028, %select_n3A_1036 : vector<16xi32>
    %ge3A_1038 = arith.constant 49152 : i32
    %ge3A_1039 = vector.broadcast %ge3A_1038 : i32 to vector<16xi32>
    %ge3A_1040 = arith.cmpi sge, %get3A_1020, %ge3A_1039 : vector<16xi32>
    %jit3A_1041 = arith.constant 1 : i32
    %jit3A_1042 = arith.constant 0 : i32
    %broadcast_in_dim3A_1043 = vector.broadcast %jit3A_1041 : i32 to vector<16xi32>
    %broadcast_in_dim3A_1044 = vector.broadcast %jit3A_1042 : i32 to vector<16xi32>
    %select_n3A_1045 = arith.select %ge3A_1040, %broadcast_in_dim3A_1043, %broadcast_in_dim3A_1044 : vector<16xi1>, vector<16xi32>
    %add3A_1046 = arith.addi %add3A_1037, %select_n3A_1045 : vector<16xi32>
    %ge3A_1047 = arith.constant 65536 : i32
    %ge3A_1048 = vector.broadcast %ge3A_1047 : i32 to vector<16xi32>
    %ge3A_1049 = arith.cmpi sge, %get3A_1020, %ge3A_1048 : vector<16xi32>
    %jit3A_1050 = arith.constant 1 : i32
    %jit3A_1051 = arith.constant 0 : i32
    %broadcast_in_dim3A_1052 = vector.broadcast %jit3A_1050 : i32 to vector<16xi32>
    %broadcast_in_dim3A_1053 = vector.broadcast %jit3A_1051 : i32 to vector<16xi32>
    %select_n3A_1054 = arith.select %ge3A_1049, %broadcast_in_dim3A_1052, %broadcast_in_dim3A_1053 : vector<16xi1>, vector<16xi32>
    %add3A_1055 = arith.addi %add3A_1046, %select_n3A_1054 : vector<16xi32>
    %ge3A_1056 = arith.constant 81920 : i32
    %ge3A_1057 = vector.broadcast %ge3A_1056 : i32 to vector<16xi32>
    %ge3A_1058 = arith.cmpi sge, %get3A_1020, %ge3A_1057 : vector<16xi32>
    %jit3A_1059 = arith.constant 1 : i32
    %jit3A_1060 = arith.constant 0 : i32
    %broadcast_in_dim3A_1061 = vector.broadcast %jit3A_1059 : i32 to vector<16xi32>
    %broadcast_in_dim3A_1062 = vector.broadcast %jit3A_1060 : i32 to vector<16xi32>
    %select_n3A_1063 = arith.select %ge3A_1058, %broadcast_in_dim3A_1061, %broadcast_in_dim3A_1062 : vector<16xi1>, vector<16xi32>
    %add3A_1064 = arith.addi %add3A_1055, %select_n3A_1063 : vector<16xi32>
    %ge3A_1065 = arith.constant 98304 : i32
    %ge3A_1066 = vector.broadcast %ge3A_1065 : i32 to vector<16xi32>
    %ge3A_1067 = arith.cmpi sge, %get3A_1020, %ge3A_1066 : vector<16xi32>
    %jit3A_1068 = arith.constant 1 : i32
    %jit3A_1069 = arith.constant 0 : i32
    %broadcast_in_dim3A_1070 = vector.broadcast %jit3A_1068 : i32 to vector<16xi32>
    %broadcast_in_dim3A_1071 = vector.broadcast %jit3A_1069 : i32 to vector<16xi32>
    %select_n3A_1072 = arith.select %ge3A_1067, %broadcast_in_dim3A_1070, %broadcast_in_dim3A_1071 : vector<16xi1>, vector<16xi32>
    %add3A_1073 = arith.addi %add3A_1064, %select_n3A_1072 : vector<16xi32>
    %ge3A_1074 = arith.constant 114688 : i32
    %ge3A_1075 = vector.broadcast %ge3A_1074 : i32 to vector<16xi32>
    %ge3A_1076 = arith.cmpi sge, %get3A_1020, %ge3A_1075 : vector<16xi32>
    %jit3A_1077 = arith.constant 1 : i32
    %jit3A_1078 = arith.constant 0 : i32
    %broadcast_in_dim3A_1079 = vector.broadcast %jit3A_1077 : i32 to vector<16xi32>
    %broadcast_in_dim3A_1080 = vector.broadcast %jit3A_1078 : i32 to vector<16xi32>
    %select_n3A_1081 = arith.select %ge3A_1076, %broadcast_in_dim3A_1079, %broadcast_in_dim3A_1080 : vector<16xi1>, vector<16xi32>
    %add3A_1082 = arith.addi %add3A_1073, %select_n3A_1081 : vector<16xi32>
    %mul3A_1083 = arith.constant 16384 : i32
    %mul3A_1084 = vector.broadcast %mul3A_1083 : i32 to vector<16xi32>
    %mul3A_1085 = arith.muli %add3A_1082, %mul3A_1084 : vector<16xi32>
    %sub3A_1086 = arith.subi %get3A_1020, %mul3A_1085 : vector<16xi32>
    %swap3A_1087 = arith.constant 224 : index
    %swap3A_1088 = tpu.vector_load %arg5[%swap3A_1087] {strides = array<i32>} : memref<512xi32, #tpu.memory_space<vmem>>, vector<16xi32>,
    %swap3A_1089 = vector.shape_cast %swap3A_1088 : vector<16xi32> to vector<16xi32>
    %swap3A_1090 = vector.shape_cast %sub3A_1086 : vector<16xi32> to vector<16xi32>
    tpu.vector_store %arg5[%swap3A_1087], %swap3A_1090 {strides = array<i32>} : memref<512xi32, #tpu.memory_space<vmem>>, vector<16xi32>,
    %get3A_1091 = arith.constant 240 : index
    %get3A_1092 = tpu.vector_load %arg5[%get3A_1091] {strides = array<i32>} : memref<512xi32, #tpu.memory_space<vmem>>, vector<16xi32>,
    %get3A_1093 = vector.shape_cast %get3A_1092 : vector<16xi32> to vector<16xi32>
    %ge3A_1094 = arith.constant 16384 : i32
    %ge3A_1095 = vector.broadcast %ge3A_1094 : i32 to vector<16xi32>
    %ge3A_1096 = arith.cmpi sge, %get3A_1093, %ge3A_1095 : vector<16xi32>
    %jit3A_1097 = arith.constant 1 : i32
    %jit3A_1098 = arith.constant 0 : i32
    %broadcast_in_dim3A_1099 = vector.broadcast %jit3A_1097 : i32 to vector<16xi32>
    %broadcast_in_dim3A_1100 = vector.broadcast %jit3A_1098 : i32 to vector<16xi32>
    %select_n3A_1101 = arith.select %ge3A_1096, %broadcast_in_dim3A_1099, %broadcast_in_dim3A_1100 : vector<16xi1>, vector<16xi32>
    %ge3A_1102 = arith.constant 32768 : i32
    %ge3A_1103 = vector.broadcast %ge3A_1102 : i32 to vector<16xi32>
    %ge3A_1104 = arith.cmpi sge, %get3A_1093, %ge3A_1103 : vector<16xi32>
    %jit3A_1105 = arith.constant 1 : i32
    %jit3A_1106 = arith.constant 0 : i32
    %broadcast_in_dim3A_1107 = vector.broadcast %jit3A_1105 : i32 to vector<16xi32>
    %broadcast_in_dim3A_1108 = vector.broadcast %jit3A_1106 : i32 to vector<16xi32>
    %select_n3A_1109 = arith.select %ge3A_1104, %broadcast_in_dim3A_1107, %broadcast_in_dim3A_1108 : vector<16xi1>, vector<16xi32>
    %add3A_1110 = arith.addi %select_n3A_1101, %select_n3A_1109 : vector<16xi32>
    %ge3A_1111 = arith.constant 49152 : i32
    %ge3A_1112 = vector.broadcast %ge3A_1111 : i32 to vector<16xi32>
    %ge3A_1113 = arith.cmpi sge, %get3A_1093, %ge3A_1112 : vector<16xi32>
    %jit3A_1114 = arith.constant 1 : i32
    %jit3A_1115 = arith.constant 0 : i32
    %broadcast_in_dim3A_1116 = vector.broadcast %jit3A_1114 : i32 to vector<16xi32>
    %broadcast_in_dim3A_1117 = vector.broadcast %jit3A_1115 : i32 to vector<16xi32>
    %select_n3A_1118 = arith.select %ge3A_1113, %broadcast_in_dim3A_1116, %broadcast_in_dim3A_1117 : vector<16xi1>, vector<16xi32>
    %add3A_1119 = arith.addi %add3A_1110, %select_n3A_1118 : vector<16xi32>
    %ge3A_1120 = arith.constant 65536 : i32
    %ge3A_1121 = vector.broadcast %ge3A_1120 : i32 to vector<16xi32>
    %ge3A_1122 = arith.cmpi sge, %get3A_1093, %ge3A_1121 : vector<16xi32>
    %jit3A_1123 = arith.constant 1 : i32
    %jit3A_1124 = arith.constant 0 : i32
    %broadcast_in_dim3A_1125 = vector.broadcast %jit3A_1123 : i32 to vector<16xi32>
    %broadcast_in_dim3A_1126 = vector.broadcast %jit3A_1124 : i32 to vector<16xi32>
    %select_n3A_1127 = arith.select %ge3A_1122, %broadcast_in_dim3A_1125, %broadcast_in_dim3A_1126 : vector<16xi1>, vector<16xi32>
    %add3A_1128 = arith.addi %add3A_1119, %select_n3A_1127 : vector<16xi32>
    %ge3A_1129 = arith.constant 81920 : i32
    %ge3A_1130 = vector.broadcast %ge3A_1129 : i32 to vector<16xi32>
    %ge3A_1131 = arith.cmpi sge, %get3A_1093, %ge3A_1130 : vector<16xi32>
    %jit3A_1132 = arith.constant 1 : i32
    %jit3A_1133 = arith.constant 0 : i32
    %broadcast_in_dim3A_1134 = vector.broadcast %jit3A_1132 : i32 to vector<16xi32>
    %broadcast_in_dim3A_1135 = vector.broadcast %jit3A_1133 : i32 to vector<16xi32>
    %select_n3A_1136 = arith.select %ge3A_1131, %broadcast_in_dim3A_1134, %broadcast_in_dim3A_1135 : vector<16xi1>, vector<16xi32>
    %add3A_1137 = arith.addi %add3A_1128, %select_n3A_1136 : vector<16xi32>
    %ge3A_1138 = arith.constant 98304 : i32
    %ge3A_1139 = vector.broadcast %ge3A_1138 : i32 to vector<16xi32>
    %ge3A_1140 = arith.cmpi sge, %get3A_1093, %ge3A_1139 : vector<16xi32>
    %jit3A_1141 = arith.constant 1 : i32
    %jit3A_1142 = arith.constant 0 : i32
    %broadcast_in_dim3A_1143 = vector.broadcast %jit3A_1141 : i32 to vector<16xi32>
    %broadcast_in_dim3A_1144 = vector.broadcast %jit3A_1142 : i32 to vector<16xi32>
    %select_n3A_1145 = arith.select %ge3A_1140, %broadcast_in_dim3A_1143, %broadcast_in_dim3A_1144 : vector<16xi1>, vector<16xi32>
    %add3A_1146 = arith.addi %add3A_1137, %select_n3A_1145 : vector<16xi32>
    %ge3A_1147 = arith.constant 114688 : i32
    %ge3A_1148 = vector.broadcast %ge3A_1147 : i32 to vector<16xi32>
    %ge3A_1149 = arith.cmpi sge, %get3A_1093, %ge3A_1148 : vector<16xi32>
    %jit3A_1150 = arith.constant 1 : i32
    %jit3A_1151 = arith.constant 0 : i32
    %broadcast_in_dim3A_1152 = vector.broadcast %jit3A_1150 : i32 to vector<16xi32>
    %broadcast_in_dim3A_1153 = vector.broadcast %jit3A_1151 : i32 to vector<16xi32>
    %select_n3A_1154 = arith.select %ge3A_1149, %broadcast_in_dim3A_1152, %broadcast_in_dim3A_1153 : vector<16xi1>, vector<16xi32>
    %add3A_1155 = arith.addi %add3A_1146, %select_n3A_1154 : vector<16xi32>
    %mul3A_1156 = arith.constant 16384 : i32
    %mul3A_1157 = vector.broadcast %mul3A_1156 : i32 to vector<16xi32>
    %mul3A_1158 = arith.muli %add3A_1155, %mul3A_1157 : vector<16xi32>
    %sub3A_1159 = arith.subi %get3A_1093, %mul3A_1158 : vector<16xi32>
    %swap3A_1160 = arith.constant 240 : index
    %swap3A_1161 = tpu.vector_load %arg5[%swap3A_1160] {strides = array<i32>} : memref<512xi32, #tpu.memory_space<vmem>>, vector<16xi32>,
    %swap3A_1162 = vector.shape_cast %swap3A_1161 : vector<16xi32> to vector<16xi32>
    %swap3A_1163 = vector.shape_cast %sub3A_1159 : vector<16xi32> to vector<16xi32>
    tpu.vector_store %arg5[%swap3A_1160], %swap3A_1163 {strides = array<i32>} : memref<512xi32, #tpu.memory_space<vmem>>, vector<16xi32>,
    %get3A_1164 = arith.constant 256 : index
    %get3A_1165 = tpu.vector_load %arg5[%get3A_1164] {strides = array<i32>} : memref<512xi32, #tpu.memory_space<vmem>>, vector<16xi32>,
    %get3A_1166 = vector.shape_cast %get3A_1165 : vector<16xi32> to vector<16xi32>
    %ge3A_1167 = arith.constant 16384 : i32
    %ge3A_1168 = vector.broadcast %ge3A_1167 : i32 to vector<16xi32>
    %ge3A_1169 = arith.cmpi sge, %get3A_1166, %ge3A_1168 : vector<16xi32>
    %jit3A_1170 = arith.constant 1 : i32
    %jit3A_1171 = arith.constant 0 : i32
    %broadcast_in_dim3A_1172 = vector.broadcast %jit3A_1170 : i32 to vector<16xi32>
    %broadcast_in_dim3A_1173 = vector.broadcast %jit3A_1171 : i32 to vector<16xi32>
    %select_n3A_1174 = arith.select %ge3A_1169, %broadcast_in_dim3A_1172, %broadcast_in_dim3A_1173 : vector<16xi1>, vector<16xi32>
    %ge3A_1175 = arith.constant 32768 : i32
    %ge3A_1176 = vector.broadcast %ge3A_1175 : i32 to vector<16xi32>
    %ge3A_1177 = arith.cmpi sge, %get3A_1166, %ge3A_1176 : vector<16xi32>
    %jit3A_1178 = arith.constant 1 : i32
    %jit3A_1179 = arith.constant 0 : i32
    %broadcast_in_dim3A_1180 = vector.broadcast %jit3A_1178 : i32 to vector<16xi32>
    %broadcast_in_dim3A_1181 = vector.broadcast %jit3A_1179 : i32 to vector<16xi32>
    %select_n3A_1182 = arith.select %ge3A_1177, %broadcast_in_dim3A_1180, %broadcast_in_dim3A_1181 : vector<16xi1>, vector<16xi32>
    %add3A_1183 = arith.addi %select_n3A_1174, %select_n3A_1182 : vector<16xi32>
    %ge3A_1184 = arith.constant 49152 : i32
    %ge3A_1185 = vector.broadcast %ge3A_1184 : i32 to vector<16xi32>
    %ge3A_1186 = arith.cmpi sge, %get3A_1166, %ge3A_1185 : vector<16xi32>
    %jit3A_1187 = arith.constant 1 : i32
    %jit3A_1188 = arith.constant 0 : i32
    %broadcast_in_dim3A_1189 = vector.broadcast %jit3A_1187 : i32 to vector<16xi32>
    %broadcast_in_dim3A_1190 = vector.broadcast %jit3A_1188 : i32 to vector<16xi32>
    %select_n3A_1191 = arith.select %ge3A_1186, %broadcast_in_dim3A_1189, %broadcast_in_dim3A_1190 : vector<16xi1>, vector<16xi32>
    %add3A_1192 = arith.addi %add3A_1183, %select_n3A_1191 : vector<16xi32>
    %ge3A_1193 = arith.constant 65536 : i32
    %ge3A_1194 = vector.broadcast %ge3A_1193 : i32 to vector<16xi32>
    %ge3A_1195 = arith.cmpi sge, %get3A_1166, %ge3A_1194 : vector<16xi32>
    %jit3A_1196 = arith.constant 1 : i32
    %jit3A_1197 = arith.constant 0 : i32
    %broadcast_in_dim3A_1198 = vector.broadcast %jit3A_1196 : i32 to vector<16xi32>
    %broadcast_in_dim3A_1199 = vector.broadcast %jit3A_1197 : i32 to vector<16xi32>
    %select_n3A_1200 = arith.select %ge3A_1195, %broadcast_in_dim3A_1198, %broadcast_in_dim3A_1199 : vector<16xi1>, vector<16xi32>
    %add3A_1201 = arith.addi %add3A_1192, %select_n3A_1200 : vector<16xi32>
    %ge3A_1202 = arith.constant 81920 : i32
    %ge3A_1203 = vector.broadcast %ge3A_1202 : i32 to vector<16xi32>
    %ge3A_1204 = arith.cmpi sge, %get3A_1166, %ge3A_1203 : vector<16xi32>
    %jit3A_1205 = arith.constant 1 : i32
    %jit3A_1206 = arith.constant 0 : i32
    %broadcast_in_dim3A_1207 = vector.broadcast %jit3A_1205 : i32 to vector<16xi32>
    %broadcast_in_dim3A_1208 = vector.broadcast %jit3A_1206 : i32 to vector<16xi32>
    %select_n3A_1209 = arith.select %ge3A_1204, %broadcast_in_dim3A_1207, %broadcast_in_dim3A_1208 : vector<16xi1>, vector<16xi32>
    %add3A_1210 = arith.addi %add3A_1201, %select_n3A_1209 : vector<16xi32>
    %ge3A_1211 = arith.constant 98304 : i32
    %ge3A_1212 = vector.broadcast %ge3A_1211 : i32 to vector<16xi32>
    %ge3A_1213 = arith.cmpi sge, %get3A_1166, %ge3A_1212 : vector<16xi32>
    %jit3A_1214 = arith.constant 1 : i32
    %jit3A_1215 = arith.constant 0 : i32
    %broadcast_in_dim3A_1216 = vector.broadcast %jit3A_1214 : i32 to vector<16xi32>
    %broadcast_in_dim3A_1217 = vector.broadcast %jit3A_1215 : i32 to vector<16xi32>
    %select_n3A_1218 = arith.select %ge3A_1213, %broadcast_in_dim3A_1216, %broadcast_in_dim3A_1217 : vector<16xi1>, vector<16xi32>
    %add3A_1219 = arith.addi %add3A_1210, %select_n3A_1218 : vector<16xi32>
    %ge3A_1220 = arith.constant 114688 : i32
    %ge3A_1221 = vector.broadcast %ge3A_1220 : i32 to vector<16xi32>
    %ge3A_1222 = arith.cmpi sge, %get3A_1166, %ge3A_1221 : vector<16xi32>
    %jit3A_1223 = arith.constant 1 : i32
    %jit3A_1224 = arith.constant 0 : i32
    %broadcast_in_dim3A_1225 = vector.broadcast %jit3A_1223 : i32 to vector<16xi32>
    %broadcast_in_dim3A_1226 = vector.broadcast %jit3A_1224 : i32 to vector<16xi32>
    %select_n3A_1227 = arith.select %ge3A_1222, %broadcast_in_dim3A_1225, %broadcast_in_dim3A_1226 : vector<16xi1>, vector<16xi32>
    %add3A_1228 = arith.addi %add3A_1219, %select_n3A_1227 : vector<16xi32>
    %mul3A_1229 = arith.constant 16384 : i32
    %mul3A_1230 = vector.broadcast %mul3A_1229 : i32 to vector<16xi32>
    %mul3A_1231 = arith.muli %add3A_1228, %mul3A_1230 : vector<16xi32>
    %sub3A_1232 = arith.subi %get3A_1166, %mul3A_1231 : vector<16xi32>
    %swap3A_1233 = arith.constant 256 : index
    %swap3A_1234 = tpu.vector_load %arg5[%swap3A_1233] {strides = array<i32>} : memref<512xi32, #tpu.memory_space<vmem>>, vector<16xi32>,
    %swap3A_1235 = vector.shape_cast %swap3A_1234 : vector<16xi32> to vector<16xi32>
    %swap3A_1236 = vector.shape_cast %sub3A_1232 : vector<16xi32> to vector<16xi32>
    tpu.vector_store %arg5[%swap3A_1233], %swap3A_1236 {strides = array<i32>} : memref<512xi32, #tpu.memory_space<vmem>>, vector<16xi32>,
    %get3A_1237 = arith.constant 272 : index
    %get3A_1238 = tpu.vector_load %arg5[%get3A_1237] {strides = array<i32>} : memref<512xi32, #tpu.memory_space<vmem>>, vector<16xi32>,
    %get3A_1239 = vector.shape_cast %get3A_1238 : vector<16xi32> to vector<16xi32>
    %ge3A_1240 = arith.constant 16384 : i32
    %ge3A_1241 = vector.broadcast %ge3A_1240 : i32 to vector<16xi32>
    %ge3A_1242 = arith.cmpi sge, %get3A_1239, %ge3A_1241 : vector<16xi32>
    %jit3A_1243 = arith.constant 1 : i32
    %jit3A_1244 = arith.constant 0 : i32
    %broadcast_in_dim3A_1245 = vector.broadcast %jit3A_1243 : i32 to vector<16xi32>
    %broadcast_in_dim3A_1246 = vector.broadcast %jit3A_1244 : i32 to vector<16xi32>
    %select_n3A_1247 = arith.select %ge3A_1242, %broadcast_in_dim3A_1245, %broadcast_in_dim3A_1246 : vector<16xi1>, vector<16xi32>
    %ge3A_1248 = arith.constant 32768 : i32
    %ge3A_1249 = vector.broadcast %ge3A_1248 : i32 to vector<16xi32>
    %ge3A_1250 = arith.cmpi sge, %get3A_1239, %ge3A_1249 : vector<16xi32>
    %jit3A_1251 = arith.constant 1 : i32
    %jit3A_1252 = arith.constant 0 : i32
    %broadcast_in_dim3A_1253 = vector.broadcast %jit3A_1251 : i32 to vector<16xi32>
    %broadcast_in_dim3A_1254 = vector.broadcast %jit3A_1252 : i32 to vector<16xi32>
    %select_n3A_1255 = arith.select %ge3A_1250, %broadcast_in_dim3A_1253, %broadcast_in_dim3A_1254 : vector<16xi1>, vector<16xi32>
    %add3A_1256 = arith.addi %select_n3A_1247, %select_n3A_1255 : vector<16xi32>
    %ge3A_1257 = arith.constant 49152 : i32
    %ge3A_1258 = vector.broadcast %ge3A_1257 : i32 to vector<16xi32>
    %ge3A_1259 = arith.cmpi sge, %get3A_1239, %ge3A_1258 : vector<16xi32>
    %jit3A_1260 = arith.constant 1 : i32
    %jit3A_1261 = arith.constant 0 : i32
    %broadcast_in_dim3A_1262 = vector.broadcast %jit3A_1260 : i32 to vector<16xi32>
    %broadcast_in_dim3A_1263 = vector.broadcast %jit3A_1261 : i32 to vector<16xi32>
    %select_n3A_1264 = arith.select %ge3A_1259, %broadcast_in_dim3A_1262, %broadcast_in_dim3A_1263 : vector<16xi1>, vector<16xi32>
    %add3A_1265 = arith.addi %add3A_1256, %select_n3A_1264 : vector<16xi32>
    %ge3A_1266 = arith.constant 65536 : i32
    %ge3A_1267 = vector.broadcast %ge3A_1266 : i32 to vector<16xi32>
    %ge3A_1268 = arith.cmpi sge, %get3A_1239, %ge3A_1267 : vector<16xi32>
    %jit3A_1269 = arith.constant 1 : i32
    %jit3A_1270 = arith.constant 0 : i32
    %broadcast_in_dim3A_1271 = vector.broadcast %jit3A_1269 : i32 to vector<16xi32>
    %broadcast_in_dim3A_1272 = vector.broadcast %jit3A_1270 : i32 to vector<16xi32>
    %select_n3A_1273 = arith.select %ge3A_1268, %broadcast_in_dim3A_1271, %broadcast_in_dim3A_1272 : vector<16xi1>, vector<16xi32>
    %add3A_1274 = arith.addi %add3A_1265, %select_n3A_1273 : vector<16xi32>
    %ge3A_1275 = arith.constant 81920 : i32
    %ge3A_1276 = vector.broadcast %ge3A_1275 : i32 to vector<16xi32>
    %ge3A_1277 = arith.cmpi sge, %get3A_1239, %ge3A_1276 : vector<16xi32>
    %jit3A_1278 = arith.constant 1 : i32
    %jit3A_1279 = arith.constant 0 : i32
    %broadcast_in_dim3A_1280 = vector.broadcast %jit3A_1278 : i32 to vector<16xi32>
    %broadcast_in_dim3A_1281 = vector.broadcast %jit3A_1279 : i32 to vector<16xi32>
    %select_n3A_1282 = arith.select %ge3A_1277, %broadcast_in_dim3A_1280, %broadcast_in_dim3A_1281 : vector<16xi1>, vector<16xi32>
    %add3A_1283 = arith.addi %add3A_1274, %select_n3A_1282 : vector<16xi32>
    %ge3A_1284 = arith.constant 98304 : i32
    %ge3A_1285 = vector.broadcast %ge3A_1284 : i32 to vector<16xi32>
    %ge3A_1286 = arith.cmpi sge, %get3A_1239, %ge3A_1285 : vector<16xi32>
    %jit3A_1287 = arith.constant 1 : i32
    %jit3A_1288 = arith.constant 0 : i32
    %broadcast_in_dim3A_1289 = vector.broadcast %jit3A_1287 : i32 to vector<16xi32>
    %broadcast_in_dim3A_1290 = vector.broadcast %jit3A_1288 : i32 to vector<16xi32>
    %select_n3A_1291 = arith.select %ge3A_1286, %broadcast_in_dim3A_1289, %broadcast_in_dim3A_1290 : vector<16xi1>, vector<16xi32>
    %add3A_1292 = arith.addi %add3A_1283, %select_n3A_1291 : vector<16xi32>
    %ge3A_1293 = arith.constant 114688 : i32
    %ge3A_1294 = vector.broadcast %ge3A_1293 : i32 to vector<16xi32>
    %ge3A_1295 = arith.cmpi sge, %get3A_1239, %ge3A_1294 : vector<16xi32>
    %jit3A_1296 = arith.constant 1 : i32
    %jit3A_1297 = arith.constant 0 : i32
    %broadcast_in_dim3A_1298 = vector.broadcast %jit3A_1296 : i32 to vector<16xi32>
    %broadcast_in_dim3A_1299 = vector.broadcast %jit3A_1297 : i32 to vector<16xi32>
    %select_n3A_1300 = arith.select %ge3A_1295, %broadcast_in_dim3A_1298, %broadcast_in_dim3A_1299 : vector<16xi1>, vector<16xi32>
    %add3A_1301 = arith.addi %add3A_1292, %select_n3A_1300 : vector<16xi32>
    %mul3A_1302 = arith.constant 16384 : i32
    %mul3A_1303 = vector.broadcast %mul3A_1302 : i32 to vector<16xi32>
    %mul3A_1304 = arith.muli %add3A_1301, %mul3A_1303 : vector<16xi32>
    %sub3A_1305 = arith.subi %get3A_1239, %mul3A_1304 : vector<16xi32>
    %swap3A_1306 = arith.constant 272 : index
    %swap3A_1307 = tpu.vector_load %arg5[%swap3A_1306] {strides = array<i32>} : memref<512xi32, #tpu.memory_space<vmem>>, vector<16xi32>,
    %swap3A_1308 = vector.shape_cast %swap3A_1307 : vector<16xi32> to vector<16xi32>
    %swap3A_1309 = vector.shape_cast %sub3A_1305 : vector<16xi32> to vector<16xi32>
    tpu.vector_store %arg5[%swap3A_1306], %swap3A_1309 {strides = array<i32>} : memref<512xi32, #tpu.memory_space<vmem>>, vector<16xi32>,
    %get3A_1310 = arith.constant 288 : index
    %get3A_1311 = tpu.vector_load %arg5[%get3A_1310] {strides = array<i32>} : memref<512xi32, #tpu.memory_space<vmem>>, vector<16xi32>,
    %get3A_1312 = vector.shape_cast %get3A_1311 : vector<16xi32> to vector<16xi32>
    %ge3A_1313 = arith.constant 16384 : i32
    %ge3A_1314 = vector.broadcast %ge3A_1313 : i32 to vector<16xi32>
    %ge3A_1315 = arith.cmpi sge, %get3A_1312, %ge3A_1314 : vector<16xi32>
    %jit3A_1316 = arith.constant 1 : i32
    %jit3A_1317 = arith.constant 0 : i32
    %broadcast_in_dim3A_1318 = vector.broadcast %jit3A_1316 : i32 to vector<16xi32>
    %broadcast_in_dim3A_1319 = vector.broadcast %jit3A_1317 : i32 to vector<16xi32>
    %select_n3A_1320 = arith.select %ge3A_1315, %broadcast_in_dim3A_1318, %broadcast_in_dim3A_1319 : vector<16xi1>, vector<16xi32>
    %ge3A_1321 = arith.constant 32768 : i32
    %ge3A_1322 = vector.broadcast %ge3A_1321 : i32 to vector<16xi32>
    %ge3A_1323 = arith.cmpi sge, %get3A_1312, %ge3A_1322 : vector<16xi32>
    %jit3A_1324 = arith.constant 1 : i32
    %jit3A_1325 = arith.constant 0 : i32
    %broadcast_in_dim3A_1326 = vector.broadcast %jit3A_1324 : i32 to vector<16xi32>
    %broadcast_in_dim3A_1327 = vector.broadcast %jit3A_1325 : i32 to vector<16xi32>
    %select_n3A_1328 = arith.select %ge3A_1323, %broadcast_in_dim3A_1326, %broadcast_in_dim3A_1327 : vector<16xi1>, vector<16xi32>
    %add3A_1329 = arith.addi %select_n3A_1320, %select_n3A_1328 : vector<16xi32>
    %ge3A_1330 = arith.constant 49152 : i32
    %ge3A_1331 = vector.broadcast %ge3A_1330 : i32 to vector<16xi32>
    %ge3A_1332 = arith.cmpi sge, %get3A_1312, %ge3A_1331 : vector<16xi32>
    %jit3A_1333 = arith.constant 1 : i32
    %jit3A_1334 = arith.constant 0 : i32
    %broadcast_in_dim3A_1335 = vector.broadcast %jit3A_1333 : i32 to vector<16xi32>
    %broadcast_in_dim3A_1336 = vector.broadcast %jit3A_1334 : i32 to vector<16xi32>
    %select_n3A_1337 = arith.select %ge3A_1332, %broadcast_in_dim3A_1335, %broadcast_in_dim3A_1336 : vector<16xi1>, vector<16xi32>
    %add3A_1338 = arith.addi %add3A_1329, %select_n3A_1337 : vector<16xi32>
    %ge3A_1339 = arith.constant 65536 : i32
    %ge3A_1340 = vector.broadcast %ge3A_1339 : i32 to vector<16xi32>
    %ge3A_1341 = arith.cmpi sge, %get3A_1312, %ge3A_1340 : vector<16xi32>
    %jit3A_1342 = arith.constant 1 : i32
    %jit3A_1343 = arith.constant 0 : i32
    %broadcast_in_dim3A_1344 = vector.broadcast %jit3A_1342 : i32 to vector<16xi32>
    %broadcast_in_dim3A_1345 = vector.broadcast %jit3A_1343 : i32 to vector<16xi32>
    %select_n3A_1346 = arith.select %ge3A_1341, %broadcast_in_dim3A_1344, %broadcast_in_dim3A_1345 : vector<16xi1>, vector<16xi32>
    %add3A_1347 = arith.addi %add3A_1338, %select_n3A_1346 : vector<16xi32>
    %ge3A_1348 = arith.constant 81920 : i32
    %ge3A_1349 = vector.broadcast %ge3A_1348 : i32 to vector<16xi32>
    %ge3A_1350 = arith.cmpi sge, %get3A_1312, %ge3A_1349 : vector<16xi32>
    %jit3A_1351 = arith.constant 1 : i32
    %jit3A_1352 = arith.constant 0 : i32
    %broadcast_in_dim3A_1353 = vector.broadcast %jit3A_1351 : i32 to vector<16xi32>
    %broadcast_in_dim3A_1354 = vector.broadcast %jit3A_1352 : i32 to vector<16xi32>
    %select_n3A_1355 = arith.select %ge3A_1350, %broadcast_in_dim3A_1353, %broadcast_in_dim3A_1354 : vector<16xi1>, vector<16xi32>
    %add3A_1356 = arith.addi %add3A_1347, %select_n3A_1355 : vector<16xi32>
    %ge3A_1357 = arith.constant 98304 : i32
    %ge3A_1358 = vector.broadcast %ge3A_1357 : i32 to vector<16xi32>
    %ge3A_1359 = arith.cmpi sge, %get3A_1312, %ge3A_1358 : vector<16xi32>
    %jit3A_1360 = arith.constant 1 : i32
    %jit3A_1361 = arith.constant 0 : i32
    %broadcast_in_dim3A_1362 = vector.broadcast %jit3A_1360 : i32 to vector<16xi32>
    %broadcast_in_dim3A_1363 = vector.broadcast %jit3A_1361 : i32 to vector<16xi32>
    %select_n3A_1364 = arith.select %ge3A_1359, %broadcast_in_dim3A_1362, %broadcast_in_dim3A_1363 : vector<16xi1>, vector<16xi32>
    %add3A_1365 = arith.addi %add3A_1356, %select_n3A_1364 : vector<16xi32>
    %ge3A_1366 = arith.constant 114688 : i32
    %ge3A_1367 = vector.broadcast %ge3A_1366 : i32 to vector<16xi32>
    %ge3A_1368 = arith.cmpi sge, %get3A_1312, %ge3A_1367 : vector<16xi32>
    %jit3A_1369 = arith.constant 1 : i32
    %jit3A_1370 = arith.constant 0 : i32
    %broadcast_in_dim3A_1371 = vector.broadcast %jit3A_1369 : i32 to vector<16xi32>
    %broadcast_in_dim3A_1372 = vector.broadcast %jit3A_1370 : i32 to vector<16xi32>
    %select_n3A_1373 = arith.select %ge3A_1368, %broadcast_in_dim3A_1371, %broadcast_in_dim3A_1372 : vector<16xi1>, vector<16xi32>
    %add3A_1374 = arith.addi %add3A_1365, %select_n3A_1373 : vector<16xi32>
    %mul3A_1375 = arith.constant 16384 : i32
    %mul3A_1376 = vector.broadcast %mul3A_1375 : i32 to vector<16xi32>
    %mul3A_1377 = arith.muli %add3A_1374, %mul3A_1376 : vector<16xi32>
    %sub3A_1378 = arith.subi %get3A_1312, %mul3A_1377 : vector<16xi32>
    %swap3A_1379 = arith.constant 288 : index
    %swap3A_1380 = tpu.vector_load %arg5[%swap3A_1379] {strides = array<i32>} : memref<512xi32, #tpu.memory_space<vmem>>, vector<16xi32>,
    %swap3A_1381 = vector.shape_cast %swap3A_1380 : vector<16xi32> to vector<16xi32>
    %swap3A_1382 = vector.shape_cast %sub3A_1378 : vector<16xi32> to vector<16xi32>
    tpu.vector_store %arg5[%swap3A_1379], %swap3A_1382 {strides = array<i32>} : memref<512xi32, #tpu.memory_space<vmem>>, vector<16xi32>,
    %get3A_1383 = arith.constant 304 : index
    %get3A_1384 = tpu.vector_load %arg5[%get3A_1383] {strides = array<i32>} : memref<512xi32, #tpu.memory_space<vmem>>, vector<16xi32>,
    %get3A_1385 = vector.shape_cast %get3A_1384 : vector<16xi32> to vector<16xi32>
    %ge3A_1386 = arith.constant 16384 : i32
    %ge3A_1387 = vector.broadcast %ge3A_1386 : i32 to vector<16xi32>
    %ge3A_1388 = arith.cmpi sge, %get3A_1385, %ge3A_1387 : vector<16xi32>
    %jit3A_1389 = arith.constant 1 : i32
    %jit3A_1390 = arith.constant 0 : i32
    %broadcast_in_dim3A_1391 = vector.broadcast %jit3A_1389 : i32 to vector<16xi32>
    %broadcast_in_dim3A_1392 = vector.broadcast %jit3A_1390 : i32 to vector<16xi32>
    %select_n3A_1393 = arith.select %ge3A_1388, %broadcast_in_dim3A_1391, %broadcast_in_dim3A_1392 : vector<16xi1>, vector<16xi32>
    %ge3A_1394 = arith.constant 32768 : i32
    %ge3A_1395 = vector.broadcast %ge3A_1394 : i32 to vector<16xi32>
    %ge3A_1396 = arith.cmpi sge, %get3A_1385, %ge3A_1395 : vector<16xi32>
    %jit3A_1397 = arith.constant 1 : i32
    %jit3A_1398 = arith.constant 0 : i32
    %broadcast_in_dim3A_1399 = vector.broadcast %jit3A_1397 : i32 to vector<16xi32>
    %broadcast_in_dim3A_1400 = vector.broadcast %jit3A_1398 : i32 to vector<16xi32>
    %select_n3A_1401 = arith.select %ge3A_1396, %broadcast_in_dim3A_1399, %broadcast_in_dim3A_1400 : vector<16xi1>, vector<16xi32>
    %add3A_1402 = arith.addi %select_n3A_1393, %select_n3A_1401 : vector<16xi32>
    %ge3A_1403 = arith.constant 49152 : i32
    %ge3A_1404 = vector.broadcast %ge3A_1403 : i32 to vector<16xi32>
    %ge3A_1405 = arith.cmpi sge, %get3A_1385, %ge3A_1404 : vector<16xi32>
    %jit3A_1406 = arith.constant 1 : i32
    %jit3A_1407 = arith.constant 0 : i32
    %broadcast_in_dim3A_1408 = vector.broadcast %jit3A_1406 : i32 to vector<16xi32>
    %broadcast_in_dim3A_1409 = vector.broadcast %jit3A_1407 : i32 to vector<16xi32>
    %select_n3A_1410 = arith.select %ge3A_1405, %broadcast_in_dim3A_1408, %broadcast_in_dim3A_1409 : vector<16xi1>, vector<16xi32>
    %add3A_1411 = arith.addi %add3A_1402, %select_n3A_1410 : vector<16xi32>
    %ge3A_1412 = arith.constant 65536 : i32
    %ge3A_1413 = vector.broadcast %ge3A_1412 : i32 to vector<16xi32>
    %ge3A_1414 = arith.cmpi sge, %get3A_1385, %ge3A_1413 : vector<16xi32>
    %jit3A_1415 = arith.constant 1 : i32
    %jit3A_1416 = arith.constant 0 : i32
    %broadcast_in_dim3A_1417 = vector.broadcast %jit3A_1415 : i32 to vector<16xi32>
    %broadcast_in_dim3A_1418 = vector.broadcast %jit3A_1416 : i32 to vector<16xi32>
    %select_n3A_1419 = arith.select %ge3A_1414, %broadcast_in_dim3A_1417, %broadcast_in_dim3A_1418 : vector<16xi1>, vector<16xi32>
    %add3A_1420 = arith.addi %add3A_1411, %select_n3A_1419 : vector<16xi32>
    %ge3A_1421 = arith.constant 81920 : i32
    %ge3A_1422 = vector.broadcast %ge3A_1421 : i32 to vector<16xi32>
    %ge3A_1423 = arith.cmpi sge, %get3A_1385, %ge3A_1422 : vector<16xi32>
    %jit3A_1424 = arith.constant 1 : i32
    %jit3A_1425 = arith.constant 0 : i32
    %broadcast_in_dim3A_1426 = vector.broadcast %jit3A_1424 : i32 to vector<16xi32>
    %broadcast_in_dim3A_1427 = vector.broadcast %jit3A_1425 : i32 to vector<16xi32>
    %select_n3A_1428 = arith.select %ge3A_1423, %broadcast_in_dim3A_1426, %broadcast_in_dim3A_1427 : vector<16xi1>, vector<16xi32>
    %add3A_1429 = arith.addi %add3A_1420, %select_n3A_1428 : vector<16xi32>
    %ge3A_1430 = arith.constant 98304 : i32
    %ge3A_1431 = vector.broadcast %ge3A_1430 : i32 to vector<16xi32>
    %ge3A_1432 = arith.cmpi sge, %get3A_1385, %ge3A_1431 : vector<16xi32>
    %jit3A_1433 = arith.constant 1 : i32
    %jit3A_1434 = arith.constant 0 : i32
    %broadcast_in_dim3A_1435 = vector.broadcast %jit3A_1433 : i32 to vector<16xi32>
    %broadcast_in_dim3A_1436 = vector.broadcast %jit3A_1434 : i32 to vector<16xi32>
    %select_n3A_1437 = arith.select %ge3A_1432, %broadcast_in_dim3A_1435, %broadcast_in_dim3A_1436 : vector<16xi1>, vector<16xi32>
    %add3A_1438 = arith.addi %add3A_1429, %select_n3A_1437 : vector<16xi32>
    %ge3A_1439 = arith.constant 114688 : i32
    %ge3A_1440 = vector.broadcast %ge3A_1439 : i32 to vector<16xi32>
    %ge3A_1441 = arith.cmpi sge, %get3A_1385, %ge3A_1440 : vector<16xi32>
    %jit3A_1442 = arith.constant 1 : i32
    %jit3A_1443 = arith.constant 0 : i32
    %broadcast_in_dim3A_1444 = vector.broadcast %jit3A_1442 : i32 to vector<16xi32>
    %broadcast_in_dim3A_1445 = vector.broadcast %jit3A_1443 : i32 to vector<16xi32>
    %select_n3A_1446 = arith.select %ge3A_1441, %broadcast_in_dim3A_1444, %broadcast_in_dim3A_1445 : vector<16xi1>, vector<16xi32>
    %add3A_1447 = arith.addi %add3A_1438, %select_n3A_1446 : vector<16xi32>
    %mul3A_1448 = arith.constant 16384 : i32
    %mul3A_1449 = vector.broadcast %mul3A_1448 : i32 to vector<16xi32>
    %mul3A_1450 = arith.muli %add3A_1447, %mul3A_1449 : vector<16xi32>
    %sub3A_1451 = arith.subi %get3A_1385, %mul3A_1450 : vector<16xi32>
    %swap3A_1452 = arith.constant 304 : index
    %swap3A_1453 = tpu.vector_load %arg5[%swap3A_1452] {strides = array<i32>} : memref<512xi32, #tpu.memory_space<vmem>>, vector<16xi32>,
    %swap3A_1454 = vector.shape_cast %swap3A_1453 : vector<16xi32> to vector<16xi32>
    %swap3A_1455 = vector.shape_cast %sub3A_1451 : vector<16xi32> to vector<16xi32>
    tpu.vector_store %arg5[%swap3A_1452], %swap3A_1455 {strides = array<i32>} : memref<512xi32, #tpu.memory_space<vmem>>, vector<16xi32>,
    %get3A_1456 = arith.constant 320 : index
    %get3A_1457 = tpu.vector_load %arg5[%get3A_1456] {strides = array<i32>} : memref<512xi32, #tpu.memory_space<vmem>>, vector<16xi32>,
    %get3A_1458 = vector.shape_cast %get3A_1457 : vector<16xi32> to vector<16xi32>
    %ge3A_1459 = arith.constant 16384 : i32
    %ge3A_1460 = vector.broadcast %ge3A_1459 : i32 to vector<16xi32>
    %ge3A_1461 = arith.cmpi sge, %get3A_1458, %ge3A_1460 : vector<16xi32>
    %jit3A_1462 = arith.constant 1 : i32
    %jit3A_1463 = arith.constant 0 : i32
    %broadcast_in_dim3A_1464 = vector.broadcast %jit3A_1462 : i32 to vector<16xi32>
    %broadcast_in_dim3A_1465 = vector.broadcast %jit3A_1463 : i32 to vector<16xi32>
    %select_n3A_1466 = arith.select %ge3A_1461, %broadcast_in_dim3A_1464, %broadcast_in_dim3A_1465 : vector<16xi1>, vector<16xi32>
    %ge3A_1467 = arith.constant 32768 : i32
    %ge3A_1468 = vector.broadcast %ge3A_1467 : i32 to vector<16xi32>
    %ge3A_1469 = arith.cmpi sge, %get3A_1458, %ge3A_1468 : vector<16xi32>
    %jit3A_1470 = arith.constant 1 : i32
    %jit3A_1471 = arith.constant 0 : i32
    %broadcast_in_dim3A_1472 = vector.broadcast %jit3A_1470 : i32 to vector<16xi32>
    %broadcast_in_dim3A_1473 = vector.broadcast %jit3A_1471 : i32 to vector<16xi32>
    %select_n3A_1474 = arith.select %ge3A_1469, %broadcast_in_dim3A_1472, %broadcast_in_dim3A_1473 : vector<16xi1>, vector<16xi32>
    %add3A_1475 = arith.addi %select_n3A_1466, %select_n3A_1474 : vector<16xi32>
    %ge3A_1476 = arith.constant 49152 : i32
    %ge3A_1477 = vector.broadcast %ge3A_1476 : i32 to vector<16xi32>
    %ge3A_1478 = arith.cmpi sge, %get3A_1458, %ge3A_1477 : vector<16xi32>
    %jit3A_1479 = arith.constant 1 : i32
    %jit3A_1480 = arith.constant 0 : i32
    %broadcast_in_dim3A_1481 = vector.broadcast %jit3A_1479 : i32 to vector<16xi32>
    %broadcast_in_dim3A_1482 = vector.broadcast %jit3A_1480 : i32 to vector<16xi32>
    %select_n3A_1483 = arith.select %ge3A_1478, %broadcast_in_dim3A_1481, %broadcast_in_dim3A_1482 : vector<16xi1>, vector<16xi32>
    %add3A_1484 = arith.addi %add3A_1475, %select_n3A_1483 : vector<16xi32>
    %ge3A_1485 = arith.constant 65536 : i32
    %ge3A_1486 = vector.broadcast %ge3A_1485 : i32 to vector<16xi32>
    %ge3A_1487 = arith.cmpi sge, %get3A_1458, %ge3A_1486 : vector<16xi32>
    %jit3A_1488 = arith.constant 1 : i32
    %jit3A_1489 = arith.constant 0 : i32
    %broadcast_in_dim3A_1490 = vector.broadcast %jit3A_1488 : i32 to vector<16xi32>
    %broadcast_in_dim3A_1491 = vector.broadcast %jit3A_1489 : i32 to vector<16xi32>
    %select_n3A_1492 = arith.select %ge3A_1487, %broadcast_in_dim3A_1490, %broadcast_in_dim3A_1491 : vector<16xi1>, vector<16xi32>
    %add3A_1493 = arith.addi %add3A_1484, %select_n3A_1492 : vector<16xi32>
    %ge3A_1494 = arith.constant 81920 : i32
    %ge3A_1495 = vector.broadcast %ge3A_1494 : i32 to vector<16xi32>
    %ge3A_1496 = arith.cmpi sge, %get3A_1458, %ge3A_1495 : vector<16xi32>
    %jit3A_1497 = arith.constant 1 : i32
    %jit3A_1498 = arith.constant 0 : i32
    %broadcast_in_dim3A_1499 = vector.broadcast %jit3A_1497 : i32 to vector<16xi32>
    %broadcast_in_dim3A_1500 = vector.broadcast %jit3A_1498 : i32 to vector<16xi32>
    %select_n3A_1501 = arith.select %ge3A_1496, %broadcast_in_dim3A_1499, %broadcast_in_dim3A_1500 : vector<16xi1>, vector<16xi32>
    %add3A_1502 = arith.addi %add3A_1493, %select_n3A_1501 : vector<16xi32>
    %ge3A_1503 = arith.constant 98304 : i32
    %ge3A_1504 = vector.broadcast %ge3A_1503 : i32 to vector<16xi32>
    %ge3A_1505 = arith.cmpi sge, %get3A_1458, %ge3A_1504 : vector<16xi32>
    %jit3A_1506 = arith.constant 1 : i32
    %jit3A_1507 = arith.constant 0 : i32
    %broadcast_in_dim3A_1508 = vector.broadcast %jit3A_1506 : i32 to vector<16xi32>
    %broadcast_in_dim3A_1509 = vector.broadcast %jit3A_1507 : i32 to vector<16xi32>
    %select_n3A_1510 = arith.select %ge3A_1505, %broadcast_in_dim3A_1508, %broadcast_in_dim3A_1509 : vector<16xi1>, vector<16xi32>
    %add3A_1511 = arith.addi %add3A_1502, %select_n3A_1510 : vector<16xi32>
    %ge3A_1512 = arith.constant 114688 : i32
    %ge3A_1513 = vector.broadcast %ge3A_1512 : i32 to vector<16xi32>
    %ge3A_1514 = arith.cmpi sge, %get3A_1458, %ge3A_1513 : vector<16xi32>
    %jit3A_1515 = arith.constant 1 : i32
    %jit3A_1516 = arith.constant 0 : i32
    %broadcast_in_dim3A_1517 = vector.broadcast %jit3A_1515 : i32 to vector<16xi32>
    %broadcast_in_dim3A_1518 = vector.broadcast %jit3A_1516 : i32 to vector<16xi32>
    %select_n3A_1519 = arith.select %ge3A_1514, %broadcast_in_dim3A_1517, %broadcast_in_dim3A_1518 : vector<16xi1>, vector<16xi32>
    %add3A_1520 = arith.addi %add3A_1511, %select_n3A_1519 : vector<16xi32>
    %mul3A_1521 = arith.constant 16384 : i32
    %mul3A_1522 = vector.broadcast %mul3A_1521 : i32 to vector<16xi32>
    %mul3A_1523 = arith.muli %add3A_1520, %mul3A_1522 : vector<16xi32>
    %sub3A_1524 = arith.subi %get3A_1458, %mul3A_1523 : vector<16xi32>
    %swap3A_1525 = arith.constant 320 : index
    %swap3A_1526 = tpu.vector_load %arg5[%swap3A_1525] {strides = array<i32>} : memref<512xi32, #tpu.memory_space<vmem>>, vector<16xi32>,
    %swap3A_1527 = vector.shape_cast %swap3A_1526 : vector<16xi32> to vector<16xi32>
    %swap3A_1528 = vector.shape_cast %sub3A_1524 : vector<16xi32> to vector<16xi32>
    tpu.vector_store %arg5[%swap3A_1525], %swap3A_1528 {strides = array<i32>} : memref<512xi32, #tpu.memory_space<vmem>>, vector<16xi32>,
    %get3A_1529 = arith.constant 336 : index
    %get3A_1530 = tpu.vector_load %arg5[%get3A_1529] {strides = array<i32>} : memref<512xi32, #tpu.memory_space<vmem>>, vector<16xi32>,
    %get3A_1531 = vector.shape_cast %get3A_1530 : vector<16xi32> to vector<16xi32>
    %ge3A_1532 = arith.constant 16384 : i32
    %ge3A_1533 = vector.broadcast %ge3A_1532 : i32 to vector<16xi32>
    %ge3A_1534 = arith.cmpi sge, %get3A_1531, %ge3A_1533 : vector<16xi32>
    %jit3A_1535 = arith.constant 1 : i32
    %jit3A_1536 = arith.constant 0 : i32
    %broadcast_in_dim3A_1537 = vector.broadcast %jit3A_1535 : i32 to vector<16xi32>
    %broadcast_in_dim3A_1538 = vector.broadcast %jit3A_1536 : i32 to vector<16xi32>
    %select_n3A_1539 = arith.select %ge3A_1534, %broadcast_in_dim3A_1537, %broadcast_in_dim3A_1538 : vector<16xi1>, vector<16xi32>
    %ge3A_1540 = arith.constant 32768 : i32
    %ge3A_1541 = vector.broadcast %ge3A_1540 : i32 to vector<16xi32>
    %ge3A_1542 = arith.cmpi sge, %get3A_1531, %ge3A_1541 : vector<16xi32>
    %jit3A_1543 = arith.constant 1 : i32
    %jit3A_1544 = arith.constant 0 : i32
    %broadcast_in_dim3A_1545 = vector.broadcast %jit3A_1543 : i32 to vector<16xi32>
    %broadcast_in_dim3A_1546 = vector.broadcast %jit3A_1544 : i32 to vector<16xi32>
    %select_n3A_1547 = arith.select %ge3A_1542, %broadcast_in_dim3A_1545, %broadcast_in_dim3A_1546 : vector<16xi1>, vector<16xi32>
    %add3A_1548 = arith.addi %select_n3A_1539, %select_n3A_1547 : vector<16xi32>
    %ge3A_1549 = arith.constant 49152 : i32
    %ge3A_1550 = vector.broadcast %ge3A_1549 : i32 to vector<16xi32>
    %ge3A_1551 = arith.cmpi sge, %get3A_1531, %ge3A_1550 : vector<16xi32>
    %jit3A_1552 = arith.constant 1 : i32
    %jit3A_1553 = arith.constant 0 : i32
    %broadcast_in_dim3A_1554 = vector.broadcast %jit3A_1552 : i32 to vector<16xi32>
    %broadcast_in_dim3A_1555 = vector.broadcast %jit3A_1553 : i32 to vector<16xi32>
    %select_n3A_1556 = arith.select %ge3A_1551, %broadcast_in_dim3A_1554, %broadcast_in_dim3A_1555 : vector<16xi1>, vector<16xi32>
    %add3A_1557 = arith.addi %add3A_1548, %select_n3A_1556 : vector<16xi32>
    %ge3A_1558 = arith.constant 65536 : i32
    %ge3A_1559 = vector.broadcast %ge3A_1558 : i32 to vector<16xi32>
    %ge3A_1560 = arith.cmpi sge, %get3A_1531, %ge3A_1559 : vector<16xi32>
    %jit3A_1561 = arith.constant 1 : i32
    %jit3A_1562 = arith.constant 0 : i32
    %broadcast_in_dim3A_1563 = vector.broadcast %jit3A_1561 : i32 to vector<16xi32>
    %broadcast_in_dim3A_1564 = vector.broadcast %jit3A_1562 : i32 to vector<16xi32>
    %select_n3A_1565 = arith.select %ge3A_1560, %broadcast_in_dim3A_1563, %broadcast_in_dim3A_1564 : vector<16xi1>, vector<16xi32>
    %add3A_1566 = arith.addi %add3A_1557, %select_n3A_1565 : vector<16xi32>
    %ge3A_1567 = arith.constant 81920 : i32
    %ge3A_1568 = vector.broadcast %ge3A_1567 : i32 to vector<16xi32>
    %ge3A_1569 = arith.cmpi sge, %get3A_1531, %ge3A_1568 : vector<16xi32>
    %jit3A_1570 = arith.constant 1 : i32
    %jit3A_1571 = arith.constant 0 : i32
    %broadcast_in_dim3A_1572 = vector.broadcast %jit3A_1570 : i32 to vector<16xi32>
    %broadcast_in_dim3A_1573 = vector.broadcast %jit3A_1571 : i32 to vector<16xi32>
    %select_n3A_1574 = arith.select %ge3A_1569, %broadcast_in_dim3A_1572, %broadcast_in_dim3A_1573 : vector<16xi1>, vector<16xi32>
    %add3A_1575 = arith.addi %add3A_1566, %select_n3A_1574 : vector<16xi32>
    %ge3A_1576 = arith.constant 98304 : i32
    %ge3A_1577 = vector.broadcast %ge3A_1576 : i32 to vector<16xi32>
    %ge3A_1578 = arith.cmpi sge, %get3A_1531, %ge3A_1577 : vector<16xi32>
    %jit3A_1579 = arith.constant 1 : i32
    %jit3A_1580 = arith.constant 0 : i32
    %broadcast_in_dim3A_1581 = vector.broadcast %jit3A_1579 : i32 to vector<16xi32>
    %broadcast_in_dim3A_1582 = vector.broadcast %jit3A_1580 : i32 to vector<16xi32>
    %select_n3A_1583 = arith.select %ge3A_1578, %broadcast_in_dim3A_1581, %broadcast_in_dim3A_1582 : vector<16xi1>, vector<16xi32>
    %add3A_1584 = arith.addi %add3A_1575, %select_n3A_1583 : vector<16xi32>
    %ge3A_1585 = arith.constant 114688 : i32
    %ge3A_1586 = vector.broadcast %ge3A_1585 : i32 to vector<16xi32>
    %ge3A_1587 = arith.cmpi sge, %get3A_1531, %ge3A_1586 : vector<16xi32>
    %jit3A_1588 = arith.constant 1 : i32
    %jit3A_1589 = arith.constant 0 : i32
    %broadcast_in_dim3A_1590 = vector.broadcast %jit3A_1588 : i32 to vector<16xi32>
    %broadcast_in_dim3A_1591 = vector.broadcast %jit3A_1589 : i32 to vector<16xi32>
    %select_n3A_1592 = arith.select %ge3A_1587, %broadcast_in_dim3A_1590, %broadcast_in_dim3A_1591 : vector<16xi1>, vector<16xi32>
    %add3A_1593 = arith.addi %add3A_1584, %select_n3A_1592 : vector<16xi32>
    %mul3A_1594 = arith.constant 16384 : i32
    %mul3A_1595 = vector.broadcast %mul3A_1594 : i32 to vector<16xi32>
    %mul3A_1596 = arith.muli %add3A_1593, %mul3A_1595 : vector<16xi32>
    %sub3A_1597 = arith.subi %get3A_1531, %mul3A_1596 : vector<16xi32>
    %swap3A_1598 = arith.constant 336 : index
    %swap3A_1599 = tpu.vector_load %arg5[%swap3A_1598] {strides = array<i32>} : memref<512xi32, #tpu.memory_space<vmem>>, vector<16xi32>,
    %swap3A_1600 = vector.shape_cast %swap3A_1599 : vector<16xi32> to vector<16xi32>
    %swap3A_1601 = vector.shape_cast %sub3A_1597 : vector<16xi32> to vector<16xi32>
    tpu.vector_store %arg5[%swap3A_1598], %swap3A_1601 {strides = array<i32>} : memref<512xi32, #tpu.memory_space<vmem>>, vector<16xi32>,
    %get3A_1602 = arith.constant 352 : index
    %get3A_1603 = tpu.vector_load %arg5[%get3A_1602] {strides = array<i32>} : memref<512xi32, #tpu.memory_space<vmem>>, vector<16xi32>,
    %get3A_1604 = vector.shape_cast %get3A_1603 : vector<16xi32> to vector<16xi32>
    %ge3A_1605 = arith.constant 16384 : i32
    %ge3A_1606 = vector.broadcast %ge3A_1605 : i32 to vector<16xi32>
    %ge3A_1607 = arith.cmpi sge, %get3A_1604, %ge3A_1606 : vector<16xi32>
    %jit3A_1608 = arith.constant 1 : i32
    %jit3A_1609 = arith.constant 0 : i32
    %broadcast_in_dim3A_1610 = vector.broadcast %jit3A_1608 : i32 to vector<16xi32>
    %broadcast_in_dim3A_1611 = vector.broadcast %jit3A_1609 : i32 to vector<16xi32>
    %select_n3A_1612 = arith.select %ge3A_1607, %broadcast_in_dim3A_1610, %broadcast_in_dim3A_1611 : vector<16xi1>, vector<16xi32>
    %ge3A_1613 = arith.constant 32768 : i32
    %ge3A_1614 = vector.broadcast %ge3A_1613 : i32 to vector<16xi32>
    %ge3A_1615 = arith.cmpi sge, %get3A_1604, %ge3A_1614 : vector<16xi32>
    %jit3A_1616 = arith.constant 1 : i32
    %jit3A_1617 = arith.constant 0 : i32
    %broadcast_in_dim3A_1618 = vector.broadcast %jit3A_1616 : i32 to vector<16xi32>
    %broadcast_in_dim3A_1619 = vector.broadcast %jit3A_1617 : i32 to vector<16xi32>
    %select_n3A_1620 = arith.select %ge3A_1615, %broadcast_in_dim3A_1618, %broadcast_in_dim3A_1619 : vector<16xi1>, vector<16xi32>
    %add3A_1621 = arith.addi %select_n3A_1612, %select_n3A_1620 : vector<16xi32>
    %ge3A_1622 = arith.constant 49152 : i32
    %ge3A_1623 = vector.broadcast %ge3A_1622 : i32 to vector<16xi32>
    %ge3A_1624 = arith.cmpi sge, %get3A_1604, %ge3A_1623 : vector<16xi32>
    %jit3A_1625 = arith.constant 1 : i32
    %jit3A_1626 = arith.constant 0 : i32
    %broadcast_in_dim3A_1627 = vector.broadcast %jit3A_1625 : i32 to vector<16xi32>
    %broadcast_in_dim3A_1628 = vector.broadcast %jit3A_1626 : i32 to vector<16xi32>
    %select_n3A_1629 = arith.select %ge3A_1624, %broadcast_in_dim3A_1627, %broadcast_in_dim3A_1628 : vector<16xi1>, vector<16xi32>
    %add3A_1630 = arith.addi %add3A_1621, %select_n3A_1629 : vector<16xi32>
    %ge3A_1631 = arith.constant 65536 : i32
    %ge3A_1632 = vector.broadcast %ge3A_1631 : i32 to vector<16xi32>
    %ge3A_1633 = arith.cmpi sge, %get3A_1604, %ge3A_1632 : vector<16xi32>
    %jit3A_1634 = arith.constant 1 : i32
    %jit3A_1635 = arith.constant 0 : i32
    %broadcast_in_dim3A_1636 = vector.broadcast %jit3A_1634 : i32 to vector<16xi32>
    %broadcast_in_dim3A_1637 = vector.broadcast %jit3A_1635 : i32 to vector<16xi32>
    %select_n3A_1638 = arith.select %ge3A_1633, %broadcast_in_dim3A_1636, %broadcast_in_dim3A_1637 : vector<16xi1>, vector<16xi32>
    %add3A_1639 = arith.addi %add3A_1630, %select_n3A_1638 : vector<16xi32>
    %ge3A_1640 = arith.constant 81920 : i32
    %ge3A_1641 = vector.broadcast %ge3A_1640 : i32 to vector<16xi32>
    %ge3A_1642 = arith.cmpi sge, %get3A_1604, %ge3A_1641 : vector<16xi32>
    %jit3A_1643 = arith.constant 1 : i32
    %jit3A_1644 = arith.constant 0 : i32
    %broadcast_in_dim3A_1645 = vector.broadcast %jit3A_1643 : i32 to vector<16xi32>
    %broadcast_in_dim3A_1646 = vector.broadcast %jit3A_1644 : i32 to vector<16xi32>
    %select_n3A_1647 = arith.select %ge3A_1642, %broadcast_in_dim3A_1645, %broadcast_in_dim3A_1646 : vector<16xi1>, vector<16xi32>
    %add3A_1648 = arith.addi %add3A_1639, %select_n3A_1647 : vector<16xi32>
    %ge3A_1649 = arith.constant 98304 : i32
    %ge3A_1650 = vector.broadcast %ge3A_1649 : i32 to vector<16xi32>
    %ge3A_1651 = arith.cmpi sge, %get3A_1604, %ge3A_1650 : vector<16xi32>
    %jit3A_1652 = arith.constant 1 : i32
    %jit3A_1653 = arith.constant 0 : i32
    %broadcast_in_dim3A_1654 = vector.broadcast %jit3A_1652 : i32 to vector<16xi32>
    %broadcast_in_dim3A_1655 = vector.broadcast %jit3A_1653 : i32 to vector<16xi32>
    %select_n3A_1656 = arith.select %ge3A_1651, %broadcast_in_dim3A_1654, %broadcast_in_dim3A_1655 : vector<16xi1>, vector<16xi32>
    %add3A_1657 = arith.addi %add3A_1648, %select_n3A_1656 : vector<16xi32>
    %ge3A_1658 = arith.constant 114688 : i32
    %ge3A_1659 = vector.broadcast %ge3A_1658 : i32 to vector<16xi32>
    %ge3A_1660 = arith.cmpi sge, %get3A_1604, %ge3A_1659 : vector<16xi32>
    %jit3A_1661 = arith.constant 1 : i32
    %jit3A_1662 = arith.constant 0 : i32
    %broadcast_in_dim3A_1663 = vector.broadcast %jit3A_1661 : i32 to vector<16xi32>
    %broadcast_in_dim3A_1664 = vector.broadcast %jit3A_1662 : i32 to vector<16xi32>
    %select_n3A_1665 = arith.select %ge3A_1660, %broadcast_in_dim3A_1663, %broadcast_in_dim3A_1664 : vector<16xi1>, vector<16xi32>
    %add3A_1666 = arith.addi %add3A_1657, %select_n3A_1665 : vector<16xi32>
    %mul3A_1667 = arith.constant 16384 : i32
    %mul3A_1668 = vector.broadcast %mul3A_1667 : i32 to vector<16xi32>
    %mul3A_1669 = arith.muli %add3A_1666, %mul3A_1668 : vector<16xi32>
    %sub3A_1670 = arith.subi %get3A_1604, %mul3A_1669 : vector<16xi32>
    %swap3A_1671 = arith.constant 352 : index
    %swap3A_1672 = tpu.vector_load %arg5[%swap3A_1671] {strides = array<i32>} : memref<512xi32, #tpu.memory_space<vmem>>, vector<16xi32>,
    %swap3A_1673 = vector.shape_cast %swap3A_1672 : vector<16xi32> to vector<16xi32>
    %swap3A_1674 = vector.shape_cast %sub3A_1670 : vector<16xi32> to vector<16xi32>
    tpu.vector_store %arg5[%swap3A_1671], %swap3A_1674 {strides = array<i32>} : memref<512xi32, #tpu.memory_space<vmem>>, vector<16xi32>,
    %get3A_1675 = arith.constant 368 : index
    %get3A_1676 = tpu.vector_load %arg5[%get3A_1675] {strides = array<i32>} : memref<512xi32, #tpu.memory_space<vmem>>, vector<16xi32>,
    %get3A_1677 = vector.shape_cast %get3A_1676 : vector<16xi32> to vector<16xi32>
    %ge3A_1678 = arith.constant 16384 : i32
    %ge3A_1679 = vector.broadcast %ge3A_1678 : i32 to vector<16xi32>
    %ge3A_1680 = arith.cmpi sge, %get3A_1677, %ge3A_1679 : vector<16xi32>
    %jit3A_1681 = arith.constant 1 : i32
    %jit3A_1682 = arith.constant 0 : i32
    %broadcast_in_dim3A_1683 = vector.broadcast %jit3A_1681 : i32 to vector<16xi32>
    %broadcast_in_dim3A_1684 = vector.broadcast %jit3A_1682 : i32 to vector<16xi32>
    %select_n3A_1685 = arith.select %ge3A_1680, %broadcast_in_dim3A_1683, %broadcast_in_dim3A_1684 : vector<16xi1>, vector<16xi32>
    %ge3A_1686 = arith.constant 32768 : i32
    %ge3A_1687 = vector.broadcast %ge3A_1686 : i32 to vector<16xi32>
    %ge3A_1688 = arith.cmpi sge, %get3A_1677, %ge3A_1687 : vector<16xi32>
    %jit3A_1689 = arith.constant 1 : i32
    %jit3A_1690 = arith.constant 0 : i32
    %broadcast_in_dim3A_1691 = vector.broadcast %jit3A_1689 : i32 to vector<16xi32>
    %broadcast_in_dim3A_1692 = vector.broadcast %jit3A_1690 : i32 to vector<16xi32>
    %select_n3A_1693 = arith.select %ge3A_1688, %broadcast_in_dim3A_1691, %broadcast_in_dim3A_1692 : vector<16xi1>, vector<16xi32>
    %add3A_1694 = arith.addi %select_n3A_1685, %select_n3A_1693 : vector<16xi32>
    %ge3A_1695 = arith.constant 49152 : i32
    %ge3A_1696 = vector.broadcast %ge3A_1695 : i32 to vector<16xi32>
    %ge3A_1697 = arith.cmpi sge, %get3A_1677, %ge3A_1696 : vector<16xi32>
    %jit3A_1698 = arith.constant 1 : i32
    %jit3A_1699 = arith.constant 0 : i32
    %broadcast_in_dim3A_1700 = vector.broadcast %jit3A_1698 : i32 to vector<16xi32>
    %broadcast_in_dim3A_1701 = vector.broadcast %jit3A_1699 : i32 to vector<16xi32>
    %select_n3A_1702 = arith.select %ge3A_1697, %broadcast_in_dim3A_1700, %broadcast_in_dim3A_1701 : vector<16xi1>, vector<16xi32>
    %add3A_1703 = arith.addi %add3A_1694, %select_n3A_1702 : vector<16xi32>
    %ge3A_1704 = arith.constant 65536 : i32
    %ge3A_1705 = vector.broadcast %ge3A_1704 : i32 to vector<16xi32>
    %ge3A_1706 = arith.cmpi sge, %get3A_1677, %ge3A_1705 : vector<16xi32>
    %jit3A_1707 = arith.constant 1 : i32
    %jit3A_1708 = arith.constant 0 : i32
    %broadcast_in_dim3A_1709 = vector.broadcast %jit3A_1707 : i32 to vector<16xi32>
    %broadcast_in_dim3A_1710 = vector.broadcast %jit3A_1708 : i32 to vector<16xi32>
    %select_n3A_1711 = arith.select %ge3A_1706, %broadcast_in_dim3A_1709, %broadcast_in_dim3A_1710 : vector<16xi1>, vector<16xi32>
    %add3A_1712 = arith.addi %add3A_1703, %select_n3A_1711 : vector<16xi32>
    %ge3A_1713 = arith.constant 81920 : i32
    %ge3A_1714 = vector.broadcast %ge3A_1713 : i32 to vector<16xi32>
    %ge3A_1715 = arith.cmpi sge, %get3A_1677, %ge3A_1714 : vector<16xi32>
    %jit3A_1716 = arith.constant 1 : i32
    %jit3A_1717 = arith.constant 0 : i32
    %broadcast_in_dim3A_1718 = vector.broadcast %jit3A_1716 : i32 to vector<16xi32>
    %broadcast_in_dim3A_1719 = vector.broadcast %jit3A_1717 : i32 to vector<16xi32>
    %select_n3A_1720 = arith.select %ge3A_1715, %broadcast_in_dim3A_1718, %broadcast_in_dim3A_1719 : vector<16xi1>, vector<16xi32>
    %add3A_1721 = arith.addi %add3A_1712, %select_n3A_1720 : vector<16xi32>
    %ge3A_1722 = arith.constant 98304 : i32
    %ge3A_1723 = vector.broadcast %ge3A_1722 : i32 to vector<16xi32>
    %ge3A_1724 = arith.cmpi sge, %get3A_1677, %ge3A_1723 : vector<16xi32>
    %jit3A_1725 = arith.constant 1 : i32
    %jit3A_1726 = arith.constant 0 : i32
    %broadcast_in_dim3A_1727 = vector.broadcast %jit3A_1725 : i32 to vector<16xi32>
    %broadcast_in_dim3A_1728 = vector.broadcast %jit3A_1726 : i32 to vector<16xi32>
    %select_n3A_1729 = arith.select %ge3A_1724, %broadcast_in_dim3A_1727, %broadcast_in_dim3A_1728 : vector<16xi1>, vector<16xi32>
    %add3A_1730 = arith.addi %add3A_1721, %select_n3A_1729 : vector<16xi32>
    %ge3A_1731 = arith.constant 114688 : i32
    %ge3A_1732 = vector.broadcast %ge3A_1731 : i32 to vector<16xi32>
    %ge3A_1733 = arith.cmpi sge, %get3A_1677, %ge3A_1732 : vector<16xi32>
    %jit3A_1734 = arith.constant 1 : i32
    %jit3A_1735 = arith.constant 0 : i32
    %broadcast_in_dim3A_1736 = vector.broadcast %jit3A_1734 : i32 to vector<16xi32>
    %broadcast_in_dim3A_1737 = vector.broadcast %jit3A_1735 : i32 to vector<16xi32>
    %select_n3A_1738 = arith.select %ge3A_1733, %broadcast_in_dim3A_1736, %broadcast_in_dim3A_1737 : vector<16xi1>, vector<16xi32>
    %add3A_1739 = arith.addi %add3A_1730, %select_n3A_1738 : vector<16xi32>
    %mul3A_1740 = arith.constant 16384 : i32
    %mul3A_1741 = vector.broadcast %mul3A_1740 : i32 to vector<16xi32>
    %mul3A_1742 = arith.muli %add3A_1739, %mul3A_1741 : vector<16xi32>
    %sub3A_1743 = arith.subi %get3A_1677, %mul3A_1742 : vector<16xi32>
    %swap3A_1744 = arith.constant 368 : index
    %swap3A_1745 = tpu.vector_load %arg5[%swap3A_1744] {strides = array<i32>} : memref<512xi32, #tpu.memory_space<vmem>>, vector<16xi32>,
    %swap3A_1746 = vector.shape_cast %swap3A_1745 : vector<16xi32> to vector<16xi32>
    %swap3A_1747 = vector.shape_cast %sub3A_1743 : vector<16xi32> to vector<16xi32>
    tpu.vector_store %arg5[%swap3A_1744], %swap3A_1747 {strides = array<i32>} : memref<512xi32, #tpu.memory_space<vmem>>, vector<16xi32>,
    %get3A_1748 = arith.constant 384 : index
    %get3A_1749 = tpu.vector_load %arg5[%get3A_1748] {strides = array<i32>} : memref<512xi32, #tpu.memory_space<vmem>>, vector<16xi32>,
    %get3A_1750 = vector.shape_cast %get3A_1749 : vector<16xi32> to vector<16xi32>
    %ge3A_1751 = arith.constant 16384 : i32
    %ge3A_1752 = vector.broadcast %ge3A_1751 : i32 to vector<16xi32>
    %ge3A_1753 = arith.cmpi sge, %get3A_1750, %ge3A_1752 : vector<16xi32>
    %jit3A_1754 = arith.constant 1 : i32
    %jit3A_1755 = arith.constant 0 : i32
    %broadcast_in_dim3A_1756 = vector.broadcast %jit3A_1754 : i32 to vector<16xi32>
    %broadcast_in_dim3A_1757 = vector.broadcast %jit3A_1755 : i32 to vector<16xi32>
    %select_n3A_1758 = arith.select %ge3A_1753, %broadcast_in_dim3A_1756, %broadcast_in_dim3A_1757 : vector<16xi1>, vector<16xi32>
    %ge3A_1759 = arith.constant 32768 : i32
    %ge3A_1760 = vector.broadcast %ge3A_1759 : i32 to vector<16xi32>
    %ge3A_1761 = arith.cmpi sge, %get3A_1750, %ge3A_1760 : vector<16xi32>
    %jit3A_1762 = arith.constant 1 : i32
    %jit3A_1763 = arith.constant 0 : i32
    %broadcast_in_dim3A_1764 = vector.broadcast %jit3A_1762 : i32 to vector<16xi32>
    %broadcast_in_dim3A_1765 = vector.broadcast %jit3A_1763 : i32 to vector<16xi32>
    %select_n3A_1766 = arith.select %ge3A_1761, %broadcast_in_dim3A_1764, %broadcast_in_dim3A_1765 : vector<16xi1>, vector<16xi32>
    %add3A_1767 = arith.addi %select_n3A_1758, %select_n3A_1766 : vector<16xi32>
    %ge3A_1768 = arith.constant 49152 : i32
    %ge3A_1769 = vector.broadcast %ge3A_1768 : i32 to vector<16xi32>
    %ge3A_1770 = arith.cmpi sge, %get3A_1750, %ge3A_1769 : vector<16xi32>
    %jit3A_1771 = arith.constant 1 : i32
    %jit3A_1772 = arith.constant 0 : i32
    %broadcast_in_dim3A_1773 = vector.broadcast %jit3A_1771 : i32 to vector<16xi32>
    %broadcast_in_dim3A_1774 = vector.broadcast %jit3A_1772 : i32 to vector<16xi32>
    %select_n3A_1775 = arith.select %ge3A_1770, %broadcast_in_dim3A_1773, %broadcast_in_dim3A_1774 : vector<16xi1>, vector<16xi32>
    %add3A_1776 = arith.addi %add3A_1767, %select_n3A_1775 : vector<16xi32>
    %ge3A_1777 = arith.constant 65536 : i32
    %ge3A_1778 = vector.broadcast %ge3A_1777 : i32 to vector<16xi32>
    %ge3A_1779 = arith.cmpi sge, %get3A_1750, %ge3A_1778 : vector<16xi32>
    %jit3A_1780 = arith.constant 1 : i32
    %jit3A_1781 = arith.constant 0 : i32
    %broadcast_in_dim3A_1782 = vector.broadcast %jit3A_1780 : i32 to vector<16xi32>
    %broadcast_in_dim3A_1783 = vector.broadcast %jit3A_1781 : i32 to vector<16xi32>
    %select_n3A_1784 = arith.select %ge3A_1779, %broadcast_in_dim3A_1782, %broadcast_in_dim3A_1783 : vector<16xi1>, vector<16xi32>
    %add3A_1785 = arith.addi %add3A_1776, %select_n3A_1784 : vector<16xi32>
    %ge3A_1786 = arith.constant 81920 : i32
    %ge3A_1787 = vector.broadcast %ge3A_1786 : i32 to vector<16xi32>
    %ge3A_1788 = arith.cmpi sge, %get3A_1750, %ge3A_1787 : vector<16xi32>
    %jit3A_1789 = arith.constant 1 : i32
    %jit3A_1790 = arith.constant 0 : i32
    %broadcast_in_dim3A_1791 = vector.broadcast %jit3A_1789 : i32 to vector<16xi32>
    %broadcast_in_dim3A_1792 = vector.broadcast %jit3A_1790 : i32 to vector<16xi32>
    %select_n3A_1793 = arith.select %ge3A_1788, %broadcast_in_dim3A_1791, %broadcast_in_dim3A_1792 : vector<16xi1>, vector<16xi32>
    %add3A_1794 = arith.addi %add3A_1785, %select_n3A_1793 : vector<16xi32>
    %ge3A_1795 = arith.constant 98304 : i32
    %ge3A_1796 = vector.broadcast %ge3A_1795 : i32 to vector<16xi32>
    %ge3A_1797 = arith.cmpi sge, %get3A_1750, %ge3A_1796 : vector<16xi32>
    %jit3A_1798 = arith.constant 1 : i32
    %jit3A_1799 = arith.constant 0 : i32
    %broadcast_in_dim3A_1800 = vector.broadcast %jit3A_1798 : i32 to vector<16xi32>
    %broadcast_in_dim3A_1801 = vector.broadcast %jit3A_1799 : i32 to vector<16xi32>
    %select_n3A_1802 = arith.select %ge3A_1797, %broadcast_in_dim3A_1800, %broadcast_in_dim3A_1801 : vector<16xi1>, vector<16xi32>
    %add3A_1803 = arith.addi %add3A_1794, %select_n3A_1802 : vector<16xi32>
    %ge3A_1804 = arith.constant 114688 : i32
    %ge3A_1805 = vector.broadcast %ge3A_1804 : i32 to vector<16xi32>
    %ge3A_1806 = arith.cmpi sge, %get3A_1750, %ge3A_1805 : vector<16xi32>
    %jit3A_1807 = arith.constant 1 : i32
    %jit3A_1808 = arith.constant 0 : i32
    %broadcast_in_dim3A_1809 = vector.broadcast %jit3A_1807 : i32 to vector<16xi32>
    %broadcast_in_dim3A_1810 = vector.broadcast %jit3A_1808 : i32 to vector<16xi32>
    %select_n3A_1811 = arith.select %ge3A_1806, %broadcast_in_dim3A_1809, %broadcast_in_dim3A_1810 : vector<16xi1>, vector<16xi32>
    %add3A_1812 = arith.addi %add3A_1803, %select_n3A_1811 : vector<16xi32>
    %mul3A_1813 = arith.constant 16384 : i32
    %mul3A_1814 = vector.broadcast %mul3A_1813 : i32 to vector<16xi32>
    %mul3A_1815 = arith.muli %add3A_1812, %mul3A_1814 : vector<16xi32>
    %sub3A_1816 = arith.subi %get3A_1750, %mul3A_1815 : vector<16xi32>
    %swap3A_1817 = arith.constant 384 : index
    %swap3A_1818 = tpu.vector_load %arg5[%swap3A_1817] {strides = array<i32>} : memref<512xi32, #tpu.memory_space<vmem>>, vector<16xi32>,
    %swap3A_1819 = vector.shape_cast %swap3A_1818 : vector<16xi32> to vector<16xi32>
    %swap3A_1820 = vector.shape_cast %sub3A_1816 : vector<16xi32> to vector<16xi32>
    tpu.vector_store %arg5[%swap3A_1817], %swap3A_1820 {strides = array<i32>} : memref<512xi32, #tpu.memory_space<vmem>>, vector<16xi32>,
    %get3A_1821 = arith.constant 400 : index
    %get3A_1822 = tpu.vector_load %arg5[%get3A_1821] {strides = array<i32>} : memref<512xi32, #tpu.memory_space<vmem>>, vector<16xi32>,
    %get3A_1823 = vector.shape_cast %get3A_1822 : vector<16xi32> to vector<16xi32>
    %ge3A_1824 = arith.constant 16384 : i32
    %ge3A_1825 = vector.broadcast %ge3A_1824 : i32 to vector<16xi32>
    %ge3A_1826 = arith.cmpi sge, %get3A_1823, %ge3A_1825 : vector<16xi32>
    %jit3A_1827 = arith.constant 1 : i32
    %jit3A_1828 = arith.constant 0 : i32
    %broadcast_in_dim3A_1829 = vector.broadcast %jit3A_1827 : i32 to vector<16xi32>
    %broadcast_in_dim3A_1830 = vector.broadcast %jit3A_1828 : i32 to vector<16xi32>
    %select_n3A_1831 = arith.select %ge3A_1826, %broadcast_in_dim3A_1829, %broadcast_in_dim3A_1830 : vector<16xi1>, vector<16xi32>
    %ge3A_1832 = arith.constant 32768 : i32
    %ge3A_1833 = vector.broadcast %ge3A_1832 : i32 to vector<16xi32>
    %ge3A_1834 = arith.cmpi sge, %get3A_1823, %ge3A_1833 : vector<16xi32>
    %jit3A_1835 = arith.constant 1 : i32
    %jit3A_1836 = arith.constant 0 : i32
    %broadcast_in_dim3A_1837 = vector.broadcast %jit3A_1835 : i32 to vector<16xi32>
    %broadcast_in_dim3A_1838 = vector.broadcast %jit3A_1836 : i32 to vector<16xi32>
    %select_n3A_1839 = arith.select %ge3A_1834, %broadcast_in_dim3A_1837, %broadcast_in_dim3A_1838 : vector<16xi1>, vector<16xi32>
    %add3A_1840 = arith.addi %select_n3A_1831, %select_n3A_1839 : vector<16xi32>
    %ge3A_1841 = arith.constant 49152 : i32
    %ge3A_1842 = vector.broadcast %ge3A_1841 : i32 to vector<16xi32>
    %ge3A_1843 = arith.cmpi sge, %get3A_1823, %ge3A_1842 : vector<16xi32>
    %jit3A_1844 = arith.constant 1 : i32
    %jit3A_1845 = arith.constant 0 : i32
    %broadcast_in_dim3A_1846 = vector.broadcast %jit3A_1844 : i32 to vector<16xi32>
    %broadcast_in_dim3A_1847 = vector.broadcast %jit3A_1845 : i32 to vector<16xi32>
    %select_n3A_1848 = arith.select %ge3A_1843, %broadcast_in_dim3A_1846, %broadcast_in_dim3A_1847 : vector<16xi1>, vector<16xi32>
    %add3A_1849 = arith.addi %add3A_1840, %select_n3A_1848 : vector<16xi32>
    %ge3A_1850 = arith.constant 65536 : i32
    %ge3A_1851 = vector.broadcast %ge3A_1850 : i32 to vector<16xi32>
    %ge3A_1852 = arith.cmpi sge, %get3A_1823, %ge3A_1851 : vector<16xi32>
    %jit3A_1853 = arith.constant 1 : i32
    %jit3A_1854 = arith.constant 0 : i32
    %broadcast_in_dim3A_1855 = vector.broadcast %jit3A_1853 : i32 to vector<16xi32>
    %broadcast_in_dim3A_1856 = vector.broadcast %jit3A_1854 : i32 to vector<16xi32>
    %select_n3A_1857 = arith.select %ge3A_1852, %broadcast_in_dim3A_1855, %broadcast_in_dim3A_1856 : vector<16xi1>, vector<16xi32>
    %add3A_1858 = arith.addi %add3A_1849, %select_n3A_1857 : vector<16xi32>
    %ge3A_1859 = arith.constant 81920 : i32
    %ge3A_1860 = vector.broadcast %ge3A_1859 : i32 to vector<16xi32>
    %ge3A_1861 = arith.cmpi sge, %get3A_1823, %ge3A_1860 : vector<16xi32>
    %jit3A_1862 = arith.constant 1 : i32
    %jit3A_1863 = arith.constant 0 : i32
    %broadcast_in_dim3A_1864 = vector.broadcast %jit3A_1862 : i32 to vector<16xi32>
    %broadcast_in_dim3A_1865 = vector.broadcast %jit3A_1863 : i32 to vector<16xi32>
    %select_n3A_1866 = arith.select %ge3A_1861, %broadcast_in_dim3A_1864, %broadcast_in_dim3A_1865 : vector<16xi1>, vector<16xi32>
    %add3A_1867 = arith.addi %add3A_1858, %select_n3A_1866 : vector<16xi32>
    %ge3A_1868 = arith.constant 98304 : i32
    %ge3A_1869 = vector.broadcast %ge3A_1868 : i32 to vector<16xi32>
    %ge3A_1870 = arith.cmpi sge, %get3A_1823, %ge3A_1869 : vector<16xi32>
    %jit3A_1871 = arith.constant 1 : i32
    %jit3A_1872 = arith.constant 0 : i32
    %broadcast_in_dim3A_1873 = vector.broadcast %jit3A_1871 : i32 to vector<16xi32>
    %broadcast_in_dim3A_1874 = vector.broadcast %jit3A_1872 : i32 to vector<16xi32>
    %select_n3A_1875 = arith.select %ge3A_1870, %broadcast_in_dim3A_1873, %broadcast_in_dim3A_1874 : vector<16xi1>, vector<16xi32>
    %add3A_1876 = arith.addi %add3A_1867, %select_n3A_1875 : vector<16xi32>
    %ge3A_1877 = arith.constant 114688 : i32
    %ge3A_1878 = vector.broadcast %ge3A_1877 : i32 to vector<16xi32>
    %ge3A_1879 = arith.cmpi sge, %get3A_1823, %ge3A_1878 : vector<16xi32>
    %jit3A_1880 = arith.constant 1 : i32
    %jit3A_1881 = arith.constant 0 : i32
    %broadcast_in_dim3A_1882 = vector.broadcast %jit3A_1880 : i32 to vector<16xi32>
    %broadcast_in_dim3A_1883 = vector.broadcast %jit3A_1881 : i32 to vector<16xi32>
    %select_n3A_1884 = arith.select %ge3A_1879, %broadcast_in_dim3A_1882, %broadcast_in_dim3A_1883 : vector<16xi1>, vector<16xi32>
    %add3A_1885 = arith.addi %add3A_1876, %select_n3A_1884 : vector<16xi32>
    %mul3A_1886 = arith.constant 16384 : i32
    %mul3A_1887 = vector.broadcast %mul3A_1886 : i32 to vector<16xi32>
    %mul3A_1888 = arith.muli %add3A_1885, %mul3A_1887 : vector<16xi32>
    %sub3A_1889 = arith.subi %get3A_1823, %mul3A_1888 : vector<16xi32>
    %swap3A_1890 = arith.constant 400 : index
    %swap3A_1891 = tpu.vector_load %arg5[%swap3A_1890] {strides = array<i32>} : memref<512xi32, #tpu.memory_space<vmem>>, vector<16xi32>,
    %swap3A_1892 = vector.shape_cast %swap3A_1891 : vector<16xi32> to vector<16xi32>
    %swap3A_1893 = vector.shape_cast %sub3A_1889 : vector<16xi32> to vector<16xi32>
    tpu.vector_store %arg5[%swap3A_1890], %swap3A_1893 {strides = array<i32>} : memref<512xi32, #tpu.memory_space<vmem>>, vector<16xi32>,
    %get3A_1894 = arith.constant 416 : index
    %get3A_1895 = tpu.vector_load %arg5[%get3A_1894] {strides = array<i32>} : memref<512xi32, #tpu.memory_space<vmem>>, vector<16xi32>,
    %get3A_1896 = vector.shape_cast %get3A_1895 : vector<16xi32> to vector<16xi32>
    %ge3A_1897 = arith.constant 16384 : i32
    %ge3A_1898 = vector.broadcast %ge3A_1897 : i32 to vector<16xi32>
    %ge3A_1899 = arith.cmpi sge, %get3A_1896, %ge3A_1898 : vector<16xi32>
    %jit3A_1900 = arith.constant 1 : i32
    %jit3A_1901 = arith.constant 0 : i32
    %broadcast_in_dim3A_1902 = vector.broadcast %jit3A_1900 : i32 to vector<16xi32>
    %broadcast_in_dim3A_1903 = vector.broadcast %jit3A_1901 : i32 to vector<16xi32>
    %select_n3A_1904 = arith.select %ge3A_1899, %broadcast_in_dim3A_1902, %broadcast_in_dim3A_1903 : vector<16xi1>, vector<16xi32>
    %ge3A_1905 = arith.constant 32768 : i32
    %ge3A_1906 = vector.broadcast %ge3A_1905 : i32 to vector<16xi32>
    %ge3A_1907 = arith.cmpi sge, %get3A_1896, %ge3A_1906 : vector<16xi32>
    %jit3A_1908 = arith.constant 1 : i32
    %jit3A_1909 = arith.constant 0 : i32
    %broadcast_in_dim3A_1910 = vector.broadcast %jit3A_1908 : i32 to vector<16xi32>
    %broadcast_in_dim3A_1911 = vector.broadcast %jit3A_1909 : i32 to vector<16xi32>
    %select_n3A_1912 = arith.select %ge3A_1907, %broadcast_in_dim3A_1910, %broadcast_in_dim3A_1911 : vector<16xi1>, vector<16xi32>
    %add3A_1913 = arith.addi %select_n3A_1904, %select_n3A_1912 : vector<16xi32>
    %ge3A_1914 = arith.constant 49152 : i32
    %ge3A_1915 = vector.broadcast %ge3A_1914 : i32 to vector<16xi32>
    %ge3A_1916 = arith.cmpi sge, %get3A_1896, %ge3A_1915 : vector<16xi32>
    %jit3A_1917 = arith.constant 1 : i32
    %jit3A_1918 = arith.constant 0 : i32
    %broadcast_in_dim3A_1919 = vector.broadcast %jit3A_1917 : i32 to vector<16xi32>
    %broadcast_in_dim3A_1920 = vector.broadcast %jit3A_1918 : i32 to vector<16xi32>
    %select_n3A_1921 = arith.select %ge3A_1916, %broadcast_in_dim3A_1919, %broadcast_in_dim3A_1920 : vector<16xi1>, vector<16xi32>
    %add3A_1922 = arith.addi %add3A_1913, %select_n3A_1921 : vector<16xi32>
    %ge3A_1923 = arith.constant 65536 : i32
    %ge3A_1924 = vector.broadcast %ge3A_1923 : i32 to vector<16xi32>
    %ge3A_1925 = arith.cmpi sge, %get3A_1896, %ge3A_1924 : vector<16xi32>
    %jit3A_1926 = arith.constant 1 : i32
    %jit3A_1927 = arith.constant 0 : i32
    %broadcast_in_dim3A_1928 = vector.broadcast %jit3A_1926 : i32 to vector<16xi32>
    %broadcast_in_dim3A_1929 = vector.broadcast %jit3A_1927 : i32 to vector<16xi32>
    %select_n3A_1930 = arith.select %ge3A_1925, %broadcast_in_dim3A_1928, %broadcast_in_dim3A_1929 : vector<16xi1>, vector<16xi32>
    %add3A_1931 = arith.addi %add3A_1922, %select_n3A_1930 : vector<16xi32>
    %ge3A_1932 = arith.constant 81920 : i32
    %ge3A_1933 = vector.broadcast %ge3A_1932 : i32 to vector<16xi32>
    %ge3A_1934 = arith.cmpi sge, %get3A_1896, %ge3A_1933 : vector<16xi32>
    %jit3A_1935 = arith.constant 1 : i32
    %jit3A_1936 = arith.constant 0 : i32
    %broadcast_in_dim3A_1937 = vector.broadcast %jit3A_1935 : i32 to vector<16xi32>
    %broadcast_in_dim3A_1938 = vector.broadcast %jit3A_1936 : i32 to vector<16xi32>
    %select_n3A_1939 = arith.select %ge3A_1934, %broadcast_in_dim3A_1937, %broadcast_in_dim3A_1938 : vector<16xi1>, vector<16xi32>
    %add3A_1940 = arith.addi %add3A_1931, %select_n3A_1939 : vector<16xi32>
    %ge3A_1941 = arith.constant 98304 : i32
    %ge3A_1942 = vector.broadcast %ge3A_1941 : i32 to vector<16xi32>
    %ge3A_1943 = arith.cmpi sge, %get3A_1896, %ge3A_1942 : vector<16xi32>
    %jit3A_1944 = arith.constant 1 : i32
    %jit3A_1945 = arith.constant 0 : i32
    %broadcast_in_dim3A_1946 = vector.broadcast %jit3A_1944 : i32 to vector<16xi32>
    %broadcast_in_dim3A_1947 = vector.broadcast %jit3A_1945 : i32 to vector<16xi32>
    %select_n3A_1948 = arith.select %ge3A_1943, %broadcast_in_dim3A_1946, %broadcast_in_dim3A_1947 : vector<16xi1>, vector<16xi32>
    %add3A_1949 = arith.addi %add3A_1940, %select_n3A_1948 : vector<16xi32>
    %ge3A_1950 = arith.constant 114688 : i32
    %ge3A_1951 = vector.broadcast %ge3A_1950 : i32 to vector<16xi32>
    %ge3A_1952 = arith.cmpi sge, %get3A_1896, %ge3A_1951 : vector<16xi32>
    %jit3A_1953 = arith.constant 1 : i32
    %jit3A_1954 = arith.constant 0 : i32
    %broadcast_in_dim3A_1955 = vector.broadcast %jit3A_1953 : i32 to vector<16xi32>
    %broadcast_in_dim3A_1956 = vector.broadcast %jit3A_1954 : i32 to vector<16xi32>
    %select_n3A_1957 = arith.select %ge3A_1952, %broadcast_in_dim3A_1955, %broadcast_in_dim3A_1956 : vector<16xi1>, vector<16xi32>
    %add3A_1958 = arith.addi %add3A_1949, %select_n3A_1957 : vector<16xi32>
    %mul3A_1959 = arith.constant 16384 : i32
    %mul3A_1960 = vector.broadcast %mul3A_1959 : i32 to vector<16xi32>
    %mul3A_1961 = arith.muli %add3A_1958, %mul3A_1960 : vector<16xi32>
    %sub3A_1962 = arith.subi %get3A_1896, %mul3A_1961 : vector<16xi32>
    %swap3A_1963 = arith.constant 416 : index
    %swap3A_1964 = tpu.vector_load %arg5[%swap3A_1963] {strides = array<i32>} : memref<512xi32, #tpu.memory_space<vmem>>, vector<16xi32>,
    %swap3A_1965 = vector.shape_cast %swap3A_1964 : vector<16xi32> to vector<16xi32>
    %swap3A_1966 = vector.shape_cast %sub3A_1962 : vector<16xi32> to vector<16xi32>
    tpu.vector_store %arg5[%swap3A_1963], %swap3A_1966 {strides = array<i32>} : memref<512xi32, #tpu.memory_space<vmem>>, vector<16xi32>,
    %get3A_1967 = arith.constant 432 : index
    %get3A_1968 = tpu.vector_load %arg5[%get3A_1967] {strides = array<i32>} : memref<512xi32, #tpu.memory_space<vmem>>, vector<16xi32>,
    %get3A_1969 = vector.shape_cast %get3A_1968 : vector<16xi32> to vector<16xi32>
    %ge3A_1970 = arith.constant 16384 : i32
    %ge3A_1971 = vector.broadcast %ge3A_1970 : i32 to vector<16xi32>
    %ge3A_1972 = arith.cmpi sge, %get3A_1969, %ge3A_1971 : vector<16xi32>
    %jit3A_1973 = arith.constant 1 : i32
    %jit3A_1974 = arith.constant 0 : i32
    %broadcast_in_dim3A_1975 = vector.broadcast %jit3A_1973 : i32 to vector<16xi32>
    %broadcast_in_dim3A_1976 = vector.broadcast %jit3A_1974 : i32 to vector<16xi32>
    %select_n3A_1977 = arith.select %ge3A_1972, %broadcast_in_dim3A_1975, %broadcast_in_dim3A_1976 : vector<16xi1>, vector<16xi32>
    %ge3A_1978 = arith.constant 32768 : i32
    %ge3A_1979 = vector.broadcast %ge3A_1978 : i32 to vector<16xi32>
    %ge3A_1980 = arith.cmpi sge, %get3A_1969, %ge3A_1979 : vector<16xi32>
    %jit3A_1981 = arith.constant 1 : i32
    %jit3A_1982 = arith.constant 0 : i32
    %broadcast_in_dim3A_1983 = vector.broadcast %jit3A_1981 : i32 to vector<16xi32>
    %broadcast_in_dim3A_1984 = vector.broadcast %jit3A_1982 : i32 to vector<16xi32>
    %select_n3A_1985 = arith.select %ge3A_1980, %broadcast_in_dim3A_1983, %broadcast_in_dim3A_1984 : vector<16xi1>, vector<16xi32>
    %add3A_1986 = arith.addi %select_n3A_1977, %select_n3A_1985 : vector<16xi32>
    %ge3A_1987 = arith.constant 49152 : i32
    %ge3A_1988 = vector.broadcast %ge3A_1987 : i32 to vector<16xi32>
    %ge3A_1989 = arith.cmpi sge, %get3A_1969, %ge3A_1988 : vector<16xi32>
    %jit3A_1990 = arith.constant 1 : i32
    %jit3A_1991 = arith.constant 0 : i32
    %broadcast_in_dim3A_1992 = vector.broadcast %jit3A_1990 : i32 to vector<16xi32>
    %broadcast_in_dim3A_1993 = vector.broadcast %jit3A_1991 : i32 to vector<16xi32>
    %select_n3A_1994 = arith.select %ge3A_1989, %broadcast_in_dim3A_1992, %broadcast_in_dim3A_1993 : vector<16xi1>, vector<16xi32>
    %add3A_1995 = arith.addi %add3A_1986, %select_n3A_1994 : vector<16xi32>
    %ge3A_1996 = arith.constant 65536 : i32
    %ge3A_1997 = vector.broadcast %ge3A_1996 : i32 to vector<16xi32>
    %ge3A_1998 = arith.cmpi sge, %get3A_1969, %ge3A_1997 : vector<16xi32>
    %jit3A_1999 = arith.constant 1 : i32
    %jit3A_2000 = arith.constant 0 : i32
    %broadcast_in_dim3A_2001 = vector.broadcast %jit3A_1999 : i32 to vector<16xi32>
    %broadcast_in_dim3A_2002 = vector.broadcast %jit3A_2000 : i32 to vector<16xi32>
    %select_n3A_2003 = arith.select %ge3A_1998, %broadcast_in_dim3A_2001, %broadcast_in_dim3A_2002 : vector<16xi1>, vector<16xi32>
    %add3A_2004 = arith.addi %add3A_1995, %select_n3A_2003 : vector<16xi32>
    %ge3A_2005 = arith.constant 81920 : i32
    %ge3A_2006 = vector.broadcast %ge3A_2005 : i32 to vector<16xi32>
    %ge3A_2007 = arith.cmpi sge, %get3A_1969, %ge3A_2006 : vector<16xi32>
    %jit3A_2008 = arith.constant 1 : i32
    %jit3A_2009 = arith.constant 0 : i32
    %broadcast_in_dim3A_2010 = vector.broadcast %jit3A_2008 : i32 to vector<16xi32>
    %broadcast_in_dim3A_2011 = vector.broadcast %jit3A_2009 : i32 to vector<16xi32>
    %select_n3A_2012 = arith.select %ge3A_2007, %broadcast_in_dim3A_2010, %broadcast_in_dim3A_2011 : vector<16xi1>, vector<16xi32>
    %add3A_2013 = arith.addi %add3A_2004, %select_n3A_2012 : vector<16xi32>
    %ge3A_2014 = arith.constant 98304 : i32
    %ge3A_2015 = vector.broadcast %ge3A_2014 : i32 to vector<16xi32>
    %ge3A_2016 = arith.cmpi sge, %get3A_1969, %ge3A_2015 : vector<16xi32>
    %jit3A_2017 = arith.constant 1 : i32
    %jit3A_2018 = arith.constant 0 : i32
    %broadcast_in_dim3A_2019 = vector.broadcast %jit3A_2017 : i32 to vector<16xi32>
    %broadcast_in_dim3A_2020 = vector.broadcast %jit3A_2018 : i32 to vector<16xi32>
    %select_n3A_2021 = arith.select %ge3A_2016, %broadcast_in_dim3A_2019, %broadcast_in_dim3A_2020 : vector<16xi1>, vector<16xi32>
    %add3A_2022 = arith.addi %add3A_2013, %select_n3A_2021 : vector<16xi32>
    %ge3A_2023 = arith.constant 114688 : i32
    %ge3A_2024 = vector.broadcast %ge3A_2023 : i32 to vector<16xi32>
    %ge3A_2025 = arith.cmpi sge, %get3A_1969, %ge3A_2024 : vector<16xi32>
    %jit3A_2026 = arith.constant 1 : i32
    %jit3A_2027 = arith.constant 0 : i32
    %broadcast_in_dim3A_2028 = vector.broadcast %jit3A_2026 : i32 to vector<16xi32>
    %broadcast_in_dim3A_2029 = vector.broadcast %jit3A_2027 : i32 to vector<16xi32>
    %select_n3A_2030 = arith.select %ge3A_2025, %broadcast_in_dim3A_2028, %broadcast_in_dim3A_2029 : vector<16xi1>, vector<16xi32>
    %add3A_2031 = arith.addi %add3A_2022, %select_n3A_2030 : vector<16xi32>
    %mul3A_2032 = arith.constant 16384 : i32
    %mul3A_2033 = vector.broadcast %mul3A_2032 : i32 to vector<16xi32>
    %mul3A_2034 = arith.muli %add3A_2031, %mul3A_2033 : vector<16xi32>
    %sub3A_2035 = arith.subi %get3A_1969, %mul3A_2034 : vector<16xi32>
    %swap3A_2036 = arith.constant 432 : index
    %swap3A_2037 = tpu.vector_load %arg5[%swap3A_2036] {strides = array<i32>} : memref<512xi32, #tpu.memory_space<vmem>>, vector<16xi32>,
    %swap3A_2038 = vector.shape_cast %swap3A_2037 : vector<16xi32> to vector<16xi32>
    %swap3A_2039 = vector.shape_cast %sub3A_2035 : vector<16xi32> to vector<16xi32>
    tpu.vector_store %arg5[%swap3A_2036], %swap3A_2039 {strides = array<i32>} : memref<512xi32, #tpu.memory_space<vmem>>, vector<16xi32>,
    %get3A_2040 = arith.constant 448 : index
    %get3A_2041 = tpu.vector_load %arg5[%get3A_2040] {strides = array<i32>} : memref<512xi32, #tpu.memory_space<vmem>>, vector<16xi32>,
    %get3A_2042 = vector.shape_cast %get3A_2041 : vector<16xi32> to vector<16xi32>
    %ge3A_2043 = arith.constant 16384 : i32
    %ge3A_2044 = vector.broadcast %ge3A_2043 : i32 to vector<16xi32>
    %ge3A_2045 = arith.cmpi sge, %get3A_2042, %ge3A_2044 : vector<16xi32>
    %jit3A_2046 = arith.constant 1 : i32
    %jit3A_2047 = arith.constant 0 : i32
    %broadcast_in_dim3A_2048 = vector.broadcast %jit3A_2046 : i32 to vector<16xi32>
    %broadcast_in_dim3A_2049 = vector.broadcast %jit3A_2047 : i32 to vector<16xi32>
    %select_n3A_2050 = arith.select %ge3A_2045, %broadcast_in_dim3A_2048, %broadcast_in_dim3A_2049 : vector<16xi1>, vector<16xi32>
    %ge3A_2051 = arith.constant 32768 : i32
    %ge3A_2052 = vector.broadcast %ge3A_2051 : i32 to vector<16xi32>
    %ge3A_2053 = arith.cmpi sge, %get3A_2042, %ge3A_2052 : vector<16xi32>
    %jit3A_2054 = arith.constant 1 : i32
    %jit3A_2055 = arith.constant 0 : i32
    %broadcast_in_dim3A_2056 = vector.broadcast %jit3A_2054 : i32 to vector<16xi32>
    %broadcast_in_dim3A_2057 = vector.broadcast %jit3A_2055 : i32 to vector<16xi32>
    %select_n3A_2058 = arith.select %ge3A_2053, %broadcast_in_dim3A_2056, %broadcast_in_dim3A_2057 : vector<16xi1>, vector<16xi32>
    %add3A_2059 = arith.addi %select_n3A_2050, %select_n3A_2058 : vector<16xi32>
    %ge3A_2060 = arith.constant 49152 : i32
    %ge3A_2061 = vector.broadcast %ge3A_2060 : i32 to vector<16xi32>
    %ge3A_2062 = arith.cmpi sge, %get3A_2042, %ge3A_2061 : vector<16xi32>
    %jit3A_2063 = arith.constant 1 : i32
    %jit3A_2064 = arith.constant 0 : i32
    %broadcast_in_dim3A_2065 = vector.broadcast %jit3A_2063 : i32 to vector<16xi32>
    %broadcast_in_dim3A_2066 = vector.broadcast %jit3A_2064 : i32 to vector<16xi32>
    %select_n3A_2067 = arith.select %ge3A_2062, %broadcast_in_dim3A_2065, %broadcast_in_dim3A_2066 : vector<16xi1>, vector<16xi32>
    %add3A_2068 = arith.addi %add3A_2059, %select_n3A_2067 : vector<16xi32>
    %ge3A_2069 = arith.constant 65536 : i32
    %ge3A_2070 = vector.broadcast %ge3A_2069 : i32 to vector<16xi32>
    %ge3A_2071 = arith.cmpi sge, %get3A_2042, %ge3A_2070 : vector<16xi32>
    %jit3A_2072 = arith.constant 1 : i32
    %jit3A_2073 = arith.constant 0 : i32
    %broadcast_in_dim3A_2074 = vector.broadcast %jit3A_2072 : i32 to vector<16xi32>
    %broadcast_in_dim3A_2075 = vector.broadcast %jit3A_2073 : i32 to vector<16xi32>
    %select_n3A_2076 = arith.select %ge3A_2071, %broadcast_in_dim3A_2074, %broadcast_in_dim3A_2075 : vector<16xi1>, vector<16xi32>
    %add3A_2077 = arith.addi %add3A_2068, %select_n3A_2076 : vector<16xi32>
    %ge3A_2078 = arith.constant 81920 : i32
    %ge3A_2079 = vector.broadcast %ge3A_2078 : i32 to vector<16xi32>
    %ge3A_2080 = arith.cmpi sge, %get3A_2042, %ge3A_2079 : vector<16xi32>
    %jit3A_2081 = arith.constant 1 : i32
    %jit3A_2082 = arith.constant 0 : i32
    %broadcast_in_dim3A_2083 = vector.broadcast %jit3A_2081 : i32 to vector<16xi32>
    %broadcast_in_dim3A_2084 = vector.broadcast %jit3A_2082 : i32 to vector<16xi32>
    %select_n3A_2085 = arith.select %ge3A_2080, %broadcast_in_dim3A_2083, %broadcast_in_dim3A_2084 : vector<16xi1>, vector<16xi32>
    %add3A_2086 = arith.addi %add3A_2077, %select_n3A_2085 : vector<16xi32>
    %ge3A_2087 = arith.constant 98304 : i32
    %ge3A_2088 = vector.broadcast %ge3A_2087 : i32 to vector<16xi32>
    %ge3A_2089 = arith.cmpi sge, %get3A_2042, %ge3A_2088 : vector<16xi32>
    %jit3A_2090 = arith.constant 1 : i32
    %jit3A_2091 = arith.constant 0 : i32
    %broadcast_in_dim3A_2092 = vector.broadcast %jit3A_2090 : i32 to vector<16xi32>
    %broadcast_in_dim3A_2093 = vector.broadcast %jit3A_2091 : i32 to vector<16xi32>
    %select_n3A_2094 = arith.select %ge3A_2089, %broadcast_in_dim3A_2092, %broadcast_in_dim3A_2093 : vector<16xi1>, vector<16xi32>
    %add3A_2095 = arith.addi %add3A_2086, %select_n3A_2094 : vector<16xi32>
    %ge3A_2096 = arith.constant 114688 : i32
    %ge3A_2097 = vector.broadcast %ge3A_2096 : i32 to vector<16xi32>
    %ge3A_2098 = arith.cmpi sge, %get3A_2042, %ge3A_2097 : vector<16xi32>
    %jit3A_2099 = arith.constant 1 : i32
    %jit3A_2100 = arith.constant 0 : i32
    %broadcast_in_dim3A_2101 = vector.broadcast %jit3A_2099 : i32 to vector<16xi32>
    %broadcast_in_dim3A_2102 = vector.broadcast %jit3A_2100 : i32 to vector<16xi32>
    %select_n3A_2103 = arith.select %ge3A_2098, %broadcast_in_dim3A_2101, %broadcast_in_dim3A_2102 : vector<16xi1>, vector<16xi32>
    %add3A_2104 = arith.addi %add3A_2095, %select_n3A_2103 : vector<16xi32>
    %mul3A_2105 = arith.constant 16384 : i32
    %mul3A_2106 = vector.broadcast %mul3A_2105 : i32 to vector<16xi32>
    %mul3A_2107 = arith.muli %add3A_2104, %mul3A_2106 : vector<16xi32>
    %sub3A_2108 = arith.subi %get3A_2042, %mul3A_2107 : vector<16xi32>
    %swap3A_2109 = arith.constant 448 : index
    %swap3A_2110 = tpu.vector_load %arg5[%swap3A_2109] {strides = array<i32>} : memref<512xi32, #tpu.memory_space<vmem>>, vector<16xi32>,
    %swap3A_2111 = vector.shape_cast %swap3A_2110 : vector<16xi32> to vector<16xi32>
    %swap3A_2112 = vector.shape_cast %sub3A_2108 : vector<16xi32> to vector<16xi32>
    tpu.vector_store %arg5[%swap3A_2109], %swap3A_2112 {strides = array<i32>} : memref<512xi32, #tpu.memory_space<vmem>>, vector<16xi32>,
    %get3A_2113 = arith.constant 464 : index
    %get3A_2114 = tpu.vector_load %arg5[%get3A_2113] {strides = array<i32>} : memref<512xi32, #tpu.memory_space<vmem>>, vector<16xi32>,
    %get3A_2115 = vector.shape_cast %get3A_2114 : vector<16xi32> to vector<16xi32>
    %ge3A_2116 = arith.constant 16384 : i32
    %ge3A_2117 = vector.broadcast %ge3A_2116 : i32 to vector<16xi32>
    %ge3A_2118 = arith.cmpi sge, %get3A_2115, %ge3A_2117 : vector<16xi32>
    %jit3A_2119 = arith.constant 1 : i32
    %jit3A_2120 = arith.constant 0 : i32
    %broadcast_in_dim3A_2121 = vector.broadcast %jit3A_2119 : i32 to vector<16xi32>
    %broadcast_in_dim3A_2122 = vector.broadcast %jit3A_2120 : i32 to vector<16xi32>
    %select_n3A_2123 = arith.select %ge3A_2118, %broadcast_in_dim3A_2121, %broadcast_in_dim3A_2122 : vector<16xi1>, vector<16xi32>
    %ge3A_2124 = arith.constant 32768 : i32
    %ge3A_2125 = vector.broadcast %ge3A_2124 : i32 to vector<16xi32>
    %ge3A_2126 = arith.cmpi sge, %get3A_2115, %ge3A_2125 : vector<16xi32>
    %jit3A_2127 = arith.constant 1 : i32
    %jit3A_2128 = arith.constant 0 : i32
    %broadcast_in_dim3A_2129 = vector.broadcast %jit3A_2127 : i32 to vector<16xi32>
    %broadcast_in_dim3A_2130 = vector.broadcast %jit3A_2128 : i32 to vector<16xi32>
    %select_n3A_2131 = arith.select %ge3A_2126, %broadcast_in_dim3A_2129, %broadcast_in_dim3A_2130 : vector<16xi1>, vector<16xi32>
    %add3A_2132 = arith.addi %select_n3A_2123, %select_n3A_2131 : vector<16xi32>
    %ge3A_2133 = arith.constant 49152 : i32
    %ge3A_2134 = vector.broadcast %ge3A_2133 : i32 to vector<16xi32>
    %ge3A_2135 = arith.cmpi sge, %get3A_2115, %ge3A_2134 : vector<16xi32>
    %jit3A_2136 = arith.constant 1 : i32
    %jit3A_2137 = arith.constant 0 : i32
    %broadcast_in_dim3A_2138 = vector.broadcast %jit3A_2136 : i32 to vector<16xi32>
    %broadcast_in_dim3A_2139 = vector.broadcast %jit3A_2137 : i32 to vector<16xi32>
    %select_n3A_2140 = arith.select %ge3A_2135, %broadcast_in_dim3A_2138, %broadcast_in_dim3A_2139 : vector<16xi1>, vector<16xi32>
    %add3A_2141 = arith.addi %add3A_2132, %select_n3A_2140 : vector<16xi32>
    %ge3A_2142 = arith.constant 65536 : i32
    %ge3A_2143 = vector.broadcast %ge3A_2142 : i32 to vector<16xi32>
    %ge3A_2144 = arith.cmpi sge, %get3A_2115, %ge3A_2143 : vector<16xi32>
    %jit3A_2145 = arith.constant 1 : i32
    %jit3A_2146 = arith.constant 0 : i32
    %broadcast_in_dim3A_2147 = vector.broadcast %jit3A_2145 : i32 to vector<16xi32>
    %broadcast_in_dim3A_2148 = vector.broadcast %jit3A_2146 : i32 to vector<16xi32>
    %select_n3A_2149 = arith.select %ge3A_2144, %broadcast_in_dim3A_2147, %broadcast_in_dim3A_2148 : vector<16xi1>, vector<16xi32>
    %add3A_2150 = arith.addi %add3A_2141, %select_n3A_2149 : vector<16xi32>
    %ge3A_2151 = arith.constant 81920 : i32
    %ge3A_2152 = vector.broadcast %ge3A_2151 : i32 to vector<16xi32>
    %ge3A_2153 = arith.cmpi sge, %get3A_2115, %ge3A_2152 : vector<16xi32>
    %jit3A_2154 = arith.constant 1 : i32
    %jit3A_2155 = arith.constant 0 : i32
    %broadcast_in_dim3A_2156 = vector.broadcast %jit3A_2154 : i32 to vector<16xi32>
    %broadcast_in_dim3A_2157 = vector.broadcast %jit3A_2155 : i32 to vector<16xi32>
    %select_n3A_2158 = arith.select %ge3A_2153, %broadcast_in_dim3A_2156, %broadcast_in_dim3A_2157 : vector<16xi1>, vector<16xi32>
    %add3A_2159 = arith.addi %add3A_2150, %select_n3A_2158 : vector<16xi32>
    %ge3A_2160 = arith.constant 98304 : i32
    %ge3A_2161 = vector.broadcast %ge3A_2160 : i32 to vector<16xi32>
    %ge3A_2162 = arith.cmpi sge, %get3A_2115, %ge3A_2161 : vector<16xi32>
    %jit3A_2163 = arith.constant 1 : i32
    %jit3A_2164 = arith.constant 0 : i32
    %broadcast_in_dim3A_2165 = vector.broadcast %jit3A_2163 : i32 to vector<16xi32>
    %broadcast_in_dim3A_2166 = vector.broadcast %jit3A_2164 : i32 to vector<16xi32>
    %select_n3A_2167 = arith.select %ge3A_2162, %broadcast_in_dim3A_2165, %broadcast_in_dim3A_2166 : vector<16xi1>, vector<16xi32>
    %add3A_2168 = arith.addi %add3A_2159, %select_n3A_2167 : vector<16xi32>
    %ge3A_2169 = arith.constant 114688 : i32
    %ge3A_2170 = vector.broadcast %ge3A_2169 : i32 to vector<16xi32>
    %ge3A_2171 = arith.cmpi sge, %get3A_2115, %ge3A_2170 : vector<16xi32>
    %jit3A_2172 = arith.constant 1 : i32
    %jit3A_2173 = arith.constant 0 : i32
    %broadcast_in_dim3A_2174 = vector.broadcast %jit3A_2172 : i32 to vector<16xi32>
    %broadcast_in_dim3A_2175 = vector.broadcast %jit3A_2173 : i32 to vector<16xi32>
    %select_n3A_2176 = arith.select %ge3A_2171, %broadcast_in_dim3A_2174, %broadcast_in_dim3A_2175 : vector<16xi1>, vector<16xi32>
    %add3A_2177 = arith.addi %add3A_2168, %select_n3A_2176 : vector<16xi32>
    %mul3A_2178 = arith.constant 16384 : i32
    %mul3A_2179 = vector.broadcast %mul3A_2178 : i32 to vector<16xi32>
    %mul3A_2180 = arith.muli %add3A_2177, %mul3A_2179 : vector<16xi32>
    %sub3A_2181 = arith.subi %get3A_2115, %mul3A_2180 : vector<16xi32>
    %swap3A_2182 = arith.constant 464 : index
    %swap3A_2183 = tpu.vector_load %arg5[%swap3A_2182] {strides = array<i32>} : memref<512xi32, #tpu.memory_space<vmem>>, vector<16xi32>,
    %swap3A_2184 = vector.shape_cast %swap3A_2183 : vector<16xi32> to vector<16xi32>
    %swap3A_2185 = vector.shape_cast %sub3A_2181 : vector<16xi32> to vector<16xi32>
    tpu.vector_store %arg5[%swap3A_2182], %swap3A_2185 {strides = array<i32>} : memref<512xi32, #tpu.memory_space<vmem>>, vector<16xi32>,
    %get3A_2186 = arith.constant 480 : index
    %get3A_2187 = tpu.vector_load %arg5[%get3A_2186] {strides = array<i32>} : memref<512xi32, #tpu.memory_space<vmem>>, vector<16xi32>,
    %get3A_2188 = vector.shape_cast %get3A_2187 : vector<16xi32> to vector<16xi32>
    %ge3A_2189 = arith.constant 16384 : i32
    %ge3A_2190 = vector.broadcast %ge3A_2189 : i32 to vector<16xi32>
    %ge3A_2191 = arith.cmpi sge, %get3A_2188, %ge3A_2190 : vector<16xi32>
    %jit3A_2192 = arith.constant 1 : i32
    %jit3A_2193 = arith.constant 0 : i32
    %broadcast_in_dim3A_2194 = vector.broadcast %jit3A_2192 : i32 to vector<16xi32>
    %broadcast_in_dim3A_2195 = vector.broadcast %jit3A_2193 : i32 to vector<16xi32>
    %select_n3A_2196 = arith.select %ge3A_2191, %broadcast_in_dim3A_2194, %broadcast_in_dim3A_2195 : vector<16xi1>, vector<16xi32>
    %ge3A_2197 = arith.constant 32768 : i32
    %ge3A_2198 = vector.broadcast %ge3A_2197 : i32 to vector<16xi32>
    %ge3A_2199 = arith.cmpi sge, %get3A_2188, %ge3A_2198 : vector<16xi32>
    %jit3A_2200 = arith.constant 1 : i32
    %jit3A_2201 = arith.constant 0 : i32
    %broadcast_in_dim3A_2202 = vector.broadcast %jit3A_2200 : i32 to vector<16xi32>
    %broadcast_in_dim3A_2203 = vector.broadcast %jit3A_2201 : i32 to vector<16xi32>
    %select_n3A_2204 = arith.select %ge3A_2199, %broadcast_in_dim3A_2202, %broadcast_in_dim3A_2203 : vector<16xi1>, vector<16xi32>
    %add3A_2205 = arith.addi %select_n3A_2196, %select_n3A_2204 : vector<16xi32>
    %ge3A_2206 = arith.constant 49152 : i32
    %ge3A_2207 = vector.broadcast %ge3A_2206 : i32 to vector<16xi32>
    %ge3A_2208 = arith.cmpi sge, %get3A_2188, %ge3A_2207 : vector<16xi32>
    %jit3A_2209 = arith.constant 1 : i32
    %jit3A_2210 = arith.constant 0 : i32
    %broadcast_in_dim3A_2211 = vector.broadcast %jit3A_2209 : i32 to vector<16xi32>
    %broadcast_in_dim3A_2212 = vector.broadcast %jit3A_2210 : i32 to vector<16xi32>
    %select_n3A_2213 = arith.select %ge3A_2208, %broadcast_in_dim3A_2211, %broadcast_in_dim3A_2212 : vector<16xi1>, vector<16xi32>
    %add3A_2214 = arith.addi %add3A_2205, %select_n3A_2213 : vector<16xi32>
    %ge3A_2215 = arith.constant 65536 : i32
    %ge3A_2216 = vector.broadcast %ge3A_2215 : i32 to vector<16xi32>
    %ge3A_2217 = arith.cmpi sge, %get3A_2188, %ge3A_2216 : vector<16xi32>
    %jit3A_2218 = arith.constant 1 : i32
    %jit3A_2219 = arith.constant 0 : i32
    %broadcast_in_dim3A_2220 = vector.broadcast %jit3A_2218 : i32 to vector<16xi32>
    %broadcast_in_dim3A_2221 = vector.broadcast %jit3A_2219 : i32 to vector<16xi32>
    %select_n3A_2222 = arith.select %ge3A_2217, %broadcast_in_dim3A_2220, %broadcast_in_dim3A_2221 : vector<16xi1>, vector<16xi32>
    %add3A_2223 = arith.addi %add3A_2214, %select_n3A_2222 : vector<16xi32>
    %ge3A_2224 = arith.constant 81920 : i32
    %ge3A_2225 = vector.broadcast %ge3A_2224 : i32 to vector<16xi32>
    %ge3A_2226 = arith.cmpi sge, %get3A_2188, %ge3A_2225 : vector<16xi32>
    %jit3A_2227 = arith.constant 1 : i32
    %jit3A_2228 = arith.constant 0 : i32
    %broadcast_in_dim3A_2229 = vector.broadcast %jit3A_2227 : i32 to vector<16xi32>
    %broadcast_in_dim3A_2230 = vector.broadcast %jit3A_2228 : i32 to vector<16xi32>
    %select_n3A_2231 = arith.select %ge3A_2226, %broadcast_in_dim3A_2229, %broadcast_in_dim3A_2230 : vector<16xi1>, vector<16xi32>
    %add3A_2232 = arith.addi %add3A_2223, %select_n3A_2231 : vector<16xi32>
    %ge3A_2233 = arith.constant 98304 : i32
    %ge3A_2234 = vector.broadcast %ge3A_2233 : i32 to vector<16xi32>
    %ge3A_2235 = arith.cmpi sge, %get3A_2188, %ge3A_2234 : vector<16xi32>
    %jit3A_2236 = arith.constant 1 : i32
    %jit3A_2237 = arith.constant 0 : i32
    %broadcast_in_dim3A_2238 = vector.broadcast %jit3A_2236 : i32 to vector<16xi32>
    %broadcast_in_dim3A_2239 = vector.broadcast %jit3A_2237 : i32 to vector<16xi32>
    %select_n3A_2240 = arith.select %ge3A_2235, %broadcast_in_dim3A_2238, %broadcast_in_dim3A_2239 : vector<16xi1>, vector<16xi32>
    %add3A_2241 = arith.addi %add3A_2232, %select_n3A_2240 : vector<16xi32>
    %ge3A_2242 = arith.constant 114688 : i32
    %ge3A_2243 = vector.broadcast %ge3A_2242 : i32 to vector<16xi32>
    %ge3A_2244 = arith.cmpi sge, %get3A_2188, %ge3A_2243 : vector<16xi32>
    %jit3A_2245 = arith.constant 1 : i32
    %jit3A_2246 = arith.constant 0 : i32
    %broadcast_in_dim3A_2247 = vector.broadcast %jit3A_2245 : i32 to vector<16xi32>
    %broadcast_in_dim3A_2248 = vector.broadcast %jit3A_2246 : i32 to vector<16xi32>
    %select_n3A_2249 = arith.select %ge3A_2244, %broadcast_in_dim3A_2247, %broadcast_in_dim3A_2248 : vector<16xi1>, vector<16xi32>
    %add3A_2250 = arith.addi %add3A_2241, %select_n3A_2249 : vector<16xi32>
    %mul3A_2251 = arith.constant 16384 : i32
    %mul3A_2252 = vector.broadcast %mul3A_2251 : i32 to vector<16xi32>
    %mul3A_2253 = arith.muli %add3A_2250, %mul3A_2252 : vector<16xi32>
    %sub3A_2254 = arith.subi %get3A_2188, %mul3A_2253 : vector<16xi32>
    %swap3A_2255 = arith.constant 480 : index
    %swap3A_2256 = tpu.vector_load %arg5[%swap3A_2255] {strides = array<i32>} : memref<512xi32, #tpu.memory_space<vmem>>, vector<16xi32>,
    %swap3A_2257 = vector.shape_cast %swap3A_2256 : vector<16xi32> to vector<16xi32>
    %swap3A_2258 = vector.shape_cast %sub3A_2254 : vector<16xi32> to vector<16xi32>
    tpu.vector_store %arg5[%swap3A_2255], %swap3A_2258 {strides = array<i32>} : memref<512xi32, #tpu.memory_space<vmem>>, vector<16xi32>,
    %get3A_2259 = arith.constant 496 : index
    %get3A_2260 = tpu.vector_load %arg5[%get3A_2259] {strides = array<i32>} : memref<512xi32, #tpu.memory_space<vmem>>, vector<16xi32>,
    %get3A_2261 = vector.shape_cast %get3A_2260 : vector<16xi32> to vector<16xi32>
    %ge3A_2262 = arith.constant 16384 : i32
    %ge3A_2263 = vector.broadcast %ge3A_2262 : i32 to vector<16xi32>
    %ge3A_2264 = arith.cmpi sge, %get3A_2261, %ge3A_2263 : vector<16xi32>
    %jit3A_2265 = arith.constant 1 : i32
    %jit3A_2266 = arith.constant 0 : i32
    %broadcast_in_dim3A_2267 = vector.broadcast %jit3A_2265 : i32 to vector<16xi32>
    %broadcast_in_dim3A_2268 = vector.broadcast %jit3A_2266 : i32 to vector<16xi32>
    %select_n3A_2269 = arith.select %ge3A_2264, %broadcast_in_dim3A_2267, %broadcast_in_dim3A_2268 : vector<16xi1>, vector<16xi32>
    %ge3A_2270 = arith.constant 32768 : i32
    %ge3A_2271 = vector.broadcast %ge3A_2270 : i32 to vector<16xi32>
    %ge3A_2272 = arith.cmpi sge, %get3A_2261, %ge3A_2271 : vector<16xi32>
    %jit3A_2273 = arith.constant 1 : i32
    %jit3A_2274 = arith.constant 0 : i32
    %broadcast_in_dim3A_2275 = vector.broadcast %jit3A_2273 : i32 to vector<16xi32>
    %broadcast_in_dim3A_2276 = vector.broadcast %jit3A_2274 : i32 to vector<16xi32>
    %select_n3A_2277 = arith.select %ge3A_2272, %broadcast_in_dim3A_2275, %broadcast_in_dim3A_2276 : vector<16xi1>, vector<16xi32>
    %add3A_2278 = arith.addi %select_n3A_2269, %select_n3A_2277 : vector<16xi32>
    %ge3A_2279 = arith.constant 49152 : i32
    %ge3A_2280 = vector.broadcast %ge3A_2279 : i32 to vector<16xi32>
    %ge3A_2281 = arith.cmpi sge, %get3A_2261, %ge3A_2280 : vector<16xi32>
    %jit3A_2282 = arith.constant 1 : i32
    %jit3A_2283 = arith.constant 0 : i32
    %broadcast_in_dim3A_2284 = vector.broadcast %jit3A_2282 : i32 to vector<16xi32>
    %broadcast_in_dim3A_2285 = vector.broadcast %jit3A_2283 : i32 to vector<16xi32>
    %select_n3A_2286 = arith.select %ge3A_2281, %broadcast_in_dim3A_2284, %broadcast_in_dim3A_2285 : vector<16xi1>, vector<16xi32>
    %add3A_2287 = arith.addi %add3A_2278, %select_n3A_2286 : vector<16xi32>
    %ge3A_2288 = arith.constant 65536 : i32
    %ge3A_2289 = vector.broadcast %ge3A_2288 : i32 to vector<16xi32>
    %ge3A_2290 = arith.cmpi sge, %get3A_2261, %ge3A_2289 : vector<16xi32>
    %jit3A_2291 = arith.constant 1 : i32
    %jit3A_2292 = arith.constant 0 : i32
    %broadcast_in_dim3A_2293 = vector.broadcast %jit3A_2291 : i32 to vector<16xi32>
    %broadcast_in_dim3A_2294 = vector.broadcast %jit3A_2292 : i32 to vector<16xi32>
    %select_n3A_2295 = arith.select %ge3A_2290, %broadcast_in_dim3A_2293, %broadcast_in_dim3A_2294 : vector<16xi1>, vector<16xi32>
    %add3A_2296 = arith.addi %add3A_2287, %select_n3A_2295 : vector<16xi32>
    %ge3A_2297 = arith.constant 81920 : i32
    %ge3A_2298 = vector.broadcast %ge3A_2297 : i32 to vector<16xi32>
    %ge3A_2299 = arith.cmpi sge, %get3A_2261, %ge3A_2298 : vector<16xi32>
    %jit3A_2300 = arith.constant 1 : i32
    %jit3A_2301 = arith.constant 0 : i32
    %broadcast_in_dim3A_2302 = vector.broadcast %jit3A_2300 : i32 to vector<16xi32>
    %broadcast_in_dim3A_2303 = vector.broadcast %jit3A_2301 : i32 to vector<16xi32>
    %select_n3A_2304 = arith.select %ge3A_2299, %broadcast_in_dim3A_2302, %broadcast_in_dim3A_2303 : vector<16xi1>, vector<16xi32>
    %add3A_2305 = arith.addi %add3A_2296, %select_n3A_2304 : vector<16xi32>
    %ge3A_2306 = arith.constant 98304 : i32
    %ge3A_2307 = vector.broadcast %ge3A_2306 : i32 to vector<16xi32>
    %ge3A_2308 = arith.cmpi sge, %get3A_2261, %ge3A_2307 : vector<16xi32>
    %jit3A_2309 = arith.constant 1 : i32
    %jit3A_2310 = arith.constant 0 : i32
    %broadcast_in_dim3A_2311 = vector.broadcast %jit3A_2309 : i32 to vector<16xi32>
    %broadcast_in_dim3A_2312 = vector.broadcast %jit3A_2310 : i32 to vector<16xi32>
    %select_n3A_2313 = arith.select %ge3A_2308, %broadcast_in_dim3A_2311, %broadcast_in_dim3A_2312 : vector<16xi1>, vector<16xi32>
    %add3A_2314 = arith.addi %add3A_2305, %select_n3A_2313 : vector<16xi32>
    %ge3A_2315 = arith.constant 114688 : i32
    %ge3A_2316 = vector.broadcast %ge3A_2315 : i32 to vector<16xi32>
    %ge3A_2317 = arith.cmpi sge, %get3A_2261, %ge3A_2316 : vector<16xi32>
    %jit3A_2318 = arith.constant 1 : i32
    %jit3A_2319 = arith.constant 0 : i32
    %broadcast_in_dim3A_2320 = vector.broadcast %jit3A_2318 : i32 to vector<16xi32>
    %broadcast_in_dim3A_2321 = vector.broadcast %jit3A_2319 : i32 to vector<16xi32>
    %select_n3A_2322 = arith.select %ge3A_2317, %broadcast_in_dim3A_2320, %broadcast_in_dim3A_2321 : vector<16xi1>, vector<16xi32>
    %add3A_2323 = arith.addi %add3A_2314, %select_n3A_2322 : vector<16xi32>
    %mul3A_2324 = arith.constant 16384 : i32
    %mul3A_2325 = vector.broadcast %mul3A_2324 : i32 to vector<16xi32>
    %mul3A_2326 = arith.muli %add3A_2323, %mul3A_2325 : vector<16xi32>
    %sub3A_2327 = arith.subi %get3A_2261, %mul3A_2326 : vector<16xi32>
    %swap3A_2328 = arith.constant 496 : index
    %swap3A_2329 = tpu.vector_load %arg5[%swap3A_2328] {strides = array<i32>} : memref<512xi32, #tpu.memory_space<vmem>>, vector<16xi32>,
    %swap3A_2330 = vector.shape_cast %swap3A_2329 : vector<16xi32> to vector<16xi32>
    %swap3A_2331 = vector.shape_cast %sub3A_2327 : vector<16xi32> to vector<16xi32>
    tpu.vector_store %arg5[%swap3A_2328], %swap3A_2331 {strides = array<i32>} : memref<512xi32, #tpu.memory_space<vmem>>, vector<16xi32>,
    %dma_start3A = arith.constant 0 : i32
    %dma_start3A_2332 = tpu.memref_slice %arg5[%dma_start3A] : memref<512xi32, #tpu.memory_space<vmem>> -> memref<128xi32, #tpu.memory_space<vmem>>
    %dma_start3A_2333 = arith.constant 0 : i32
    %dma_start3A_2334 = arith.constant 0 : i32
    %dma_start3A_2335 = tpu.memref_slice %arg3[%dma_start3A_2333, %dma_start3A_2334] : memref<16384x128xf32, #tpu.memory_space<hbm>> -> memref<16384x128xf32, #tpu.memory_space<hbm>>
    tpu.enqueue_indirect_dma source(%dma_start3A_2335 : memref<16384x128xf32, #tpu.memory_space<hbm>>) target(%arg6 : memref<128x128xf32, #tpu.memory_space<vmem>>) offsets(%dma_start3A_2332 : memref<128xi32, #tpu.memory_space<vmem>>) semaphore(%arg10 : memref<!tpu.dma_semaphore, #tpu.memory_space<semaphore_mem>>)
    %dma_start3A_2336 = arith.constant 128 : i32
    %dma_start3A_2337 = tpu.memref_slice %arg5[%dma_start3A_2336] : memref<512xi32, #tpu.memory_space<vmem>> -> memref<128xi32, #tpu.memory_space<vmem>>
    %dma_start3A_2338 = arith.constant 0 : i32
    %dma_start3A_2339 = arith.constant 0 : i32
    %dma_start3A_2340 = tpu.memref_slice %arg3[%dma_start3A_2338, %dma_start3A_2339] : memref<16384x128xf32, #tpu.memory_space<hbm>> -> memref<16384x128xf32, #tpu.memory_space<hbm>>
    tpu.enqueue_indirect_dma source(%dma_start3A_2340 : memref<16384x128xf32, #tpu.memory_space<hbm>>) target(%arg7 : memref<128x128xf32, #tpu.memory_space<vmem>>) offsets(%dma_start3A_2337 : memref<128xi32, #tpu.memory_space<vmem>>) semaphore(%arg10 : memref<!tpu.dma_semaphore, #tpu.memory_space<semaphore_mem>>)
    %dma_start3A_2341 = arith.constant 256 : i32
    %dma_start3A_2342 = tpu.memref_slice %arg5[%dma_start3A_2341] : memref<512xi32, #tpu.memory_space<vmem>> -> memref<128xi32, #tpu.memory_space<vmem>>
    %dma_start3A_2343 = arith.constant 0 : i32
    %dma_start3A_2344 = arith.constant 0 : i32
    %dma_start3A_2345 = tpu.memref_slice %arg3[%dma_start3A_2343, %dma_start3A_2344] : memref<16384x128xf32, #tpu.memory_space<hbm>> -> memref<16384x128xf32, #tpu.memory_space<hbm>>
    tpu.enqueue_indirect_dma source(%dma_start3A_2345 : memref<16384x128xf32, #tpu.memory_space<hbm>>) target(%arg8 : memref<128x128xf32, #tpu.memory_space<vmem>>) offsets(%dma_start3A_2342 : memref<128xi32, #tpu.memory_space<vmem>>) semaphore(%arg10 : memref<!tpu.dma_semaphore, #tpu.memory_space<semaphore_mem>>)
    %dma_start3A_2346 = arith.constant 384 : i32
    %dma_start3A_2347 = tpu.memref_slice %arg5[%dma_start3A_2346] : memref<512xi32, #tpu.memory_space<vmem>> -> memref<128xi32, #tpu.memory_space<vmem>>
    %dma_start3A_2348 = arith.constant 0 : i32
    %dma_start3A_2349 = arith.constant 0 : i32
    %dma_start3A_2350 = tpu.memref_slice %arg3[%dma_start3A_2348, %dma_start3A_2349] : memref<16384x128xf32, #tpu.memory_space<hbm>> -> memref<16384x128xf32, #tpu.memory_space<hbm>>
    tpu.enqueue_indirect_dma source(%dma_start3A_2350 : memref<16384x128xf32, #tpu.memory_space<hbm>>) target(%arg9 : memref<128x128xf32, #tpu.memory_space<vmem>>) offsets(%dma_start3A_2347 : memref<128xi32, #tpu.memory_space<vmem>>) semaphore(%arg10 : memref<!tpu.dma_semaphore, #tpu.memory_space<semaphore_mem>>)
    %dma_wait3A = arith.constant 0 : i32
    %dma_wait3A_2351 = tpu.memref_slice %arg5[%dma_wait3A] : memref<512xi32, #tpu.memory_space<vmem>> -> memref<128xi32, #tpu.memory_space<vmem>>
    %dma_wait3A_2352 = arith.constant 0 : i32
    %dma_wait3A_2353 = arith.constant 0 : i32
    %dma_wait3A_2354 = tpu.memref_slice %arg3[%dma_wait3A_2352, %dma_wait3A_2353] : memref<16384x128xf32, #tpu.memory_space<hbm>> -> memref<16384x128xf32, #tpu.memory_space<hbm>>
    tpu.wait_indirect_dma semaphore(%arg10 : memref<!tpu.dma_semaphore, #tpu.memory_space<semaphore_mem>>) src(%dma_wait3A_2354 : memref<16384x128xf32, #tpu.memory_space<hbm>>) dst(%arg6 : memref<128x128xf32, #tpu.memory_space<vmem>>)
    %dma_wait3A_2355 = arith.constant 128 : i32
    %dma_wait3A_2356 = tpu.memref_slice %arg5[%dma_wait3A_2355] : memref<512xi32, #tpu.memory_space<vmem>> -> memref<128xi32, #tpu.memory_space<vmem>>
    %dma_wait3A_2357 = arith.constant 0 : i32
    %dma_wait3A_2358 = arith.constant 0 : i32
    %dma_wait3A_2359 = tpu.memref_slice %arg3[%dma_wait3A_2357, %dma_wait3A_2358] : memref<16384x128xf32, #tpu.memory_space<hbm>> -> memref<16384x128xf32, #tpu.memory_space<hbm>>
    tpu.wait_indirect_dma semaphore(%arg10 : memref<!tpu.dma_semaphore, #tpu.memory_space<semaphore_mem>>) src(%dma_wait3A_2359 : memref<16384x128xf32, #tpu.memory_space<hbm>>) dst(%arg7 : memref<128x128xf32, #tpu.memory_space<vmem>>)
    %dma_wait3A_2360 = arith.constant 256 : i32
    %dma_wait3A_2361 = tpu.memref_slice %arg5[%dma_wait3A_2360] : memref<512xi32, #tpu.memory_space<vmem>> -> memref<128xi32, #tpu.memory_space<vmem>>
    %dma_wait3A_2362 = arith.constant 0 : i32
    %dma_wait3A_2363 = arith.constant 0 : i32
    %dma_wait3A_2364 = tpu.memref_slice %arg3[%dma_wait3A_2362, %dma_wait3A_2363] : memref<16384x128xf32, #tpu.memory_space<hbm>> -> memref<16384x128xf32, #tpu.memory_space<hbm>>
    tpu.wait_indirect_dma semaphore(%arg10 : memref<!tpu.dma_semaphore, #tpu.memory_space<semaphore_mem>>) src(%dma_wait3A_2364 : memref<16384x128xf32, #tpu.memory_space<hbm>>) dst(%arg8 : memref<128x128xf32, #tpu.memory_space<vmem>>)
    %dma_wait3A_2365 = arith.constant 384 : i32
    %dma_wait3A_2366 = tpu.memref_slice %arg5[%dma_wait3A_2365] : memref<512xi32, #tpu.memory_space<vmem>> -> memref<128xi32, #tpu.memory_space<vmem>>
    %dma_wait3A_2367 = arith.constant 0 : i32
    %dma_wait3A_2368 = arith.constant 0 : i32
    %dma_wait3A_2369 = tpu.memref_slice %arg3[%dma_wait3A_2367, %dma_wait3A_2368] : memref<16384x128xf32, #tpu.memory_space<hbm>> -> memref<16384x128xf32, #tpu.memory_space<hbm>>
    tpu.wait_indirect_dma semaphore(%arg10 : memref<!tpu.dma_semaphore, #tpu.memory_space<semaphore_mem>>) src(%dma_wait3A_2369 : memref<16384x128xf32, #tpu.memory_space<hbm>>) dst(%arg9 : memref<128x128xf32, #tpu.memory_space<vmem>>)
    %add3A_2370 = arith.constant 0 : i32
    %add3A_2371 = arith.addi %mul3A_2, %add3A_2370 : i32
    %dma_start3A_2372 = arith.constant 0 : i32
    %dma_start3A_2373 = tpu.memref_slice %arg4[%add3A_2371, %dma_start3A_2372] : memref<16384x128xf32, #tpu.memory_space<hbm>> -> memref<128x128xf32, #tpu.memory_space<hbm>>
    %dma_start3A_2374 = arith.constant 0 : i32
    %dma_start3A_2375 = tpu.memref_slice %arg4[%add3A_2371, %dma_start3A_2374] : memref<16384x128xf32, #tpu.memory_space<hbm>> -> memref<128x128xf32, #tpu.memory_space<hbm>>
    tpu.enqueue_dma source(%arg6 : memref<128x128xf32, #tpu.memory_space<vmem>>) target(%dma_start3A_2375 : memref<128x128xf32, #tpu.memory_space<hbm>>) target_semaphore(%arg11 : memref<!tpu.dma_semaphore, #tpu.memory_space<semaphore_mem>>)
    %add3A_2376 = arith.constant 128 : i32
    %add3A_2377 = arith.addi %mul3A_2, %add3A_2376 : i32
    %dma_start3A_2378 = arith.constant 0 : i32
    %dma_start3A_2379 = tpu.memref_slice %arg4[%add3A_2377, %dma_start3A_2378] : memref<16384x128xf32, #tpu.memory_space<hbm>> -> memref<128x128xf32, #tpu.memory_space<hbm>>
    %dma_start3A_2380 = arith.constant 0 : i32
    %dma_start3A_2381 = tpu.memref_slice %arg4[%add3A_2377, %dma_start3A_2380] : memref<16384x128xf32, #tpu.memory_space<hbm>> -> memref<128x128xf32, #tpu.memory_space<hbm>>
    tpu.enqueue_dma source(%arg7 : memref<128x128xf32, #tpu.memory_space<vmem>>) target(%dma_start3A_2381 : memref<128x128xf32, #tpu.memory_space<hbm>>) target_semaphore(%arg11 : memref<!tpu.dma_semaphore, #tpu.memory_space<semaphore_mem>>)
    %add3A_2382 = arith.constant 256 : i32
    %add3A_2383 = arith.addi %mul3A_2, %add3A_2382 : i32
    %dma_start3A_2384 = arith.constant 0 : i32
    %dma_start3A_2385 = tpu.memref_slice %arg4[%add3A_2383, %dma_start3A_2384] : memref<16384x128xf32, #tpu.memory_space<hbm>> -> memref<128x128xf32, #tpu.memory_space<hbm>>
    %dma_start3A_2386 = arith.constant 0 : i32
    %dma_start3A_2387 = tpu.memref_slice %arg4[%add3A_2383, %dma_start3A_2386] : memref<16384x128xf32, #tpu.memory_space<hbm>> -> memref<128x128xf32, #tpu.memory_space<hbm>>
    tpu.enqueue_dma source(%arg8 : memref<128x128xf32, #tpu.memory_space<vmem>>) target(%dma_start3A_2387 : memref<128x128xf32, #tpu.memory_space<hbm>>) target_semaphore(%arg11 : memref<!tpu.dma_semaphore, #tpu.memory_space<semaphore_mem>>)
    %add3A_2388 = arith.constant 384 : i32
    %add3A_2389 = arith.addi %mul3A_2, %add3A_2388 : i32
    %dma_start3A_2390 = arith.constant 0 : i32
    %dma_start3A_2391 = tpu.memref_slice %arg4[%add3A_2389, %dma_start3A_2390] : memref<16384x128xf32, #tpu.memory_space<hbm>> -> memref<128x128xf32, #tpu.memory_space<hbm>>
    %dma_start3A_2392 = arith.constant 0 : i32
    %dma_start3A_2393 = tpu.memref_slice %arg4[%add3A_2389, %dma_start3A_2392] : memref<16384x128xf32, #tpu.memory_space<hbm>> -> memref<128x128xf32, #tpu.memory_space<hbm>>
    tpu.enqueue_dma source(%arg9 : memref<128x128xf32, #tpu.memory_space<vmem>>) target(%dma_start3A_2393 : memref<128x128xf32, #tpu.memory_space<hbm>>) target_semaphore(%arg11 : memref<!tpu.dma_semaphore, #tpu.memory_space<semaphore_mem>>)
    %dma_wait3A_2394 = arith.constant 0 : i32
    %dma_wait3A_2395 = tpu.memref_slice %arg4[%add3A_2371, %dma_wait3A_2394] : memref<16384x128xf32, #tpu.memory_space<hbm>> -> memref<128x128xf32, #tpu.memory_space<hbm>>
    %dma_wait3A_2396 = arith.constant 0 : i32
    %dma_wait3A_2397 = tpu.memref_slice %arg4[%add3A_2371, %dma_wait3A_2396] : memref<16384x128xf32, #tpu.memory_space<hbm>> -> memref<128x128xf32, #tpu.memory_space<hbm>>
    tpu.wait_dma2 semaphore(%arg11 : memref<!tpu.dma_semaphore, #tpu.memory_space<semaphore_mem>>) src(%arg6 : memref<128x128xf32, #tpu.memory_space<vmem>>) dst(%dma_wait3A_2397 : memref<128x128xf32, #tpu.memory_space<hbm>>)
    %dma_wait3A_2398 = arith.constant 0 : i32
    %dma_wait3A_2399 = tpu.memref_slice %arg4[%add3A_2377, %dma_wait3A_2398] : memref<16384x128xf32, #tpu.memory_space<hbm>> -> memref<128x128xf32, #tpu.memory_space<hbm>>
    %dma_wait3A_2400 = arith.constant 0 : i32
    %dma_wait3A_2401 = tpu.memref_slice %arg4[%add3A_2377, %dma_wait3A_2400] : memref<16384x128xf32, #tpu.memory_space<hbm>> -> memref<128x128xf32, #tpu.memory_space<hbm>>
    tpu.wait_dma2 semaphore(%arg11 : memref<!tpu.dma_semaphore, #tpu.memory_space<semaphore_mem>>) src(%arg7 : memref<128x128xf32, #tpu.memory_space<vmem>>) dst(%dma_wait3A_2401 : memref<128x128xf32, #tpu.memory_space<hbm>>)
    %dma_wait3A_2402 = arith.constant 0 : i32
    %dma_wait3A_2403 = tpu.memref_slice %arg4[%add3A_2383, %dma_wait3A_2402] : memref<16384x128xf32, #tpu.memory_space<hbm>> -> memref<128x128xf32, #tpu.memory_space<hbm>>
    %dma_wait3A_2404 = arith.constant 0 : i32
    %dma_wait3A_2405 = tpu.memref_slice %arg4[%add3A_2383, %dma_wait3A_2404] : memref<16384x128xf32, #tpu.memory_space<hbm>> -> memref<128x128xf32, #tpu.memory_space<hbm>>
    tpu.wait_dma2 semaphore(%arg11 : memref<!tpu.dma_semaphore, #tpu.memory_space<semaphore_mem>>) src(%arg8 : memref<128x128xf32, #tpu.memory_space<vmem>>) dst(%dma_wait3A_2405 : memref<128x128xf32, #tpu.memory_space<hbm>>)
    %dma_wait3A_2406 = arith.constant 0 : i32
    %dma_wait3A_2407 = tpu.memref_slice %arg4[%add3A_2389, %dma_wait3A_2406] : memref<16384x128xf32, #tpu.memory_space<hbm>> -> memref<128x128xf32, #tpu.memory_space<hbm>>
    %dma_wait3A_2408 = arith.constant 0 : i32
    %dma_wait3A_2409 = tpu.memref_slice %arg4[%add3A_2389, %dma_wait3A_2408] : memref<16384x128xf32, #tpu.memory_space<hbm>> -> memref<128x128xf32, #tpu.memory_space<hbm>>
    tpu.wait_dma2 semaphore(%arg11 : memref<!tpu.dma_semaphore, #tpu.memory_space<semaphore_mem>>) src(%arg9 : memref<128x128xf32, #tpu.memory_space<vmem>>) dst(%dma_wait3A_2409 : memref<128x128xf32, #tpu.memory_space<hbm>>)
    return
  }
}

#map = affine_map<(d0, d1) -> (0, 0)>
module attributes {stable_mosaic.version = 14 : i64} {
  func.func @_g(%arg0: i32, %arg1: i32, %arg2: memref<1x16384xi32, #tpu.memory_space<hbm>>, %arg3: memref<131072x128xf32, #tpu.memory_space<hbm>>, %arg4: memref<16384x128xf32, #tpu.memory_space<hbm>>, %arg5: memref<512xi32, #tpu.memory_space<vmem>>, %arg6: memref<128x128xf32, #tpu.memory_space<vmem>>, %arg7: memref<128x128xf32, #tpu.memory_space<vmem>>, %arg8: memref<128x128xf32, #tpu.memory_space<vmem>>, %arg9: memref<128x128xf32, #tpu.memory_space<vmem>>, %arg10: memref<!tpu.dma_semaphore, #tpu.memory_space<semaphore_mem>>, %arg11: memref<!tpu.dma_semaphore, #tpu.memory_space<semaphore_mem>>) attributes {dimension_semantics = [#tpu.dimension_semantics<core_parallel>, #tpu.dimension_semantics<subcore_parallel>], iteration_bounds = array<i64: 2, 16>, scalar_prefetch = 0 : i64, scratch_operands = 7 : i64, tpu.core_type = #tpu.core_type<sc_vector_subcore>, window_params = [{transform_indices = #map}, {transform_indices = #map}, {transform_indices = #map}]} {
    %mul3A = arith.constant 2 : i32
    %mul3A_0 = arith.muli %arg1, %mul3A : i32
    %add3A = arith.addi %mul3A_0, %arg0 : i32
    %mul3A_1 = arith.constant 512 : i32
    %mul3A_2 = arith.muli %add3A, %mul3A_1 : i32
    %run_scoped3A = arith.constant 0 : i32
    "tpu.region"() ({
      %run_scoped3A_2410 = tpu.sem_alloc : memref<!tpu.dma_semaphore, #tpu.memory_space<semaphore_mem>>
      %dma_start3A_2411 = tpu.memref_slice %arg2[%run_scoped3A, %mul3A_2] : memref<1x16384xi32, #tpu.memory_space<hbm>> -> memref<1x512xi32, #tpu.memory_space<hbm>>
      %dma_start3A_2412 = tpu.memref_squeeze %dma_start3A_2411 : memref<1x512xi32, #tpu.memory_space<hbm>> -> memref<512xi32, #tpu.memory_space<hbm>>
      %dma_start3A_2413 = tpu.memref_slice %arg2[%run_scoped3A, %mul3A_2] : memref<1x16384xi32, #tpu.memory_space<hbm>> -> memref<1x512xi32, #tpu.memory_space<hbm>>
      %dma_start3A_2414 = tpu.memref_squeeze %dma_start3A_2413 : memref<1x512xi32, #tpu.memory_space<hbm>> -> memref<512xi32, #tpu.memory_space<hbm>>
      tpu.enqueue_dma source(%dma_start3A_2414 : memref<512xi32, #tpu.memory_space<hbm>>) target(%arg5 : memref<512xi32, #tpu.memory_space<vmem>>) target_semaphore(%run_scoped3A_2410 : memref<!tpu.dma_semaphore, #tpu.memory_space<semaphore_mem>>)
      %dma_wait3A_2415 = tpu.memref_slice %arg2[%run_scoped3A, %mul3A_2] : memref<1x16384xi32, #tpu.memory_space<hbm>> -> memref<1x512xi32, #tpu.memory_space<hbm>>
      %dma_wait3A_2416 = tpu.memref_squeeze %dma_wait3A_2415 : memref<1x512xi32, #tpu.memory_space<hbm>> -> memref<512xi32, #tpu.memory_space<hbm>>
      %dma_wait3A_2417 = tpu.memref_slice %arg2[%run_scoped3A, %mul3A_2] : memref<1x16384xi32, #tpu.memory_space<hbm>> -> memref<1x512xi32, #tpu.memory_space<hbm>>
      %dma_wait3A_2418 = tpu.memref_squeeze %dma_wait3A_2417 : memref<1x512xi32, #tpu.memory_space<hbm>> -> memref<512xi32, #tpu.memory_space<hbm>>
      tpu.wait_dma2 semaphore(%run_scoped3A_2410 : memref<!tpu.dma_semaphore, #tpu.memory_space<semaphore_mem>>) src(%dma_wait3A_2418 : memref<512xi32, #tpu.memory_space<hbm>>) dst(%arg5 : memref<512xi32, #tpu.memory_space<vmem>>)
      tpu.yield
    }) : () -> ()
    %get3A = arith.constant 0 : index
    %get3A_3 = tpu.vector_load %arg5[%get3A] {strides = array<i32>} : memref<512xi32, #tpu.memory_space<vmem>>, vector<16xi32>,
    %get3A_4 = vector.shape_cast %get3A_3 : vector<16xi32> to vector<16xi32>
    %ge3A = arith.constant 131072 : i32
    %ge3A_5 = vector.broadcast %ge3A : i32 to vector<16xi32>
    %ge3A_6 = arith.cmpi sge, %get3A_4, %ge3A_5 : vector<16xi32>
    %jit3A = arith.constant 1 : i32
    %jit3A_7 = arith.constant 0 : i32
    %broadcast_in_dim3A = vector.broadcast %jit3A : i32 to vector<16xi32>
    %broadcast_in_dim3A_8 = vector.broadcast %jit3A_7 : i32 to vector<16xi32>
    %select_n3A = arith.select %ge3A_6, %broadcast_in_dim3A, %broadcast_in_dim3A_8 : vector<16xi1>, vector<16xi32>
    %ge3A_9 = arith.constant 262144 : i32
    %ge3A_10 = vector.broadcast %ge3A_9 : i32 to vector<16xi32>
    %ge3A_11 = arith.cmpi sge, %get3A_4, %ge3A_10 : vector<16xi32>
    %jit3A_12 = arith.constant 1 : i32
    %jit3A_13 = arith.constant 0 : i32
    %broadcast_in_dim3A_14 = vector.broadcast %jit3A_12 : i32 to vector<16xi32>
    %broadcast_in_dim3A_15 = vector.broadcast %jit3A_13 : i32 to vector<16xi32>
    %select_n3A_16 = arith.select %ge3A_11, %broadcast_in_dim3A_14, %broadcast_in_dim3A_15 : vector<16xi1>, vector<16xi32>
    %add3A_17 = arith.addi %select_n3A, %select_n3A_16 : vector<16xi32>
    %ge3A_18 = arith.constant 393216 : i32
    %ge3A_19 = vector.broadcast %ge3A_18 : i32 to vector<16xi32>
    %ge3A_20 = arith.cmpi sge, %get3A_4, %ge3A_19 : vector<16xi32>
    %jit3A_21 = arith.constant 1 : i32
    %jit3A_22 = arith.constant 0 : i32
    %broadcast_in_dim3A_23 = vector.broadcast %jit3A_21 : i32 to vector<16xi32>
    %broadcast_in_dim3A_24 = vector.broadcast %jit3A_22 : i32 to vector<16xi32>
    %select_n3A_25 = arith.select %ge3A_20, %broadcast_in_dim3A_23, %broadcast_in_dim3A_24 : vector<16xi1>, vector<16xi32>
    %add3A_26 = arith.addi %add3A_17, %select_n3A_25 : vector<16xi32>
    %ge3A_27 = arith.constant 524288 : i32
    %ge3A_28 = vector.broadcast %ge3A_27 : i32 to vector<16xi32>
    %ge3A_29 = arith.cmpi sge, %get3A_4, %ge3A_28 : vector<16xi32>
    %jit3A_30 = arith.constant 1 : i32
    %jit3A_31 = arith.constant 0 : i32
    %broadcast_in_dim3A_32 = vector.broadcast %jit3A_30 : i32 to vector<16xi32>
    %broadcast_in_dim3A_33 = vector.broadcast %jit3A_31 : i32 to vector<16xi32>
    %select_n3A_34 = arith.select %ge3A_29, %broadcast_in_dim3A_32, %broadcast_in_dim3A_33 : vector<16xi1>, vector<16xi32>
    %add3A_35 = arith.addi %add3A_26, %select_n3A_34 : vector<16xi32>
    %ge3A_36 = arith.constant 655360 : i32
    %ge3A_37 = vector.broadcast %ge3A_36 : i32 to vector<16xi32>
    %ge3A_38 = arith.cmpi sge, %get3A_4, %ge3A_37 : vector<16xi32>
    %jit3A_39 = arith.constant 1 : i32
    %jit3A_40 = arith.constant 0 : i32
    %broadcast_in_dim3A_41 = vector.broadcast %jit3A_39 : i32 to vector<16xi32>
    %broadcast_in_dim3A_42 = vector.broadcast %jit3A_40 : i32 to vector<16xi32>
    %select_n3A_43 = arith.select %ge3A_38, %broadcast_in_dim3A_41, %broadcast_in_dim3A_42 : vector<16xi1>, vector<16xi32>
    %add3A_44 = arith.addi %add3A_35, %select_n3A_43 : vector<16xi32>
    %ge3A_45 = arith.constant 786432 : i32
    %ge3A_46 = vector.broadcast %ge3A_45 : i32 to vector<16xi32>
    %ge3A_47 = arith.cmpi sge, %get3A_4, %ge3A_46 : vector<16xi32>
    %jit3A_48 = arith.constant 1 : i32
    %jit3A_49 = arith.constant 0 : i32
    %broadcast_in_dim3A_50 = vector.broadcast %jit3A_48 : i32 to vector<16xi32>
    %broadcast_in_dim3A_51 = vector.broadcast %jit3A_49 : i32 to vector<16xi32>
    %select_n3A_52 = arith.select %ge3A_47, %broadcast_in_dim3A_50, %broadcast_in_dim3A_51 : vector<16xi1>, vector<16xi32>
    %add3A_53 = arith.addi %add3A_44, %select_n3A_52 : vector<16xi32>
    %ge3A_54 = arith.constant 917504 : i32
    %ge3A_55 = vector.broadcast %ge3A_54 : i32 to vector<16xi32>
    %ge3A_56 = arith.cmpi sge, %get3A_4, %ge3A_55 : vector<16xi32>
    %jit3A_57 = arith.constant 1 : i32
    %jit3A_58 = arith.constant 0 : i32
    %broadcast_in_dim3A_59 = vector.broadcast %jit3A_57 : i32 to vector<16xi32>
    %broadcast_in_dim3A_60 = vector.broadcast %jit3A_58 : i32 to vector<16xi32>
    %select_n3A_61 = arith.select %ge3A_56, %broadcast_in_dim3A_59, %broadcast_in_dim3A_60 : vector<16xi1>, vector<16xi32>
    %add3A_62 = arith.addi %add3A_53, %select_n3A_61 : vector<16xi32>
    %mul3A_63 = arith.constant 131072 : i32
    %mul3A_64 = vector.broadcast %mul3A_63 : i32 to vector<16xi32>
    %mul3A_65 = arith.muli %add3A_62, %mul3A_64 : vector<16xi32>
    %sub3A = arith.subi %get3A_4, %mul3A_65 : vector<16xi32>
    %swap3A = arith.constant 0 : index
    %swap3A_66 = tpu.vector_load %arg5[%swap3A] {strides = array<i32>} : memref<512xi32, #tpu.memory_space<vmem>>, vector<16xi32>,
    %swap3A_67 = vector.shape_cast %swap3A_66 : vector<16xi32> to vector<16xi32>
    %swap3A_68 = vector.shape_cast %sub3A : vector<16xi32> to vector<16xi32>
    tpu.vector_store %arg5[%swap3A], %swap3A_68 {strides = array<i32>} : memref<512xi32, #tpu.memory_space<vmem>>, vector<16xi32>,
    %get3A_69 = arith.constant 16 : index
    %get3A_70 = tpu.vector_load %arg5[%get3A_69] {strides = array<i32>} : memref<512xi32, #tpu.memory_space<vmem>>, vector<16xi32>,
    %get3A_71 = vector.shape_cast %get3A_70 : vector<16xi32> to vector<16xi32>
    %ge3A_72 = arith.constant 131072 : i32
    %ge3A_73 = vector.broadcast %ge3A_72 : i32 to vector<16xi32>
    %ge3A_74 = arith.cmpi sge, %get3A_71, %ge3A_73 : vector<16xi32>
    %jit3A_75 = arith.constant 1 : i32
    %jit3A_76 = arith.constant 0 : i32
    %broadcast_in_dim3A_77 = vector.broadcast %jit3A_75 : i32 to vector<16xi32>
    %broadcast_in_dim3A_78 = vector.broadcast %jit3A_76 : i32 to vector<16xi32>
    %select_n3A_79 = arith.select %ge3A_74, %broadcast_in_dim3A_77, %broadcast_in_dim3A_78 : vector<16xi1>, vector<16xi32>
    %ge3A_80 = arith.constant 262144 : i32
    %ge3A_81 = vector.broadcast %ge3A_80 : i32 to vector<16xi32>
    %ge3A_82 = arith.cmpi sge, %get3A_71, %ge3A_81 : vector<16xi32>
    %jit3A_83 = arith.constant 1 : i32
    %jit3A_84 = arith.constant 0 : i32
    %broadcast_in_dim3A_85 = vector.broadcast %jit3A_83 : i32 to vector<16xi32>
    %broadcast_in_dim3A_86 = vector.broadcast %jit3A_84 : i32 to vector<16xi32>
    %select_n3A_87 = arith.select %ge3A_82, %broadcast_in_dim3A_85, %broadcast_in_dim3A_86 : vector<16xi1>, vector<16xi32>
    %add3A_88 = arith.addi %select_n3A_79, %select_n3A_87 : vector<16xi32>
    %ge3A_89 = arith.constant 393216 : i32
    %ge3A_90 = vector.broadcast %ge3A_89 : i32 to vector<16xi32>
    %ge3A_91 = arith.cmpi sge, %get3A_71, %ge3A_90 : vector<16xi32>
    %jit3A_92 = arith.constant 1 : i32
    %jit3A_93 = arith.constant 0 : i32
    %broadcast_in_dim3A_94 = vector.broadcast %jit3A_92 : i32 to vector<16xi32>
    %broadcast_in_dim3A_95 = vector.broadcast %jit3A_93 : i32 to vector<16xi32>
    %select_n3A_96 = arith.select %ge3A_91, %broadcast_in_dim3A_94, %broadcast_in_dim3A_95 : vector<16xi1>, vector<16xi32>
    %add3A_97 = arith.addi %add3A_88, %select_n3A_96 : vector<16xi32>
    %ge3A_98 = arith.constant 524288 : i32
    %ge3A_99 = vector.broadcast %ge3A_98 : i32 to vector<16xi32>
    %ge3A_100 = arith.cmpi sge, %get3A_71, %ge3A_99 : vector<16xi32>
    %jit3A_101 = arith.constant 1 : i32
    %jit3A_102 = arith.constant 0 : i32
    %broadcast_in_dim3A_103 = vector.broadcast %jit3A_101 : i32 to vector<16xi32>
    %broadcast_in_dim3A_104 = vector.broadcast %jit3A_102 : i32 to vector<16xi32>
    %select_n3A_105 = arith.select %ge3A_100, %broadcast_in_dim3A_103, %broadcast_in_dim3A_104 : vector<16xi1>, vector<16xi32>
    %add3A_106 = arith.addi %add3A_97, %select_n3A_105 : vector<16xi32>
    %ge3A_107 = arith.constant 655360 : i32
    %ge3A_108 = vector.broadcast %ge3A_107 : i32 to vector<16xi32>
    %ge3A_109 = arith.cmpi sge, %get3A_71, %ge3A_108 : vector<16xi32>
    %jit3A_110 = arith.constant 1 : i32
    %jit3A_111 = arith.constant 0 : i32
    %broadcast_in_dim3A_112 = vector.broadcast %jit3A_110 : i32 to vector<16xi32>
    %broadcast_in_dim3A_113 = vector.broadcast %jit3A_111 : i32 to vector<16xi32>
    %select_n3A_114 = arith.select %ge3A_109, %broadcast_in_dim3A_112, %broadcast_in_dim3A_113 : vector<16xi1>, vector<16xi32>
    %add3A_115 = arith.addi %add3A_106, %select_n3A_114 : vector<16xi32>
    %ge3A_116 = arith.constant 786432 : i32
    %ge3A_117 = vector.broadcast %ge3A_116 : i32 to vector<16xi32>
    %ge3A_118 = arith.cmpi sge, %get3A_71, %ge3A_117 : vector<16xi32>
    %jit3A_119 = arith.constant 1 : i32
    %jit3A_120 = arith.constant 0 : i32
    %broadcast_in_dim3A_121 = vector.broadcast %jit3A_119 : i32 to vector<16xi32>
    %broadcast_in_dim3A_122 = vector.broadcast %jit3A_120 : i32 to vector<16xi32>
    %select_n3A_123 = arith.select %ge3A_118, %broadcast_in_dim3A_121, %broadcast_in_dim3A_122 : vector<16xi1>, vector<16xi32>
    %add3A_124 = arith.addi %add3A_115, %select_n3A_123 : vector<16xi32>
    %ge3A_125 = arith.constant 917504 : i32
    %ge3A_126 = vector.broadcast %ge3A_125 : i32 to vector<16xi32>
    %ge3A_127 = arith.cmpi sge, %get3A_71, %ge3A_126 : vector<16xi32>
    %jit3A_128 = arith.constant 1 : i32
    %jit3A_129 = arith.constant 0 : i32
    %broadcast_in_dim3A_130 = vector.broadcast %jit3A_128 : i32 to vector<16xi32>
    %broadcast_in_dim3A_131 = vector.broadcast %jit3A_129 : i32 to vector<16xi32>
    %select_n3A_132 = arith.select %ge3A_127, %broadcast_in_dim3A_130, %broadcast_in_dim3A_131 : vector<16xi1>, vector<16xi32>
    %add3A_133 = arith.addi %add3A_124, %select_n3A_132 : vector<16xi32>
    %mul3A_134 = arith.constant 131072 : i32
    %mul3A_135 = vector.broadcast %mul3A_134 : i32 to vector<16xi32>
    %mul3A_136 = arith.muli %add3A_133, %mul3A_135 : vector<16xi32>
    %sub3A_137 = arith.subi %get3A_71, %mul3A_136 : vector<16xi32>
    %swap3A_138 = arith.constant 16 : index
    %swap3A_139 = tpu.vector_load %arg5[%swap3A_138] {strides = array<i32>} : memref<512xi32, #tpu.memory_space<vmem>>, vector<16xi32>,
    %swap3A_140 = vector.shape_cast %swap3A_139 : vector<16xi32> to vector<16xi32>
    %swap3A_141 = vector.shape_cast %sub3A_137 : vector<16xi32> to vector<16xi32>
    tpu.vector_store %arg5[%swap3A_138], %swap3A_141 {strides = array<i32>} : memref<512xi32, #tpu.memory_space<vmem>>, vector<16xi32>,
    %get3A_142 = arith.constant 32 : index
    %get3A_143 = tpu.vector_load %arg5[%get3A_142] {strides = array<i32>} : memref<512xi32, #tpu.memory_space<vmem>>, vector<16xi32>,
    %get3A_144 = vector.shape_cast %get3A_143 : vector<16xi32> to vector<16xi32>
    %ge3A_145 = arith.constant 131072 : i32
    %ge3A_146 = vector.broadcast %ge3A_145 : i32 to vector<16xi32>
    %ge3A_147 = arith.cmpi sge, %get3A_144, %ge3A_146 : vector<16xi32>
    %jit3A_148 = arith.constant 1 : i32
    %jit3A_149 = arith.constant 0 : i32
    %broadcast_in_dim3A_150 = vector.broadcast %jit3A_148 : i32 to vector<16xi32>
    %broadcast_in_dim3A_151 = vector.broadcast %jit3A_149 : i32 to vector<16xi32>
    %select_n3A_152 = arith.select %ge3A_147, %broadcast_in_dim3A_150, %broadcast_in_dim3A_151 : vector<16xi1>, vector<16xi32>
    %ge3A_153 = arith.constant 262144 : i32
    %ge3A_154 = vector.broadcast %ge3A_153 : i32 to vector<16xi32>
    %ge3A_155 = arith.cmpi sge, %get3A_144, %ge3A_154 : vector<16xi32>
    %jit3A_156 = arith.constant 1 : i32
    %jit3A_157 = arith.constant 0 : i32
    %broadcast_in_dim3A_158 = vector.broadcast %jit3A_156 : i32 to vector<16xi32>
    %broadcast_in_dim3A_159 = vector.broadcast %jit3A_157 : i32 to vector<16xi32>
    %select_n3A_160 = arith.select %ge3A_155, %broadcast_in_dim3A_158, %broadcast_in_dim3A_159 : vector<16xi1>, vector<16xi32>
    %add3A_161 = arith.addi %select_n3A_152, %select_n3A_160 : vector<16xi32>
    %ge3A_162 = arith.constant 393216 : i32
    %ge3A_163 = vector.broadcast %ge3A_162 : i32 to vector<16xi32>
    %ge3A_164 = arith.cmpi sge, %get3A_144, %ge3A_163 : vector<16xi32>
    %jit3A_165 = arith.constant 1 : i32
    %jit3A_166 = arith.constant 0 : i32
    %broadcast_in_dim3A_167 = vector.broadcast %jit3A_165 : i32 to vector<16xi32>
    %broadcast_in_dim3A_168 = vector.broadcast %jit3A_166 : i32 to vector<16xi32>
    %select_n3A_169 = arith.select %ge3A_164, %broadcast_in_dim3A_167, %broadcast_in_dim3A_168 : vector<16xi1>, vector<16xi32>
    %add3A_170 = arith.addi %add3A_161, %select_n3A_169 : vector<16xi32>
    %ge3A_171 = arith.constant 524288 : i32
    %ge3A_172 = vector.broadcast %ge3A_171 : i32 to vector<16xi32>
    %ge3A_173 = arith.cmpi sge, %get3A_144, %ge3A_172 : vector<16xi32>
    %jit3A_174 = arith.constant 1 : i32
    %jit3A_175 = arith.constant 0 : i32
    %broadcast_in_dim3A_176 = vector.broadcast %jit3A_174 : i32 to vector<16xi32>
    %broadcast_in_dim3A_177 = vector.broadcast %jit3A_175 : i32 to vector<16xi32>
    %select_n3A_178 = arith.select %ge3A_173, %broadcast_in_dim3A_176, %broadcast_in_dim3A_177 : vector<16xi1>, vector<16xi32>
    %add3A_179 = arith.addi %add3A_170, %select_n3A_178 : vector<16xi32>
    %ge3A_180 = arith.constant 655360 : i32
    %ge3A_181 = vector.broadcast %ge3A_180 : i32 to vector<16xi32>
    %ge3A_182 = arith.cmpi sge, %get3A_144, %ge3A_181 : vector<16xi32>
    %jit3A_183 = arith.constant 1 : i32
    %jit3A_184 = arith.constant 0 : i32
    %broadcast_in_dim3A_185 = vector.broadcast %jit3A_183 : i32 to vector<16xi32>
    %broadcast_in_dim3A_186 = vector.broadcast %jit3A_184 : i32 to vector<16xi32>
    %select_n3A_187 = arith.select %ge3A_182, %broadcast_in_dim3A_185, %broadcast_in_dim3A_186 : vector<16xi1>, vector<16xi32>
    %add3A_188 = arith.addi %add3A_179, %select_n3A_187 : vector<16xi32>
    %ge3A_189 = arith.constant 786432 : i32
    %ge3A_190 = vector.broadcast %ge3A_189 : i32 to vector<16xi32>
    %ge3A_191 = arith.cmpi sge, %get3A_144, %ge3A_190 : vector<16xi32>
    %jit3A_192 = arith.constant 1 : i32
    %jit3A_193 = arith.constant 0 : i32
    %broadcast_in_dim3A_194 = vector.broadcast %jit3A_192 : i32 to vector<16xi32>
    %broadcast_in_dim3A_195 = vector.broadcast %jit3A_193 : i32 to vector<16xi32>
    %select_n3A_196 = arith.select %ge3A_191, %broadcast_in_dim3A_194, %broadcast_in_dim3A_195 : vector<16xi1>, vector<16xi32>
    %add3A_197 = arith.addi %add3A_188, %select_n3A_196 : vector<16xi32>
    %ge3A_198 = arith.constant 917504 : i32
    %ge3A_199 = vector.broadcast %ge3A_198 : i32 to vector<16xi32>
    %ge3A_200 = arith.cmpi sge, %get3A_144, %ge3A_199 : vector<16xi32>
    %jit3A_201 = arith.constant 1 : i32
    %jit3A_202 = arith.constant 0 : i32
    %broadcast_in_dim3A_203 = vector.broadcast %jit3A_201 : i32 to vector<16xi32>
    %broadcast_in_dim3A_204 = vector.broadcast %jit3A_202 : i32 to vector<16xi32>
    %select_n3A_205 = arith.select %ge3A_200, %broadcast_in_dim3A_203, %broadcast_in_dim3A_204 : vector<16xi1>, vector<16xi32>
    %add3A_206 = arith.addi %add3A_197, %select_n3A_205 : vector<16xi32>
    %mul3A_207 = arith.constant 131072 : i32
    %mul3A_208 = vector.broadcast %mul3A_207 : i32 to vector<16xi32>
    %mul3A_209 = arith.muli %add3A_206, %mul3A_208 : vector<16xi32>
    %sub3A_210 = arith.subi %get3A_144, %mul3A_209 : vector<16xi32>
    %swap3A_211 = arith.constant 32 : index
    %swap3A_212 = tpu.vector_load %arg5[%swap3A_211] {strides = array<i32>} : memref<512xi32, #tpu.memory_space<vmem>>, vector<16xi32>,
    %swap3A_213 = vector.shape_cast %swap3A_212 : vector<16xi32> to vector<16xi32>
    %swap3A_214 = vector.shape_cast %sub3A_210 : vector<16xi32> to vector<16xi32>
    tpu.vector_store %arg5[%swap3A_211], %swap3A_214 {strides = array<i32>} : memref<512xi32, #tpu.memory_space<vmem>>, vector<16xi32>,
    %get3A_215 = arith.constant 48 : index
    %get3A_216 = tpu.vector_load %arg5[%get3A_215] {strides = array<i32>} : memref<512xi32, #tpu.memory_space<vmem>>, vector<16xi32>,
    %get3A_217 = vector.shape_cast %get3A_216 : vector<16xi32> to vector<16xi32>
    %ge3A_218 = arith.constant 131072 : i32
    %ge3A_219 = vector.broadcast %ge3A_218 : i32 to vector<16xi32>
    %ge3A_220 = arith.cmpi sge, %get3A_217, %ge3A_219 : vector<16xi32>
    %jit3A_221 = arith.constant 1 : i32
    %jit3A_222 = arith.constant 0 : i32
    %broadcast_in_dim3A_223 = vector.broadcast %jit3A_221 : i32 to vector<16xi32>
    %broadcast_in_dim3A_224 = vector.broadcast %jit3A_222 : i32 to vector<16xi32>
    %select_n3A_225 = arith.select %ge3A_220, %broadcast_in_dim3A_223, %broadcast_in_dim3A_224 : vector<16xi1>, vector<16xi32>
    %ge3A_226 = arith.constant 262144 : i32
    %ge3A_227 = vector.broadcast %ge3A_226 : i32 to vector<16xi32>
    %ge3A_228 = arith.cmpi sge, %get3A_217, %ge3A_227 : vector<16xi32>
    %jit3A_229 = arith.constant 1 : i32
    %jit3A_230 = arith.constant 0 : i32
    %broadcast_in_dim3A_231 = vector.broadcast %jit3A_229 : i32 to vector<16xi32>
    %broadcast_in_dim3A_232 = vector.broadcast %jit3A_230 : i32 to vector<16xi32>
    %select_n3A_233 = arith.select %ge3A_228, %broadcast_in_dim3A_231, %broadcast_in_dim3A_232 : vector<16xi1>, vector<16xi32>
    %add3A_234 = arith.addi %select_n3A_225, %select_n3A_233 : vector<16xi32>
    %ge3A_235 = arith.constant 393216 : i32
    %ge3A_236 = vector.broadcast %ge3A_235 : i32 to vector<16xi32>
    %ge3A_237 = arith.cmpi sge, %get3A_217, %ge3A_236 : vector<16xi32>
    %jit3A_238 = arith.constant 1 : i32
    %jit3A_239 = arith.constant 0 : i32
    %broadcast_in_dim3A_240 = vector.broadcast %jit3A_238 : i32 to vector<16xi32>
    %broadcast_in_dim3A_241 = vector.broadcast %jit3A_239 : i32 to vector<16xi32>
    %select_n3A_242 = arith.select %ge3A_237, %broadcast_in_dim3A_240, %broadcast_in_dim3A_241 : vector<16xi1>, vector<16xi32>
    %add3A_243 = arith.addi %add3A_234, %select_n3A_242 : vector<16xi32>
    %ge3A_244 = arith.constant 524288 : i32
    %ge3A_245 = vector.broadcast %ge3A_244 : i32 to vector<16xi32>
    %ge3A_246 = arith.cmpi sge, %get3A_217, %ge3A_245 : vector<16xi32>
    %jit3A_247 = arith.constant 1 : i32
    %jit3A_248 = arith.constant 0 : i32
    %broadcast_in_dim3A_249 = vector.broadcast %jit3A_247 : i32 to vector<16xi32>
    %broadcast_in_dim3A_250 = vector.broadcast %jit3A_248 : i32 to vector<16xi32>
    %select_n3A_251 = arith.select %ge3A_246, %broadcast_in_dim3A_249, %broadcast_in_dim3A_250 : vector<16xi1>, vector<16xi32>
    %add3A_252 = arith.addi %add3A_243, %select_n3A_251 : vector<16xi32>
    %ge3A_253 = arith.constant 655360 : i32
    %ge3A_254 = vector.broadcast %ge3A_253 : i32 to vector<16xi32>
    %ge3A_255 = arith.cmpi sge, %get3A_217, %ge3A_254 : vector<16xi32>
    %jit3A_256 = arith.constant 1 : i32
    %jit3A_257 = arith.constant 0 : i32
    %broadcast_in_dim3A_258 = vector.broadcast %jit3A_256 : i32 to vector<16xi32>
    %broadcast_in_dim3A_259 = vector.broadcast %jit3A_257 : i32 to vector<16xi32>
    %select_n3A_260 = arith.select %ge3A_255, %broadcast_in_dim3A_258, %broadcast_in_dim3A_259 : vector<16xi1>, vector<16xi32>
    %add3A_261 = arith.addi %add3A_252, %select_n3A_260 : vector<16xi32>
    %ge3A_262 = arith.constant 786432 : i32
    %ge3A_263 = vector.broadcast %ge3A_262 : i32 to vector<16xi32>
    %ge3A_264 = arith.cmpi sge, %get3A_217, %ge3A_263 : vector<16xi32>
    %jit3A_265 = arith.constant 1 : i32
    %jit3A_266 = arith.constant 0 : i32
    %broadcast_in_dim3A_267 = vector.broadcast %jit3A_265 : i32 to vector<16xi32>
    %broadcast_in_dim3A_268 = vector.broadcast %jit3A_266 : i32 to vector<16xi32>
    %select_n3A_269 = arith.select %ge3A_264, %broadcast_in_dim3A_267, %broadcast_in_dim3A_268 : vector<16xi1>, vector<16xi32>
    %add3A_270 = arith.addi %add3A_261, %select_n3A_269 : vector<16xi32>
    %ge3A_271 = arith.constant 917504 : i32
    %ge3A_272 = vector.broadcast %ge3A_271 : i32 to vector<16xi32>
    %ge3A_273 = arith.cmpi sge, %get3A_217, %ge3A_272 : vector<16xi32>
    %jit3A_274 = arith.constant 1 : i32
    %jit3A_275 = arith.constant 0 : i32
    %broadcast_in_dim3A_276 = vector.broadcast %jit3A_274 : i32 to vector<16xi32>
    %broadcast_in_dim3A_277 = vector.broadcast %jit3A_275 : i32 to vector<16xi32>
    %select_n3A_278 = arith.select %ge3A_273, %broadcast_in_dim3A_276, %broadcast_in_dim3A_277 : vector<16xi1>, vector<16xi32>
    %add3A_279 = arith.addi %add3A_270, %select_n3A_278 : vector<16xi32>
    %mul3A_280 = arith.constant 131072 : i32
    %mul3A_281 = vector.broadcast %mul3A_280 : i32 to vector<16xi32>
    %mul3A_282 = arith.muli %add3A_279, %mul3A_281 : vector<16xi32>
    %sub3A_283 = arith.subi %get3A_217, %mul3A_282 : vector<16xi32>
    %swap3A_284 = arith.constant 48 : index
    %swap3A_285 = tpu.vector_load %arg5[%swap3A_284] {strides = array<i32>} : memref<512xi32, #tpu.memory_space<vmem>>, vector<16xi32>,
    %swap3A_286 = vector.shape_cast %swap3A_285 : vector<16xi32> to vector<16xi32>
    %swap3A_287 = vector.shape_cast %sub3A_283 : vector<16xi32> to vector<16xi32>
    tpu.vector_store %arg5[%swap3A_284], %swap3A_287 {strides = array<i32>} : memref<512xi32, #tpu.memory_space<vmem>>, vector<16xi32>,
    %get3A_288 = arith.constant 64 : index
    %get3A_289 = tpu.vector_load %arg5[%get3A_288] {strides = array<i32>} : memref<512xi32, #tpu.memory_space<vmem>>, vector<16xi32>,
    %get3A_290 = vector.shape_cast %get3A_289 : vector<16xi32> to vector<16xi32>
    %ge3A_291 = arith.constant 131072 : i32
    %ge3A_292 = vector.broadcast %ge3A_291 : i32 to vector<16xi32>
    %ge3A_293 = arith.cmpi sge, %get3A_290, %ge3A_292 : vector<16xi32>
    %jit3A_294 = arith.constant 1 : i32
    %jit3A_295 = arith.constant 0 : i32
    %broadcast_in_dim3A_296 = vector.broadcast %jit3A_294 : i32 to vector<16xi32>
    %broadcast_in_dim3A_297 = vector.broadcast %jit3A_295 : i32 to vector<16xi32>
    %select_n3A_298 = arith.select %ge3A_293, %broadcast_in_dim3A_296, %broadcast_in_dim3A_297 : vector<16xi1>, vector<16xi32>
    %ge3A_299 = arith.constant 262144 : i32
    %ge3A_300 = vector.broadcast %ge3A_299 : i32 to vector<16xi32>
    %ge3A_301 = arith.cmpi sge, %get3A_290, %ge3A_300 : vector<16xi32>
    %jit3A_302 = arith.constant 1 : i32
    %jit3A_303 = arith.constant 0 : i32
    %broadcast_in_dim3A_304 = vector.broadcast %jit3A_302 : i32 to vector<16xi32>
    %broadcast_in_dim3A_305 = vector.broadcast %jit3A_303 : i32 to vector<16xi32>
    %select_n3A_306 = arith.select %ge3A_301, %broadcast_in_dim3A_304, %broadcast_in_dim3A_305 : vector<16xi1>, vector<16xi32>
    %add3A_307 = arith.addi %select_n3A_298, %select_n3A_306 : vector<16xi32>
    %ge3A_308 = arith.constant 393216 : i32
    %ge3A_309 = vector.broadcast %ge3A_308 : i32 to vector<16xi32>
    %ge3A_310 = arith.cmpi sge, %get3A_290, %ge3A_309 : vector<16xi32>
    %jit3A_311 = arith.constant 1 : i32
    %jit3A_312 = arith.constant 0 : i32
    %broadcast_in_dim3A_313 = vector.broadcast %jit3A_311 : i32 to vector<16xi32>
    %broadcast_in_dim3A_314 = vector.broadcast %jit3A_312 : i32 to vector<16xi32>
    %select_n3A_315 = arith.select %ge3A_310, %broadcast_in_dim3A_313, %broadcast_in_dim3A_314 : vector<16xi1>, vector<16xi32>
    %add3A_316 = arith.addi %add3A_307, %select_n3A_315 : vector<16xi32>
    %ge3A_317 = arith.constant 524288 : i32
    %ge3A_318 = vector.broadcast %ge3A_317 : i32 to vector<16xi32>
    %ge3A_319 = arith.cmpi sge, %get3A_290, %ge3A_318 : vector<16xi32>
    %jit3A_320 = arith.constant 1 : i32
    %jit3A_321 = arith.constant 0 : i32
    %broadcast_in_dim3A_322 = vector.broadcast %jit3A_320 : i32 to vector<16xi32>
    %broadcast_in_dim3A_323 = vector.broadcast %jit3A_321 : i32 to vector<16xi32>
    %select_n3A_324 = arith.select %ge3A_319, %broadcast_in_dim3A_322, %broadcast_in_dim3A_323 : vector<16xi1>, vector<16xi32>
    %add3A_325 = arith.addi %add3A_316, %select_n3A_324 : vector<16xi32>
    %ge3A_326 = arith.constant 655360 : i32
    %ge3A_327 = vector.broadcast %ge3A_326 : i32 to vector<16xi32>
    %ge3A_328 = arith.cmpi sge, %get3A_290, %ge3A_327 : vector<16xi32>
    %jit3A_329 = arith.constant 1 : i32
    %jit3A_330 = arith.constant 0 : i32
    %broadcast_in_dim3A_331 = vector.broadcast %jit3A_329 : i32 to vector<16xi32>
    %broadcast_in_dim3A_332 = vector.broadcast %jit3A_330 : i32 to vector<16xi32>
    %select_n3A_333 = arith.select %ge3A_328, %broadcast_in_dim3A_331, %broadcast_in_dim3A_332 : vector<16xi1>, vector<16xi32>
    %add3A_334 = arith.addi %add3A_325, %select_n3A_333 : vector<16xi32>
    %ge3A_335 = arith.constant 786432 : i32
    %ge3A_336 = vector.broadcast %ge3A_335 : i32 to vector<16xi32>
    %ge3A_337 = arith.cmpi sge, %get3A_290, %ge3A_336 : vector<16xi32>
    %jit3A_338 = arith.constant 1 : i32
    %jit3A_339 = arith.constant 0 : i32
    %broadcast_in_dim3A_340 = vector.broadcast %jit3A_338 : i32 to vector<16xi32>
    %broadcast_in_dim3A_341 = vector.broadcast %jit3A_339 : i32 to vector<16xi32>
    %select_n3A_342 = arith.select %ge3A_337, %broadcast_in_dim3A_340, %broadcast_in_dim3A_341 : vector<16xi1>, vector<16xi32>
    %add3A_343 = arith.addi %add3A_334, %select_n3A_342 : vector<16xi32>
    %ge3A_344 = arith.constant 917504 : i32
    %ge3A_345 = vector.broadcast %ge3A_344 : i32 to vector<16xi32>
    %ge3A_346 = arith.cmpi sge, %get3A_290, %ge3A_345 : vector<16xi32>
    %jit3A_347 = arith.constant 1 : i32
    %jit3A_348 = arith.constant 0 : i32
    %broadcast_in_dim3A_349 = vector.broadcast %jit3A_347 : i32 to vector<16xi32>
    %broadcast_in_dim3A_350 = vector.broadcast %jit3A_348 : i32 to vector<16xi32>
    %select_n3A_351 = arith.select %ge3A_346, %broadcast_in_dim3A_349, %broadcast_in_dim3A_350 : vector<16xi1>, vector<16xi32>
    %add3A_352 = arith.addi %add3A_343, %select_n3A_351 : vector<16xi32>
    %mul3A_353 = arith.constant 131072 : i32
    %mul3A_354 = vector.broadcast %mul3A_353 : i32 to vector<16xi32>
    %mul3A_355 = arith.muli %add3A_352, %mul3A_354 : vector<16xi32>
    %sub3A_356 = arith.subi %get3A_290, %mul3A_355 : vector<16xi32>
    %swap3A_357 = arith.constant 64 : index
    %swap3A_358 = tpu.vector_load %arg5[%swap3A_357] {strides = array<i32>} : memref<512xi32, #tpu.memory_space<vmem>>, vector<16xi32>,
    %swap3A_359 = vector.shape_cast %swap3A_358 : vector<16xi32> to vector<16xi32>
    %swap3A_360 = vector.shape_cast %sub3A_356 : vector<16xi32> to vector<16xi32>
    tpu.vector_store %arg5[%swap3A_357], %swap3A_360 {strides = array<i32>} : memref<512xi32, #tpu.memory_space<vmem>>, vector<16xi32>,
    %get3A_361 = arith.constant 80 : index
    %get3A_362 = tpu.vector_load %arg5[%get3A_361] {strides = array<i32>} : memref<512xi32, #tpu.memory_space<vmem>>, vector<16xi32>,
    %get3A_363 = vector.shape_cast %get3A_362 : vector<16xi32> to vector<16xi32>
    %ge3A_364 = arith.constant 131072 : i32
    %ge3A_365 = vector.broadcast %ge3A_364 : i32 to vector<16xi32>
    %ge3A_366 = arith.cmpi sge, %get3A_363, %ge3A_365 : vector<16xi32>
    %jit3A_367 = arith.constant 1 : i32
    %jit3A_368 = arith.constant 0 : i32
    %broadcast_in_dim3A_369 = vector.broadcast %jit3A_367 : i32 to vector<16xi32>
    %broadcast_in_dim3A_370 = vector.broadcast %jit3A_368 : i32 to vector<16xi32>
    %select_n3A_371 = arith.select %ge3A_366, %broadcast_in_dim3A_369, %broadcast_in_dim3A_370 : vector<16xi1>, vector<16xi32>
    %ge3A_372 = arith.constant 262144 : i32
    %ge3A_373 = vector.broadcast %ge3A_372 : i32 to vector<16xi32>
    %ge3A_374 = arith.cmpi sge, %get3A_363, %ge3A_373 : vector<16xi32>
    %jit3A_375 = arith.constant 1 : i32
    %jit3A_376 = arith.constant 0 : i32
    %broadcast_in_dim3A_377 = vector.broadcast %jit3A_375 : i32 to vector<16xi32>
    %broadcast_in_dim3A_378 = vector.broadcast %jit3A_376 : i32 to vector<16xi32>
    %select_n3A_379 = arith.select %ge3A_374, %broadcast_in_dim3A_377, %broadcast_in_dim3A_378 : vector<16xi1>, vector<16xi32>
    %add3A_380 = arith.addi %select_n3A_371, %select_n3A_379 : vector<16xi32>
    %ge3A_381 = arith.constant 393216 : i32
    %ge3A_382 = vector.broadcast %ge3A_381 : i32 to vector<16xi32>
    %ge3A_383 = arith.cmpi sge, %get3A_363, %ge3A_382 : vector<16xi32>
    %jit3A_384 = arith.constant 1 : i32
    %jit3A_385 = arith.constant 0 : i32
    %broadcast_in_dim3A_386 = vector.broadcast %jit3A_384 : i32 to vector<16xi32>
    %broadcast_in_dim3A_387 = vector.broadcast %jit3A_385 : i32 to vector<16xi32>
    %select_n3A_388 = arith.select %ge3A_383, %broadcast_in_dim3A_386, %broadcast_in_dim3A_387 : vector<16xi1>, vector<16xi32>
    %add3A_389 = arith.addi %add3A_380, %select_n3A_388 : vector<16xi32>
    %ge3A_390 = arith.constant 524288 : i32
    %ge3A_391 = vector.broadcast %ge3A_390 : i32 to vector<16xi32>
    %ge3A_392 = arith.cmpi sge, %get3A_363, %ge3A_391 : vector<16xi32>
    %jit3A_393 = arith.constant 1 : i32
    %jit3A_394 = arith.constant 0 : i32
    %broadcast_in_dim3A_395 = vector.broadcast %jit3A_393 : i32 to vector<16xi32>
    %broadcast_in_dim3A_396 = vector.broadcast %jit3A_394 : i32 to vector<16xi32>
    %select_n3A_397 = arith.select %ge3A_392, %broadcast_in_dim3A_395, %broadcast_in_dim3A_396 : vector<16xi1>, vector<16xi32>
    %add3A_398 = arith.addi %add3A_389, %select_n3A_397 : vector<16xi32>
    %ge3A_399 = arith.constant 655360 : i32
    %ge3A_400 = vector.broadcast %ge3A_399 : i32 to vector<16xi32>
    %ge3A_401 = arith.cmpi sge, %get3A_363, %ge3A_400 : vector<16xi32>
    %jit3A_402 = arith.constant 1 : i32
    %jit3A_403 = arith.constant 0 : i32
    %broadcast_in_dim3A_404 = vector.broadcast %jit3A_402 : i32 to vector<16xi32>
    %broadcast_in_dim3A_405 = vector.broadcast %jit3A_403 : i32 to vector<16xi32>
    %select_n3A_406 = arith.select %ge3A_401, %broadcast_in_dim3A_404, %broadcast_in_dim3A_405 : vector<16xi1>, vector<16xi32>
    %add3A_407 = arith.addi %add3A_398, %select_n3A_406 : vector<16xi32>
    %ge3A_408 = arith.constant 786432 : i32
    %ge3A_409 = vector.broadcast %ge3A_408 : i32 to vector<16xi32>
    %ge3A_410 = arith.cmpi sge, %get3A_363, %ge3A_409 : vector<16xi32>
    %jit3A_411 = arith.constant 1 : i32
    %jit3A_412 = arith.constant 0 : i32
    %broadcast_in_dim3A_413 = vector.broadcast %jit3A_411 : i32 to vector<16xi32>
    %broadcast_in_dim3A_414 = vector.broadcast %jit3A_412 : i32 to vector<16xi32>
    %select_n3A_415 = arith.select %ge3A_410, %broadcast_in_dim3A_413, %broadcast_in_dim3A_414 : vector<16xi1>, vector<16xi32>
    %add3A_416 = arith.addi %add3A_407, %select_n3A_415 : vector<16xi32>
    %ge3A_417 = arith.constant 917504 : i32
    %ge3A_418 = vector.broadcast %ge3A_417 : i32 to vector<16xi32>
    %ge3A_419 = arith.cmpi sge, %get3A_363, %ge3A_418 : vector<16xi32>
    %jit3A_420 = arith.constant 1 : i32
    %jit3A_421 = arith.constant 0 : i32
    %broadcast_in_dim3A_422 = vector.broadcast %jit3A_420 : i32 to vector<16xi32>
    %broadcast_in_dim3A_423 = vector.broadcast %jit3A_421 : i32 to vector<16xi32>
    %select_n3A_424 = arith.select %ge3A_419, %broadcast_in_dim3A_422, %broadcast_in_dim3A_423 : vector<16xi1>, vector<16xi32>
    %add3A_425 = arith.addi %add3A_416, %select_n3A_424 : vector<16xi32>
    %mul3A_426 = arith.constant 131072 : i32
    %mul3A_427 = vector.broadcast %mul3A_426 : i32 to vector<16xi32>
    %mul3A_428 = arith.muli %add3A_425, %mul3A_427 : vector<16xi32>
    %sub3A_429 = arith.subi %get3A_363, %mul3A_428 : vector<16xi32>
    %swap3A_430 = arith.constant 80 : index
    %swap3A_431 = tpu.vector_load %arg5[%swap3A_430] {strides = array<i32>} : memref<512xi32, #tpu.memory_space<vmem>>, vector<16xi32>,
    %swap3A_432 = vector.shape_cast %swap3A_431 : vector<16xi32> to vector<16xi32>
    %swap3A_433 = vector.shape_cast %sub3A_429 : vector<16xi32> to vector<16xi32>
    tpu.vector_store %arg5[%swap3A_430], %swap3A_433 {strides = array<i32>} : memref<512xi32, #tpu.memory_space<vmem>>, vector<16xi32>,
    %get3A_434 = arith.constant 96 : index
    %get3A_435 = tpu.vector_load %arg5[%get3A_434] {strides = array<i32>} : memref<512xi32, #tpu.memory_space<vmem>>, vector<16xi32>,
    %get3A_436 = vector.shape_cast %get3A_435 : vector<16xi32> to vector<16xi32>
    %ge3A_437 = arith.constant 131072 : i32
    %ge3A_438 = vector.broadcast %ge3A_437 : i32 to vector<16xi32>
    %ge3A_439 = arith.cmpi sge, %get3A_436, %ge3A_438 : vector<16xi32>
    %jit3A_440 = arith.constant 1 : i32
    %jit3A_441 = arith.constant 0 : i32
    %broadcast_in_dim3A_442 = vector.broadcast %jit3A_440 : i32 to vector<16xi32>
    %broadcast_in_dim3A_443 = vector.broadcast %jit3A_441 : i32 to vector<16xi32>
    %select_n3A_444 = arith.select %ge3A_439, %broadcast_in_dim3A_442, %broadcast_in_dim3A_443 : vector<16xi1>, vector<16xi32>
    %ge3A_445 = arith.constant 262144 : i32
    %ge3A_446 = vector.broadcast %ge3A_445 : i32 to vector<16xi32>
    %ge3A_447 = arith.cmpi sge, %get3A_436, %ge3A_446 : vector<16xi32>
    %jit3A_448 = arith.constant 1 : i32
    %jit3A_449 = arith.constant 0 : i32
    %broadcast_in_dim3A_450 = vector.broadcast %jit3A_448 : i32 to vector<16xi32>
    %broadcast_in_dim3A_451 = vector.broadcast %jit3A_449 : i32 to vector<16xi32>
    %select_n3A_452 = arith.select %ge3A_447, %broadcast_in_dim3A_450, %broadcast_in_dim3A_451 : vector<16xi1>, vector<16xi32>
    %add3A_453 = arith.addi %select_n3A_444, %select_n3A_452 : vector<16xi32>
    %ge3A_454 = arith.constant 393216 : i32
    %ge3A_455 = vector.broadcast %ge3A_454 : i32 to vector<16xi32>
    %ge3A_456 = arith.cmpi sge, %get3A_436, %ge3A_455 : vector<16xi32>
    %jit3A_457 = arith.constant 1 : i32
    %jit3A_458 = arith.constant 0 : i32
    %broadcast_in_dim3A_459 = vector.broadcast %jit3A_457 : i32 to vector<16xi32>
    %broadcast_in_dim3A_460 = vector.broadcast %jit3A_458 : i32 to vector<16xi32>
    %select_n3A_461 = arith.select %ge3A_456, %broadcast_in_dim3A_459, %broadcast_in_dim3A_460 : vector<16xi1>, vector<16xi32>
    %add3A_462 = arith.addi %add3A_453, %select_n3A_461 : vector<16xi32>
    %ge3A_463 = arith.constant 524288 : i32
    %ge3A_464 = vector.broadcast %ge3A_463 : i32 to vector<16xi32>
    %ge3A_465 = arith.cmpi sge, %get3A_436, %ge3A_464 : vector<16xi32>
    %jit3A_466 = arith.constant 1 : i32
    %jit3A_467 = arith.constant 0 : i32
    %broadcast_in_dim3A_468 = vector.broadcast %jit3A_466 : i32 to vector<16xi32>
    %broadcast_in_dim3A_469 = vector.broadcast %jit3A_467 : i32 to vector<16xi32>
    %select_n3A_470 = arith.select %ge3A_465, %broadcast_in_dim3A_468, %broadcast_in_dim3A_469 : vector<16xi1>, vector<16xi32>
    %add3A_471 = arith.addi %add3A_462, %select_n3A_470 : vector<16xi32>
    %ge3A_472 = arith.constant 655360 : i32
    %ge3A_473 = vector.broadcast %ge3A_472 : i32 to vector<16xi32>
    %ge3A_474 = arith.cmpi sge, %get3A_436, %ge3A_473 : vector<16xi32>
    %jit3A_475 = arith.constant 1 : i32
    %jit3A_476 = arith.constant 0 : i32
    %broadcast_in_dim3A_477 = vector.broadcast %jit3A_475 : i32 to vector<16xi32>
    %broadcast_in_dim3A_478 = vector.broadcast %jit3A_476 : i32 to vector<16xi32>
    %select_n3A_479 = arith.select %ge3A_474, %broadcast_in_dim3A_477, %broadcast_in_dim3A_478 : vector<16xi1>, vector<16xi32>
    %add3A_480 = arith.addi %add3A_471, %select_n3A_479 : vector<16xi32>
    %ge3A_481 = arith.constant 786432 : i32
    %ge3A_482 = vector.broadcast %ge3A_481 : i32 to vector<16xi32>
    %ge3A_483 = arith.cmpi sge, %get3A_436, %ge3A_482 : vector<16xi32>
    %jit3A_484 = arith.constant 1 : i32
    %jit3A_485 = arith.constant 0 : i32
    %broadcast_in_dim3A_486 = vector.broadcast %jit3A_484 : i32 to vector<16xi32>
    %broadcast_in_dim3A_487 = vector.broadcast %jit3A_485 : i32 to vector<16xi32>
    %select_n3A_488 = arith.select %ge3A_483, %broadcast_in_dim3A_486, %broadcast_in_dim3A_487 : vector<16xi1>, vector<16xi32>
    %add3A_489 = arith.addi %add3A_480, %select_n3A_488 : vector<16xi32>
    %ge3A_490 = arith.constant 917504 : i32
    %ge3A_491 = vector.broadcast %ge3A_490 : i32 to vector<16xi32>
    %ge3A_492 = arith.cmpi sge, %get3A_436, %ge3A_491 : vector<16xi32>
    %jit3A_493 = arith.constant 1 : i32
    %jit3A_494 = arith.constant 0 : i32
    %broadcast_in_dim3A_495 = vector.broadcast %jit3A_493 : i32 to vector<16xi32>
    %broadcast_in_dim3A_496 = vector.broadcast %jit3A_494 : i32 to vector<16xi32>
    %select_n3A_497 = arith.select %ge3A_492, %broadcast_in_dim3A_495, %broadcast_in_dim3A_496 : vector<16xi1>, vector<16xi32>
    %add3A_498 = arith.addi %add3A_489, %select_n3A_497 : vector<16xi32>
    %mul3A_499 = arith.constant 131072 : i32
    %mul3A_500 = vector.broadcast %mul3A_499 : i32 to vector<16xi32>
    %mul3A_501 = arith.muli %add3A_498, %mul3A_500 : vector<16xi32>
    %sub3A_502 = arith.subi %get3A_436, %mul3A_501 : vector<16xi32>
    %swap3A_503 = arith.constant 96 : index
    %swap3A_504 = tpu.vector_load %arg5[%swap3A_503] {strides = array<i32>} : memref<512xi32, #tpu.memory_space<vmem>>, vector<16xi32>,
    %swap3A_505 = vector.shape_cast %swap3A_504 : vector<16xi32> to vector<16xi32>
    %swap3A_506 = vector.shape_cast %sub3A_502 : vector<16xi32> to vector<16xi32>
    tpu.vector_store %arg5[%swap3A_503], %swap3A_506 {strides = array<i32>} : memref<512xi32, #tpu.memory_space<vmem>>, vector<16xi32>,
    %get3A_507 = arith.constant 112 : index
    %get3A_508 = tpu.vector_load %arg5[%get3A_507] {strides = array<i32>} : memref<512xi32, #tpu.memory_space<vmem>>, vector<16xi32>,
    %get3A_509 = vector.shape_cast %get3A_508 : vector<16xi32> to vector<16xi32>
    %ge3A_510 = arith.constant 131072 : i32
    %ge3A_511 = vector.broadcast %ge3A_510 : i32 to vector<16xi32>
    %ge3A_512 = arith.cmpi sge, %get3A_509, %ge3A_511 : vector<16xi32>
    %jit3A_513 = arith.constant 1 : i32
    %jit3A_514 = arith.constant 0 : i32
    %broadcast_in_dim3A_515 = vector.broadcast %jit3A_513 : i32 to vector<16xi32>
    %broadcast_in_dim3A_516 = vector.broadcast %jit3A_514 : i32 to vector<16xi32>
    %select_n3A_517 = arith.select %ge3A_512, %broadcast_in_dim3A_515, %broadcast_in_dim3A_516 : vector<16xi1>, vector<16xi32>
    %ge3A_518 = arith.constant 262144 : i32
    %ge3A_519 = vector.broadcast %ge3A_518 : i32 to vector<16xi32>
    %ge3A_520 = arith.cmpi sge, %get3A_509, %ge3A_519 : vector<16xi32>
    %jit3A_521 = arith.constant 1 : i32
    %jit3A_522 = arith.constant 0 : i32
    %broadcast_in_dim3A_523 = vector.broadcast %jit3A_521 : i32 to vector<16xi32>
    %broadcast_in_dim3A_524 = vector.broadcast %jit3A_522 : i32 to vector<16xi32>
    %select_n3A_525 = arith.select %ge3A_520, %broadcast_in_dim3A_523, %broadcast_in_dim3A_524 : vector<16xi1>, vector<16xi32>
    %add3A_526 = arith.addi %select_n3A_517, %select_n3A_525 : vector<16xi32>
    %ge3A_527 = arith.constant 393216 : i32
    %ge3A_528 = vector.broadcast %ge3A_527 : i32 to vector<16xi32>
    %ge3A_529 = arith.cmpi sge, %get3A_509, %ge3A_528 : vector<16xi32>
    %jit3A_530 = arith.constant 1 : i32
    %jit3A_531 = arith.constant 0 : i32
    %broadcast_in_dim3A_532 = vector.broadcast %jit3A_530 : i32 to vector<16xi32>
    %broadcast_in_dim3A_533 = vector.broadcast %jit3A_531 : i32 to vector<16xi32>
    %select_n3A_534 = arith.select %ge3A_529, %broadcast_in_dim3A_532, %broadcast_in_dim3A_533 : vector<16xi1>, vector<16xi32>
    %add3A_535 = arith.addi %add3A_526, %select_n3A_534 : vector<16xi32>
    %ge3A_536 = arith.constant 524288 : i32
    %ge3A_537 = vector.broadcast %ge3A_536 : i32 to vector<16xi32>
    %ge3A_538 = arith.cmpi sge, %get3A_509, %ge3A_537 : vector<16xi32>
    %jit3A_539 = arith.constant 1 : i32
    %jit3A_540 = arith.constant 0 : i32
    %broadcast_in_dim3A_541 = vector.broadcast %jit3A_539 : i32 to vector<16xi32>
    %broadcast_in_dim3A_542 = vector.broadcast %jit3A_540 : i32 to vector<16xi32>
    %select_n3A_543 = arith.select %ge3A_538, %broadcast_in_dim3A_541, %broadcast_in_dim3A_542 : vector<16xi1>, vector<16xi32>
    %add3A_544 = arith.addi %add3A_535, %select_n3A_543 : vector<16xi32>
    %ge3A_545 = arith.constant 655360 : i32
    %ge3A_546 = vector.broadcast %ge3A_545 : i32 to vector<16xi32>
    %ge3A_547 = arith.cmpi sge, %get3A_509, %ge3A_546 : vector<16xi32>
    %jit3A_548 = arith.constant 1 : i32
    %jit3A_549 = arith.constant 0 : i32
    %broadcast_in_dim3A_550 = vector.broadcast %jit3A_548 : i32 to vector<16xi32>
    %broadcast_in_dim3A_551 = vector.broadcast %jit3A_549 : i32 to vector<16xi32>
    %select_n3A_552 = arith.select %ge3A_547, %broadcast_in_dim3A_550, %broadcast_in_dim3A_551 : vector<16xi1>, vector<16xi32>
    %add3A_553 = arith.addi %add3A_544, %select_n3A_552 : vector<16xi32>
    %ge3A_554 = arith.constant 786432 : i32
    %ge3A_555 = vector.broadcast %ge3A_554 : i32 to vector<16xi32>
    %ge3A_556 = arith.cmpi sge, %get3A_509, %ge3A_555 : vector<16xi32>
    %jit3A_557 = arith.constant 1 : i32
    %jit3A_558 = arith.constant 0 : i32
    %broadcast_in_dim3A_559 = vector.broadcast %jit3A_557 : i32 to vector<16xi32>
    %broadcast_in_dim3A_560 = vector.broadcast %jit3A_558 : i32 to vector<16xi32>
    %select_n3A_561 = arith.select %ge3A_556, %broadcast_in_dim3A_559, %broadcast_in_dim3A_560 : vector<16xi1>, vector<16xi32>
    %add3A_562 = arith.addi %add3A_553, %select_n3A_561 : vector<16xi32>
    %ge3A_563 = arith.constant 917504 : i32
    %ge3A_564 = vector.broadcast %ge3A_563 : i32 to vector<16xi32>
    %ge3A_565 = arith.cmpi sge, %get3A_509, %ge3A_564 : vector<16xi32>
    %jit3A_566 = arith.constant 1 : i32
    %jit3A_567 = arith.constant 0 : i32
    %broadcast_in_dim3A_568 = vector.broadcast %jit3A_566 : i32 to vector<16xi32>
    %broadcast_in_dim3A_569 = vector.broadcast %jit3A_567 : i32 to vector<16xi32>
    %select_n3A_570 = arith.select %ge3A_565, %broadcast_in_dim3A_568, %broadcast_in_dim3A_569 : vector<16xi1>, vector<16xi32>
    %add3A_571 = arith.addi %add3A_562, %select_n3A_570 : vector<16xi32>
    %mul3A_572 = arith.constant 131072 : i32
    %mul3A_573 = vector.broadcast %mul3A_572 : i32 to vector<16xi32>
    %mul3A_574 = arith.muli %add3A_571, %mul3A_573 : vector<16xi32>
    %sub3A_575 = arith.subi %get3A_509, %mul3A_574 : vector<16xi32>
    %swap3A_576 = arith.constant 112 : index
    %swap3A_577 = tpu.vector_load %arg5[%swap3A_576] {strides = array<i32>} : memref<512xi32, #tpu.memory_space<vmem>>, vector<16xi32>,
    %swap3A_578 = vector.shape_cast %swap3A_577 : vector<16xi32> to vector<16xi32>
    %swap3A_579 = vector.shape_cast %sub3A_575 : vector<16xi32> to vector<16xi32>
    tpu.vector_store %arg5[%swap3A_576], %swap3A_579 {strides = array<i32>} : memref<512xi32, #tpu.memory_space<vmem>>, vector<16xi32>,
    %get3A_580 = arith.constant 128 : index
    %get3A_581 = tpu.vector_load %arg5[%get3A_580] {strides = array<i32>} : memref<512xi32, #tpu.memory_space<vmem>>, vector<16xi32>,
    %get3A_582 = vector.shape_cast %get3A_581 : vector<16xi32> to vector<16xi32>
    %ge3A_583 = arith.constant 131072 : i32
    %ge3A_584 = vector.broadcast %ge3A_583 : i32 to vector<16xi32>
    %ge3A_585 = arith.cmpi sge, %get3A_582, %ge3A_584 : vector<16xi32>
    %jit3A_586 = arith.constant 1 : i32
    %jit3A_587 = arith.constant 0 : i32
    %broadcast_in_dim3A_588 = vector.broadcast %jit3A_586 : i32 to vector<16xi32>
    %broadcast_in_dim3A_589 = vector.broadcast %jit3A_587 : i32 to vector<16xi32>
    %select_n3A_590 = arith.select %ge3A_585, %broadcast_in_dim3A_588, %broadcast_in_dim3A_589 : vector<16xi1>, vector<16xi32>
    %ge3A_591 = arith.constant 262144 : i32
    %ge3A_592 = vector.broadcast %ge3A_591 : i32 to vector<16xi32>
    %ge3A_593 = arith.cmpi sge, %get3A_582, %ge3A_592 : vector<16xi32>
    %jit3A_594 = arith.constant 1 : i32
    %jit3A_595 = arith.constant 0 : i32
    %broadcast_in_dim3A_596 = vector.broadcast %jit3A_594 : i32 to vector<16xi32>
    %broadcast_in_dim3A_597 = vector.broadcast %jit3A_595 : i32 to vector<16xi32>
    %select_n3A_598 = arith.select %ge3A_593, %broadcast_in_dim3A_596, %broadcast_in_dim3A_597 : vector<16xi1>, vector<16xi32>
    %add3A_599 = arith.addi %select_n3A_590, %select_n3A_598 : vector<16xi32>
    %ge3A_600 = arith.constant 393216 : i32
    %ge3A_601 = vector.broadcast %ge3A_600 : i32 to vector<16xi32>
    %ge3A_602 = arith.cmpi sge, %get3A_582, %ge3A_601 : vector<16xi32>
    %jit3A_603 = arith.constant 1 : i32
    %jit3A_604 = arith.constant 0 : i32
    %broadcast_in_dim3A_605 = vector.broadcast %jit3A_603 : i32 to vector<16xi32>
    %broadcast_in_dim3A_606 = vector.broadcast %jit3A_604 : i32 to vector<16xi32>
    %select_n3A_607 = arith.select %ge3A_602, %broadcast_in_dim3A_605, %broadcast_in_dim3A_606 : vector<16xi1>, vector<16xi32>
    %add3A_608 = arith.addi %add3A_599, %select_n3A_607 : vector<16xi32>
    %ge3A_609 = arith.constant 524288 : i32
    %ge3A_610 = vector.broadcast %ge3A_609 : i32 to vector<16xi32>
    %ge3A_611 = arith.cmpi sge, %get3A_582, %ge3A_610 : vector<16xi32>
    %jit3A_612 = arith.constant 1 : i32
    %jit3A_613 = arith.constant 0 : i32
    %broadcast_in_dim3A_614 = vector.broadcast %jit3A_612 : i32 to vector<16xi32>
    %broadcast_in_dim3A_615 = vector.broadcast %jit3A_613 : i32 to vector<16xi32>
    %select_n3A_616 = arith.select %ge3A_611, %broadcast_in_dim3A_614, %broadcast_in_dim3A_615 : vector<16xi1>, vector<16xi32>
    %add3A_617 = arith.addi %add3A_608, %select_n3A_616 : vector<16xi32>
    %ge3A_618 = arith.constant 655360 : i32
    %ge3A_619 = vector.broadcast %ge3A_618 : i32 to vector<16xi32>
    %ge3A_620 = arith.cmpi sge, %get3A_582, %ge3A_619 : vector<16xi32>
    %jit3A_621 = arith.constant 1 : i32
    %jit3A_622 = arith.constant 0 : i32
    %broadcast_in_dim3A_623 = vector.broadcast %jit3A_621 : i32 to vector<16xi32>
    %broadcast_in_dim3A_624 = vector.broadcast %jit3A_622 : i32 to vector<16xi32>
    %select_n3A_625 = arith.select %ge3A_620, %broadcast_in_dim3A_623, %broadcast_in_dim3A_624 : vector<16xi1>, vector<16xi32>
    %add3A_626 = arith.addi %add3A_617, %select_n3A_625 : vector<16xi32>
    %ge3A_627 = arith.constant 786432 : i32
    %ge3A_628 = vector.broadcast %ge3A_627 : i32 to vector<16xi32>
    %ge3A_629 = arith.cmpi sge, %get3A_582, %ge3A_628 : vector<16xi32>
    %jit3A_630 = arith.constant 1 : i32
    %jit3A_631 = arith.constant 0 : i32
    %broadcast_in_dim3A_632 = vector.broadcast %jit3A_630 : i32 to vector<16xi32>
    %broadcast_in_dim3A_633 = vector.broadcast %jit3A_631 : i32 to vector<16xi32>
    %select_n3A_634 = arith.select %ge3A_629, %broadcast_in_dim3A_632, %broadcast_in_dim3A_633 : vector<16xi1>, vector<16xi32>
    %add3A_635 = arith.addi %add3A_626, %select_n3A_634 : vector<16xi32>
    %ge3A_636 = arith.constant 917504 : i32
    %ge3A_637 = vector.broadcast %ge3A_636 : i32 to vector<16xi32>
    %ge3A_638 = arith.cmpi sge, %get3A_582, %ge3A_637 : vector<16xi32>
    %jit3A_639 = arith.constant 1 : i32
    %jit3A_640 = arith.constant 0 : i32
    %broadcast_in_dim3A_641 = vector.broadcast %jit3A_639 : i32 to vector<16xi32>
    %broadcast_in_dim3A_642 = vector.broadcast %jit3A_640 : i32 to vector<16xi32>
    %select_n3A_643 = arith.select %ge3A_638, %broadcast_in_dim3A_641, %broadcast_in_dim3A_642 : vector<16xi1>, vector<16xi32>
    %add3A_644 = arith.addi %add3A_635, %select_n3A_643 : vector<16xi32>
    %mul3A_645 = arith.constant 131072 : i32
    %mul3A_646 = vector.broadcast %mul3A_645 : i32 to vector<16xi32>
    %mul3A_647 = arith.muli %add3A_644, %mul3A_646 : vector<16xi32>
    %sub3A_648 = arith.subi %get3A_582, %mul3A_647 : vector<16xi32>
    %swap3A_649 = arith.constant 128 : index
    %swap3A_650 = tpu.vector_load %arg5[%swap3A_649] {strides = array<i32>} : memref<512xi32, #tpu.memory_space<vmem>>, vector<16xi32>,
    %swap3A_651 = vector.shape_cast %swap3A_650 : vector<16xi32> to vector<16xi32>
    %swap3A_652 = vector.shape_cast %sub3A_648 : vector<16xi32> to vector<16xi32>
    tpu.vector_store %arg5[%swap3A_649], %swap3A_652 {strides = array<i32>} : memref<512xi32, #tpu.memory_space<vmem>>, vector<16xi32>,
    %get3A_653 = arith.constant 144 : index
    %get3A_654 = tpu.vector_load %arg5[%get3A_653] {strides = array<i32>} : memref<512xi32, #tpu.memory_space<vmem>>, vector<16xi32>,
    %get3A_655 = vector.shape_cast %get3A_654 : vector<16xi32> to vector<16xi32>
    %ge3A_656 = arith.constant 131072 : i32
    %ge3A_657 = vector.broadcast %ge3A_656 : i32 to vector<16xi32>
    %ge3A_658 = arith.cmpi sge, %get3A_655, %ge3A_657 : vector<16xi32>
    %jit3A_659 = arith.constant 1 : i32
    %jit3A_660 = arith.constant 0 : i32
    %broadcast_in_dim3A_661 = vector.broadcast %jit3A_659 : i32 to vector<16xi32>
    %broadcast_in_dim3A_662 = vector.broadcast %jit3A_660 : i32 to vector<16xi32>
    %select_n3A_663 = arith.select %ge3A_658, %broadcast_in_dim3A_661, %broadcast_in_dim3A_662 : vector<16xi1>, vector<16xi32>
    %ge3A_664 = arith.constant 262144 : i32
    %ge3A_665 = vector.broadcast %ge3A_664 : i32 to vector<16xi32>
    %ge3A_666 = arith.cmpi sge, %get3A_655, %ge3A_665 : vector<16xi32>
    %jit3A_667 = arith.constant 1 : i32
    %jit3A_668 = arith.constant 0 : i32
    %broadcast_in_dim3A_669 = vector.broadcast %jit3A_667 : i32 to vector<16xi32>
    %broadcast_in_dim3A_670 = vector.broadcast %jit3A_668 : i32 to vector<16xi32>
    %select_n3A_671 = arith.select %ge3A_666, %broadcast_in_dim3A_669, %broadcast_in_dim3A_670 : vector<16xi1>, vector<16xi32>
    %add3A_672 = arith.addi %select_n3A_663, %select_n3A_671 : vector<16xi32>
    %ge3A_673 = arith.constant 393216 : i32
    %ge3A_674 = vector.broadcast %ge3A_673 : i32 to vector<16xi32>
    %ge3A_675 = arith.cmpi sge, %get3A_655, %ge3A_674 : vector<16xi32>
    %jit3A_676 = arith.constant 1 : i32
    %jit3A_677 = arith.constant 0 : i32
    %broadcast_in_dim3A_678 = vector.broadcast %jit3A_676 : i32 to vector<16xi32>
    %broadcast_in_dim3A_679 = vector.broadcast %jit3A_677 : i32 to vector<16xi32>
    %select_n3A_680 = arith.select %ge3A_675, %broadcast_in_dim3A_678, %broadcast_in_dim3A_679 : vector<16xi1>, vector<16xi32>
    %add3A_681 = arith.addi %add3A_672, %select_n3A_680 : vector<16xi32>
    %ge3A_682 = arith.constant 524288 : i32
    %ge3A_683 = vector.broadcast %ge3A_682 : i32 to vector<16xi32>
    %ge3A_684 = arith.cmpi sge, %get3A_655, %ge3A_683 : vector<16xi32>
    %jit3A_685 = arith.constant 1 : i32
    %jit3A_686 = arith.constant 0 : i32
    %broadcast_in_dim3A_687 = vector.broadcast %jit3A_685 : i32 to vector<16xi32>
    %broadcast_in_dim3A_688 = vector.broadcast %jit3A_686 : i32 to vector<16xi32>
    %select_n3A_689 = arith.select %ge3A_684, %broadcast_in_dim3A_687, %broadcast_in_dim3A_688 : vector<16xi1>, vector<16xi32>
    %add3A_690 = arith.addi %add3A_681, %select_n3A_689 : vector<16xi32>
    %ge3A_691 = arith.constant 655360 : i32
    %ge3A_692 = vector.broadcast %ge3A_691 : i32 to vector<16xi32>
    %ge3A_693 = arith.cmpi sge, %get3A_655, %ge3A_692 : vector<16xi32>
    %jit3A_694 = arith.constant 1 : i32
    %jit3A_695 = arith.constant 0 : i32
    %broadcast_in_dim3A_696 = vector.broadcast %jit3A_694 : i32 to vector<16xi32>
    %broadcast_in_dim3A_697 = vector.broadcast %jit3A_695 : i32 to vector<16xi32>
    %select_n3A_698 = arith.select %ge3A_693, %broadcast_in_dim3A_696, %broadcast_in_dim3A_697 : vector<16xi1>, vector<16xi32>
    %add3A_699 = arith.addi %add3A_690, %select_n3A_698 : vector<16xi32>
    %ge3A_700 = arith.constant 786432 : i32
    %ge3A_701 = vector.broadcast %ge3A_700 : i32 to vector<16xi32>
    %ge3A_702 = arith.cmpi sge, %get3A_655, %ge3A_701 : vector<16xi32>
    %jit3A_703 = arith.constant 1 : i32
    %jit3A_704 = arith.constant 0 : i32
    %broadcast_in_dim3A_705 = vector.broadcast %jit3A_703 : i32 to vector<16xi32>
    %broadcast_in_dim3A_706 = vector.broadcast %jit3A_704 : i32 to vector<16xi32>
    %select_n3A_707 = arith.select %ge3A_702, %broadcast_in_dim3A_705, %broadcast_in_dim3A_706 : vector<16xi1>, vector<16xi32>
    %add3A_708 = arith.addi %add3A_699, %select_n3A_707 : vector<16xi32>
    %ge3A_709 = arith.constant 917504 : i32
    %ge3A_710 = vector.broadcast %ge3A_709 : i32 to vector<16xi32>
    %ge3A_711 = arith.cmpi sge, %get3A_655, %ge3A_710 : vector<16xi32>
    %jit3A_712 = arith.constant 1 : i32
    %jit3A_713 = arith.constant 0 : i32
    %broadcast_in_dim3A_714 = vector.broadcast %jit3A_712 : i32 to vector<16xi32>
    %broadcast_in_dim3A_715 = vector.broadcast %jit3A_713 : i32 to vector<16xi32>
    %select_n3A_716 = arith.select %ge3A_711, %broadcast_in_dim3A_714, %broadcast_in_dim3A_715 : vector<16xi1>, vector<16xi32>
    %add3A_717 = arith.addi %add3A_708, %select_n3A_716 : vector<16xi32>
    %mul3A_718 = arith.constant 131072 : i32
    %mul3A_719 = vector.broadcast %mul3A_718 : i32 to vector<16xi32>
    %mul3A_720 = arith.muli %add3A_717, %mul3A_719 : vector<16xi32>
    %sub3A_721 = arith.subi %get3A_655, %mul3A_720 : vector<16xi32>
    %swap3A_722 = arith.constant 144 : index
    %swap3A_723 = tpu.vector_load %arg5[%swap3A_722] {strides = array<i32>} : memref<512xi32, #tpu.memory_space<vmem>>, vector<16xi32>,
    %swap3A_724 = vector.shape_cast %swap3A_723 : vector<16xi32> to vector<16xi32>
    %swap3A_725 = vector.shape_cast %sub3A_721 : vector<16xi32> to vector<16xi32>
    tpu.vector_store %arg5[%swap3A_722], %swap3A_725 {strides = array<i32>} : memref<512xi32, #tpu.memory_space<vmem>>, vector<16xi32>,
    %get3A_726 = arith.constant 160 : index
    %get3A_727 = tpu.vector_load %arg5[%get3A_726] {strides = array<i32>} : memref<512xi32, #tpu.memory_space<vmem>>, vector<16xi32>,
    %get3A_728 = vector.shape_cast %get3A_727 : vector<16xi32> to vector<16xi32>
    %ge3A_729 = arith.constant 131072 : i32
    %ge3A_730 = vector.broadcast %ge3A_729 : i32 to vector<16xi32>
    %ge3A_731 = arith.cmpi sge, %get3A_728, %ge3A_730 : vector<16xi32>
    %jit3A_732 = arith.constant 1 : i32
    %jit3A_733 = arith.constant 0 : i32
    %broadcast_in_dim3A_734 = vector.broadcast %jit3A_732 : i32 to vector<16xi32>
    %broadcast_in_dim3A_735 = vector.broadcast %jit3A_733 : i32 to vector<16xi32>
    %select_n3A_736 = arith.select %ge3A_731, %broadcast_in_dim3A_734, %broadcast_in_dim3A_735 : vector<16xi1>, vector<16xi32>
    %ge3A_737 = arith.constant 262144 : i32
    %ge3A_738 = vector.broadcast %ge3A_737 : i32 to vector<16xi32>
    %ge3A_739 = arith.cmpi sge, %get3A_728, %ge3A_738 : vector<16xi32>
    %jit3A_740 = arith.constant 1 : i32
    %jit3A_741 = arith.constant 0 : i32
    %broadcast_in_dim3A_742 = vector.broadcast %jit3A_740 : i32 to vector<16xi32>
    %broadcast_in_dim3A_743 = vector.broadcast %jit3A_741 : i32 to vector<16xi32>
    %select_n3A_744 = arith.select %ge3A_739, %broadcast_in_dim3A_742, %broadcast_in_dim3A_743 : vector<16xi1>, vector<16xi32>
    %add3A_745 = arith.addi %select_n3A_736, %select_n3A_744 : vector<16xi32>
    %ge3A_746 = arith.constant 393216 : i32
    %ge3A_747 = vector.broadcast %ge3A_746 : i32 to vector<16xi32>
    %ge3A_748 = arith.cmpi sge, %get3A_728, %ge3A_747 : vector<16xi32>
    %jit3A_749 = arith.constant 1 : i32
    %jit3A_750 = arith.constant 0 : i32
    %broadcast_in_dim3A_751 = vector.broadcast %jit3A_749 : i32 to vector<16xi32>
    %broadcast_in_dim3A_752 = vector.broadcast %jit3A_750 : i32 to vector<16xi32>
    %select_n3A_753 = arith.select %ge3A_748, %broadcast_in_dim3A_751, %broadcast_in_dim3A_752 : vector<16xi1>, vector<16xi32>
    %add3A_754 = arith.addi %add3A_745, %select_n3A_753 : vector<16xi32>
    %ge3A_755 = arith.constant 524288 : i32
    %ge3A_756 = vector.broadcast %ge3A_755 : i32 to vector<16xi32>
    %ge3A_757 = arith.cmpi sge, %get3A_728, %ge3A_756 : vector<16xi32>
    %jit3A_758 = arith.constant 1 : i32
    %jit3A_759 = arith.constant 0 : i32
    %broadcast_in_dim3A_760 = vector.broadcast %jit3A_758 : i32 to vector<16xi32>
    %broadcast_in_dim3A_761 = vector.broadcast %jit3A_759 : i32 to vector<16xi32>
    %select_n3A_762 = arith.select %ge3A_757, %broadcast_in_dim3A_760, %broadcast_in_dim3A_761 : vector<16xi1>, vector<16xi32>
    %add3A_763 = arith.addi %add3A_754, %select_n3A_762 : vector<16xi32>
    %ge3A_764 = arith.constant 655360 : i32
    %ge3A_765 = vector.broadcast %ge3A_764 : i32 to vector<16xi32>
    %ge3A_766 = arith.cmpi sge, %get3A_728, %ge3A_765 : vector<16xi32>
    %jit3A_767 = arith.constant 1 : i32
    %jit3A_768 = arith.constant 0 : i32
    %broadcast_in_dim3A_769 = vector.broadcast %jit3A_767 : i32 to vector<16xi32>
    %broadcast_in_dim3A_770 = vector.broadcast %jit3A_768 : i32 to vector<16xi32>
    %select_n3A_771 = arith.select %ge3A_766, %broadcast_in_dim3A_769, %broadcast_in_dim3A_770 : vector<16xi1>, vector<16xi32>
    %add3A_772 = arith.addi %add3A_763, %select_n3A_771 : vector<16xi32>
    %ge3A_773 = arith.constant 786432 : i32
    %ge3A_774 = vector.broadcast %ge3A_773 : i32 to vector<16xi32>
    %ge3A_775 = arith.cmpi sge, %get3A_728, %ge3A_774 : vector<16xi32>
    %jit3A_776 = arith.constant 1 : i32
    %jit3A_777 = arith.constant 0 : i32
    %broadcast_in_dim3A_778 = vector.broadcast %jit3A_776 : i32 to vector<16xi32>
    %broadcast_in_dim3A_779 = vector.broadcast %jit3A_777 : i32 to vector<16xi32>
    %select_n3A_780 = arith.select %ge3A_775, %broadcast_in_dim3A_778, %broadcast_in_dim3A_779 : vector<16xi1>, vector<16xi32>
    %add3A_781 = arith.addi %add3A_772, %select_n3A_780 : vector<16xi32>
    %ge3A_782 = arith.constant 917504 : i32
    %ge3A_783 = vector.broadcast %ge3A_782 : i32 to vector<16xi32>
    %ge3A_784 = arith.cmpi sge, %get3A_728, %ge3A_783 : vector<16xi32>
    %jit3A_785 = arith.constant 1 : i32
    %jit3A_786 = arith.constant 0 : i32
    %broadcast_in_dim3A_787 = vector.broadcast %jit3A_785 : i32 to vector<16xi32>
    %broadcast_in_dim3A_788 = vector.broadcast %jit3A_786 : i32 to vector<16xi32>
    %select_n3A_789 = arith.select %ge3A_784, %broadcast_in_dim3A_787, %broadcast_in_dim3A_788 : vector<16xi1>, vector<16xi32>
    %add3A_790 = arith.addi %add3A_781, %select_n3A_789 : vector<16xi32>
    %mul3A_791 = arith.constant 131072 : i32
    %mul3A_792 = vector.broadcast %mul3A_791 : i32 to vector<16xi32>
    %mul3A_793 = arith.muli %add3A_790, %mul3A_792 : vector<16xi32>
    %sub3A_794 = arith.subi %get3A_728, %mul3A_793 : vector<16xi32>
    %swap3A_795 = arith.constant 160 : index
    %swap3A_796 = tpu.vector_load %arg5[%swap3A_795] {strides = array<i32>} : memref<512xi32, #tpu.memory_space<vmem>>, vector<16xi32>,
    %swap3A_797 = vector.shape_cast %swap3A_796 : vector<16xi32> to vector<16xi32>
    %swap3A_798 = vector.shape_cast %sub3A_794 : vector<16xi32> to vector<16xi32>
    tpu.vector_store %arg5[%swap3A_795], %swap3A_798 {strides = array<i32>} : memref<512xi32, #tpu.memory_space<vmem>>, vector<16xi32>,
    %get3A_799 = arith.constant 176 : index
    %get3A_800 = tpu.vector_load %arg5[%get3A_799] {strides = array<i32>} : memref<512xi32, #tpu.memory_space<vmem>>, vector<16xi32>,
    %get3A_801 = vector.shape_cast %get3A_800 : vector<16xi32> to vector<16xi32>
    %ge3A_802 = arith.constant 131072 : i32
    %ge3A_803 = vector.broadcast %ge3A_802 : i32 to vector<16xi32>
    %ge3A_804 = arith.cmpi sge, %get3A_801, %ge3A_803 : vector<16xi32>
    %jit3A_805 = arith.constant 1 : i32
    %jit3A_806 = arith.constant 0 : i32
    %broadcast_in_dim3A_807 = vector.broadcast %jit3A_805 : i32 to vector<16xi32>
    %broadcast_in_dim3A_808 = vector.broadcast %jit3A_806 : i32 to vector<16xi32>
    %select_n3A_809 = arith.select %ge3A_804, %broadcast_in_dim3A_807, %broadcast_in_dim3A_808 : vector<16xi1>, vector<16xi32>
    %ge3A_810 = arith.constant 262144 : i32
    %ge3A_811 = vector.broadcast %ge3A_810 : i32 to vector<16xi32>
    %ge3A_812 = arith.cmpi sge, %get3A_801, %ge3A_811 : vector<16xi32>
    %jit3A_813 = arith.constant 1 : i32
    %jit3A_814 = arith.constant 0 : i32
    %broadcast_in_dim3A_815 = vector.broadcast %jit3A_813 : i32 to vector<16xi32>
    %broadcast_in_dim3A_816 = vector.broadcast %jit3A_814 : i32 to vector<16xi32>
    %select_n3A_817 = arith.select %ge3A_812, %broadcast_in_dim3A_815, %broadcast_in_dim3A_816 : vector<16xi1>, vector<16xi32>
    %add3A_818 = arith.addi %select_n3A_809, %select_n3A_817 : vector<16xi32>
    %ge3A_819 = arith.constant 393216 : i32
    %ge3A_820 = vector.broadcast %ge3A_819 : i32 to vector<16xi32>
    %ge3A_821 = arith.cmpi sge, %get3A_801, %ge3A_820 : vector<16xi32>
    %jit3A_822 = arith.constant 1 : i32
    %jit3A_823 = arith.constant 0 : i32
    %broadcast_in_dim3A_824 = vector.broadcast %jit3A_822 : i32 to vector<16xi32>
    %broadcast_in_dim3A_825 = vector.broadcast %jit3A_823 : i32 to vector<16xi32>
    %select_n3A_826 = arith.select %ge3A_821, %broadcast_in_dim3A_824, %broadcast_in_dim3A_825 : vector<16xi1>, vector<16xi32>
    %add3A_827 = arith.addi %add3A_818, %select_n3A_826 : vector<16xi32>
    %ge3A_828 = arith.constant 524288 : i32
    %ge3A_829 = vector.broadcast %ge3A_828 : i32 to vector<16xi32>
    %ge3A_830 = arith.cmpi sge, %get3A_801, %ge3A_829 : vector<16xi32>
    %jit3A_831 = arith.constant 1 : i32
    %jit3A_832 = arith.constant 0 : i32
    %broadcast_in_dim3A_833 = vector.broadcast %jit3A_831 : i32 to vector<16xi32>
    %broadcast_in_dim3A_834 = vector.broadcast %jit3A_832 : i32 to vector<16xi32>
    %select_n3A_835 = arith.select %ge3A_830, %broadcast_in_dim3A_833, %broadcast_in_dim3A_834 : vector<16xi1>, vector<16xi32>
    %add3A_836 = arith.addi %add3A_827, %select_n3A_835 : vector<16xi32>
    %ge3A_837 = arith.constant 655360 : i32
    %ge3A_838 = vector.broadcast %ge3A_837 : i32 to vector<16xi32>
    %ge3A_839 = arith.cmpi sge, %get3A_801, %ge3A_838 : vector<16xi32>
    %jit3A_840 = arith.constant 1 : i32
    %jit3A_841 = arith.constant 0 : i32
    %broadcast_in_dim3A_842 = vector.broadcast %jit3A_840 : i32 to vector<16xi32>
    %broadcast_in_dim3A_843 = vector.broadcast %jit3A_841 : i32 to vector<16xi32>
    %select_n3A_844 = arith.select %ge3A_839, %broadcast_in_dim3A_842, %broadcast_in_dim3A_843 : vector<16xi1>, vector<16xi32>
    %add3A_845 = arith.addi %add3A_836, %select_n3A_844 : vector<16xi32>
    %ge3A_846 = arith.constant 786432 : i32
    %ge3A_847 = vector.broadcast %ge3A_846 : i32 to vector<16xi32>
    %ge3A_848 = arith.cmpi sge, %get3A_801, %ge3A_847 : vector<16xi32>
    %jit3A_849 = arith.constant 1 : i32
    %jit3A_850 = arith.constant 0 : i32
    %broadcast_in_dim3A_851 = vector.broadcast %jit3A_849 : i32 to vector<16xi32>
    %broadcast_in_dim3A_852 = vector.broadcast %jit3A_850 : i32 to vector<16xi32>
    %select_n3A_853 = arith.select %ge3A_848, %broadcast_in_dim3A_851, %broadcast_in_dim3A_852 : vector<16xi1>, vector<16xi32>
    %add3A_854 = arith.addi %add3A_845, %select_n3A_853 : vector<16xi32>
    %ge3A_855 = arith.constant 917504 : i32
    %ge3A_856 = vector.broadcast %ge3A_855 : i32 to vector<16xi32>
    %ge3A_857 = arith.cmpi sge, %get3A_801, %ge3A_856 : vector<16xi32>
    %jit3A_858 = arith.constant 1 : i32
    %jit3A_859 = arith.constant 0 : i32
    %broadcast_in_dim3A_860 = vector.broadcast %jit3A_858 : i32 to vector<16xi32>
    %broadcast_in_dim3A_861 = vector.broadcast %jit3A_859 : i32 to vector<16xi32>
    %select_n3A_862 = arith.select %ge3A_857, %broadcast_in_dim3A_860, %broadcast_in_dim3A_861 : vector<16xi1>, vector<16xi32>
    %add3A_863 = arith.addi %add3A_854, %select_n3A_862 : vector<16xi32>
    %mul3A_864 = arith.constant 131072 : i32
    %mul3A_865 = vector.broadcast %mul3A_864 : i32 to vector<16xi32>
    %mul3A_866 = arith.muli %add3A_863, %mul3A_865 : vector<16xi32>
    %sub3A_867 = arith.subi %get3A_801, %mul3A_866 : vector<16xi32>
    %swap3A_868 = arith.constant 176 : index
    %swap3A_869 = tpu.vector_load %arg5[%swap3A_868] {strides = array<i32>} : memref<512xi32, #tpu.memory_space<vmem>>, vector<16xi32>,
    %swap3A_870 = vector.shape_cast %swap3A_869 : vector<16xi32> to vector<16xi32>
    %swap3A_871 = vector.shape_cast %sub3A_867 : vector<16xi32> to vector<16xi32>
    tpu.vector_store %arg5[%swap3A_868], %swap3A_871 {strides = array<i32>} : memref<512xi32, #tpu.memory_space<vmem>>, vector<16xi32>,
    %get3A_872 = arith.constant 192 : index
    %get3A_873 = tpu.vector_load %arg5[%get3A_872] {strides = array<i32>} : memref<512xi32, #tpu.memory_space<vmem>>, vector<16xi32>,
    %get3A_874 = vector.shape_cast %get3A_873 : vector<16xi32> to vector<16xi32>
    %ge3A_875 = arith.constant 131072 : i32
    %ge3A_876 = vector.broadcast %ge3A_875 : i32 to vector<16xi32>
    %ge3A_877 = arith.cmpi sge, %get3A_874, %ge3A_876 : vector<16xi32>
    %jit3A_878 = arith.constant 1 : i32
    %jit3A_879 = arith.constant 0 : i32
    %broadcast_in_dim3A_880 = vector.broadcast %jit3A_878 : i32 to vector<16xi32>
    %broadcast_in_dim3A_881 = vector.broadcast %jit3A_879 : i32 to vector<16xi32>
    %select_n3A_882 = arith.select %ge3A_877, %broadcast_in_dim3A_880, %broadcast_in_dim3A_881 : vector<16xi1>, vector<16xi32>
    %ge3A_883 = arith.constant 262144 : i32
    %ge3A_884 = vector.broadcast %ge3A_883 : i32 to vector<16xi32>
    %ge3A_885 = arith.cmpi sge, %get3A_874, %ge3A_884 : vector<16xi32>
    %jit3A_886 = arith.constant 1 : i32
    %jit3A_887 = arith.constant 0 : i32
    %broadcast_in_dim3A_888 = vector.broadcast %jit3A_886 : i32 to vector<16xi32>
    %broadcast_in_dim3A_889 = vector.broadcast %jit3A_887 : i32 to vector<16xi32>
    %select_n3A_890 = arith.select %ge3A_885, %broadcast_in_dim3A_888, %broadcast_in_dim3A_889 : vector<16xi1>, vector<16xi32>
    %add3A_891 = arith.addi %select_n3A_882, %select_n3A_890 : vector<16xi32>
    %ge3A_892 = arith.constant 393216 : i32
    %ge3A_893 = vector.broadcast %ge3A_892 : i32 to vector<16xi32>
    %ge3A_894 = arith.cmpi sge, %get3A_874, %ge3A_893 : vector<16xi32>
    %jit3A_895 = arith.constant 1 : i32
    %jit3A_896 = arith.constant 0 : i32
    %broadcast_in_dim3A_897 = vector.broadcast %jit3A_895 : i32 to vector<16xi32>
    %broadcast_in_dim3A_898 = vector.broadcast %jit3A_896 : i32 to vector<16xi32>
    %select_n3A_899 = arith.select %ge3A_894, %broadcast_in_dim3A_897, %broadcast_in_dim3A_898 : vector<16xi1>, vector<16xi32>
    %add3A_900 = arith.addi %add3A_891, %select_n3A_899 : vector<16xi32>
    %ge3A_901 = arith.constant 524288 : i32
    %ge3A_902 = vector.broadcast %ge3A_901 : i32 to vector<16xi32>
    %ge3A_903 = arith.cmpi sge, %get3A_874, %ge3A_902 : vector<16xi32>
    %jit3A_904 = arith.constant 1 : i32
    %jit3A_905 = arith.constant 0 : i32
    %broadcast_in_dim3A_906 = vector.broadcast %jit3A_904 : i32 to vector<16xi32>
    %broadcast_in_dim3A_907 = vector.broadcast %jit3A_905 : i32 to vector<16xi32>
    %select_n3A_908 = arith.select %ge3A_903, %broadcast_in_dim3A_906, %broadcast_in_dim3A_907 : vector<16xi1>, vector<16xi32>
    %add3A_909 = arith.addi %add3A_900, %select_n3A_908 : vector<16xi32>
    %ge3A_910 = arith.constant 655360 : i32
    %ge3A_911 = vector.broadcast %ge3A_910 : i32 to vector<16xi32>
    %ge3A_912 = arith.cmpi sge, %get3A_874, %ge3A_911 : vector<16xi32>
    %jit3A_913 = arith.constant 1 : i32
    %jit3A_914 = arith.constant 0 : i32
    %broadcast_in_dim3A_915 = vector.broadcast %jit3A_913 : i32 to vector<16xi32>
    %broadcast_in_dim3A_916 = vector.broadcast %jit3A_914 : i32 to vector<16xi32>
    %select_n3A_917 = arith.select %ge3A_912, %broadcast_in_dim3A_915, %broadcast_in_dim3A_916 : vector<16xi1>, vector<16xi32>
    %add3A_918 = arith.addi %add3A_909, %select_n3A_917 : vector<16xi32>
    %ge3A_919 = arith.constant 786432 : i32
    %ge3A_920 = vector.broadcast %ge3A_919 : i32 to vector<16xi32>
    %ge3A_921 = arith.cmpi sge, %get3A_874, %ge3A_920 : vector<16xi32>
    %jit3A_922 = arith.constant 1 : i32
    %jit3A_923 = arith.constant 0 : i32
    %broadcast_in_dim3A_924 = vector.broadcast %jit3A_922 : i32 to vector<16xi32>
    %broadcast_in_dim3A_925 = vector.broadcast %jit3A_923 : i32 to vector<16xi32>
    %select_n3A_926 = arith.select %ge3A_921, %broadcast_in_dim3A_924, %broadcast_in_dim3A_925 : vector<16xi1>, vector<16xi32>
    %add3A_927 = arith.addi %add3A_918, %select_n3A_926 : vector<16xi32>
    %ge3A_928 = arith.constant 917504 : i32
    %ge3A_929 = vector.broadcast %ge3A_928 : i32 to vector<16xi32>
    %ge3A_930 = arith.cmpi sge, %get3A_874, %ge3A_929 : vector<16xi32>
    %jit3A_931 = arith.constant 1 : i32
    %jit3A_932 = arith.constant 0 : i32
    %broadcast_in_dim3A_933 = vector.broadcast %jit3A_931 : i32 to vector<16xi32>
    %broadcast_in_dim3A_934 = vector.broadcast %jit3A_932 : i32 to vector<16xi32>
    %select_n3A_935 = arith.select %ge3A_930, %broadcast_in_dim3A_933, %broadcast_in_dim3A_934 : vector<16xi1>, vector<16xi32>
    %add3A_936 = arith.addi %add3A_927, %select_n3A_935 : vector<16xi32>
    %mul3A_937 = arith.constant 131072 : i32
    %mul3A_938 = vector.broadcast %mul3A_937 : i32 to vector<16xi32>
    %mul3A_939 = arith.muli %add3A_936, %mul3A_938 : vector<16xi32>
    %sub3A_940 = arith.subi %get3A_874, %mul3A_939 : vector<16xi32>
    %swap3A_941 = arith.constant 192 : index
    %swap3A_942 = tpu.vector_load %arg5[%swap3A_941] {strides = array<i32>} : memref<512xi32, #tpu.memory_space<vmem>>, vector<16xi32>,
    %swap3A_943 = vector.shape_cast %swap3A_942 : vector<16xi32> to vector<16xi32>
    %swap3A_944 = vector.shape_cast %sub3A_940 : vector<16xi32> to vector<16xi32>
    tpu.vector_store %arg5[%swap3A_941], %swap3A_944 {strides = array<i32>} : memref<512xi32, #tpu.memory_space<vmem>>, vector<16xi32>,
    %get3A_945 = arith.constant 208 : index
    %get3A_946 = tpu.vector_load %arg5[%get3A_945] {strides = array<i32>} : memref<512xi32, #tpu.memory_space<vmem>>, vector<16xi32>,
    %get3A_947 = vector.shape_cast %get3A_946 : vector<16xi32> to vector<16xi32>
    %ge3A_948 = arith.constant 131072 : i32
    %ge3A_949 = vector.broadcast %ge3A_948 : i32 to vector<16xi32>
    %ge3A_950 = arith.cmpi sge, %get3A_947, %ge3A_949 : vector<16xi32>
    %jit3A_951 = arith.constant 1 : i32
    %jit3A_952 = arith.constant 0 : i32
    %broadcast_in_dim3A_953 = vector.broadcast %jit3A_951 : i32 to vector<16xi32>
    %broadcast_in_dim3A_954 = vector.broadcast %jit3A_952 : i32 to vector<16xi32>
    %select_n3A_955 = arith.select %ge3A_950, %broadcast_in_dim3A_953, %broadcast_in_dim3A_954 : vector<16xi1>, vector<16xi32>
    %ge3A_956 = arith.constant 262144 : i32
    %ge3A_957 = vector.broadcast %ge3A_956 : i32 to vector<16xi32>
    %ge3A_958 = arith.cmpi sge, %get3A_947, %ge3A_957 : vector<16xi32>
    %jit3A_959 = arith.constant 1 : i32
    %jit3A_960 = arith.constant 0 : i32
    %broadcast_in_dim3A_961 = vector.broadcast %jit3A_959 : i32 to vector<16xi32>
    %broadcast_in_dim3A_962 = vector.broadcast %jit3A_960 : i32 to vector<16xi32>
    %select_n3A_963 = arith.select %ge3A_958, %broadcast_in_dim3A_961, %broadcast_in_dim3A_962 : vector<16xi1>, vector<16xi32>
    %add3A_964 = arith.addi %select_n3A_955, %select_n3A_963 : vector<16xi32>
    %ge3A_965 = arith.constant 393216 : i32
    %ge3A_966 = vector.broadcast %ge3A_965 : i32 to vector<16xi32>
    %ge3A_967 = arith.cmpi sge, %get3A_947, %ge3A_966 : vector<16xi32>
    %jit3A_968 = arith.constant 1 : i32
    %jit3A_969 = arith.constant 0 : i32
    %broadcast_in_dim3A_970 = vector.broadcast %jit3A_968 : i32 to vector<16xi32>
    %broadcast_in_dim3A_971 = vector.broadcast %jit3A_969 : i32 to vector<16xi32>
    %select_n3A_972 = arith.select %ge3A_967, %broadcast_in_dim3A_970, %broadcast_in_dim3A_971 : vector<16xi1>, vector<16xi32>
    %add3A_973 = arith.addi %add3A_964, %select_n3A_972 : vector<16xi32>
    %ge3A_974 = arith.constant 524288 : i32
    %ge3A_975 = vector.broadcast %ge3A_974 : i32 to vector<16xi32>
    %ge3A_976 = arith.cmpi sge, %get3A_947, %ge3A_975 : vector<16xi32>
    %jit3A_977 = arith.constant 1 : i32
    %jit3A_978 = arith.constant 0 : i32
    %broadcast_in_dim3A_979 = vector.broadcast %jit3A_977 : i32 to vector<16xi32>
    %broadcast_in_dim3A_980 = vector.broadcast %jit3A_978 : i32 to vector<16xi32>
    %select_n3A_981 = arith.select %ge3A_976, %broadcast_in_dim3A_979, %broadcast_in_dim3A_980 : vector<16xi1>, vector<16xi32>
    %add3A_982 = arith.addi %add3A_973, %select_n3A_981 : vector<16xi32>
    %ge3A_983 = arith.constant 655360 : i32
    %ge3A_984 = vector.broadcast %ge3A_983 : i32 to vector<16xi32>
    %ge3A_985 = arith.cmpi sge, %get3A_947, %ge3A_984 : vector<16xi32>
    %jit3A_986 = arith.constant 1 : i32
    %jit3A_987 = arith.constant 0 : i32
    %broadcast_in_dim3A_988 = vector.broadcast %jit3A_986 : i32 to vector<16xi32>
    %broadcast_in_dim3A_989 = vector.broadcast %jit3A_987 : i32 to vector<16xi32>
    %select_n3A_990 = arith.select %ge3A_985, %broadcast_in_dim3A_988, %broadcast_in_dim3A_989 : vector<16xi1>, vector<16xi32>
    %add3A_991 = arith.addi %add3A_982, %select_n3A_990 : vector<16xi32>
    %ge3A_992 = arith.constant 786432 : i32
    %ge3A_993 = vector.broadcast %ge3A_992 : i32 to vector<16xi32>
    %ge3A_994 = arith.cmpi sge, %get3A_947, %ge3A_993 : vector<16xi32>
    %jit3A_995 = arith.constant 1 : i32
    %jit3A_996 = arith.constant 0 : i32
    %broadcast_in_dim3A_997 = vector.broadcast %jit3A_995 : i32 to vector<16xi32>
    %broadcast_in_dim3A_998 = vector.broadcast %jit3A_996 : i32 to vector<16xi32>
    %select_n3A_999 = arith.select %ge3A_994, %broadcast_in_dim3A_997, %broadcast_in_dim3A_998 : vector<16xi1>, vector<16xi32>
    %add3A_1000 = arith.addi %add3A_991, %select_n3A_999 : vector<16xi32>
    %ge3A_1001 = arith.constant 917504 : i32
    %ge3A_1002 = vector.broadcast %ge3A_1001 : i32 to vector<16xi32>
    %ge3A_1003 = arith.cmpi sge, %get3A_947, %ge3A_1002 : vector<16xi32>
    %jit3A_1004 = arith.constant 1 : i32
    %jit3A_1005 = arith.constant 0 : i32
    %broadcast_in_dim3A_1006 = vector.broadcast %jit3A_1004 : i32 to vector<16xi32>
    %broadcast_in_dim3A_1007 = vector.broadcast %jit3A_1005 : i32 to vector<16xi32>
    %select_n3A_1008 = arith.select %ge3A_1003, %broadcast_in_dim3A_1006, %broadcast_in_dim3A_1007 : vector<16xi1>, vector<16xi32>
    %add3A_1009 = arith.addi %add3A_1000, %select_n3A_1008 : vector<16xi32>
    %mul3A_1010 = arith.constant 131072 : i32
    %mul3A_1011 = vector.broadcast %mul3A_1010 : i32 to vector<16xi32>
    %mul3A_1012 = arith.muli %add3A_1009, %mul3A_1011 : vector<16xi32>
    %sub3A_1013 = arith.subi %get3A_947, %mul3A_1012 : vector<16xi32>
    %swap3A_1014 = arith.constant 208 : index
    %swap3A_1015 = tpu.vector_load %arg5[%swap3A_1014] {strides = array<i32>} : memref<512xi32, #tpu.memory_space<vmem>>, vector<16xi32>,
    %swap3A_1016 = vector.shape_cast %swap3A_1015 : vector<16xi32> to vector<16xi32>
    %swap3A_1017 = vector.shape_cast %sub3A_1013 : vector<16xi32> to vector<16xi32>
    tpu.vector_store %arg5[%swap3A_1014], %swap3A_1017 {strides = array<i32>} : memref<512xi32, #tpu.memory_space<vmem>>, vector<16xi32>,
    %get3A_1018 = arith.constant 224 : index
    %get3A_1019 = tpu.vector_load %arg5[%get3A_1018] {strides = array<i32>} : memref<512xi32, #tpu.memory_space<vmem>>, vector<16xi32>,
    %get3A_1020 = vector.shape_cast %get3A_1019 : vector<16xi32> to vector<16xi32>
    %ge3A_1021 = arith.constant 131072 : i32
    %ge3A_1022 = vector.broadcast %ge3A_1021 : i32 to vector<16xi32>
    %ge3A_1023 = arith.cmpi sge, %get3A_1020, %ge3A_1022 : vector<16xi32>
    %jit3A_1024 = arith.constant 1 : i32
    %jit3A_1025 = arith.constant 0 : i32
    %broadcast_in_dim3A_1026 = vector.broadcast %jit3A_1024 : i32 to vector<16xi32>
    %broadcast_in_dim3A_1027 = vector.broadcast %jit3A_1025 : i32 to vector<16xi32>
    %select_n3A_1028 = arith.select %ge3A_1023, %broadcast_in_dim3A_1026, %broadcast_in_dim3A_1027 : vector<16xi1>, vector<16xi32>
    %ge3A_1029 = arith.constant 262144 : i32
    %ge3A_1030 = vector.broadcast %ge3A_1029 : i32 to vector<16xi32>
    %ge3A_1031 = arith.cmpi sge, %get3A_1020, %ge3A_1030 : vector<16xi32>
    %jit3A_1032 = arith.constant 1 : i32
    %jit3A_1033 = arith.constant 0 : i32
    %broadcast_in_dim3A_1034 = vector.broadcast %jit3A_1032 : i32 to vector<16xi32>
    %broadcast_in_dim3A_1035 = vector.broadcast %jit3A_1033 : i32 to vector<16xi32>
    %select_n3A_1036 = arith.select %ge3A_1031, %broadcast_in_dim3A_1034, %broadcast_in_dim3A_1035 : vector<16xi1>, vector<16xi32>
    %add3A_1037 = arith.addi %select_n3A_1028, %select_n3A_1036 : vector<16xi32>
    %ge3A_1038 = arith.constant 393216 : i32
    %ge3A_1039 = vector.broadcast %ge3A_1038 : i32 to vector<16xi32>
    %ge3A_1040 = arith.cmpi sge, %get3A_1020, %ge3A_1039 : vector<16xi32>
    %jit3A_1041 = arith.constant 1 : i32
    %jit3A_1042 = arith.constant 0 : i32
    %broadcast_in_dim3A_1043 = vector.broadcast %jit3A_1041 : i32 to vector<16xi32>
    %broadcast_in_dim3A_1044 = vector.broadcast %jit3A_1042 : i32 to vector<16xi32>
    %select_n3A_1045 = arith.select %ge3A_1040, %broadcast_in_dim3A_1043, %broadcast_in_dim3A_1044 : vector<16xi1>, vector<16xi32>
    %add3A_1046 = arith.addi %add3A_1037, %select_n3A_1045 : vector<16xi32>
    %ge3A_1047 = arith.constant 524288 : i32
    %ge3A_1048 = vector.broadcast %ge3A_1047 : i32 to vector<16xi32>
    %ge3A_1049 = arith.cmpi sge, %get3A_1020, %ge3A_1048 : vector<16xi32>
    %jit3A_1050 = arith.constant 1 : i32
    %jit3A_1051 = arith.constant 0 : i32
    %broadcast_in_dim3A_1052 = vector.broadcast %jit3A_1050 : i32 to vector<16xi32>
    %broadcast_in_dim3A_1053 = vector.broadcast %jit3A_1051 : i32 to vector<16xi32>
    %select_n3A_1054 = arith.select %ge3A_1049, %broadcast_in_dim3A_1052, %broadcast_in_dim3A_1053 : vector<16xi1>, vector<16xi32>
    %add3A_1055 = arith.addi %add3A_1046, %select_n3A_1054 : vector<16xi32>
    %ge3A_1056 = arith.constant 655360 : i32
    %ge3A_1057 = vector.broadcast %ge3A_1056 : i32 to vector<16xi32>
    %ge3A_1058 = arith.cmpi sge, %get3A_1020, %ge3A_1057 : vector<16xi32>
    %jit3A_1059 = arith.constant 1 : i32
    %jit3A_1060 = arith.constant 0 : i32
    %broadcast_in_dim3A_1061 = vector.broadcast %jit3A_1059 : i32 to vector<16xi32>
    %broadcast_in_dim3A_1062 = vector.broadcast %jit3A_1060 : i32 to vector<16xi32>
    %select_n3A_1063 = arith.select %ge3A_1058, %broadcast_in_dim3A_1061, %broadcast_in_dim3A_1062 : vector<16xi1>, vector<16xi32>
    %add3A_1064 = arith.addi %add3A_1055, %select_n3A_1063 : vector<16xi32>
    %ge3A_1065 = arith.constant 786432 : i32
    %ge3A_1066 = vector.broadcast %ge3A_1065 : i32 to vector<16xi32>
    %ge3A_1067 = arith.cmpi sge, %get3A_1020, %ge3A_1066 : vector<16xi32>
    %jit3A_1068 = arith.constant 1 : i32
    %jit3A_1069 = arith.constant 0 : i32
    %broadcast_in_dim3A_1070 = vector.broadcast %jit3A_1068 : i32 to vector<16xi32>
    %broadcast_in_dim3A_1071 = vector.broadcast %jit3A_1069 : i32 to vector<16xi32>
    %select_n3A_1072 = arith.select %ge3A_1067, %broadcast_in_dim3A_1070, %broadcast_in_dim3A_1071 : vector<16xi1>, vector<16xi32>
    %add3A_1073 = arith.addi %add3A_1064, %select_n3A_1072 : vector<16xi32>
    %ge3A_1074 = arith.constant 917504 : i32
    %ge3A_1075 = vector.broadcast %ge3A_1074 : i32 to vector<16xi32>
    %ge3A_1076 = arith.cmpi sge, %get3A_1020, %ge3A_1075 : vector<16xi32>
    %jit3A_1077 = arith.constant 1 : i32
    %jit3A_1078 = arith.constant 0 : i32
    %broadcast_in_dim3A_1079 = vector.broadcast %jit3A_1077 : i32 to vector<16xi32>
    %broadcast_in_dim3A_1080 = vector.broadcast %jit3A_1078 : i32 to vector<16xi32>
    %select_n3A_1081 = arith.select %ge3A_1076, %broadcast_in_dim3A_1079, %broadcast_in_dim3A_1080 : vector<16xi1>, vector<16xi32>
    %add3A_1082 = arith.addi %add3A_1073, %select_n3A_1081 : vector<16xi32>
    %mul3A_1083 = arith.constant 131072 : i32
    %mul3A_1084 = vector.broadcast %mul3A_1083 : i32 to vector<16xi32>
    %mul3A_1085 = arith.muli %add3A_1082, %mul3A_1084 : vector<16xi32>
    %sub3A_1086 = arith.subi %get3A_1020, %mul3A_1085 : vector<16xi32>
    %swap3A_1087 = arith.constant 224 : index
    %swap3A_1088 = tpu.vector_load %arg5[%swap3A_1087] {strides = array<i32>} : memref<512xi32, #tpu.memory_space<vmem>>, vector<16xi32>,
    %swap3A_1089 = vector.shape_cast %swap3A_1088 : vector<16xi32> to vector<16xi32>
    %swap3A_1090 = vector.shape_cast %sub3A_1086 : vector<16xi32> to vector<16xi32>
    tpu.vector_store %arg5[%swap3A_1087], %swap3A_1090 {strides = array<i32>} : memref<512xi32, #tpu.memory_space<vmem>>, vector<16xi32>,
    %get3A_1091 = arith.constant 240 : index
    %get3A_1092 = tpu.vector_load %arg5[%get3A_1091] {strides = array<i32>} : memref<512xi32, #tpu.memory_space<vmem>>, vector<16xi32>,
    %get3A_1093 = vector.shape_cast %get3A_1092 : vector<16xi32> to vector<16xi32>
    %ge3A_1094 = arith.constant 131072 : i32
    %ge3A_1095 = vector.broadcast %ge3A_1094 : i32 to vector<16xi32>
    %ge3A_1096 = arith.cmpi sge, %get3A_1093, %ge3A_1095 : vector<16xi32>
    %jit3A_1097 = arith.constant 1 : i32
    %jit3A_1098 = arith.constant 0 : i32
    %broadcast_in_dim3A_1099 = vector.broadcast %jit3A_1097 : i32 to vector<16xi32>
    %broadcast_in_dim3A_1100 = vector.broadcast %jit3A_1098 : i32 to vector<16xi32>
    %select_n3A_1101 = arith.select %ge3A_1096, %broadcast_in_dim3A_1099, %broadcast_in_dim3A_1100 : vector<16xi1>, vector<16xi32>
    %ge3A_1102 = arith.constant 262144 : i32
    %ge3A_1103 = vector.broadcast %ge3A_1102 : i32 to vector<16xi32>
    %ge3A_1104 = arith.cmpi sge, %get3A_1093, %ge3A_1103 : vector<16xi32>
    %jit3A_1105 = arith.constant 1 : i32
    %jit3A_1106 = arith.constant 0 : i32
    %broadcast_in_dim3A_1107 = vector.broadcast %jit3A_1105 : i32 to vector<16xi32>
    %broadcast_in_dim3A_1108 = vector.broadcast %jit3A_1106 : i32 to vector<16xi32>
    %select_n3A_1109 = arith.select %ge3A_1104, %broadcast_in_dim3A_1107, %broadcast_in_dim3A_1108 : vector<16xi1>, vector<16xi32>
    %add3A_1110 = arith.addi %select_n3A_1101, %select_n3A_1109 : vector<16xi32>
    %ge3A_1111 = arith.constant 393216 : i32
    %ge3A_1112 = vector.broadcast %ge3A_1111 : i32 to vector<16xi32>
    %ge3A_1113 = arith.cmpi sge, %get3A_1093, %ge3A_1112 : vector<16xi32>
    %jit3A_1114 = arith.constant 1 : i32
    %jit3A_1115 = arith.constant 0 : i32
    %broadcast_in_dim3A_1116 = vector.broadcast %jit3A_1114 : i32 to vector<16xi32>
    %broadcast_in_dim3A_1117 = vector.broadcast %jit3A_1115 : i32 to vector<16xi32>
    %select_n3A_1118 = arith.select %ge3A_1113, %broadcast_in_dim3A_1116, %broadcast_in_dim3A_1117 : vector<16xi1>, vector<16xi32>
    %add3A_1119 = arith.addi %add3A_1110, %select_n3A_1118 : vector<16xi32>
    %ge3A_1120 = arith.constant 524288 : i32
    %ge3A_1121 = vector.broadcast %ge3A_1120 : i32 to vector<16xi32>
    %ge3A_1122 = arith.cmpi sge, %get3A_1093, %ge3A_1121 : vector<16xi32>
    %jit3A_1123 = arith.constant 1 : i32
    %jit3A_1124 = arith.constant 0 : i32
    %broadcast_in_dim3A_1125 = vector.broadcast %jit3A_1123 : i32 to vector<16xi32>
    %broadcast_in_dim3A_1126 = vector.broadcast %jit3A_1124 : i32 to vector<16xi32>
    %select_n3A_1127 = arith.select %ge3A_1122, %broadcast_in_dim3A_1125, %broadcast_in_dim3A_1126 : vector<16xi1>, vector<16xi32>
    %add3A_1128 = arith.addi %add3A_1119, %select_n3A_1127 : vector<16xi32>
    %ge3A_1129 = arith.constant 655360 : i32
    %ge3A_1130 = vector.broadcast %ge3A_1129 : i32 to vector<16xi32>
    %ge3A_1131 = arith.cmpi sge, %get3A_1093, %ge3A_1130 : vector<16xi32>
    %jit3A_1132 = arith.constant 1 : i32
    %jit3A_1133 = arith.constant 0 : i32
    %broadcast_in_dim3A_1134 = vector.broadcast %jit3A_1132 : i32 to vector<16xi32>
    %broadcast_in_dim3A_1135 = vector.broadcast %jit3A_1133 : i32 to vector<16xi32>
    %select_n3A_1136 = arith.select %ge3A_1131, %broadcast_in_dim3A_1134, %broadcast_in_dim3A_1135 : vector<16xi1>, vector<16xi32>
    %add3A_1137 = arith.addi %add3A_1128, %select_n3A_1136 : vector<16xi32>
    %ge3A_1138 = arith.constant 786432 : i32
    %ge3A_1139 = vector.broadcast %ge3A_1138 : i32 to vector<16xi32>
    %ge3A_1140 = arith.cmpi sge, %get3A_1093, %ge3A_1139 : vector<16xi32>
    %jit3A_1141 = arith.constant 1 : i32
    %jit3A_1142 = arith.constant 0 : i32
    %broadcast_in_dim3A_1143 = vector.broadcast %jit3A_1141 : i32 to vector<16xi32>
    %broadcast_in_dim3A_1144 = vector.broadcast %jit3A_1142 : i32 to vector<16xi32>
    %select_n3A_1145 = arith.select %ge3A_1140, %broadcast_in_dim3A_1143, %broadcast_in_dim3A_1144 : vector<16xi1>, vector<16xi32>
    %add3A_1146 = arith.addi %add3A_1137, %select_n3A_1145 : vector<16xi32>
    %ge3A_1147 = arith.constant 917504 : i32
    %ge3A_1148 = vector.broadcast %ge3A_1147 : i32 to vector<16xi32>
    %ge3A_1149 = arith.cmpi sge, %get3A_1093, %ge3A_1148 : vector<16xi32>
    %jit3A_1150 = arith.constant 1 : i32
    %jit3A_1151 = arith.constant 0 : i32
    %broadcast_in_dim3A_1152 = vector.broadcast %jit3A_1150 : i32 to vector<16xi32>
    %broadcast_in_dim3A_1153 = vector.broadcast %jit3A_1151 : i32 to vector<16xi32>
    %select_n3A_1154 = arith.select %ge3A_1149, %broadcast_in_dim3A_1152, %broadcast_in_dim3A_1153 : vector<16xi1>, vector<16xi32>
    %add3A_1155 = arith.addi %add3A_1146, %select_n3A_1154 : vector<16xi32>
    %mul3A_1156 = arith.constant 131072 : i32
    %mul3A_1157 = vector.broadcast %mul3A_1156 : i32 to vector<16xi32>
    %mul3A_1158 = arith.muli %add3A_1155, %mul3A_1157 : vector<16xi32>
    %sub3A_1159 = arith.subi %get3A_1093, %mul3A_1158 : vector<16xi32>
    %swap3A_1160 = arith.constant 240 : index
    %swap3A_1161 = tpu.vector_load %arg5[%swap3A_1160] {strides = array<i32>} : memref<512xi32, #tpu.memory_space<vmem>>, vector<16xi32>,
    %swap3A_1162 = vector.shape_cast %swap3A_1161 : vector<16xi32> to vector<16xi32>
    %swap3A_1163 = vector.shape_cast %sub3A_1159 : vector<16xi32> to vector<16xi32>
    tpu.vector_store %arg5[%swap3A_1160], %swap3A_1163 {strides = array<i32>} : memref<512xi32, #tpu.memory_space<vmem>>, vector<16xi32>,
    %get3A_1164 = arith.constant 256 : index
    %get3A_1165 = tpu.vector_load %arg5[%get3A_1164] {strides = array<i32>} : memref<512xi32, #tpu.memory_space<vmem>>, vector<16xi32>,
    %get3A_1166 = vector.shape_cast %get3A_1165 : vector<16xi32> to vector<16xi32>
    %ge3A_1167 = arith.constant 131072 : i32
    %ge3A_1168 = vector.broadcast %ge3A_1167 : i32 to vector<16xi32>
    %ge3A_1169 = arith.cmpi sge, %get3A_1166, %ge3A_1168 : vector<16xi32>
    %jit3A_1170 = arith.constant 1 : i32
    %jit3A_1171 = arith.constant 0 : i32
    %broadcast_in_dim3A_1172 = vector.broadcast %jit3A_1170 : i32 to vector<16xi32>
    %broadcast_in_dim3A_1173 = vector.broadcast %jit3A_1171 : i32 to vector<16xi32>
    %select_n3A_1174 = arith.select %ge3A_1169, %broadcast_in_dim3A_1172, %broadcast_in_dim3A_1173 : vector<16xi1>, vector<16xi32>
    %ge3A_1175 = arith.constant 262144 : i32
    %ge3A_1176 = vector.broadcast %ge3A_1175 : i32 to vector<16xi32>
    %ge3A_1177 = arith.cmpi sge, %get3A_1166, %ge3A_1176 : vector<16xi32>
    %jit3A_1178 = arith.constant 1 : i32
    %jit3A_1179 = arith.constant 0 : i32
    %broadcast_in_dim3A_1180 = vector.broadcast %jit3A_1178 : i32 to vector<16xi32>
    %broadcast_in_dim3A_1181 = vector.broadcast %jit3A_1179 : i32 to vector<16xi32>
    %select_n3A_1182 = arith.select %ge3A_1177, %broadcast_in_dim3A_1180, %broadcast_in_dim3A_1181 : vector<16xi1>, vector<16xi32>
    %add3A_1183 = arith.addi %select_n3A_1174, %select_n3A_1182 : vector<16xi32>
    %ge3A_1184 = arith.constant 393216 : i32
    %ge3A_1185 = vector.broadcast %ge3A_1184 : i32 to vector<16xi32>
    %ge3A_1186 = arith.cmpi sge, %get3A_1166, %ge3A_1185 : vector<16xi32>
    %jit3A_1187 = arith.constant 1 : i32
    %jit3A_1188 = arith.constant 0 : i32
    %broadcast_in_dim3A_1189 = vector.broadcast %jit3A_1187 : i32 to vector<16xi32>
    %broadcast_in_dim3A_1190 = vector.broadcast %jit3A_1188 : i32 to vector<16xi32>
    %select_n3A_1191 = arith.select %ge3A_1186, %broadcast_in_dim3A_1189, %broadcast_in_dim3A_1190 : vector<16xi1>, vector<16xi32>
    %add3A_1192 = arith.addi %add3A_1183, %select_n3A_1191 : vector<16xi32>
    %ge3A_1193 = arith.constant 524288 : i32
    %ge3A_1194 = vector.broadcast %ge3A_1193 : i32 to vector<16xi32>
    %ge3A_1195 = arith.cmpi sge, %get3A_1166, %ge3A_1194 : vector<16xi32>
    %jit3A_1196 = arith.constant 1 : i32
    %jit3A_1197 = arith.constant 0 : i32
    %broadcast_in_dim3A_1198 = vector.broadcast %jit3A_1196 : i32 to vector<16xi32>
    %broadcast_in_dim3A_1199 = vector.broadcast %jit3A_1197 : i32 to vector<16xi32>
    %select_n3A_1200 = arith.select %ge3A_1195, %broadcast_in_dim3A_1198, %broadcast_in_dim3A_1199 : vector<16xi1>, vector<16xi32>
    %add3A_1201 = arith.addi %add3A_1192, %select_n3A_1200 : vector<16xi32>
    %ge3A_1202 = arith.constant 655360 : i32
    %ge3A_1203 = vector.broadcast %ge3A_1202 : i32 to vector<16xi32>
    %ge3A_1204 = arith.cmpi sge, %get3A_1166, %ge3A_1203 : vector<16xi32>
    %jit3A_1205 = arith.constant 1 : i32
    %jit3A_1206 = arith.constant 0 : i32
    %broadcast_in_dim3A_1207 = vector.broadcast %jit3A_1205 : i32 to vector<16xi32>
    %broadcast_in_dim3A_1208 = vector.broadcast %jit3A_1206 : i32 to vector<16xi32>
    %select_n3A_1209 = arith.select %ge3A_1204, %broadcast_in_dim3A_1207, %broadcast_in_dim3A_1208 : vector<16xi1>, vector<16xi32>
    %add3A_1210 = arith.addi %add3A_1201, %select_n3A_1209 : vector<16xi32>
    %ge3A_1211 = arith.constant 786432 : i32
    %ge3A_1212 = vector.broadcast %ge3A_1211 : i32 to vector<16xi32>
    %ge3A_1213 = arith.cmpi sge, %get3A_1166, %ge3A_1212 : vector<16xi32>
    %jit3A_1214 = arith.constant 1 : i32
    %jit3A_1215 = arith.constant 0 : i32
    %broadcast_in_dim3A_1216 = vector.broadcast %jit3A_1214 : i32 to vector<16xi32>
    %broadcast_in_dim3A_1217 = vector.broadcast %jit3A_1215 : i32 to vector<16xi32>
    %select_n3A_1218 = arith.select %ge3A_1213, %broadcast_in_dim3A_1216, %broadcast_in_dim3A_1217 : vector<16xi1>, vector<16xi32>
    %add3A_1219 = arith.addi %add3A_1210, %select_n3A_1218 : vector<16xi32>
    %ge3A_1220 = arith.constant 917504 : i32
    %ge3A_1221 = vector.broadcast %ge3A_1220 : i32 to vector<16xi32>
    %ge3A_1222 = arith.cmpi sge, %get3A_1166, %ge3A_1221 : vector<16xi32>
    %jit3A_1223 = arith.constant 1 : i32
    %jit3A_1224 = arith.constant 0 : i32
    %broadcast_in_dim3A_1225 = vector.broadcast %jit3A_1223 : i32 to vector<16xi32>
    %broadcast_in_dim3A_1226 = vector.broadcast %jit3A_1224 : i32 to vector<16xi32>
    %select_n3A_1227 = arith.select %ge3A_1222, %broadcast_in_dim3A_1225, %broadcast_in_dim3A_1226 : vector<16xi1>, vector<16xi32>
    %add3A_1228 = arith.addi %add3A_1219, %select_n3A_1227 : vector<16xi32>
    %mul3A_1229 = arith.constant 131072 : i32
    %mul3A_1230 = vector.broadcast %mul3A_1229 : i32 to vector<16xi32>
    %mul3A_1231 = arith.muli %add3A_1228, %mul3A_1230 : vector<16xi32>
    %sub3A_1232 = arith.subi %get3A_1166, %mul3A_1231 : vector<16xi32>
    %swap3A_1233 = arith.constant 256 : index
    %swap3A_1234 = tpu.vector_load %arg5[%swap3A_1233] {strides = array<i32>} : memref<512xi32, #tpu.memory_space<vmem>>, vector<16xi32>,
    %swap3A_1235 = vector.shape_cast %swap3A_1234 : vector<16xi32> to vector<16xi32>
    %swap3A_1236 = vector.shape_cast %sub3A_1232 : vector<16xi32> to vector<16xi32>
    tpu.vector_store %arg5[%swap3A_1233], %swap3A_1236 {strides = array<i32>} : memref<512xi32, #tpu.memory_space<vmem>>, vector<16xi32>,
    %get3A_1237 = arith.constant 272 : index
    %get3A_1238 = tpu.vector_load %arg5[%get3A_1237] {strides = array<i32>} : memref<512xi32, #tpu.memory_space<vmem>>, vector<16xi32>,
    %get3A_1239 = vector.shape_cast %get3A_1238 : vector<16xi32> to vector<16xi32>
    %ge3A_1240 = arith.constant 131072 : i32
    %ge3A_1241 = vector.broadcast %ge3A_1240 : i32 to vector<16xi32>
    %ge3A_1242 = arith.cmpi sge, %get3A_1239, %ge3A_1241 : vector<16xi32>
    %jit3A_1243 = arith.constant 1 : i32
    %jit3A_1244 = arith.constant 0 : i32
    %broadcast_in_dim3A_1245 = vector.broadcast %jit3A_1243 : i32 to vector<16xi32>
    %broadcast_in_dim3A_1246 = vector.broadcast %jit3A_1244 : i32 to vector<16xi32>
    %select_n3A_1247 = arith.select %ge3A_1242, %broadcast_in_dim3A_1245, %broadcast_in_dim3A_1246 : vector<16xi1>, vector<16xi32>
    %ge3A_1248 = arith.constant 262144 : i32
    %ge3A_1249 = vector.broadcast %ge3A_1248 : i32 to vector<16xi32>
    %ge3A_1250 = arith.cmpi sge, %get3A_1239, %ge3A_1249 : vector<16xi32>
    %jit3A_1251 = arith.constant 1 : i32
    %jit3A_1252 = arith.constant 0 : i32
    %broadcast_in_dim3A_1253 = vector.broadcast %jit3A_1251 : i32 to vector<16xi32>
    %broadcast_in_dim3A_1254 = vector.broadcast %jit3A_1252 : i32 to vector<16xi32>
    %select_n3A_1255 = arith.select %ge3A_1250, %broadcast_in_dim3A_1253, %broadcast_in_dim3A_1254 : vector<16xi1>, vector<16xi32>
    %add3A_1256 = arith.addi %select_n3A_1247, %select_n3A_1255 : vector<16xi32>
    %ge3A_1257 = arith.constant 393216 : i32
    %ge3A_1258 = vector.broadcast %ge3A_1257 : i32 to vector<16xi32>
    %ge3A_1259 = arith.cmpi sge, %get3A_1239, %ge3A_1258 : vector<16xi32>
    %jit3A_1260 = arith.constant 1 : i32
    %jit3A_1261 = arith.constant 0 : i32
    %broadcast_in_dim3A_1262 = vector.broadcast %jit3A_1260 : i32 to vector<16xi32>
    %broadcast_in_dim3A_1263 = vector.broadcast %jit3A_1261 : i32 to vector<16xi32>
    %select_n3A_1264 = arith.select %ge3A_1259, %broadcast_in_dim3A_1262, %broadcast_in_dim3A_1263 : vector<16xi1>, vector<16xi32>
    %add3A_1265 = arith.addi %add3A_1256, %select_n3A_1264 : vector<16xi32>
    %ge3A_1266 = arith.constant 524288 : i32
    %ge3A_1267 = vector.broadcast %ge3A_1266 : i32 to vector<16xi32>
    %ge3A_1268 = arith.cmpi sge, %get3A_1239, %ge3A_1267 : vector<16xi32>
    %jit3A_1269 = arith.constant 1 : i32
    %jit3A_1270 = arith.constant 0 : i32
    %broadcast_in_dim3A_1271 = vector.broadcast %jit3A_1269 : i32 to vector<16xi32>
    %broadcast_in_dim3A_1272 = vector.broadcast %jit3A_1270 : i32 to vector<16xi32>
    %select_n3A_1273 = arith.select %ge3A_1268, %broadcast_in_dim3A_1271, %broadcast_in_dim3A_1272 : vector<16xi1>, vector<16xi32>
    %add3A_1274 = arith.addi %add3A_1265, %select_n3A_1273 : vector<16xi32>
    %ge3A_1275 = arith.constant 655360 : i32
    %ge3A_1276 = vector.broadcast %ge3A_1275 : i32 to vector<16xi32>
    %ge3A_1277 = arith.cmpi sge, %get3A_1239, %ge3A_1276 : vector<16xi32>
    %jit3A_1278 = arith.constant 1 : i32
    %jit3A_1279 = arith.constant 0 : i32
    %broadcast_in_dim3A_1280 = vector.broadcast %jit3A_1278 : i32 to vector<16xi32>
    %broadcast_in_dim3A_1281 = vector.broadcast %jit3A_1279 : i32 to vector<16xi32>
    %select_n3A_1282 = arith.select %ge3A_1277, %broadcast_in_dim3A_1280, %broadcast_in_dim3A_1281 : vector<16xi1>, vector<16xi32>
    %add3A_1283 = arith.addi %add3A_1274, %select_n3A_1282 : vector<16xi32>
    %ge3A_1284 = arith.constant 786432 : i32
    %ge3A_1285 = vector.broadcast %ge3A_1284 : i32 to vector<16xi32>
    %ge3A_1286 = arith.cmpi sge, %get3A_1239, %ge3A_1285 : vector<16xi32>
    %jit3A_1287 = arith.constant 1 : i32
    %jit3A_1288 = arith.constant 0 : i32
    %broadcast_in_dim3A_1289 = vector.broadcast %jit3A_1287 : i32 to vector<16xi32>
    %broadcast_in_dim3A_1290 = vector.broadcast %jit3A_1288 : i32 to vector<16xi32>
    %select_n3A_1291 = arith.select %ge3A_1286, %broadcast_in_dim3A_1289, %broadcast_in_dim3A_1290 : vector<16xi1>, vector<16xi32>
    %add3A_1292 = arith.addi %add3A_1283, %select_n3A_1291 : vector<16xi32>
    %ge3A_1293 = arith.constant 917504 : i32
    %ge3A_1294 = vector.broadcast %ge3A_1293 : i32 to vector<16xi32>
    %ge3A_1295 = arith.cmpi sge, %get3A_1239, %ge3A_1294 : vector<16xi32>
    %jit3A_1296 = arith.constant 1 : i32
    %jit3A_1297 = arith.constant 0 : i32
    %broadcast_in_dim3A_1298 = vector.broadcast %jit3A_1296 : i32 to vector<16xi32>
    %broadcast_in_dim3A_1299 = vector.broadcast %jit3A_1297 : i32 to vector<16xi32>
    %select_n3A_1300 = arith.select %ge3A_1295, %broadcast_in_dim3A_1298, %broadcast_in_dim3A_1299 : vector<16xi1>, vector<16xi32>
    %add3A_1301 = arith.addi %add3A_1292, %select_n3A_1300 : vector<16xi32>
    %mul3A_1302 = arith.constant 131072 : i32
    %mul3A_1303 = vector.broadcast %mul3A_1302 : i32 to vector<16xi32>
    %mul3A_1304 = arith.muli %add3A_1301, %mul3A_1303 : vector<16xi32>
    %sub3A_1305 = arith.subi %get3A_1239, %mul3A_1304 : vector<16xi32>
    %swap3A_1306 = arith.constant 272 : index
    %swap3A_1307 = tpu.vector_load %arg5[%swap3A_1306] {strides = array<i32>} : memref<512xi32, #tpu.memory_space<vmem>>, vector<16xi32>,
    %swap3A_1308 = vector.shape_cast %swap3A_1307 : vector<16xi32> to vector<16xi32>
    %swap3A_1309 = vector.shape_cast %sub3A_1305 : vector<16xi32> to vector<16xi32>
    tpu.vector_store %arg5[%swap3A_1306], %swap3A_1309 {strides = array<i32>} : memref<512xi32, #tpu.memory_space<vmem>>, vector<16xi32>,
    %get3A_1310 = arith.constant 288 : index
    %get3A_1311 = tpu.vector_load %arg5[%get3A_1310] {strides = array<i32>} : memref<512xi32, #tpu.memory_space<vmem>>, vector<16xi32>,
    %get3A_1312 = vector.shape_cast %get3A_1311 : vector<16xi32> to vector<16xi32>
    %ge3A_1313 = arith.constant 131072 : i32
    %ge3A_1314 = vector.broadcast %ge3A_1313 : i32 to vector<16xi32>
    %ge3A_1315 = arith.cmpi sge, %get3A_1312, %ge3A_1314 : vector<16xi32>
    %jit3A_1316 = arith.constant 1 : i32
    %jit3A_1317 = arith.constant 0 : i32
    %broadcast_in_dim3A_1318 = vector.broadcast %jit3A_1316 : i32 to vector<16xi32>
    %broadcast_in_dim3A_1319 = vector.broadcast %jit3A_1317 : i32 to vector<16xi32>
    %select_n3A_1320 = arith.select %ge3A_1315, %broadcast_in_dim3A_1318, %broadcast_in_dim3A_1319 : vector<16xi1>, vector<16xi32>
    %ge3A_1321 = arith.constant 262144 : i32
    %ge3A_1322 = vector.broadcast %ge3A_1321 : i32 to vector<16xi32>
    %ge3A_1323 = arith.cmpi sge, %get3A_1312, %ge3A_1322 : vector<16xi32>
    %jit3A_1324 = arith.constant 1 : i32
    %jit3A_1325 = arith.constant 0 : i32
    %broadcast_in_dim3A_1326 = vector.broadcast %jit3A_1324 : i32 to vector<16xi32>
    %broadcast_in_dim3A_1327 = vector.broadcast %jit3A_1325 : i32 to vector<16xi32>
    %select_n3A_1328 = arith.select %ge3A_1323, %broadcast_in_dim3A_1326, %broadcast_in_dim3A_1327 : vector<16xi1>, vector<16xi32>
    %add3A_1329 = arith.addi %select_n3A_1320, %select_n3A_1328 : vector<16xi32>
    %ge3A_1330 = arith.constant 393216 : i32
    %ge3A_1331 = vector.broadcast %ge3A_1330 : i32 to vector<16xi32>
    %ge3A_1332 = arith.cmpi sge, %get3A_1312, %ge3A_1331 : vector<16xi32>
    %jit3A_1333 = arith.constant 1 : i32
    %jit3A_1334 = arith.constant 0 : i32
    %broadcast_in_dim3A_1335 = vector.broadcast %jit3A_1333 : i32 to vector<16xi32>
    %broadcast_in_dim3A_1336 = vector.broadcast %jit3A_1334 : i32 to vector<16xi32>
    %select_n3A_1337 = arith.select %ge3A_1332, %broadcast_in_dim3A_1335, %broadcast_in_dim3A_1336 : vector<16xi1>, vector<16xi32>
    %add3A_1338 = arith.addi %add3A_1329, %select_n3A_1337 : vector<16xi32>
    %ge3A_1339 = arith.constant 524288 : i32
    %ge3A_1340 = vector.broadcast %ge3A_1339 : i32 to vector<16xi32>
    %ge3A_1341 = arith.cmpi sge, %get3A_1312, %ge3A_1340 : vector<16xi32>
    %jit3A_1342 = arith.constant 1 : i32
    %jit3A_1343 = arith.constant 0 : i32
    %broadcast_in_dim3A_1344 = vector.broadcast %jit3A_1342 : i32 to vector<16xi32>
    %broadcast_in_dim3A_1345 = vector.broadcast %jit3A_1343 : i32 to vector<16xi32>
    %select_n3A_1346 = arith.select %ge3A_1341, %broadcast_in_dim3A_1344, %broadcast_in_dim3A_1345 : vector<16xi1>, vector<16xi32>
    %add3A_1347 = arith.addi %add3A_1338, %select_n3A_1346 : vector<16xi32>
    %ge3A_1348 = arith.constant 655360 : i32
    %ge3A_1349 = vector.broadcast %ge3A_1348 : i32 to vector<16xi32>
    %ge3A_1350 = arith.cmpi sge, %get3A_1312, %ge3A_1349 : vector<16xi32>
    %jit3A_1351 = arith.constant 1 : i32
    %jit3A_1352 = arith.constant 0 : i32
    %broadcast_in_dim3A_1353 = vector.broadcast %jit3A_1351 : i32 to vector<16xi32>
    %broadcast_in_dim3A_1354 = vector.broadcast %jit3A_1352 : i32 to vector<16xi32>
    %select_n3A_1355 = arith.select %ge3A_1350, %broadcast_in_dim3A_1353, %broadcast_in_dim3A_1354 : vector<16xi1>, vector<16xi32>
    %add3A_1356 = arith.addi %add3A_1347, %select_n3A_1355 : vector<16xi32>
    %ge3A_1357 = arith.constant 786432 : i32
    %ge3A_1358 = vector.broadcast %ge3A_1357 : i32 to vector<16xi32>
    %ge3A_1359 = arith.cmpi sge, %get3A_1312, %ge3A_1358 : vector<16xi32>
    %jit3A_1360 = arith.constant 1 : i32
    %jit3A_1361 = arith.constant 0 : i32
    %broadcast_in_dim3A_1362 = vector.broadcast %jit3A_1360 : i32 to vector<16xi32>
    %broadcast_in_dim3A_1363 = vector.broadcast %jit3A_1361 : i32 to vector<16xi32>
    %select_n3A_1364 = arith.select %ge3A_1359, %broadcast_in_dim3A_1362, %broadcast_in_dim3A_1363 : vector<16xi1>, vector<16xi32>
    %add3A_1365 = arith.addi %add3A_1356, %select_n3A_1364 : vector<16xi32>
    %ge3A_1366 = arith.constant 917504 : i32
    %ge3A_1367 = vector.broadcast %ge3A_1366 : i32 to vector<16xi32>
    %ge3A_1368 = arith.cmpi sge, %get3A_1312, %ge3A_1367 : vector<16xi32>
    %jit3A_1369 = arith.constant 1 : i32
    %jit3A_1370 = arith.constant 0 : i32
    %broadcast_in_dim3A_1371 = vector.broadcast %jit3A_1369 : i32 to vector<16xi32>
    %broadcast_in_dim3A_1372 = vector.broadcast %jit3A_1370 : i32 to vector<16xi32>
    %select_n3A_1373 = arith.select %ge3A_1368, %broadcast_in_dim3A_1371, %broadcast_in_dim3A_1372 : vector<16xi1>, vector<16xi32>
    %add3A_1374 = arith.addi %add3A_1365, %select_n3A_1373 : vector<16xi32>
    %mul3A_1375 = arith.constant 131072 : i32
    %mul3A_1376 = vector.broadcast %mul3A_1375 : i32 to vector<16xi32>
    %mul3A_1377 = arith.muli %add3A_1374, %mul3A_1376 : vector<16xi32>
    %sub3A_1378 = arith.subi %get3A_1312, %mul3A_1377 : vector<16xi32>
    %swap3A_1379 = arith.constant 288 : index
    %swap3A_1380 = tpu.vector_load %arg5[%swap3A_1379] {strides = array<i32>} : memref<512xi32, #tpu.memory_space<vmem>>, vector<16xi32>,
    %swap3A_1381 = vector.shape_cast %swap3A_1380 : vector<16xi32> to vector<16xi32>
    %swap3A_1382 = vector.shape_cast %sub3A_1378 : vector<16xi32> to vector<16xi32>
    tpu.vector_store %arg5[%swap3A_1379], %swap3A_1382 {strides = array<i32>} : memref<512xi32, #tpu.memory_space<vmem>>, vector<16xi32>,
    %get3A_1383 = arith.constant 304 : index
    %get3A_1384 = tpu.vector_load %arg5[%get3A_1383] {strides = array<i32>} : memref<512xi32, #tpu.memory_space<vmem>>, vector<16xi32>,
    %get3A_1385 = vector.shape_cast %get3A_1384 : vector<16xi32> to vector<16xi32>
    %ge3A_1386 = arith.constant 131072 : i32
    %ge3A_1387 = vector.broadcast %ge3A_1386 : i32 to vector<16xi32>
    %ge3A_1388 = arith.cmpi sge, %get3A_1385, %ge3A_1387 : vector<16xi32>
    %jit3A_1389 = arith.constant 1 : i32
    %jit3A_1390 = arith.constant 0 : i32
    %broadcast_in_dim3A_1391 = vector.broadcast %jit3A_1389 : i32 to vector<16xi32>
    %broadcast_in_dim3A_1392 = vector.broadcast %jit3A_1390 : i32 to vector<16xi32>
    %select_n3A_1393 = arith.select %ge3A_1388, %broadcast_in_dim3A_1391, %broadcast_in_dim3A_1392 : vector<16xi1>, vector<16xi32>
    %ge3A_1394 = arith.constant 262144 : i32
    %ge3A_1395 = vector.broadcast %ge3A_1394 : i32 to vector<16xi32>
    %ge3A_1396 = arith.cmpi sge, %get3A_1385, %ge3A_1395 : vector<16xi32>
    %jit3A_1397 = arith.constant 1 : i32
    %jit3A_1398 = arith.constant 0 : i32
    %broadcast_in_dim3A_1399 = vector.broadcast %jit3A_1397 : i32 to vector<16xi32>
    %broadcast_in_dim3A_1400 = vector.broadcast %jit3A_1398 : i32 to vector<16xi32>
    %select_n3A_1401 = arith.select %ge3A_1396, %broadcast_in_dim3A_1399, %broadcast_in_dim3A_1400 : vector<16xi1>, vector<16xi32>
    %add3A_1402 = arith.addi %select_n3A_1393, %select_n3A_1401 : vector<16xi32>
    %ge3A_1403 = arith.constant 393216 : i32
    %ge3A_1404 = vector.broadcast %ge3A_1403 : i32 to vector<16xi32>
    %ge3A_1405 = arith.cmpi sge, %get3A_1385, %ge3A_1404 : vector<16xi32>
    %jit3A_1406 = arith.constant 1 : i32
    %jit3A_1407 = arith.constant 0 : i32
    %broadcast_in_dim3A_1408 = vector.broadcast %jit3A_1406 : i32 to vector<16xi32>
    %broadcast_in_dim3A_1409 = vector.broadcast %jit3A_1407 : i32 to vector<16xi32>
    %select_n3A_1410 = arith.select %ge3A_1405, %broadcast_in_dim3A_1408, %broadcast_in_dim3A_1409 : vector<16xi1>, vector<16xi32>
    %add3A_1411 = arith.addi %add3A_1402, %select_n3A_1410 : vector<16xi32>
    %ge3A_1412 = arith.constant 524288 : i32
    %ge3A_1413 = vector.broadcast %ge3A_1412 : i32 to vector<16xi32>
    %ge3A_1414 = arith.cmpi sge, %get3A_1385, %ge3A_1413 : vector<16xi32>
    %jit3A_1415 = arith.constant 1 : i32
    %jit3A_1416 = arith.constant 0 : i32
    %broadcast_in_dim3A_1417 = vector.broadcast %jit3A_1415 : i32 to vector<16xi32>
    %broadcast_in_dim3A_1418 = vector.broadcast %jit3A_1416 : i32 to vector<16xi32>
    %select_n3A_1419 = arith.select %ge3A_1414, %broadcast_in_dim3A_1417, %broadcast_in_dim3A_1418 : vector<16xi1>, vector<16xi32>
    %add3A_1420 = arith.addi %add3A_1411, %select_n3A_1419 : vector<16xi32>
    %ge3A_1421 = arith.constant 655360 : i32
    %ge3A_1422 = vector.broadcast %ge3A_1421 : i32 to vector<16xi32>
    %ge3A_1423 = arith.cmpi sge, %get3A_1385, %ge3A_1422 : vector<16xi32>
    %jit3A_1424 = arith.constant 1 : i32
    %jit3A_1425 = arith.constant 0 : i32
    %broadcast_in_dim3A_1426 = vector.broadcast %jit3A_1424 : i32 to vector<16xi32>
    %broadcast_in_dim3A_1427 = vector.broadcast %jit3A_1425 : i32 to vector<16xi32>
    %select_n3A_1428 = arith.select %ge3A_1423, %broadcast_in_dim3A_1426, %broadcast_in_dim3A_1427 : vector<16xi1>, vector<16xi32>
    %add3A_1429 = arith.addi %add3A_1420, %select_n3A_1428 : vector<16xi32>
    %ge3A_1430 = arith.constant 786432 : i32
    %ge3A_1431 = vector.broadcast %ge3A_1430 : i32 to vector<16xi32>
    %ge3A_1432 = arith.cmpi sge, %get3A_1385, %ge3A_1431 : vector<16xi32>
    %jit3A_1433 = arith.constant 1 : i32
    %jit3A_1434 = arith.constant 0 : i32
    %broadcast_in_dim3A_1435 = vector.broadcast %jit3A_1433 : i32 to vector<16xi32>
    %broadcast_in_dim3A_1436 = vector.broadcast %jit3A_1434 : i32 to vector<16xi32>
    %select_n3A_1437 = arith.select %ge3A_1432, %broadcast_in_dim3A_1435, %broadcast_in_dim3A_1436 : vector<16xi1>, vector<16xi32>
    %add3A_1438 = arith.addi %add3A_1429, %select_n3A_1437 : vector<16xi32>
    %ge3A_1439 = arith.constant 917504 : i32
    %ge3A_1440 = vector.broadcast %ge3A_1439 : i32 to vector<16xi32>
    %ge3A_1441 = arith.cmpi sge, %get3A_1385, %ge3A_1440 : vector<16xi32>
    %jit3A_1442 = arith.constant 1 : i32
    %jit3A_1443 = arith.constant 0 : i32
    %broadcast_in_dim3A_1444 = vector.broadcast %jit3A_1442 : i32 to vector<16xi32>
    %broadcast_in_dim3A_1445 = vector.broadcast %jit3A_1443 : i32 to vector<16xi32>
    %select_n3A_1446 = arith.select %ge3A_1441, %broadcast_in_dim3A_1444, %broadcast_in_dim3A_1445 : vector<16xi1>, vector<16xi32>
    %add3A_1447 = arith.addi %add3A_1438, %select_n3A_1446 : vector<16xi32>
    %mul3A_1448 = arith.constant 131072 : i32
    %mul3A_1449 = vector.broadcast %mul3A_1448 : i32 to vector<16xi32>
    %mul3A_1450 = arith.muli %add3A_1447, %mul3A_1449 : vector<16xi32>
    %sub3A_1451 = arith.subi %get3A_1385, %mul3A_1450 : vector<16xi32>
    %swap3A_1452 = arith.constant 304 : index
    %swap3A_1453 = tpu.vector_load %arg5[%swap3A_1452] {strides = array<i32>} : memref<512xi32, #tpu.memory_space<vmem>>, vector<16xi32>,
    %swap3A_1454 = vector.shape_cast %swap3A_1453 : vector<16xi32> to vector<16xi32>
    %swap3A_1455 = vector.shape_cast %sub3A_1451 : vector<16xi32> to vector<16xi32>
    tpu.vector_store %arg5[%swap3A_1452], %swap3A_1455 {strides = array<i32>} : memref<512xi32, #tpu.memory_space<vmem>>, vector<16xi32>,
    %get3A_1456 = arith.constant 320 : index
    %get3A_1457 = tpu.vector_load %arg5[%get3A_1456] {strides = array<i32>} : memref<512xi32, #tpu.memory_space<vmem>>, vector<16xi32>,
    %get3A_1458 = vector.shape_cast %get3A_1457 : vector<16xi32> to vector<16xi32>
    %ge3A_1459 = arith.constant 131072 : i32
    %ge3A_1460 = vector.broadcast %ge3A_1459 : i32 to vector<16xi32>
    %ge3A_1461 = arith.cmpi sge, %get3A_1458, %ge3A_1460 : vector<16xi32>
    %jit3A_1462 = arith.constant 1 : i32
    %jit3A_1463 = arith.constant 0 : i32
    %broadcast_in_dim3A_1464 = vector.broadcast %jit3A_1462 : i32 to vector<16xi32>
    %broadcast_in_dim3A_1465 = vector.broadcast %jit3A_1463 : i32 to vector<16xi32>
    %select_n3A_1466 = arith.select %ge3A_1461, %broadcast_in_dim3A_1464, %broadcast_in_dim3A_1465 : vector<16xi1>, vector<16xi32>
    %ge3A_1467 = arith.constant 262144 : i32
    %ge3A_1468 = vector.broadcast %ge3A_1467 : i32 to vector<16xi32>
    %ge3A_1469 = arith.cmpi sge, %get3A_1458, %ge3A_1468 : vector<16xi32>
    %jit3A_1470 = arith.constant 1 : i32
    %jit3A_1471 = arith.constant 0 : i32
    %broadcast_in_dim3A_1472 = vector.broadcast %jit3A_1470 : i32 to vector<16xi32>
    %broadcast_in_dim3A_1473 = vector.broadcast %jit3A_1471 : i32 to vector<16xi32>
    %select_n3A_1474 = arith.select %ge3A_1469, %broadcast_in_dim3A_1472, %broadcast_in_dim3A_1473 : vector<16xi1>, vector<16xi32>
    %add3A_1475 = arith.addi %select_n3A_1466, %select_n3A_1474 : vector<16xi32>
    %ge3A_1476 = arith.constant 393216 : i32
    %ge3A_1477 = vector.broadcast %ge3A_1476 : i32 to vector<16xi32>
    %ge3A_1478 = arith.cmpi sge, %get3A_1458, %ge3A_1477 : vector<16xi32>
    %jit3A_1479 = arith.constant 1 : i32
    %jit3A_1480 = arith.constant 0 : i32
    %broadcast_in_dim3A_1481 = vector.broadcast %jit3A_1479 : i32 to vector<16xi32>
    %broadcast_in_dim3A_1482 = vector.broadcast %jit3A_1480 : i32 to vector<16xi32>
    %select_n3A_1483 = arith.select %ge3A_1478, %broadcast_in_dim3A_1481, %broadcast_in_dim3A_1482 : vector<16xi1>, vector<16xi32>
    %add3A_1484 = arith.addi %add3A_1475, %select_n3A_1483 : vector<16xi32>
    %ge3A_1485 = arith.constant 524288 : i32
    %ge3A_1486 = vector.broadcast %ge3A_1485 : i32 to vector<16xi32>
    %ge3A_1487 = arith.cmpi sge, %get3A_1458, %ge3A_1486 : vector<16xi32>
    %jit3A_1488 = arith.constant 1 : i32
    %jit3A_1489 = arith.constant 0 : i32
    %broadcast_in_dim3A_1490 = vector.broadcast %jit3A_1488 : i32 to vector<16xi32>
    %broadcast_in_dim3A_1491 = vector.broadcast %jit3A_1489 : i32 to vector<16xi32>
    %select_n3A_1492 = arith.select %ge3A_1487, %broadcast_in_dim3A_1490, %broadcast_in_dim3A_1491 : vector<16xi1>, vector<16xi32>
    %add3A_1493 = arith.addi %add3A_1484, %select_n3A_1492 : vector<16xi32>
    %ge3A_1494 = arith.constant 655360 : i32
    %ge3A_1495 = vector.broadcast %ge3A_1494 : i32 to vector<16xi32>
    %ge3A_1496 = arith.cmpi sge, %get3A_1458, %ge3A_1495 : vector<16xi32>
    %jit3A_1497 = arith.constant 1 : i32
    %jit3A_1498 = arith.constant 0 : i32
    %broadcast_in_dim3A_1499 = vector.broadcast %jit3A_1497 : i32 to vector<16xi32>
    %broadcast_in_dim3A_1500 = vector.broadcast %jit3A_1498 : i32 to vector<16xi32>
    %select_n3A_1501 = arith.select %ge3A_1496, %broadcast_in_dim3A_1499, %broadcast_in_dim3A_1500 : vector<16xi1>, vector<16xi32>
    %add3A_1502 = arith.addi %add3A_1493, %select_n3A_1501 : vector<16xi32>
    %ge3A_1503 = arith.constant 786432 : i32
    %ge3A_1504 = vector.broadcast %ge3A_1503 : i32 to vector<16xi32>
    %ge3A_1505 = arith.cmpi sge, %get3A_1458, %ge3A_1504 : vector<16xi32>
    %jit3A_1506 = arith.constant 1 : i32
    %jit3A_1507 = arith.constant 0 : i32
    %broadcast_in_dim3A_1508 = vector.broadcast %jit3A_1506 : i32 to vector<16xi32>
    %broadcast_in_dim3A_1509 = vector.broadcast %jit3A_1507 : i32 to vector<16xi32>
    %select_n3A_1510 = arith.select %ge3A_1505, %broadcast_in_dim3A_1508, %broadcast_in_dim3A_1509 : vector<16xi1>, vector<16xi32>
    %add3A_1511 = arith.addi %add3A_1502, %select_n3A_1510 : vector<16xi32>
    %ge3A_1512 = arith.constant 917504 : i32
    %ge3A_1513 = vector.broadcast %ge3A_1512 : i32 to vector<16xi32>
    %ge3A_1514 = arith.cmpi sge, %get3A_1458, %ge3A_1513 : vector<16xi32>
    %jit3A_1515 = arith.constant 1 : i32
    %jit3A_1516 = arith.constant 0 : i32
    %broadcast_in_dim3A_1517 = vector.broadcast %jit3A_1515 : i32 to vector<16xi32>
    %broadcast_in_dim3A_1518 = vector.broadcast %jit3A_1516 : i32 to vector<16xi32>
    %select_n3A_1519 = arith.select %ge3A_1514, %broadcast_in_dim3A_1517, %broadcast_in_dim3A_1518 : vector<16xi1>, vector<16xi32>
    %add3A_1520 = arith.addi %add3A_1511, %select_n3A_1519 : vector<16xi32>
    %mul3A_1521 = arith.constant 131072 : i32
    %mul3A_1522 = vector.broadcast %mul3A_1521 : i32 to vector<16xi32>
    %mul3A_1523 = arith.muli %add3A_1520, %mul3A_1522 : vector<16xi32>
    %sub3A_1524 = arith.subi %get3A_1458, %mul3A_1523 : vector<16xi32>
    %swap3A_1525 = arith.constant 320 : index
    %swap3A_1526 = tpu.vector_load %arg5[%swap3A_1525] {strides = array<i32>} : memref<512xi32, #tpu.memory_space<vmem>>, vector<16xi32>,
    %swap3A_1527 = vector.shape_cast %swap3A_1526 : vector<16xi32> to vector<16xi32>
    %swap3A_1528 = vector.shape_cast %sub3A_1524 : vector<16xi32> to vector<16xi32>
    tpu.vector_store %arg5[%swap3A_1525], %swap3A_1528 {strides = array<i32>} : memref<512xi32, #tpu.memory_space<vmem>>, vector<16xi32>,
    %get3A_1529 = arith.constant 336 : index
    %get3A_1530 = tpu.vector_load %arg5[%get3A_1529] {strides = array<i32>} : memref<512xi32, #tpu.memory_space<vmem>>, vector<16xi32>,
    %get3A_1531 = vector.shape_cast %get3A_1530 : vector<16xi32> to vector<16xi32>
    %ge3A_1532 = arith.constant 131072 : i32
    %ge3A_1533 = vector.broadcast %ge3A_1532 : i32 to vector<16xi32>
    %ge3A_1534 = arith.cmpi sge, %get3A_1531, %ge3A_1533 : vector<16xi32>
    %jit3A_1535 = arith.constant 1 : i32
    %jit3A_1536 = arith.constant 0 : i32
    %broadcast_in_dim3A_1537 = vector.broadcast %jit3A_1535 : i32 to vector<16xi32>
    %broadcast_in_dim3A_1538 = vector.broadcast %jit3A_1536 : i32 to vector<16xi32>
    %select_n3A_1539 = arith.select %ge3A_1534, %broadcast_in_dim3A_1537, %broadcast_in_dim3A_1538 : vector<16xi1>, vector<16xi32>
    %ge3A_1540 = arith.constant 262144 : i32
    %ge3A_1541 = vector.broadcast %ge3A_1540 : i32 to vector<16xi32>
    %ge3A_1542 = arith.cmpi sge, %get3A_1531, %ge3A_1541 : vector<16xi32>
    %jit3A_1543 = arith.constant 1 : i32
    %jit3A_1544 = arith.constant 0 : i32
    %broadcast_in_dim3A_1545 = vector.broadcast %jit3A_1543 : i32 to vector<16xi32>
    %broadcast_in_dim3A_1546 = vector.broadcast %jit3A_1544 : i32 to vector<16xi32>
    %select_n3A_1547 = arith.select %ge3A_1542, %broadcast_in_dim3A_1545, %broadcast_in_dim3A_1546 : vector<16xi1>, vector<16xi32>
    %add3A_1548 = arith.addi %select_n3A_1539, %select_n3A_1547 : vector<16xi32>
    %ge3A_1549 = arith.constant 393216 : i32
    %ge3A_1550 = vector.broadcast %ge3A_1549 : i32 to vector<16xi32>
    %ge3A_1551 = arith.cmpi sge, %get3A_1531, %ge3A_1550 : vector<16xi32>
    %jit3A_1552 = arith.constant 1 : i32
    %jit3A_1553 = arith.constant 0 : i32
    %broadcast_in_dim3A_1554 = vector.broadcast %jit3A_1552 : i32 to vector<16xi32>
    %broadcast_in_dim3A_1555 = vector.broadcast %jit3A_1553 : i32 to vector<16xi32>
    %select_n3A_1556 = arith.select %ge3A_1551, %broadcast_in_dim3A_1554, %broadcast_in_dim3A_1555 : vector<16xi1>, vector<16xi32>
    %add3A_1557 = arith.addi %add3A_1548, %select_n3A_1556 : vector<16xi32>
    %ge3A_1558 = arith.constant 524288 : i32
    %ge3A_1559 = vector.broadcast %ge3A_1558 : i32 to vector<16xi32>
    %ge3A_1560 = arith.cmpi sge, %get3A_1531, %ge3A_1559 : vector<16xi32>
    %jit3A_1561 = arith.constant 1 : i32
    %jit3A_1562 = arith.constant 0 : i32
    %broadcast_in_dim3A_1563 = vector.broadcast %jit3A_1561 : i32 to vector<16xi32>
    %broadcast_in_dim3A_1564 = vector.broadcast %jit3A_1562 : i32 to vector<16xi32>
    %select_n3A_1565 = arith.select %ge3A_1560, %broadcast_in_dim3A_1563, %broadcast_in_dim3A_1564 : vector<16xi1>, vector<16xi32>
    %add3A_1566 = arith.addi %add3A_1557, %select_n3A_1565 : vector<16xi32>
    %ge3A_1567 = arith.constant 655360 : i32
    %ge3A_1568 = vector.broadcast %ge3A_1567 : i32 to vector<16xi32>
    %ge3A_1569 = arith.cmpi sge, %get3A_1531, %ge3A_1568 : vector<16xi32>
    %jit3A_1570 = arith.constant 1 : i32
    %jit3A_1571 = arith.constant 0 : i32
    %broadcast_in_dim3A_1572 = vector.broadcast %jit3A_1570 : i32 to vector<16xi32>
    %broadcast_in_dim3A_1573 = vector.broadcast %jit3A_1571 : i32 to vector<16xi32>
    %select_n3A_1574 = arith.select %ge3A_1569, %broadcast_in_dim3A_1572, %broadcast_in_dim3A_1573 : vector<16xi1>, vector<16xi32>
    %add3A_1575 = arith.addi %add3A_1566, %select_n3A_1574 : vector<16xi32>
    %ge3A_1576 = arith.constant 786432 : i32
    %ge3A_1577 = vector.broadcast %ge3A_1576 : i32 to vector<16xi32>
    %ge3A_1578 = arith.cmpi sge, %get3A_1531, %ge3A_1577 : vector<16xi32>
    %jit3A_1579 = arith.constant 1 : i32
    %jit3A_1580 = arith.constant 0 : i32
    %broadcast_in_dim3A_1581 = vector.broadcast %jit3A_1579 : i32 to vector<16xi32>
    %broadcast_in_dim3A_1582 = vector.broadcast %jit3A_1580 : i32 to vector<16xi32>
    %select_n3A_1583 = arith.select %ge3A_1578, %broadcast_in_dim3A_1581, %broadcast_in_dim3A_1582 : vector<16xi1>, vector<16xi32>
    %add3A_1584 = arith.addi %add3A_1575, %select_n3A_1583 : vector<16xi32>
    %ge3A_1585 = arith.constant 917504 : i32
    %ge3A_1586 = vector.broadcast %ge3A_1585 : i32 to vector<16xi32>
    %ge3A_1587 = arith.cmpi sge, %get3A_1531, %ge3A_1586 : vector<16xi32>
    %jit3A_1588 = arith.constant 1 : i32
    %jit3A_1589 = arith.constant 0 : i32
    %broadcast_in_dim3A_1590 = vector.broadcast %jit3A_1588 : i32 to vector<16xi32>
    %broadcast_in_dim3A_1591 = vector.broadcast %jit3A_1589 : i32 to vector<16xi32>
    %select_n3A_1592 = arith.select %ge3A_1587, %broadcast_in_dim3A_1590, %broadcast_in_dim3A_1591 : vector<16xi1>, vector<16xi32>
    %add3A_1593 = arith.addi %add3A_1584, %select_n3A_1592 : vector<16xi32>
    %mul3A_1594 = arith.constant 131072 : i32
    %mul3A_1595 = vector.broadcast %mul3A_1594 : i32 to vector<16xi32>
    %mul3A_1596 = arith.muli %add3A_1593, %mul3A_1595 : vector<16xi32>
    %sub3A_1597 = arith.subi %get3A_1531, %mul3A_1596 : vector<16xi32>
    %swap3A_1598 = arith.constant 336 : index
    %swap3A_1599 = tpu.vector_load %arg5[%swap3A_1598] {strides = array<i32>} : memref<512xi32, #tpu.memory_space<vmem>>, vector<16xi32>,
    %swap3A_1600 = vector.shape_cast %swap3A_1599 : vector<16xi32> to vector<16xi32>
    %swap3A_1601 = vector.shape_cast %sub3A_1597 : vector<16xi32> to vector<16xi32>
    tpu.vector_store %arg5[%swap3A_1598], %swap3A_1601 {strides = array<i32>} : memref<512xi32, #tpu.memory_space<vmem>>, vector<16xi32>,
    %get3A_1602 = arith.constant 352 : index
    %get3A_1603 = tpu.vector_load %arg5[%get3A_1602] {strides = array<i32>} : memref<512xi32, #tpu.memory_space<vmem>>, vector<16xi32>,
    %get3A_1604 = vector.shape_cast %get3A_1603 : vector<16xi32> to vector<16xi32>
    %ge3A_1605 = arith.constant 131072 : i32
    %ge3A_1606 = vector.broadcast %ge3A_1605 : i32 to vector<16xi32>
    %ge3A_1607 = arith.cmpi sge, %get3A_1604, %ge3A_1606 : vector<16xi32>
    %jit3A_1608 = arith.constant 1 : i32
    %jit3A_1609 = arith.constant 0 : i32
    %broadcast_in_dim3A_1610 = vector.broadcast %jit3A_1608 : i32 to vector<16xi32>
    %broadcast_in_dim3A_1611 = vector.broadcast %jit3A_1609 : i32 to vector<16xi32>
    %select_n3A_1612 = arith.select %ge3A_1607, %broadcast_in_dim3A_1610, %broadcast_in_dim3A_1611 : vector<16xi1>, vector<16xi32>
    %ge3A_1613 = arith.constant 262144 : i32
    %ge3A_1614 = vector.broadcast %ge3A_1613 : i32 to vector<16xi32>
    %ge3A_1615 = arith.cmpi sge, %get3A_1604, %ge3A_1614 : vector<16xi32>
    %jit3A_1616 = arith.constant 1 : i32
    %jit3A_1617 = arith.constant 0 : i32
    %broadcast_in_dim3A_1618 = vector.broadcast %jit3A_1616 : i32 to vector<16xi32>
    %broadcast_in_dim3A_1619 = vector.broadcast %jit3A_1617 : i32 to vector<16xi32>
    %select_n3A_1620 = arith.select %ge3A_1615, %broadcast_in_dim3A_1618, %broadcast_in_dim3A_1619 : vector<16xi1>, vector<16xi32>
    %add3A_1621 = arith.addi %select_n3A_1612, %select_n3A_1620 : vector<16xi32>
    %ge3A_1622 = arith.constant 393216 : i32
    %ge3A_1623 = vector.broadcast %ge3A_1622 : i32 to vector<16xi32>
    %ge3A_1624 = arith.cmpi sge, %get3A_1604, %ge3A_1623 : vector<16xi32>
    %jit3A_1625 = arith.constant 1 : i32
    %jit3A_1626 = arith.constant 0 : i32
    %broadcast_in_dim3A_1627 = vector.broadcast %jit3A_1625 : i32 to vector<16xi32>
    %broadcast_in_dim3A_1628 = vector.broadcast %jit3A_1626 : i32 to vector<16xi32>
    %select_n3A_1629 = arith.select %ge3A_1624, %broadcast_in_dim3A_1627, %broadcast_in_dim3A_1628 : vector<16xi1>, vector<16xi32>
    %add3A_1630 = arith.addi %add3A_1621, %select_n3A_1629 : vector<16xi32>
    %ge3A_1631 = arith.constant 524288 : i32
    %ge3A_1632 = vector.broadcast %ge3A_1631 : i32 to vector<16xi32>
    %ge3A_1633 = arith.cmpi sge, %get3A_1604, %ge3A_1632 : vector<16xi32>
    %jit3A_1634 = arith.constant 1 : i32
    %jit3A_1635 = arith.constant 0 : i32
    %broadcast_in_dim3A_1636 = vector.broadcast %jit3A_1634 : i32 to vector<16xi32>
    %broadcast_in_dim3A_1637 = vector.broadcast %jit3A_1635 : i32 to vector<16xi32>
    %select_n3A_1638 = arith.select %ge3A_1633, %broadcast_in_dim3A_1636, %broadcast_in_dim3A_1637 : vector<16xi1>, vector<16xi32>
    %add3A_1639 = arith.addi %add3A_1630, %select_n3A_1638 : vector<16xi32>
    %ge3A_1640 = arith.constant 655360 : i32
    %ge3A_1641 = vector.broadcast %ge3A_1640 : i32 to vector<16xi32>
    %ge3A_1642 = arith.cmpi sge, %get3A_1604, %ge3A_1641 : vector<16xi32>
    %jit3A_1643 = arith.constant 1 : i32
    %jit3A_1644 = arith.constant 0 : i32
    %broadcast_in_dim3A_1645 = vector.broadcast %jit3A_1643 : i32 to vector<16xi32>
    %broadcast_in_dim3A_1646 = vector.broadcast %jit3A_1644 : i32 to vector<16xi32>
    %select_n3A_1647 = arith.select %ge3A_1642, %broadcast_in_dim3A_1645, %broadcast_in_dim3A_1646 : vector<16xi1>, vector<16xi32>
    %add3A_1648 = arith.addi %add3A_1639, %select_n3A_1647 : vector<16xi32>
    %ge3A_1649 = arith.constant 786432 : i32
    %ge3A_1650 = vector.broadcast %ge3A_1649 : i32 to vector<16xi32>
    %ge3A_1651 = arith.cmpi sge, %get3A_1604, %ge3A_1650 : vector<16xi32>
    %jit3A_1652 = arith.constant 1 : i32
    %jit3A_1653 = arith.constant 0 : i32
    %broadcast_in_dim3A_1654 = vector.broadcast %jit3A_1652 : i32 to vector<16xi32>
    %broadcast_in_dim3A_1655 = vector.broadcast %jit3A_1653 : i32 to vector<16xi32>
    %select_n3A_1656 = arith.select %ge3A_1651, %broadcast_in_dim3A_1654, %broadcast_in_dim3A_1655 : vector<16xi1>, vector<16xi32>
    %add3A_1657 = arith.addi %add3A_1648, %select_n3A_1656 : vector<16xi32>
    %ge3A_1658 = arith.constant 917504 : i32
    %ge3A_1659 = vector.broadcast %ge3A_1658 : i32 to vector<16xi32>
    %ge3A_1660 = arith.cmpi sge, %get3A_1604, %ge3A_1659 : vector<16xi32>
    %jit3A_1661 = arith.constant 1 : i32
    %jit3A_1662 = arith.constant 0 : i32
    %broadcast_in_dim3A_1663 = vector.broadcast %jit3A_1661 : i32 to vector<16xi32>
    %broadcast_in_dim3A_1664 = vector.broadcast %jit3A_1662 : i32 to vector<16xi32>
    %select_n3A_1665 = arith.select %ge3A_1660, %broadcast_in_dim3A_1663, %broadcast_in_dim3A_1664 : vector<16xi1>, vector<16xi32>
    %add3A_1666 = arith.addi %add3A_1657, %select_n3A_1665 : vector<16xi32>
    %mul3A_1667 = arith.constant 131072 : i32
    %mul3A_1668 = vector.broadcast %mul3A_1667 : i32 to vector<16xi32>
    %mul3A_1669 = arith.muli %add3A_1666, %mul3A_1668 : vector<16xi32>
    %sub3A_1670 = arith.subi %get3A_1604, %mul3A_1669 : vector<16xi32>
    %swap3A_1671 = arith.constant 352 : index
    %swap3A_1672 = tpu.vector_load %arg5[%swap3A_1671] {strides = array<i32>} : memref<512xi32, #tpu.memory_space<vmem>>, vector<16xi32>,
    %swap3A_1673 = vector.shape_cast %swap3A_1672 : vector<16xi32> to vector<16xi32>
    %swap3A_1674 = vector.shape_cast %sub3A_1670 : vector<16xi32> to vector<16xi32>
    tpu.vector_store %arg5[%swap3A_1671], %swap3A_1674 {strides = array<i32>} : memref<512xi32, #tpu.memory_space<vmem>>, vector<16xi32>,
    %get3A_1675 = arith.constant 368 : index
    %get3A_1676 = tpu.vector_load %arg5[%get3A_1675] {strides = array<i32>} : memref<512xi32, #tpu.memory_space<vmem>>, vector<16xi32>,
    %get3A_1677 = vector.shape_cast %get3A_1676 : vector<16xi32> to vector<16xi32>
    %ge3A_1678 = arith.constant 131072 : i32
    %ge3A_1679 = vector.broadcast %ge3A_1678 : i32 to vector<16xi32>
    %ge3A_1680 = arith.cmpi sge, %get3A_1677, %ge3A_1679 : vector<16xi32>
    %jit3A_1681 = arith.constant 1 : i32
    %jit3A_1682 = arith.constant 0 : i32
    %broadcast_in_dim3A_1683 = vector.broadcast %jit3A_1681 : i32 to vector<16xi32>
    %broadcast_in_dim3A_1684 = vector.broadcast %jit3A_1682 : i32 to vector<16xi32>
    %select_n3A_1685 = arith.select %ge3A_1680, %broadcast_in_dim3A_1683, %broadcast_in_dim3A_1684 : vector<16xi1>, vector<16xi32>
    %ge3A_1686 = arith.constant 262144 : i32
    %ge3A_1687 = vector.broadcast %ge3A_1686 : i32 to vector<16xi32>
    %ge3A_1688 = arith.cmpi sge, %get3A_1677, %ge3A_1687 : vector<16xi32>
    %jit3A_1689 = arith.constant 1 : i32
    %jit3A_1690 = arith.constant 0 : i32
    %broadcast_in_dim3A_1691 = vector.broadcast %jit3A_1689 : i32 to vector<16xi32>
    %broadcast_in_dim3A_1692 = vector.broadcast %jit3A_1690 : i32 to vector<16xi32>
    %select_n3A_1693 = arith.select %ge3A_1688, %broadcast_in_dim3A_1691, %broadcast_in_dim3A_1692 : vector<16xi1>, vector<16xi32>
    %add3A_1694 = arith.addi %select_n3A_1685, %select_n3A_1693 : vector<16xi32>
    %ge3A_1695 = arith.constant 393216 : i32
    %ge3A_1696 = vector.broadcast %ge3A_1695 : i32 to vector<16xi32>
    %ge3A_1697 = arith.cmpi sge, %get3A_1677, %ge3A_1696 : vector<16xi32>
    %jit3A_1698 = arith.constant 1 : i32
    %jit3A_1699 = arith.constant 0 : i32
    %broadcast_in_dim3A_1700 = vector.broadcast %jit3A_1698 : i32 to vector<16xi32>
    %broadcast_in_dim3A_1701 = vector.broadcast %jit3A_1699 : i32 to vector<16xi32>
    %select_n3A_1702 = arith.select %ge3A_1697, %broadcast_in_dim3A_1700, %broadcast_in_dim3A_1701 : vector<16xi1>, vector<16xi32>
    %add3A_1703 = arith.addi %add3A_1694, %select_n3A_1702 : vector<16xi32>
    %ge3A_1704 = arith.constant 524288 : i32
    %ge3A_1705 = vector.broadcast %ge3A_1704 : i32 to vector<16xi32>
    %ge3A_1706 = arith.cmpi sge, %get3A_1677, %ge3A_1705 : vector<16xi32>
    %jit3A_1707 = arith.constant 1 : i32
    %jit3A_1708 = arith.constant 0 : i32
    %broadcast_in_dim3A_1709 = vector.broadcast %jit3A_1707 : i32 to vector<16xi32>
    %broadcast_in_dim3A_1710 = vector.broadcast %jit3A_1708 : i32 to vector<16xi32>
    %select_n3A_1711 = arith.select %ge3A_1706, %broadcast_in_dim3A_1709, %broadcast_in_dim3A_1710 : vector<16xi1>, vector<16xi32>
    %add3A_1712 = arith.addi %add3A_1703, %select_n3A_1711 : vector<16xi32>
    %ge3A_1713 = arith.constant 655360 : i32
    %ge3A_1714 = vector.broadcast %ge3A_1713 : i32 to vector<16xi32>
    %ge3A_1715 = arith.cmpi sge, %get3A_1677, %ge3A_1714 : vector<16xi32>
    %jit3A_1716 = arith.constant 1 : i32
    %jit3A_1717 = arith.constant 0 : i32
    %broadcast_in_dim3A_1718 = vector.broadcast %jit3A_1716 : i32 to vector<16xi32>
    %broadcast_in_dim3A_1719 = vector.broadcast %jit3A_1717 : i32 to vector<16xi32>
    %select_n3A_1720 = arith.select %ge3A_1715, %broadcast_in_dim3A_1718, %broadcast_in_dim3A_1719 : vector<16xi1>, vector<16xi32>
    %add3A_1721 = arith.addi %add3A_1712, %select_n3A_1720 : vector<16xi32>
    %ge3A_1722 = arith.constant 786432 : i32
    %ge3A_1723 = vector.broadcast %ge3A_1722 : i32 to vector<16xi32>
    %ge3A_1724 = arith.cmpi sge, %get3A_1677, %ge3A_1723 : vector<16xi32>
    %jit3A_1725 = arith.constant 1 : i32
    %jit3A_1726 = arith.constant 0 : i32
    %broadcast_in_dim3A_1727 = vector.broadcast %jit3A_1725 : i32 to vector<16xi32>
    %broadcast_in_dim3A_1728 = vector.broadcast %jit3A_1726 : i32 to vector<16xi32>
    %select_n3A_1729 = arith.select %ge3A_1724, %broadcast_in_dim3A_1727, %broadcast_in_dim3A_1728 : vector<16xi1>, vector<16xi32>
    %add3A_1730 = arith.addi %add3A_1721, %select_n3A_1729 : vector<16xi32>
    %ge3A_1731 = arith.constant 917504 : i32
    %ge3A_1732 = vector.broadcast %ge3A_1731 : i32 to vector<16xi32>
    %ge3A_1733 = arith.cmpi sge, %get3A_1677, %ge3A_1732 : vector<16xi32>
    %jit3A_1734 = arith.constant 1 : i32
    %jit3A_1735 = arith.constant 0 : i32
    %broadcast_in_dim3A_1736 = vector.broadcast %jit3A_1734 : i32 to vector<16xi32>
    %broadcast_in_dim3A_1737 = vector.broadcast %jit3A_1735 : i32 to vector<16xi32>
    %select_n3A_1738 = arith.select %ge3A_1733, %broadcast_in_dim3A_1736, %broadcast_in_dim3A_1737 : vector<16xi1>, vector<16xi32>
    %add3A_1739 = arith.addi %add3A_1730, %select_n3A_1738 : vector<16xi32>
    %mul3A_1740 = arith.constant 131072 : i32
    %mul3A_1741 = vector.broadcast %mul3A_1740 : i32 to vector<16xi32>
    %mul3A_1742 = arith.muli %add3A_1739, %mul3A_1741 : vector<16xi32>
    %sub3A_1743 = arith.subi %get3A_1677, %mul3A_1742 : vector<16xi32>
    %swap3A_1744 = arith.constant 368 : index
    %swap3A_1745 = tpu.vector_load %arg5[%swap3A_1744] {strides = array<i32>} : memref<512xi32, #tpu.memory_space<vmem>>, vector<16xi32>,
    %swap3A_1746 = vector.shape_cast %swap3A_1745 : vector<16xi32> to vector<16xi32>
    %swap3A_1747 = vector.shape_cast %sub3A_1743 : vector<16xi32> to vector<16xi32>
    tpu.vector_store %arg5[%swap3A_1744], %swap3A_1747 {strides = array<i32>} : memref<512xi32, #tpu.memory_space<vmem>>, vector<16xi32>,
    %get3A_1748 = arith.constant 384 : index
    %get3A_1749 = tpu.vector_load %arg5[%get3A_1748] {strides = array<i32>} : memref<512xi32, #tpu.memory_space<vmem>>, vector<16xi32>,
    %get3A_1750 = vector.shape_cast %get3A_1749 : vector<16xi32> to vector<16xi32>
    %ge3A_1751 = arith.constant 131072 : i32
    %ge3A_1752 = vector.broadcast %ge3A_1751 : i32 to vector<16xi32>
    %ge3A_1753 = arith.cmpi sge, %get3A_1750, %ge3A_1752 : vector<16xi32>
    %jit3A_1754 = arith.constant 1 : i32
    %jit3A_1755 = arith.constant 0 : i32
    %broadcast_in_dim3A_1756 = vector.broadcast %jit3A_1754 : i32 to vector<16xi32>
    %broadcast_in_dim3A_1757 = vector.broadcast %jit3A_1755 : i32 to vector<16xi32>
    %select_n3A_1758 = arith.select %ge3A_1753, %broadcast_in_dim3A_1756, %broadcast_in_dim3A_1757 : vector<16xi1>, vector<16xi32>
    %ge3A_1759 = arith.constant 262144 : i32
    %ge3A_1760 = vector.broadcast %ge3A_1759 : i32 to vector<16xi32>
    %ge3A_1761 = arith.cmpi sge, %get3A_1750, %ge3A_1760 : vector<16xi32>
    %jit3A_1762 = arith.constant 1 : i32
    %jit3A_1763 = arith.constant 0 : i32
    %broadcast_in_dim3A_1764 = vector.broadcast %jit3A_1762 : i32 to vector<16xi32>
    %broadcast_in_dim3A_1765 = vector.broadcast %jit3A_1763 : i32 to vector<16xi32>
    %select_n3A_1766 = arith.select %ge3A_1761, %broadcast_in_dim3A_1764, %broadcast_in_dim3A_1765 : vector<16xi1>, vector<16xi32>
    %add3A_1767 = arith.addi %select_n3A_1758, %select_n3A_1766 : vector<16xi32>
    %ge3A_1768 = arith.constant 393216 : i32
    %ge3A_1769 = vector.broadcast %ge3A_1768 : i32 to vector<16xi32>
    %ge3A_1770 = arith.cmpi sge, %get3A_1750, %ge3A_1769 : vector<16xi32>
    %jit3A_1771 = arith.constant 1 : i32
    %jit3A_1772 = arith.constant 0 : i32
    %broadcast_in_dim3A_1773 = vector.broadcast %jit3A_1771 : i32 to vector<16xi32>
    %broadcast_in_dim3A_1774 = vector.broadcast %jit3A_1772 : i32 to vector<16xi32>
    %select_n3A_1775 = arith.select %ge3A_1770, %broadcast_in_dim3A_1773, %broadcast_in_dim3A_1774 : vector<16xi1>, vector<16xi32>
    %add3A_1776 = arith.addi %add3A_1767, %select_n3A_1775 : vector<16xi32>
    %ge3A_1777 = arith.constant 524288 : i32
    %ge3A_1778 = vector.broadcast %ge3A_1777 : i32 to vector<16xi32>
    %ge3A_1779 = arith.cmpi sge, %get3A_1750, %ge3A_1778 : vector<16xi32>
    %jit3A_1780 = arith.constant 1 : i32
    %jit3A_1781 = arith.constant 0 : i32
    %broadcast_in_dim3A_1782 = vector.broadcast %jit3A_1780 : i32 to vector<16xi32>
    %broadcast_in_dim3A_1783 = vector.broadcast %jit3A_1781 : i32 to vector<16xi32>
    %select_n3A_1784 = arith.select %ge3A_1779, %broadcast_in_dim3A_1782, %broadcast_in_dim3A_1783 : vector<16xi1>, vector<16xi32>
    %add3A_1785 = arith.addi %add3A_1776, %select_n3A_1784 : vector<16xi32>
    %ge3A_1786 = arith.constant 655360 : i32
    %ge3A_1787 = vector.broadcast %ge3A_1786 : i32 to vector<16xi32>
    %ge3A_1788 = arith.cmpi sge, %get3A_1750, %ge3A_1787 : vector<16xi32>
    %jit3A_1789 = arith.constant 1 : i32
    %jit3A_1790 = arith.constant 0 : i32
    %broadcast_in_dim3A_1791 = vector.broadcast %jit3A_1789 : i32 to vector<16xi32>
    %broadcast_in_dim3A_1792 = vector.broadcast %jit3A_1790 : i32 to vector<16xi32>
    %select_n3A_1793 = arith.select %ge3A_1788, %broadcast_in_dim3A_1791, %broadcast_in_dim3A_1792 : vector<16xi1>, vector<16xi32>
    %add3A_1794 = arith.addi %add3A_1785, %select_n3A_1793 : vector<16xi32>
    %ge3A_1795 = arith.constant 786432 : i32
    %ge3A_1796 = vector.broadcast %ge3A_1795 : i32 to vector<16xi32>
    %ge3A_1797 = arith.cmpi sge, %get3A_1750, %ge3A_1796 : vector<16xi32>
    %jit3A_1798 = arith.constant 1 : i32
    %jit3A_1799 = arith.constant 0 : i32
    %broadcast_in_dim3A_1800 = vector.broadcast %jit3A_1798 : i32 to vector<16xi32>
    %broadcast_in_dim3A_1801 = vector.broadcast %jit3A_1799 : i32 to vector<16xi32>
    %select_n3A_1802 = arith.select %ge3A_1797, %broadcast_in_dim3A_1800, %broadcast_in_dim3A_1801 : vector<16xi1>, vector<16xi32>
    %add3A_1803 = arith.addi %add3A_1794, %select_n3A_1802 : vector<16xi32>
    %ge3A_1804 = arith.constant 917504 : i32
    %ge3A_1805 = vector.broadcast %ge3A_1804 : i32 to vector<16xi32>
    %ge3A_1806 = arith.cmpi sge, %get3A_1750, %ge3A_1805 : vector<16xi32>
    %jit3A_1807 = arith.constant 1 : i32
    %jit3A_1808 = arith.constant 0 : i32
    %broadcast_in_dim3A_1809 = vector.broadcast %jit3A_1807 : i32 to vector<16xi32>
    %broadcast_in_dim3A_1810 = vector.broadcast %jit3A_1808 : i32 to vector<16xi32>
    %select_n3A_1811 = arith.select %ge3A_1806, %broadcast_in_dim3A_1809, %broadcast_in_dim3A_1810 : vector<16xi1>, vector<16xi32>
    %add3A_1812 = arith.addi %add3A_1803, %select_n3A_1811 : vector<16xi32>
    %mul3A_1813 = arith.constant 131072 : i32
    %mul3A_1814 = vector.broadcast %mul3A_1813 : i32 to vector<16xi32>
    %mul3A_1815 = arith.muli %add3A_1812, %mul3A_1814 : vector<16xi32>
    %sub3A_1816 = arith.subi %get3A_1750, %mul3A_1815 : vector<16xi32>
    %swap3A_1817 = arith.constant 384 : index
    %swap3A_1818 = tpu.vector_load %arg5[%swap3A_1817] {strides = array<i32>} : memref<512xi32, #tpu.memory_space<vmem>>, vector<16xi32>,
    %swap3A_1819 = vector.shape_cast %swap3A_1818 : vector<16xi32> to vector<16xi32>
    %swap3A_1820 = vector.shape_cast %sub3A_1816 : vector<16xi32> to vector<16xi32>
    tpu.vector_store %arg5[%swap3A_1817], %swap3A_1820 {strides = array<i32>} : memref<512xi32, #tpu.memory_space<vmem>>, vector<16xi32>,
    %get3A_1821 = arith.constant 400 : index
    %get3A_1822 = tpu.vector_load %arg5[%get3A_1821] {strides = array<i32>} : memref<512xi32, #tpu.memory_space<vmem>>, vector<16xi32>,
    %get3A_1823 = vector.shape_cast %get3A_1822 : vector<16xi32> to vector<16xi32>
    %ge3A_1824 = arith.constant 131072 : i32
    %ge3A_1825 = vector.broadcast %ge3A_1824 : i32 to vector<16xi32>
    %ge3A_1826 = arith.cmpi sge, %get3A_1823, %ge3A_1825 : vector<16xi32>
    %jit3A_1827 = arith.constant 1 : i32
    %jit3A_1828 = arith.constant 0 : i32
    %broadcast_in_dim3A_1829 = vector.broadcast %jit3A_1827 : i32 to vector<16xi32>
    %broadcast_in_dim3A_1830 = vector.broadcast %jit3A_1828 : i32 to vector<16xi32>
    %select_n3A_1831 = arith.select %ge3A_1826, %broadcast_in_dim3A_1829, %broadcast_in_dim3A_1830 : vector<16xi1>, vector<16xi32>
    %ge3A_1832 = arith.constant 262144 : i32
    %ge3A_1833 = vector.broadcast %ge3A_1832 : i32 to vector<16xi32>
    %ge3A_1834 = arith.cmpi sge, %get3A_1823, %ge3A_1833 : vector<16xi32>
    %jit3A_1835 = arith.constant 1 : i32
    %jit3A_1836 = arith.constant 0 : i32
    %broadcast_in_dim3A_1837 = vector.broadcast %jit3A_1835 : i32 to vector<16xi32>
    %broadcast_in_dim3A_1838 = vector.broadcast %jit3A_1836 : i32 to vector<16xi32>
    %select_n3A_1839 = arith.select %ge3A_1834, %broadcast_in_dim3A_1837, %broadcast_in_dim3A_1838 : vector<16xi1>, vector<16xi32>
    %add3A_1840 = arith.addi %select_n3A_1831, %select_n3A_1839 : vector<16xi32>
    %ge3A_1841 = arith.constant 393216 : i32
    %ge3A_1842 = vector.broadcast %ge3A_1841 : i32 to vector<16xi32>
    %ge3A_1843 = arith.cmpi sge, %get3A_1823, %ge3A_1842 : vector<16xi32>
    %jit3A_1844 = arith.constant 1 : i32
    %jit3A_1845 = arith.constant 0 : i32
    %broadcast_in_dim3A_1846 = vector.broadcast %jit3A_1844 : i32 to vector<16xi32>
    %broadcast_in_dim3A_1847 = vector.broadcast %jit3A_1845 : i32 to vector<16xi32>
    %select_n3A_1848 = arith.select %ge3A_1843, %broadcast_in_dim3A_1846, %broadcast_in_dim3A_1847 : vector<16xi1>, vector<16xi32>
    %add3A_1849 = arith.addi %add3A_1840, %select_n3A_1848 : vector<16xi32>
    %ge3A_1850 = arith.constant 524288 : i32
    %ge3A_1851 = vector.broadcast %ge3A_1850 : i32 to vector<16xi32>
    %ge3A_1852 = arith.cmpi sge, %get3A_1823, %ge3A_1851 : vector<16xi32>
    %jit3A_1853 = arith.constant 1 : i32
    %jit3A_1854 = arith.constant 0 : i32
    %broadcast_in_dim3A_1855 = vector.broadcast %jit3A_1853 : i32 to vector<16xi32>
    %broadcast_in_dim3A_1856 = vector.broadcast %jit3A_1854 : i32 to vector<16xi32>
    %select_n3A_1857 = arith.select %ge3A_1852, %broadcast_in_dim3A_1855, %broadcast_in_dim3A_1856 : vector<16xi1>, vector<16xi32>
    %add3A_1858 = arith.addi %add3A_1849, %select_n3A_1857 : vector<16xi32>
    %ge3A_1859 = arith.constant 655360 : i32
    %ge3A_1860 = vector.broadcast %ge3A_1859 : i32 to vector<16xi32>
    %ge3A_1861 = arith.cmpi sge, %get3A_1823, %ge3A_1860 : vector<16xi32>
    %jit3A_1862 = arith.constant 1 : i32
    %jit3A_1863 = arith.constant 0 : i32
    %broadcast_in_dim3A_1864 = vector.broadcast %jit3A_1862 : i32 to vector<16xi32>
    %broadcast_in_dim3A_1865 = vector.broadcast %jit3A_1863 : i32 to vector<16xi32>
    %select_n3A_1866 = arith.select %ge3A_1861, %broadcast_in_dim3A_1864, %broadcast_in_dim3A_1865 : vector<16xi1>, vector<16xi32>
    %add3A_1867 = arith.addi %add3A_1858, %select_n3A_1866 : vector<16xi32>
    %ge3A_1868 = arith.constant 786432 : i32
    %ge3A_1869 = vector.broadcast %ge3A_1868 : i32 to vector<16xi32>
    %ge3A_1870 = arith.cmpi sge, %get3A_1823, %ge3A_1869 : vector<16xi32>
    %jit3A_1871 = arith.constant 1 : i32
    %jit3A_1872 = arith.constant 0 : i32
    %broadcast_in_dim3A_1873 = vector.broadcast %jit3A_1871 : i32 to vector<16xi32>
    %broadcast_in_dim3A_1874 = vector.broadcast %jit3A_1872 : i32 to vector<16xi32>
    %select_n3A_1875 = arith.select %ge3A_1870, %broadcast_in_dim3A_1873, %broadcast_in_dim3A_1874 : vector<16xi1>, vector<16xi32>
    %add3A_1876 = arith.addi %add3A_1867, %select_n3A_1875 : vector<16xi32>
    %ge3A_1877 = arith.constant 917504 : i32
    %ge3A_1878 = vector.broadcast %ge3A_1877 : i32 to vector<16xi32>
    %ge3A_1879 = arith.cmpi sge, %get3A_1823, %ge3A_1878 : vector<16xi32>
    %jit3A_1880 = arith.constant 1 : i32
    %jit3A_1881 = arith.constant 0 : i32
    %broadcast_in_dim3A_1882 = vector.broadcast %jit3A_1880 : i32 to vector<16xi32>
    %broadcast_in_dim3A_1883 = vector.broadcast %jit3A_1881 : i32 to vector<16xi32>
    %select_n3A_1884 = arith.select %ge3A_1879, %broadcast_in_dim3A_1882, %broadcast_in_dim3A_1883 : vector<16xi1>, vector<16xi32>
    %add3A_1885 = arith.addi %add3A_1876, %select_n3A_1884 : vector<16xi32>
    %mul3A_1886 = arith.constant 131072 : i32
    %mul3A_1887 = vector.broadcast %mul3A_1886 : i32 to vector<16xi32>
    %mul3A_1888 = arith.muli %add3A_1885, %mul3A_1887 : vector<16xi32>
    %sub3A_1889 = arith.subi %get3A_1823, %mul3A_1888 : vector<16xi32>
    %swap3A_1890 = arith.constant 400 : index
    %swap3A_1891 = tpu.vector_load %arg5[%swap3A_1890] {strides = array<i32>} : memref<512xi32, #tpu.memory_space<vmem>>, vector<16xi32>,
    %swap3A_1892 = vector.shape_cast %swap3A_1891 : vector<16xi32> to vector<16xi32>
    %swap3A_1893 = vector.shape_cast %sub3A_1889 : vector<16xi32> to vector<16xi32>
    tpu.vector_store %arg5[%swap3A_1890], %swap3A_1893 {strides = array<i32>} : memref<512xi32, #tpu.memory_space<vmem>>, vector<16xi32>,
    %get3A_1894 = arith.constant 416 : index
    %get3A_1895 = tpu.vector_load %arg5[%get3A_1894] {strides = array<i32>} : memref<512xi32, #tpu.memory_space<vmem>>, vector<16xi32>,
    %get3A_1896 = vector.shape_cast %get3A_1895 : vector<16xi32> to vector<16xi32>
    %ge3A_1897 = arith.constant 131072 : i32
    %ge3A_1898 = vector.broadcast %ge3A_1897 : i32 to vector<16xi32>
    %ge3A_1899 = arith.cmpi sge, %get3A_1896, %ge3A_1898 : vector<16xi32>
    %jit3A_1900 = arith.constant 1 : i32
    %jit3A_1901 = arith.constant 0 : i32
    %broadcast_in_dim3A_1902 = vector.broadcast %jit3A_1900 : i32 to vector<16xi32>
    %broadcast_in_dim3A_1903 = vector.broadcast %jit3A_1901 : i32 to vector<16xi32>
    %select_n3A_1904 = arith.select %ge3A_1899, %broadcast_in_dim3A_1902, %broadcast_in_dim3A_1903 : vector<16xi1>, vector<16xi32>
    %ge3A_1905 = arith.constant 262144 : i32
    %ge3A_1906 = vector.broadcast %ge3A_1905 : i32 to vector<16xi32>
    %ge3A_1907 = arith.cmpi sge, %get3A_1896, %ge3A_1906 : vector<16xi32>
    %jit3A_1908 = arith.constant 1 : i32
    %jit3A_1909 = arith.constant 0 : i32
    %broadcast_in_dim3A_1910 = vector.broadcast %jit3A_1908 : i32 to vector<16xi32>
    %broadcast_in_dim3A_1911 = vector.broadcast %jit3A_1909 : i32 to vector<16xi32>
    %select_n3A_1912 = arith.select %ge3A_1907, %broadcast_in_dim3A_1910, %broadcast_in_dim3A_1911 : vector<16xi1>, vector<16xi32>
    %add3A_1913 = arith.addi %select_n3A_1904, %select_n3A_1912 : vector<16xi32>
    %ge3A_1914 = arith.constant 393216 : i32
    %ge3A_1915 = vector.broadcast %ge3A_1914 : i32 to vector<16xi32>
    %ge3A_1916 = arith.cmpi sge, %get3A_1896, %ge3A_1915 : vector<16xi32>
    %jit3A_1917 = arith.constant 1 : i32
    %jit3A_1918 = arith.constant 0 : i32
    %broadcast_in_dim3A_1919 = vector.broadcast %jit3A_1917 : i32 to vector<16xi32>
    %broadcast_in_dim3A_1920 = vector.broadcast %jit3A_1918 : i32 to vector<16xi32>
    %select_n3A_1921 = arith.select %ge3A_1916, %broadcast_in_dim3A_1919, %broadcast_in_dim3A_1920 : vector<16xi1>, vector<16xi32>
    %add3A_1922 = arith.addi %add3A_1913, %select_n3A_1921 : vector<16xi32>
    %ge3A_1923 = arith.constant 524288 : i32
    %ge3A_1924 = vector.broadcast %ge3A_1923 : i32 to vector<16xi32>
    %ge3A_1925 = arith.cmpi sge, %get3A_1896, %ge3A_1924 : vector<16xi32>
    %jit3A_1926 = arith.constant 1 : i32
    %jit3A_1927 = arith.constant 0 : i32
    %broadcast_in_dim3A_1928 = vector.broadcast %jit3A_1926 : i32 to vector<16xi32>
    %broadcast_in_dim3A_1929 = vector.broadcast %jit3A_1927 : i32 to vector<16xi32>
    %select_n3A_1930 = arith.select %ge3A_1925, %broadcast_in_dim3A_1928, %broadcast_in_dim3A_1929 : vector<16xi1>, vector<16xi32>
    %add3A_1931 = arith.addi %add3A_1922, %select_n3A_1930 : vector<16xi32>
    %ge3A_1932 = arith.constant 655360 : i32
    %ge3A_1933 = vector.broadcast %ge3A_1932 : i32 to vector<16xi32>
    %ge3A_1934 = arith.cmpi sge, %get3A_1896, %ge3A_1933 : vector<16xi32>
    %jit3A_1935 = arith.constant 1 : i32
    %jit3A_1936 = arith.constant 0 : i32
    %broadcast_in_dim3A_1937 = vector.broadcast %jit3A_1935 : i32 to vector<16xi32>
    %broadcast_in_dim3A_1938 = vector.broadcast %jit3A_1936 : i32 to vector<16xi32>
    %select_n3A_1939 = arith.select %ge3A_1934, %broadcast_in_dim3A_1937, %broadcast_in_dim3A_1938 : vector<16xi1>, vector<16xi32>
    %add3A_1940 = arith.addi %add3A_1931, %select_n3A_1939 : vector<16xi32>
    %ge3A_1941 = arith.constant 786432 : i32
    %ge3A_1942 = vector.broadcast %ge3A_1941 : i32 to vector<16xi32>
    %ge3A_1943 = arith.cmpi sge, %get3A_1896, %ge3A_1942 : vector<16xi32>
    %jit3A_1944 = arith.constant 1 : i32
    %jit3A_1945 = arith.constant 0 : i32
    %broadcast_in_dim3A_1946 = vector.broadcast %jit3A_1944 : i32 to vector<16xi32>
    %broadcast_in_dim3A_1947 = vector.broadcast %jit3A_1945 : i32 to vector<16xi32>
    %select_n3A_1948 = arith.select %ge3A_1943, %broadcast_in_dim3A_1946, %broadcast_in_dim3A_1947 : vector<16xi1>, vector<16xi32>
    %add3A_1949 = arith.addi %add3A_1940, %select_n3A_1948 : vector<16xi32>
    %ge3A_1950 = arith.constant 917504 : i32
    %ge3A_1951 = vector.broadcast %ge3A_1950 : i32 to vector<16xi32>
    %ge3A_1952 = arith.cmpi sge, %get3A_1896, %ge3A_1951 : vector<16xi32>
    %jit3A_1953 = arith.constant 1 : i32
    %jit3A_1954 = arith.constant 0 : i32
    %broadcast_in_dim3A_1955 = vector.broadcast %jit3A_1953 : i32 to vector<16xi32>
    %broadcast_in_dim3A_1956 = vector.broadcast %jit3A_1954 : i32 to vector<16xi32>
    %select_n3A_1957 = arith.select %ge3A_1952, %broadcast_in_dim3A_1955, %broadcast_in_dim3A_1956 : vector<16xi1>, vector<16xi32>
    %add3A_1958 = arith.addi %add3A_1949, %select_n3A_1957 : vector<16xi32>
    %mul3A_1959 = arith.constant 131072 : i32
    %mul3A_1960 = vector.broadcast %mul3A_1959 : i32 to vector<16xi32>
    %mul3A_1961 = arith.muli %add3A_1958, %mul3A_1960 : vector<16xi32>
    %sub3A_1962 = arith.subi %get3A_1896, %mul3A_1961 : vector<16xi32>
    %swap3A_1963 = arith.constant 416 : index
    %swap3A_1964 = tpu.vector_load %arg5[%swap3A_1963] {strides = array<i32>} : memref<512xi32, #tpu.memory_space<vmem>>, vector<16xi32>,
    %swap3A_1965 = vector.shape_cast %swap3A_1964 : vector<16xi32> to vector<16xi32>
    %swap3A_1966 = vector.shape_cast %sub3A_1962 : vector<16xi32> to vector<16xi32>
    tpu.vector_store %arg5[%swap3A_1963], %swap3A_1966 {strides = array<i32>} : memref<512xi32, #tpu.memory_space<vmem>>, vector<16xi32>,
    %get3A_1967 = arith.constant 432 : index
    %get3A_1968 = tpu.vector_load %arg5[%get3A_1967] {strides = array<i32>} : memref<512xi32, #tpu.memory_space<vmem>>, vector<16xi32>,
    %get3A_1969 = vector.shape_cast %get3A_1968 : vector<16xi32> to vector<16xi32>
    %ge3A_1970 = arith.constant 131072 : i32
    %ge3A_1971 = vector.broadcast %ge3A_1970 : i32 to vector<16xi32>
    %ge3A_1972 = arith.cmpi sge, %get3A_1969, %ge3A_1971 : vector<16xi32>
    %jit3A_1973 = arith.constant 1 : i32
    %jit3A_1974 = arith.constant 0 : i32
    %broadcast_in_dim3A_1975 = vector.broadcast %jit3A_1973 : i32 to vector<16xi32>
    %broadcast_in_dim3A_1976 = vector.broadcast %jit3A_1974 : i32 to vector<16xi32>
    %select_n3A_1977 = arith.select %ge3A_1972, %broadcast_in_dim3A_1975, %broadcast_in_dim3A_1976 : vector<16xi1>, vector<16xi32>
    %ge3A_1978 = arith.constant 262144 : i32
    %ge3A_1979 = vector.broadcast %ge3A_1978 : i32 to vector<16xi32>
    %ge3A_1980 = arith.cmpi sge, %get3A_1969, %ge3A_1979 : vector<16xi32>
    %jit3A_1981 = arith.constant 1 : i32
    %jit3A_1982 = arith.constant 0 : i32
    %broadcast_in_dim3A_1983 = vector.broadcast %jit3A_1981 : i32 to vector<16xi32>
    %broadcast_in_dim3A_1984 = vector.broadcast %jit3A_1982 : i32 to vector<16xi32>
    %select_n3A_1985 = arith.select %ge3A_1980, %broadcast_in_dim3A_1983, %broadcast_in_dim3A_1984 : vector<16xi1>, vector<16xi32>
    %add3A_1986 = arith.addi %select_n3A_1977, %select_n3A_1985 : vector<16xi32>
    %ge3A_1987 = arith.constant 393216 : i32
    %ge3A_1988 = vector.broadcast %ge3A_1987 : i32 to vector<16xi32>
    %ge3A_1989 = arith.cmpi sge, %get3A_1969, %ge3A_1988 : vector<16xi32>
    %jit3A_1990 = arith.constant 1 : i32
    %jit3A_1991 = arith.constant 0 : i32
    %broadcast_in_dim3A_1992 = vector.broadcast %jit3A_1990 : i32 to vector<16xi32>
    %broadcast_in_dim3A_1993 = vector.broadcast %jit3A_1991 : i32 to vector<16xi32>
    %select_n3A_1994 = arith.select %ge3A_1989, %broadcast_in_dim3A_1992, %broadcast_in_dim3A_1993 : vector<16xi1>, vector<16xi32>
    %add3A_1995 = arith.addi %add3A_1986, %select_n3A_1994 : vector<16xi32>
    %ge3A_1996 = arith.constant 524288 : i32
    %ge3A_1997 = vector.broadcast %ge3A_1996 : i32 to vector<16xi32>
    %ge3A_1998 = arith.cmpi sge, %get3A_1969, %ge3A_1997 : vector<16xi32>
    %jit3A_1999 = arith.constant 1 : i32
    %jit3A_2000 = arith.constant 0 : i32
    %broadcast_in_dim3A_2001 = vector.broadcast %jit3A_1999 : i32 to vector<16xi32>
    %broadcast_in_dim3A_2002 = vector.broadcast %jit3A_2000 : i32 to vector<16xi32>
    %select_n3A_2003 = arith.select %ge3A_1998, %broadcast_in_dim3A_2001, %broadcast_in_dim3A_2002 : vector<16xi1>, vector<16xi32>
    %add3A_2004 = arith.addi %add3A_1995, %select_n3A_2003 : vector<16xi32>
    %ge3A_2005 = arith.constant 655360 : i32
    %ge3A_2006 = vector.broadcast %ge3A_2005 : i32 to vector<16xi32>
    %ge3A_2007 = arith.cmpi sge, %get3A_1969, %ge3A_2006 : vector<16xi32>
    %jit3A_2008 = arith.constant 1 : i32
    %jit3A_2009 = arith.constant 0 : i32
    %broadcast_in_dim3A_2010 = vector.broadcast %jit3A_2008 : i32 to vector<16xi32>
    %broadcast_in_dim3A_2011 = vector.broadcast %jit3A_2009 : i32 to vector<16xi32>
    %select_n3A_2012 = arith.select %ge3A_2007, %broadcast_in_dim3A_2010, %broadcast_in_dim3A_2011 : vector<16xi1>, vector<16xi32>
    %add3A_2013 = arith.addi %add3A_2004, %select_n3A_2012 : vector<16xi32>
    %ge3A_2014 = arith.constant 786432 : i32
    %ge3A_2015 = vector.broadcast %ge3A_2014 : i32 to vector<16xi32>
    %ge3A_2016 = arith.cmpi sge, %get3A_1969, %ge3A_2015 : vector<16xi32>
    %jit3A_2017 = arith.constant 1 : i32
    %jit3A_2018 = arith.constant 0 : i32
    %broadcast_in_dim3A_2019 = vector.broadcast %jit3A_2017 : i32 to vector<16xi32>
    %broadcast_in_dim3A_2020 = vector.broadcast %jit3A_2018 : i32 to vector<16xi32>
    %select_n3A_2021 = arith.select %ge3A_2016, %broadcast_in_dim3A_2019, %broadcast_in_dim3A_2020 : vector<16xi1>, vector<16xi32>
    %add3A_2022 = arith.addi %add3A_2013, %select_n3A_2021 : vector<16xi32>
    %ge3A_2023 = arith.constant 917504 : i32
    %ge3A_2024 = vector.broadcast %ge3A_2023 : i32 to vector<16xi32>
    %ge3A_2025 = arith.cmpi sge, %get3A_1969, %ge3A_2024 : vector<16xi32>
    %jit3A_2026 = arith.constant 1 : i32
    %jit3A_2027 = arith.constant 0 : i32
    %broadcast_in_dim3A_2028 = vector.broadcast %jit3A_2026 : i32 to vector<16xi32>
    %broadcast_in_dim3A_2029 = vector.broadcast %jit3A_2027 : i32 to vector<16xi32>
    %select_n3A_2030 = arith.select %ge3A_2025, %broadcast_in_dim3A_2028, %broadcast_in_dim3A_2029 : vector<16xi1>, vector<16xi32>
    %add3A_2031 = arith.addi %add3A_2022, %select_n3A_2030 : vector<16xi32>
    %mul3A_2032 = arith.constant 131072 : i32
    %mul3A_2033 = vector.broadcast %mul3A_2032 : i32 to vector<16xi32>
    %mul3A_2034 = arith.muli %add3A_2031, %mul3A_2033 : vector<16xi32>
    %sub3A_2035 = arith.subi %get3A_1969, %mul3A_2034 : vector<16xi32>
    %swap3A_2036 = arith.constant 432 : index
    %swap3A_2037 = tpu.vector_load %arg5[%swap3A_2036] {strides = array<i32>} : memref<512xi32, #tpu.memory_space<vmem>>, vector<16xi32>,
    %swap3A_2038 = vector.shape_cast %swap3A_2037 : vector<16xi32> to vector<16xi32>
    %swap3A_2039 = vector.shape_cast %sub3A_2035 : vector<16xi32> to vector<16xi32>
    tpu.vector_store %arg5[%swap3A_2036], %swap3A_2039 {strides = array<i32>} : memref<512xi32, #tpu.memory_space<vmem>>, vector<16xi32>,
    %get3A_2040 = arith.constant 448 : index
    %get3A_2041 = tpu.vector_load %arg5[%get3A_2040] {strides = array<i32>} : memref<512xi32, #tpu.memory_space<vmem>>, vector<16xi32>,
    %get3A_2042 = vector.shape_cast %get3A_2041 : vector<16xi32> to vector<16xi32>
    %ge3A_2043 = arith.constant 131072 : i32
    %ge3A_2044 = vector.broadcast %ge3A_2043 : i32 to vector<16xi32>
    %ge3A_2045 = arith.cmpi sge, %get3A_2042, %ge3A_2044 : vector<16xi32>
    %jit3A_2046 = arith.constant 1 : i32
    %jit3A_2047 = arith.constant 0 : i32
    %broadcast_in_dim3A_2048 = vector.broadcast %jit3A_2046 : i32 to vector<16xi32>
    %broadcast_in_dim3A_2049 = vector.broadcast %jit3A_2047 : i32 to vector<16xi32>
    %select_n3A_2050 = arith.select %ge3A_2045, %broadcast_in_dim3A_2048, %broadcast_in_dim3A_2049 : vector<16xi1>, vector<16xi32>
    %ge3A_2051 = arith.constant 262144 : i32
    %ge3A_2052 = vector.broadcast %ge3A_2051 : i32 to vector<16xi32>
    %ge3A_2053 = arith.cmpi sge, %get3A_2042, %ge3A_2052 : vector<16xi32>
    %jit3A_2054 = arith.constant 1 : i32
    %jit3A_2055 = arith.constant 0 : i32
    %broadcast_in_dim3A_2056 = vector.broadcast %jit3A_2054 : i32 to vector<16xi32>
    %broadcast_in_dim3A_2057 = vector.broadcast %jit3A_2055 : i32 to vector<16xi32>
    %select_n3A_2058 = arith.select %ge3A_2053, %broadcast_in_dim3A_2056, %broadcast_in_dim3A_2057 : vector<16xi1>, vector<16xi32>
    %add3A_2059 = arith.addi %select_n3A_2050, %select_n3A_2058 : vector<16xi32>
    %ge3A_2060 = arith.constant 393216 : i32
    %ge3A_2061 = vector.broadcast %ge3A_2060 : i32 to vector<16xi32>
    %ge3A_2062 = arith.cmpi sge, %get3A_2042, %ge3A_2061 : vector<16xi32>
    %jit3A_2063 = arith.constant 1 : i32
    %jit3A_2064 = arith.constant 0 : i32
    %broadcast_in_dim3A_2065 = vector.broadcast %jit3A_2063 : i32 to vector<16xi32>
    %broadcast_in_dim3A_2066 = vector.broadcast %jit3A_2064 : i32 to vector<16xi32>
    %select_n3A_2067 = arith.select %ge3A_2062, %broadcast_in_dim3A_2065, %broadcast_in_dim3A_2066 : vector<16xi1>, vector<16xi32>
    %add3A_2068 = arith.addi %add3A_2059, %select_n3A_2067 : vector<16xi32>
    %ge3A_2069 = arith.constant 524288 : i32
    %ge3A_2070 = vector.broadcast %ge3A_2069 : i32 to vector<16xi32>
    %ge3A_2071 = arith.cmpi sge, %get3A_2042, %ge3A_2070 : vector<16xi32>
    %jit3A_2072 = arith.constant 1 : i32
    %jit3A_2073 = arith.constant 0 : i32
    %broadcast_in_dim3A_2074 = vector.broadcast %jit3A_2072 : i32 to vector<16xi32>
    %broadcast_in_dim3A_2075 = vector.broadcast %jit3A_2073 : i32 to vector<16xi32>
    %select_n3A_2076 = arith.select %ge3A_2071, %broadcast_in_dim3A_2074, %broadcast_in_dim3A_2075 : vector<16xi1>, vector<16xi32>
    %add3A_2077 = arith.addi %add3A_2068, %select_n3A_2076 : vector<16xi32>
    %ge3A_2078 = arith.constant 655360 : i32
    %ge3A_2079 = vector.broadcast %ge3A_2078 : i32 to vector<16xi32>
    %ge3A_2080 = arith.cmpi sge, %get3A_2042, %ge3A_2079 : vector<16xi32>
    %jit3A_2081 = arith.constant 1 : i32
    %jit3A_2082 = arith.constant 0 : i32
    %broadcast_in_dim3A_2083 = vector.broadcast %jit3A_2081 : i32 to vector<16xi32>
    %broadcast_in_dim3A_2084 = vector.broadcast %jit3A_2082 : i32 to vector<16xi32>
    %select_n3A_2085 = arith.select %ge3A_2080, %broadcast_in_dim3A_2083, %broadcast_in_dim3A_2084 : vector<16xi1>, vector<16xi32>
    %add3A_2086 = arith.addi %add3A_2077, %select_n3A_2085 : vector<16xi32>
    %ge3A_2087 = arith.constant 786432 : i32
    %ge3A_2088 = vector.broadcast %ge3A_2087 : i32 to vector<16xi32>
    %ge3A_2089 = arith.cmpi sge, %get3A_2042, %ge3A_2088 : vector<16xi32>
    %jit3A_2090 = arith.constant 1 : i32
    %jit3A_2091 = arith.constant 0 : i32
    %broadcast_in_dim3A_2092 = vector.broadcast %jit3A_2090 : i32 to vector<16xi32>
    %broadcast_in_dim3A_2093 = vector.broadcast %jit3A_2091 : i32 to vector<16xi32>
    %select_n3A_2094 = arith.select %ge3A_2089, %broadcast_in_dim3A_2092, %broadcast_in_dim3A_2093 : vector<16xi1>, vector<16xi32>
    %add3A_2095 = arith.addi %add3A_2086, %select_n3A_2094 : vector<16xi32>
    %ge3A_2096 = arith.constant 917504 : i32
    %ge3A_2097 = vector.broadcast %ge3A_2096 : i32 to vector<16xi32>
    %ge3A_2098 = arith.cmpi sge, %get3A_2042, %ge3A_2097 : vector<16xi32>
    %jit3A_2099 = arith.constant 1 : i32
    %jit3A_2100 = arith.constant 0 : i32
    %broadcast_in_dim3A_2101 = vector.broadcast %jit3A_2099 : i32 to vector<16xi32>
    %broadcast_in_dim3A_2102 = vector.broadcast %jit3A_2100 : i32 to vector<16xi32>
    %select_n3A_2103 = arith.select %ge3A_2098, %broadcast_in_dim3A_2101, %broadcast_in_dim3A_2102 : vector<16xi1>, vector<16xi32>
    %add3A_2104 = arith.addi %add3A_2095, %select_n3A_2103 : vector<16xi32>
    %mul3A_2105 = arith.constant 131072 : i32
    %mul3A_2106 = vector.broadcast %mul3A_2105 : i32 to vector<16xi32>
    %mul3A_2107 = arith.muli %add3A_2104, %mul3A_2106 : vector<16xi32>
    %sub3A_2108 = arith.subi %get3A_2042, %mul3A_2107 : vector<16xi32>
    %swap3A_2109 = arith.constant 448 : index
    %swap3A_2110 = tpu.vector_load %arg5[%swap3A_2109] {strides = array<i32>} : memref<512xi32, #tpu.memory_space<vmem>>, vector<16xi32>,
    %swap3A_2111 = vector.shape_cast %swap3A_2110 : vector<16xi32> to vector<16xi32>
    %swap3A_2112 = vector.shape_cast %sub3A_2108 : vector<16xi32> to vector<16xi32>
    tpu.vector_store %arg5[%swap3A_2109], %swap3A_2112 {strides = array<i32>} : memref<512xi32, #tpu.memory_space<vmem>>, vector<16xi32>,
    %get3A_2113 = arith.constant 464 : index
    %get3A_2114 = tpu.vector_load %arg5[%get3A_2113] {strides = array<i32>} : memref<512xi32, #tpu.memory_space<vmem>>, vector<16xi32>,
    %get3A_2115 = vector.shape_cast %get3A_2114 : vector<16xi32> to vector<16xi32>
    %ge3A_2116 = arith.constant 131072 : i32
    %ge3A_2117 = vector.broadcast %ge3A_2116 : i32 to vector<16xi32>
    %ge3A_2118 = arith.cmpi sge, %get3A_2115, %ge3A_2117 : vector<16xi32>
    %jit3A_2119 = arith.constant 1 : i32
    %jit3A_2120 = arith.constant 0 : i32
    %broadcast_in_dim3A_2121 = vector.broadcast %jit3A_2119 : i32 to vector<16xi32>
    %broadcast_in_dim3A_2122 = vector.broadcast %jit3A_2120 : i32 to vector<16xi32>
    %select_n3A_2123 = arith.select %ge3A_2118, %broadcast_in_dim3A_2121, %broadcast_in_dim3A_2122 : vector<16xi1>, vector<16xi32>
    %ge3A_2124 = arith.constant 262144 : i32
    %ge3A_2125 = vector.broadcast %ge3A_2124 : i32 to vector<16xi32>
    %ge3A_2126 = arith.cmpi sge, %get3A_2115, %ge3A_2125 : vector<16xi32>
    %jit3A_2127 = arith.constant 1 : i32
    %jit3A_2128 = arith.constant 0 : i32
    %broadcast_in_dim3A_2129 = vector.broadcast %jit3A_2127 : i32 to vector<16xi32>
    %broadcast_in_dim3A_2130 = vector.broadcast %jit3A_2128 : i32 to vector<16xi32>
    %select_n3A_2131 = arith.select %ge3A_2126, %broadcast_in_dim3A_2129, %broadcast_in_dim3A_2130 : vector<16xi1>, vector<16xi32>
    %add3A_2132 = arith.addi %select_n3A_2123, %select_n3A_2131 : vector<16xi32>
    %ge3A_2133 = arith.constant 393216 : i32
    %ge3A_2134 = vector.broadcast %ge3A_2133 : i32 to vector<16xi32>
    %ge3A_2135 = arith.cmpi sge, %get3A_2115, %ge3A_2134 : vector<16xi32>
    %jit3A_2136 = arith.constant 1 : i32
    %jit3A_2137 = arith.constant 0 : i32
    %broadcast_in_dim3A_2138 = vector.broadcast %jit3A_2136 : i32 to vector<16xi32>
    %broadcast_in_dim3A_2139 = vector.broadcast %jit3A_2137 : i32 to vector<16xi32>
    %select_n3A_2140 = arith.select %ge3A_2135, %broadcast_in_dim3A_2138, %broadcast_in_dim3A_2139 : vector<16xi1>, vector<16xi32>
    %add3A_2141 = arith.addi %add3A_2132, %select_n3A_2140 : vector<16xi32>
    %ge3A_2142 = arith.constant 524288 : i32
    %ge3A_2143 = vector.broadcast %ge3A_2142 : i32 to vector<16xi32>
    %ge3A_2144 = arith.cmpi sge, %get3A_2115, %ge3A_2143 : vector<16xi32>
    %jit3A_2145 = arith.constant 1 : i32
    %jit3A_2146 = arith.constant 0 : i32
    %broadcast_in_dim3A_2147 = vector.broadcast %jit3A_2145 : i32 to vector<16xi32>
    %broadcast_in_dim3A_2148 = vector.broadcast %jit3A_2146 : i32 to vector<16xi32>
    %select_n3A_2149 = arith.select %ge3A_2144, %broadcast_in_dim3A_2147, %broadcast_in_dim3A_2148 : vector<16xi1>, vector<16xi32>
    %add3A_2150 = arith.addi %add3A_2141, %select_n3A_2149 : vector<16xi32>
    %ge3A_2151 = arith.constant 655360 : i32
    %ge3A_2152 = vector.broadcast %ge3A_2151 : i32 to vector<16xi32>
    %ge3A_2153 = arith.cmpi sge, %get3A_2115, %ge3A_2152 : vector<16xi32>
    %jit3A_2154 = arith.constant 1 : i32
    %jit3A_2155 = arith.constant 0 : i32
    %broadcast_in_dim3A_2156 = vector.broadcast %jit3A_2154 : i32 to vector<16xi32>
    %broadcast_in_dim3A_2157 = vector.broadcast %jit3A_2155 : i32 to vector<16xi32>
    %select_n3A_2158 = arith.select %ge3A_2153, %broadcast_in_dim3A_2156, %broadcast_in_dim3A_2157 : vector<16xi1>, vector<16xi32>
    %add3A_2159 = arith.addi %add3A_2150, %select_n3A_2158 : vector<16xi32>
    %ge3A_2160 = arith.constant 786432 : i32
    %ge3A_2161 = vector.broadcast %ge3A_2160 : i32 to vector<16xi32>
    %ge3A_2162 = arith.cmpi sge, %get3A_2115, %ge3A_2161 : vector<16xi32>
    %jit3A_2163 = arith.constant 1 : i32
    %jit3A_2164 = arith.constant 0 : i32
    %broadcast_in_dim3A_2165 = vector.broadcast %jit3A_2163 : i32 to vector<16xi32>
    %broadcast_in_dim3A_2166 = vector.broadcast %jit3A_2164 : i32 to vector<16xi32>
    %select_n3A_2167 = arith.select %ge3A_2162, %broadcast_in_dim3A_2165, %broadcast_in_dim3A_2166 : vector<16xi1>, vector<16xi32>
    %add3A_2168 = arith.addi %add3A_2159, %select_n3A_2167 : vector<16xi32>
    %ge3A_2169 = arith.constant 917504 : i32
    %ge3A_2170 = vector.broadcast %ge3A_2169 : i32 to vector<16xi32>
    %ge3A_2171 = arith.cmpi sge, %get3A_2115, %ge3A_2170 : vector<16xi32>
    %jit3A_2172 = arith.constant 1 : i32
    %jit3A_2173 = arith.constant 0 : i32
    %broadcast_in_dim3A_2174 = vector.broadcast %jit3A_2172 : i32 to vector<16xi32>
    %broadcast_in_dim3A_2175 = vector.broadcast %jit3A_2173 : i32 to vector<16xi32>
    %select_n3A_2176 = arith.select %ge3A_2171, %broadcast_in_dim3A_2174, %broadcast_in_dim3A_2175 : vector<16xi1>, vector<16xi32>
    %add3A_2177 = arith.addi %add3A_2168, %select_n3A_2176 : vector<16xi32>
    %mul3A_2178 = arith.constant 131072 : i32
    %mul3A_2179 = vector.broadcast %mul3A_2178 : i32 to vector<16xi32>
    %mul3A_2180 = arith.muli %add3A_2177, %mul3A_2179 : vector<16xi32>
    %sub3A_2181 = arith.subi %get3A_2115, %mul3A_2180 : vector<16xi32>
    %swap3A_2182 = arith.constant 464 : index
    %swap3A_2183 = tpu.vector_load %arg5[%swap3A_2182] {strides = array<i32>} : memref<512xi32, #tpu.memory_space<vmem>>, vector<16xi32>,
    %swap3A_2184 = vector.shape_cast %swap3A_2183 : vector<16xi32> to vector<16xi32>
    %swap3A_2185 = vector.shape_cast %sub3A_2181 : vector<16xi32> to vector<16xi32>
    tpu.vector_store %arg5[%swap3A_2182], %swap3A_2185 {strides = array<i32>} : memref<512xi32, #tpu.memory_space<vmem>>, vector<16xi32>,
    %get3A_2186 = arith.constant 480 : index
    %get3A_2187 = tpu.vector_load %arg5[%get3A_2186] {strides = array<i32>} : memref<512xi32, #tpu.memory_space<vmem>>, vector<16xi32>,
    %get3A_2188 = vector.shape_cast %get3A_2187 : vector<16xi32> to vector<16xi32>
    %ge3A_2189 = arith.constant 131072 : i32
    %ge3A_2190 = vector.broadcast %ge3A_2189 : i32 to vector<16xi32>
    %ge3A_2191 = arith.cmpi sge, %get3A_2188, %ge3A_2190 : vector<16xi32>
    %jit3A_2192 = arith.constant 1 : i32
    %jit3A_2193 = arith.constant 0 : i32
    %broadcast_in_dim3A_2194 = vector.broadcast %jit3A_2192 : i32 to vector<16xi32>
    %broadcast_in_dim3A_2195 = vector.broadcast %jit3A_2193 : i32 to vector<16xi32>
    %select_n3A_2196 = arith.select %ge3A_2191, %broadcast_in_dim3A_2194, %broadcast_in_dim3A_2195 : vector<16xi1>, vector<16xi32>
    %ge3A_2197 = arith.constant 262144 : i32
    %ge3A_2198 = vector.broadcast %ge3A_2197 : i32 to vector<16xi32>
    %ge3A_2199 = arith.cmpi sge, %get3A_2188, %ge3A_2198 : vector<16xi32>
    %jit3A_2200 = arith.constant 1 : i32
    %jit3A_2201 = arith.constant 0 : i32
    %broadcast_in_dim3A_2202 = vector.broadcast %jit3A_2200 : i32 to vector<16xi32>
    %broadcast_in_dim3A_2203 = vector.broadcast %jit3A_2201 : i32 to vector<16xi32>
    %select_n3A_2204 = arith.select %ge3A_2199, %broadcast_in_dim3A_2202, %broadcast_in_dim3A_2203 : vector<16xi1>, vector<16xi32>
    %add3A_2205 = arith.addi %select_n3A_2196, %select_n3A_2204 : vector<16xi32>
    %ge3A_2206 = arith.constant 393216 : i32
    %ge3A_2207 = vector.broadcast %ge3A_2206 : i32 to vector<16xi32>
    %ge3A_2208 = arith.cmpi sge, %get3A_2188, %ge3A_2207 : vector<16xi32>
    %jit3A_2209 = arith.constant 1 : i32
    %jit3A_2210 = arith.constant 0 : i32
    %broadcast_in_dim3A_2211 = vector.broadcast %jit3A_2209 : i32 to vector<16xi32>
    %broadcast_in_dim3A_2212 = vector.broadcast %jit3A_2210 : i32 to vector<16xi32>
    %select_n3A_2213 = arith.select %ge3A_2208, %broadcast_in_dim3A_2211, %broadcast_in_dim3A_2212 : vector<16xi1>, vector<16xi32>
    %add3A_2214 = arith.addi %add3A_2205, %select_n3A_2213 : vector<16xi32>
    %ge3A_2215 = arith.constant 524288 : i32
    %ge3A_2216 = vector.broadcast %ge3A_2215 : i32 to vector<16xi32>
    %ge3A_2217 = arith.cmpi sge, %get3A_2188, %ge3A_2216 : vector<16xi32>
    %jit3A_2218 = arith.constant 1 : i32
    %jit3A_2219 = arith.constant 0 : i32
    %broadcast_in_dim3A_2220 = vector.broadcast %jit3A_2218 : i32 to vector<16xi32>
    %broadcast_in_dim3A_2221 = vector.broadcast %jit3A_2219 : i32 to vector<16xi32>
    %select_n3A_2222 = arith.select %ge3A_2217, %broadcast_in_dim3A_2220, %broadcast_in_dim3A_2221 : vector<16xi1>, vector<16xi32>
    %add3A_2223 = arith.addi %add3A_2214, %select_n3A_2222 : vector<16xi32>
    %ge3A_2224 = arith.constant 655360 : i32
    %ge3A_2225 = vector.broadcast %ge3A_2224 : i32 to vector<16xi32>
    %ge3A_2226 = arith.cmpi sge, %get3A_2188, %ge3A_2225 : vector<16xi32>
    %jit3A_2227 = arith.constant 1 : i32
    %jit3A_2228 = arith.constant 0 : i32
    %broadcast_in_dim3A_2229 = vector.broadcast %jit3A_2227 : i32 to vector<16xi32>
    %broadcast_in_dim3A_2230 = vector.broadcast %jit3A_2228 : i32 to vector<16xi32>
    %select_n3A_2231 = arith.select %ge3A_2226, %broadcast_in_dim3A_2229, %broadcast_in_dim3A_2230 : vector<16xi1>, vector<16xi32>
    %add3A_2232 = arith.addi %add3A_2223, %select_n3A_2231 : vector<16xi32>
    %ge3A_2233 = arith.constant 786432 : i32
    %ge3A_2234 = vector.broadcast %ge3A_2233 : i32 to vector<16xi32>
    %ge3A_2235 = arith.cmpi sge, %get3A_2188, %ge3A_2234 : vector<16xi32>
    %jit3A_2236 = arith.constant 1 : i32
    %jit3A_2237 = arith.constant 0 : i32
    %broadcast_in_dim3A_2238 = vector.broadcast %jit3A_2236 : i32 to vector<16xi32>
    %broadcast_in_dim3A_2239 = vector.broadcast %jit3A_2237 : i32 to vector<16xi32>
    %select_n3A_2240 = arith.select %ge3A_2235, %broadcast_in_dim3A_2238, %broadcast_in_dim3A_2239 : vector<16xi1>, vector<16xi32>
    %add3A_2241 = arith.addi %add3A_2232, %select_n3A_2240 : vector<16xi32>
    %ge3A_2242 = arith.constant 917504 : i32
    %ge3A_2243 = vector.broadcast %ge3A_2242 : i32 to vector<16xi32>
    %ge3A_2244 = arith.cmpi sge, %get3A_2188, %ge3A_2243 : vector<16xi32>
    %jit3A_2245 = arith.constant 1 : i32
    %jit3A_2246 = arith.constant 0 : i32
    %broadcast_in_dim3A_2247 = vector.broadcast %jit3A_2245 : i32 to vector<16xi32>
    %broadcast_in_dim3A_2248 = vector.broadcast %jit3A_2246 : i32 to vector<16xi32>
    %select_n3A_2249 = arith.select %ge3A_2244, %broadcast_in_dim3A_2247, %broadcast_in_dim3A_2248 : vector<16xi1>, vector<16xi32>
    %add3A_2250 = arith.addi %add3A_2241, %select_n3A_2249 : vector<16xi32>
    %mul3A_2251 = arith.constant 131072 : i32
    %mul3A_2252 = vector.broadcast %mul3A_2251 : i32 to vector<16xi32>
    %mul3A_2253 = arith.muli %add3A_2250, %mul3A_2252 : vector<16xi32>
    %sub3A_2254 = arith.subi %get3A_2188, %mul3A_2253 : vector<16xi32>
    %swap3A_2255 = arith.constant 480 : index
    %swap3A_2256 = tpu.vector_load %arg5[%swap3A_2255] {strides = array<i32>} : memref<512xi32, #tpu.memory_space<vmem>>, vector<16xi32>,
    %swap3A_2257 = vector.shape_cast %swap3A_2256 : vector<16xi32> to vector<16xi32>
    %swap3A_2258 = vector.shape_cast %sub3A_2254 : vector<16xi32> to vector<16xi32>
    tpu.vector_store %arg5[%swap3A_2255], %swap3A_2258 {strides = array<i32>} : memref<512xi32, #tpu.memory_space<vmem>>, vector<16xi32>,
    %get3A_2259 = arith.constant 496 : index
    %get3A_2260 = tpu.vector_load %arg5[%get3A_2259] {strides = array<i32>} : memref<512xi32, #tpu.memory_space<vmem>>, vector<16xi32>,
    %get3A_2261 = vector.shape_cast %get3A_2260 : vector<16xi32> to vector<16xi32>
    %ge3A_2262 = arith.constant 131072 : i32
    %ge3A_2263 = vector.broadcast %ge3A_2262 : i32 to vector<16xi32>
    %ge3A_2264 = arith.cmpi sge, %get3A_2261, %ge3A_2263 : vector<16xi32>
    %jit3A_2265 = arith.constant 1 : i32
    %jit3A_2266 = arith.constant 0 : i32
    %broadcast_in_dim3A_2267 = vector.broadcast %jit3A_2265 : i32 to vector<16xi32>
    %broadcast_in_dim3A_2268 = vector.broadcast %jit3A_2266 : i32 to vector<16xi32>
    %select_n3A_2269 = arith.select %ge3A_2264, %broadcast_in_dim3A_2267, %broadcast_in_dim3A_2268 : vector<16xi1>, vector<16xi32>
    %ge3A_2270 = arith.constant 262144 : i32
    %ge3A_2271 = vector.broadcast %ge3A_2270 : i32 to vector<16xi32>
    %ge3A_2272 = arith.cmpi sge, %get3A_2261, %ge3A_2271 : vector<16xi32>
    %jit3A_2273 = arith.constant 1 : i32
    %jit3A_2274 = arith.constant 0 : i32
    %broadcast_in_dim3A_2275 = vector.broadcast %jit3A_2273 : i32 to vector<16xi32>
    %broadcast_in_dim3A_2276 = vector.broadcast %jit3A_2274 : i32 to vector<16xi32>
    %select_n3A_2277 = arith.select %ge3A_2272, %broadcast_in_dim3A_2275, %broadcast_in_dim3A_2276 : vector<16xi1>, vector<16xi32>
    %add3A_2278 = arith.addi %select_n3A_2269, %select_n3A_2277 : vector<16xi32>
    %ge3A_2279 = arith.constant 393216 : i32
    %ge3A_2280 = vector.broadcast %ge3A_2279 : i32 to vector<16xi32>
    %ge3A_2281 = arith.cmpi sge, %get3A_2261, %ge3A_2280 : vector<16xi32>
    %jit3A_2282 = arith.constant 1 : i32
    %jit3A_2283 = arith.constant 0 : i32
    %broadcast_in_dim3A_2284 = vector.broadcast %jit3A_2282 : i32 to vector<16xi32>
    %broadcast_in_dim3A_2285 = vector.broadcast %jit3A_2283 : i32 to vector<16xi32>
    %select_n3A_2286 = arith.select %ge3A_2281, %broadcast_in_dim3A_2284, %broadcast_in_dim3A_2285 : vector<16xi1>, vector<16xi32>
    %add3A_2287 = arith.addi %add3A_2278, %select_n3A_2286 : vector<16xi32>
    %ge3A_2288 = arith.constant 524288 : i32
    %ge3A_2289 = vector.broadcast %ge3A_2288 : i32 to vector<16xi32>
    %ge3A_2290 = arith.cmpi sge, %get3A_2261, %ge3A_2289 : vector<16xi32>
    %jit3A_2291 = arith.constant 1 : i32
    %jit3A_2292 = arith.constant 0 : i32
    %broadcast_in_dim3A_2293 = vector.broadcast %jit3A_2291 : i32 to vector<16xi32>
    %broadcast_in_dim3A_2294 = vector.broadcast %jit3A_2292 : i32 to vector<16xi32>
    %select_n3A_2295 = arith.select %ge3A_2290, %broadcast_in_dim3A_2293, %broadcast_in_dim3A_2294 : vector<16xi1>, vector<16xi32>
    %add3A_2296 = arith.addi %add3A_2287, %select_n3A_2295 : vector<16xi32>
    %ge3A_2297 = arith.constant 655360 : i32
    %ge3A_2298 = vector.broadcast %ge3A_2297 : i32 to vector<16xi32>
    %ge3A_2299 = arith.cmpi sge, %get3A_2261, %ge3A_2298 : vector<16xi32>
    %jit3A_2300 = arith.constant 1 : i32
    %jit3A_2301 = arith.constant 0 : i32
    %broadcast_in_dim3A_2302 = vector.broadcast %jit3A_2300 : i32 to vector<16xi32>
    %broadcast_in_dim3A_2303 = vector.broadcast %jit3A_2301 : i32 to vector<16xi32>
    %select_n3A_2304 = arith.select %ge3A_2299, %broadcast_in_dim3A_2302, %broadcast_in_dim3A_2303 : vector<16xi1>, vector<16xi32>
    %add3A_2305 = arith.addi %add3A_2296, %select_n3A_2304 : vector<16xi32>
    %ge3A_2306 = arith.constant 786432 : i32
    %ge3A_2307 = vector.broadcast %ge3A_2306 : i32 to vector<16xi32>
    %ge3A_2308 = arith.cmpi sge, %get3A_2261, %ge3A_2307 : vector<16xi32>
    %jit3A_2309 = arith.constant 1 : i32
    %jit3A_2310 = arith.constant 0 : i32
    %broadcast_in_dim3A_2311 = vector.broadcast %jit3A_2309 : i32 to vector<16xi32>
    %broadcast_in_dim3A_2312 = vector.broadcast %jit3A_2310 : i32 to vector<16xi32>
    %select_n3A_2313 = arith.select %ge3A_2308, %broadcast_in_dim3A_2311, %broadcast_in_dim3A_2312 : vector<16xi1>, vector<16xi32>
    %add3A_2314 = arith.addi %add3A_2305, %select_n3A_2313 : vector<16xi32>
    %ge3A_2315 = arith.constant 917504 : i32
    %ge3A_2316 = vector.broadcast %ge3A_2315 : i32 to vector<16xi32>
    %ge3A_2317 = arith.cmpi sge, %get3A_2261, %ge3A_2316 : vector<16xi32>
    %jit3A_2318 = arith.constant 1 : i32
    %jit3A_2319 = arith.constant 0 : i32
    %broadcast_in_dim3A_2320 = vector.broadcast %jit3A_2318 : i32 to vector<16xi32>
    %broadcast_in_dim3A_2321 = vector.broadcast %jit3A_2319 : i32 to vector<16xi32>
    %select_n3A_2322 = arith.select %ge3A_2317, %broadcast_in_dim3A_2320, %broadcast_in_dim3A_2321 : vector<16xi1>, vector<16xi32>
    %add3A_2323 = arith.addi %add3A_2314, %select_n3A_2322 : vector<16xi32>
    %mul3A_2324 = arith.constant 131072 : i32
    %mul3A_2325 = vector.broadcast %mul3A_2324 : i32 to vector<16xi32>
    %mul3A_2326 = arith.muli %add3A_2323, %mul3A_2325 : vector<16xi32>
    %sub3A_2327 = arith.subi %get3A_2261, %mul3A_2326 : vector<16xi32>
    %swap3A_2328 = arith.constant 496 : index
    %swap3A_2329 = tpu.vector_load %arg5[%swap3A_2328] {strides = array<i32>} : memref<512xi32, #tpu.memory_space<vmem>>, vector<16xi32>,
    %swap3A_2330 = vector.shape_cast %swap3A_2329 : vector<16xi32> to vector<16xi32>
    %swap3A_2331 = vector.shape_cast %sub3A_2327 : vector<16xi32> to vector<16xi32>
    tpu.vector_store %arg5[%swap3A_2328], %swap3A_2331 {strides = array<i32>} : memref<512xi32, #tpu.memory_space<vmem>>, vector<16xi32>,
    %dma_start3A = arith.constant 0 : i32
    %dma_start3A_2332 = tpu.memref_slice %arg5[%dma_start3A] : memref<512xi32, #tpu.memory_space<vmem>> -> memref<128xi32, #tpu.memory_space<vmem>>
    %dma_start3A_2333 = arith.constant 0 : i32
    %dma_start3A_2334 = arith.constant 0 : i32
    %dma_start3A_2335 = tpu.memref_slice %arg3[%dma_start3A_2333, %dma_start3A_2334] : memref<131072x128xf32, #tpu.memory_space<hbm>> -> memref<131072x128xf32, #tpu.memory_space<hbm>>
    tpu.enqueue_indirect_dma source(%dma_start3A_2335 : memref<131072x128xf32, #tpu.memory_space<hbm>>) target(%arg6 : memref<128x128xf32, #tpu.memory_space<vmem>>) offsets(%dma_start3A_2332 : memref<128xi32, #tpu.memory_space<vmem>>) semaphore(%arg10 : memref<!tpu.dma_semaphore, #tpu.memory_space<semaphore_mem>>)
    %dma_start3A_2336 = arith.constant 128 : i32
    %dma_start3A_2337 = tpu.memref_slice %arg5[%dma_start3A_2336] : memref<512xi32, #tpu.memory_space<vmem>> -> memref<128xi32, #tpu.memory_space<vmem>>
    %dma_start3A_2338 = arith.constant 0 : i32
    %dma_start3A_2339 = arith.constant 0 : i32
    %dma_start3A_2340 = tpu.memref_slice %arg3[%dma_start3A_2338, %dma_start3A_2339] : memref<131072x128xf32, #tpu.memory_space<hbm>> -> memref<131072x128xf32, #tpu.memory_space<hbm>>
    tpu.enqueue_indirect_dma source(%dma_start3A_2340 : memref<131072x128xf32, #tpu.memory_space<hbm>>) target(%arg7 : memref<128x128xf32, #tpu.memory_space<vmem>>) offsets(%dma_start3A_2337 : memref<128xi32, #tpu.memory_space<vmem>>) semaphore(%arg10 : memref<!tpu.dma_semaphore, #tpu.memory_space<semaphore_mem>>)
    %dma_start3A_2341 = arith.constant 256 : i32
    %dma_start3A_2342 = tpu.memref_slice %arg5[%dma_start3A_2341] : memref<512xi32, #tpu.memory_space<vmem>> -> memref<128xi32, #tpu.memory_space<vmem>>
    %dma_start3A_2343 = arith.constant 0 : i32
    %dma_start3A_2344 = arith.constant 0 : i32
    %dma_start3A_2345 = tpu.memref_slice %arg3[%dma_start3A_2343, %dma_start3A_2344] : memref<131072x128xf32, #tpu.memory_space<hbm>> -> memref<131072x128xf32, #tpu.memory_space<hbm>>
    tpu.enqueue_indirect_dma source(%dma_start3A_2345 : memref<131072x128xf32, #tpu.memory_space<hbm>>) target(%arg8 : memref<128x128xf32, #tpu.memory_space<vmem>>) offsets(%dma_start3A_2342 : memref<128xi32, #tpu.memory_space<vmem>>) semaphore(%arg10 : memref<!tpu.dma_semaphore, #tpu.memory_space<semaphore_mem>>)
    %dma_start3A_2346 = arith.constant 384 : i32
    %dma_start3A_2347 = tpu.memref_slice %arg5[%dma_start3A_2346] : memref<512xi32, #tpu.memory_space<vmem>> -> memref<128xi32, #tpu.memory_space<vmem>>
    %dma_start3A_2348 = arith.constant 0 : i32
    %dma_start3A_2349 = arith.constant 0 : i32
    %dma_start3A_2350 = tpu.memref_slice %arg3[%dma_start3A_2348, %dma_start3A_2349] : memref<131072x128xf32, #tpu.memory_space<hbm>> -> memref<131072x128xf32, #tpu.memory_space<hbm>>
    tpu.enqueue_indirect_dma source(%dma_start3A_2350 : memref<131072x128xf32, #tpu.memory_space<hbm>>) target(%arg9 : memref<128x128xf32, #tpu.memory_space<vmem>>) offsets(%dma_start3A_2347 : memref<128xi32, #tpu.memory_space<vmem>>) semaphore(%arg10 : memref<!tpu.dma_semaphore, #tpu.memory_space<semaphore_mem>>)
    %dma_wait3A = arith.constant 0 : i32
    %dma_wait3A_2351 = tpu.memref_slice %arg5[%dma_wait3A] : memref<512xi32, #tpu.memory_space<vmem>> -> memref<128xi32, #tpu.memory_space<vmem>>
    %dma_wait3A_2352 = arith.constant 0 : i32
    %dma_wait3A_2353 = arith.constant 0 : i32
    %dma_wait3A_2354 = tpu.memref_slice %arg3[%dma_wait3A_2352, %dma_wait3A_2353] : memref<131072x128xf32, #tpu.memory_space<hbm>> -> memref<131072x128xf32, #tpu.memory_space<hbm>>
    tpu.wait_indirect_dma semaphore(%arg10 : memref<!tpu.dma_semaphore, #tpu.memory_space<semaphore_mem>>) src(%dma_wait3A_2354 : memref<131072x128xf32, #tpu.memory_space<hbm>>) dst(%arg6 : memref<128x128xf32, #tpu.memory_space<vmem>>)
    %dma_wait3A_2355 = arith.constant 128 : i32
    %dma_wait3A_2356 = tpu.memref_slice %arg5[%dma_wait3A_2355] : memref<512xi32, #tpu.memory_space<vmem>> -> memref<128xi32, #tpu.memory_space<vmem>>
    %dma_wait3A_2357 = arith.constant 0 : i32
    %dma_wait3A_2358 = arith.constant 0 : i32
    %dma_wait3A_2359 = tpu.memref_slice %arg3[%dma_wait3A_2357, %dma_wait3A_2358] : memref<131072x128xf32, #tpu.memory_space<hbm>> -> memref<131072x128xf32, #tpu.memory_space<hbm>>
    tpu.wait_indirect_dma semaphore(%arg10 : memref<!tpu.dma_semaphore, #tpu.memory_space<semaphore_mem>>) src(%dma_wait3A_2359 : memref<131072x128xf32, #tpu.memory_space<hbm>>) dst(%arg7 : memref<128x128xf32, #tpu.memory_space<vmem>>)
    %dma_wait3A_2360 = arith.constant 256 : i32
    %dma_wait3A_2361 = tpu.memref_slice %arg5[%dma_wait3A_2360] : memref<512xi32, #tpu.memory_space<vmem>> -> memref<128xi32, #tpu.memory_space<vmem>>
    %dma_wait3A_2362 = arith.constant 0 : i32
    %dma_wait3A_2363 = arith.constant 0 : i32
    %dma_wait3A_2364 = tpu.memref_slice %arg3[%dma_wait3A_2362, %dma_wait3A_2363] : memref<131072x128xf32, #tpu.memory_space<hbm>> -> memref<131072x128xf32, #tpu.memory_space<hbm>>
    tpu.wait_indirect_dma semaphore(%arg10 : memref<!tpu.dma_semaphore, #tpu.memory_space<semaphore_mem>>) src(%dma_wait3A_2364 : memref<131072x128xf32, #tpu.memory_space<hbm>>) dst(%arg8 : memref<128x128xf32, #tpu.memory_space<vmem>>)
    %dma_wait3A_2365 = arith.constant 384 : i32
    %dma_wait3A_2366 = tpu.memref_slice %arg5[%dma_wait3A_2365] : memref<512xi32, #tpu.memory_space<vmem>> -> memref<128xi32, #tpu.memory_space<vmem>>
    %dma_wait3A_2367 = arith.constant 0 : i32
    %dma_wait3A_2368 = arith.constant 0 : i32
    %dma_wait3A_2369 = tpu.memref_slice %arg3[%dma_wait3A_2367, %dma_wait3A_2368] : memref<131072x128xf32, #tpu.memory_space<hbm>> -> memref<131072x128xf32, #tpu.memory_space<hbm>>
    tpu.wait_indirect_dma semaphore(%arg10 : memref<!tpu.dma_semaphore, #tpu.memory_space<semaphore_mem>>) src(%dma_wait3A_2369 : memref<131072x128xf32, #tpu.memory_space<hbm>>) dst(%arg9 : memref<128x128xf32, #tpu.memory_space<vmem>>)
    %add3A_2370 = arith.constant 0 : i32
    %add3A_2371 = arith.addi %mul3A_2, %add3A_2370 : i32
    %dma_start3A_2372 = arith.constant 0 : i32
    %dma_start3A_2373 = tpu.memref_slice %arg4[%add3A_2371, %dma_start3A_2372] : memref<16384x128xf32, #tpu.memory_space<hbm>> -> memref<128x128xf32, #tpu.memory_space<hbm>>
    %dma_start3A_2374 = arith.constant 0 : i32
    %dma_start3A_2375 = tpu.memref_slice %arg4[%add3A_2371, %dma_start3A_2374] : memref<16384x128xf32, #tpu.memory_space<hbm>> -> memref<128x128xf32, #tpu.memory_space<hbm>>
    tpu.enqueue_dma source(%arg6 : memref<128x128xf32, #tpu.memory_space<vmem>>) target(%dma_start3A_2375 : memref<128x128xf32, #tpu.memory_space<hbm>>) target_semaphore(%arg11 : memref<!tpu.dma_semaphore, #tpu.memory_space<semaphore_mem>>)
    %add3A_2376 = arith.constant 128 : i32
    %add3A_2377 = arith.addi %mul3A_2, %add3A_2376 : i32
    %dma_start3A_2378 = arith.constant 0 : i32
    %dma_start3A_2379 = tpu.memref_slice %arg4[%add3A_2377, %dma_start3A_2378] : memref<16384x128xf32, #tpu.memory_space<hbm>> -> memref<128x128xf32, #tpu.memory_space<hbm>>
    %dma_start3A_2380 = arith.constant 0 : i32
    %dma_start3A_2381 = tpu.memref_slice %arg4[%add3A_2377, %dma_start3A_2380] : memref<16384x128xf32, #tpu.memory_space<hbm>> -> memref<128x128xf32, #tpu.memory_space<hbm>>
    tpu.enqueue_dma source(%arg7 : memref<128x128xf32, #tpu.memory_space<vmem>>) target(%dma_start3A_2381 : memref<128x128xf32, #tpu.memory_space<hbm>>) target_semaphore(%arg11 : memref<!tpu.dma_semaphore, #tpu.memory_space<semaphore_mem>>)
    %add3A_2382 = arith.constant 256 : i32
    %add3A_2383 = arith.addi %mul3A_2, %add3A_2382 : i32
    %dma_start3A_2384 = arith.constant 0 : i32
    %dma_start3A_2385 = tpu.memref_slice %arg4[%add3A_2383, %dma_start3A_2384] : memref<16384x128xf32, #tpu.memory_space<hbm>> -> memref<128x128xf32, #tpu.memory_space<hbm>>
    %dma_start3A_2386 = arith.constant 0 : i32
    %dma_start3A_2387 = tpu.memref_slice %arg4[%add3A_2383, %dma_start3A_2386] : memref<16384x128xf32, #tpu.memory_space<hbm>> -> memref<128x128xf32, #tpu.memory_space<hbm>>
    tpu.enqueue_dma source(%arg8 : memref<128x128xf32, #tpu.memory_space<vmem>>) target(%dma_start3A_2387 : memref<128x128xf32, #tpu.memory_space<hbm>>) target_semaphore(%arg11 : memref<!tpu.dma_semaphore, #tpu.memory_space<semaphore_mem>>)
    %add3A_2388 = arith.constant 384 : i32
    %add3A_2389 = arith.addi %mul3A_2, %add3A_2388 : i32
    %dma_start3A_2390 = arith.constant 0 : i32
    %dma_start3A_2391 = tpu.memref_slice %arg4[%add3A_2389, %dma_start3A_2390] : memref<16384x128xf32, #tpu.memory_space<hbm>> -> memref<128x128xf32, #tpu.memory_space<hbm>>
    %dma_start3A_2392 = arith.constant 0 : i32
    %dma_start3A_2393 = tpu.memref_slice %arg4[%add3A_2389, %dma_start3A_2392] : memref<16384x128xf32, #tpu.memory_space<hbm>> -> memref<128x128xf32, #tpu.memory_space<hbm>>
    tpu.enqueue_dma source(%arg9 : memref<128x128xf32, #tpu.memory_space<vmem>>) target(%dma_start3A_2393 : memref<128x128xf32, #tpu.memory_space<hbm>>) target_semaphore(%arg11 : memref<!tpu.dma_semaphore, #tpu.memory_space<semaphore_mem>>)
    %dma_wait3A_2394 = arith.constant 0 : i32
    %dma_wait3A_2395 = tpu.memref_slice %arg4[%add3A_2371, %dma_wait3A_2394] : memref<16384x128xf32, #tpu.memory_space<hbm>> -> memref<128x128xf32, #tpu.memory_space<hbm>>
    %dma_wait3A_2396 = arith.constant 0 : i32
    %dma_wait3A_2397 = tpu.memref_slice %arg4[%add3A_2371, %dma_wait3A_2396] : memref<16384x128xf32, #tpu.memory_space<hbm>> -> memref<128x128xf32, #tpu.memory_space<hbm>>
    tpu.wait_dma2 semaphore(%arg11 : memref<!tpu.dma_semaphore, #tpu.memory_space<semaphore_mem>>) src(%arg6 : memref<128x128xf32, #tpu.memory_space<vmem>>) dst(%dma_wait3A_2397 : memref<128x128xf32, #tpu.memory_space<hbm>>)
    %dma_wait3A_2398 = arith.constant 0 : i32
    %dma_wait3A_2399 = tpu.memref_slice %arg4[%add3A_2377, %dma_wait3A_2398] : memref<16384x128xf32, #tpu.memory_space<hbm>> -> memref<128x128xf32, #tpu.memory_space<hbm>>
    %dma_wait3A_2400 = arith.constant 0 : i32
    %dma_wait3A_2401 = tpu.memref_slice %arg4[%add3A_2377, %dma_wait3A_2400] : memref<16384x128xf32, #tpu.memory_space<hbm>> -> memref<128x128xf32, #tpu.memory_space<hbm>>
    tpu.wait_dma2 semaphore(%arg11 : memref<!tpu.dma_semaphore, #tpu.memory_space<semaphore_mem>>) src(%arg7 : memref<128x128xf32, #tpu.memory_space<vmem>>) dst(%dma_wait3A_2401 : memref<128x128xf32, #tpu.memory_space<hbm>>)
    %dma_wait3A_2402 = arith.constant 0 : i32
    %dma_wait3A_2403 = tpu.memref_slice %arg4[%add3A_2383, %dma_wait3A_2402] : memref<16384x128xf32, #tpu.memory_space<hbm>> -> memref<128x128xf32, #tpu.memory_space<hbm>>
    %dma_wait3A_2404 = arith.constant 0 : i32
    %dma_wait3A_2405 = tpu.memref_slice %arg4[%add3A_2383, %dma_wait3A_2404] : memref<16384x128xf32, #tpu.memory_space<hbm>> -> memref<128x128xf32, #tpu.memory_space<hbm>>
    tpu.wait_dma2 semaphore(%arg11 : memref<!tpu.dma_semaphore, #tpu.memory_space<semaphore_mem>>) src(%arg8 : memref<128x128xf32, #tpu.memory_space<vmem>>) dst(%dma_wait3A_2405 : memref<128x128xf32, #tpu.memory_space<hbm>>)
    %dma_wait3A_2406 = arith.constant 0 : i32
    %dma_wait3A_2407 = tpu.memref_slice %arg4[%add3A_2389, %dma_wait3A_2406] : memref<16384x128xf32, #tpu.memory_space<hbm>> -> memref<128x128xf32, #tpu.memory_space<hbm>>
    %dma_wait3A_2408 = arith.constant 0 : i32
    %dma_wait3A_2409 = tpu.memref_slice %arg4[%add3A_2389, %dma_wait3A_2408] : memref<16384x128xf32, #tpu.memory_space<hbm>> -> memref<128x128xf32, #tpu.memory_space<hbm>>
    tpu.wait_dma2 semaphore(%arg11 : memref<!tpu.dma_semaphore, #tpu.memory_space<semaphore_mem>>) src(%arg9 : memref<128x128xf32, #tpu.memory_space<vmem>>) dst(%dma_wait3A_2409 : memref<128x128xf32, #tpu.memory_space<hbm>>)
    return
  }
}

module attributes {stable_mosaic.version = 14 : i64} {
  func.func @_precompute_body(%arg0: i32, %arg1: memref<32x8192xf32, #tpu.memory_space<vmem>>, %arg2: memref<32x8192xf32, #tpu.memory_space<vmem>>, %arg3: memref<32x8192xf32, #tpu.memory_space<vmem>>, %arg4: memref<32x8192xf32, #tpu.memory_space<vmem>>, %arg5: memref<32x8192xf32, #tpu.memory_space<vmem>>, %arg6: memref<32x8192xf32, #tpu.memory_space<vmem>>, %arg7: memref<32x8192xf32, #tpu.memory_space<vmem>>, %arg8: memref<32x8192xf32, #tpu.memory_space<vmem>>, %arg9: memref<128x128xbf16, #tpu.memory_space<vmem>>, %arg10: memref<8192x128xf32, #tpu.memory_space<vmem>>) attributes {dimension_semantics = [#tpu.dimension_semantics<arbitrary>], iteration_bounds = array<i64: 2>, scalar_prefetch = 0 : i64, scratch_operands = 0 : i64, tpu.core_type = #tpu.core_type<tc>, window_params = [{transform_indices = @transform_0, window_bounds = array<i64: 32, 8192>}, {transform_indices = @transform_1, window_bounds = array<i64: 32, 8192>}, {transform_indices = @transform_2, window_bounds = array<i64: 32, 8192>}, {transform_indices = @transform_3, window_bounds = array<i64: 32, 8192>}, {transform_indices = @transform_4, window_bounds = array<i64: 32, 8192>}, {transform_indices = @transform_5, window_bounds = array<i64: 32, 8192>}, {transform_indices = @transform_6, window_bounds = array<i64: 32, 8192>}, {transform_indices = @transform_7, window_bounds = array<i64: 32, 8192>}, {pipeline_mode = #tpu.pipeline_mode<synchronous>, transform_indices = @transform_8, window_bounds = array<i64: 128, 128>}, {transform_indices = @transform_9, window_bounds = array<i64: 8192, 128>}]} {
    %get3A = arith.constant 0 : index
    %get3A_0 = arith.constant 0 : index
    %get3A_1 = vector.load %arg1[%get3A, %get3A_0] : memref<32x8192xf32, #tpu.memory_space<vmem>>, vector<32x8192xf32>
    %get3A_2 = arith.constant 0 : index
    %get3A_3 = arith.constant 0 : index
    %get3A_4 = vector.load %arg2[%get3A_2, %get3A_3] : memref<32x8192xf32, #tpu.memory_space<vmem>>, vector<32x8192xf32>
    %get3A_5 = arith.constant 0 : index
    %get3A_6 = arith.constant 0 : index
    %get3A_7 = vector.load %arg3[%get3A_5, %get3A_6] : memref<32x8192xf32, #tpu.memory_space<vmem>>, vector<32x8192xf32>
    %get3A_8 = arith.constant 0 : index
    %get3A_9 = arith.constant 0 : index
    %get3A_10 = vector.load %arg4[%get3A_8, %get3A_9] : memref<32x8192xf32, #tpu.memory_space<vmem>>, vector<32x8192xf32>
    %concatenate3A = tpu.concatenate %get3A_1, %get3A_4, %get3A_7, %get3A_10 in 0 : vector<32x8192xf32>, vector<32x8192xf32>, vector<32x8192xf32>, vector<32x8192xf32> -> vector<128x8192xf32>
    %convert_element_type3A = arith.truncf %concatenate3A : vector<128x8192xf32> to vector<128x8192xbf16>
    %get3A_11 = arith.constant 0 : index
    %get3A_12 = arith.constant 0 : index
    %get3A_13 = vector.load %arg5[%get3A_11, %get3A_12] : memref<32x8192xf32, #tpu.memory_space<vmem>>, vector<32x8192xf32>
    %get3A_14 = arith.constant 0 : index
    %get3A_15 = arith.constant 0 : index
    %get3A_16 = vector.load %arg6[%get3A_14, %get3A_15] : memref<32x8192xf32, #tpu.memory_space<vmem>>, vector<32x8192xf32>
    %get3A_17 = arith.constant 0 : index
    %get3A_18 = arith.constant 0 : index
    %get3A_19 = vector.load %arg7[%get3A_17, %get3A_18] : memref<32x8192xf32, #tpu.memory_space<vmem>>, vector<32x8192xf32>
    %get3A_20 = arith.constant 0 : index
    %get3A_21 = arith.constant 0 : index
    %get3A_22 = vector.load %arg8[%get3A_20, %get3A_21] : memref<32x8192xf32, #tpu.memory_space<vmem>>, vector<32x8192xf32>
    %concatenate3A_23 = tpu.concatenate %get3A_13, %get3A_16, %get3A_19, %get3A_22 in 0 : vector<32x8192xf32>, vector<32x8192xf32>, vector<32x8192xf32>, vector<32x8192xf32> -> vector<128x8192xf32>
    %convert_element_type3A_24 = arith.truncf %concatenate3A_23 : vector<128x8192xf32> to vector<128x8192xbf16>
    %get3A_25 = arith.constant 0 : index
    %get3A_26 = arith.constant 0 : index
    %get3A_27 = vector.load %arg9[%get3A_25, %get3A_26] : memref<128x128xbf16, #tpu.memory_space<vmem>>, vector<128x128xbf16>
    %dot_general3A = arith.constant dense<0.000000e+00> : vector<8192x128xf32>
    %dot_general3A_28 = tpu.matmul %convert_element_type3A, %get3A_27, %dot_general3A {dimension_numbers = #tpu.dot_dimension_numbers<[0], [0], [1], [1], [0, 1, 1, 1], [], []>, transpose_lhs_hint = false} : vector<128x8192xbf16>, vector<128x128xbf16>, vector<8192x128xf32> -> vector<8192x128xf32>
    %get3A_29 = arith.constant 0 : index
    %get3A_30 = arith.constant 0 : index
    %get3A_31 = vector.load %arg9[%get3A_29, %get3A_30] : memref<128x128xbf16, #tpu.memory_space<vmem>>, vector<128x128xbf16>
    %dot_general3A_32 = arith.constant dense<0.000000e+00> : vector<8192x128xf32>
    %dot_general3A_33 = tpu.matmul %convert_element_type3A_24, %get3A_31, %dot_general3A_32 {dimension_numbers = #tpu.dot_dimension_numbers<[0], [0], [1], [1], [0, 1, 1, 1], [], []>, transpose_lhs_hint = false} : vector<128x8192xbf16>, vector<128x128xbf16>, vector<8192x128xf32> -> vector<8192x128xf32>
    %bitcast_convert_type3A = tpu.bitcast %dot_general3A_28 : vector<8192x128xf32> -> vector<8192x128xi32>
    %add3A = arith.constant 32768 : i32
    %add3A_34 = vector.broadcast %add3A : i32 to vector<8192x128xi32>
    %add3A_35 = arith.addi %bitcast_convert_type3A, %add3A_34 : vector<8192x128xi32>
    %bitcast_convert_type3A_36 = tpu.bitcast %dot_general3A_33 : vector<8192x128xf32> -> vector<8192x128xi32>
    %add3A_37 = arith.constant 32768 : i32
    %add3A_38 = vector.broadcast %add3A_37 : i32 to vector<8192x128xi32>
    %add3A_39 = arith.addi %bitcast_convert_type3A_36, %add3A_38 : vector<8192x128xi32>
    %and3A = arith.constant -65536 : i32
    %and3A_40 = vector.broadcast %and3A : i32 to vector<8192x128xi32>
    %and3A_41 = arith.andi %add3A_35, %and3A_40 : vector<8192x128xi32>
    %shift_right_logical3A = arith.constant 16 : i32
    %shift_right_logical3A_42 = vector.broadcast %shift_right_logical3A : i32 to vector<8192x128xi32>
    %shift_right_logical3A_43 = arith.shrui %add3A_39, %shift_right_logical3A_42 : vector<8192x128xi32>
    %or3A = arith.ori %and3A_41, %shift_right_logical3A_43 : vector<8192x128xi32>
    %bitcast_convert_type3A_44 = tpu.bitcast %or3A : vector<8192x128xi32> -> vector<8192x128xf32>
    %swap3A = arith.constant 0 : index
    %swap3A_45 = arith.constant 0 : index
    %swap3A_46 = vector.load %arg10[%swap3A, %swap3A_45] : memref<8192x128xf32, #tpu.memory_space<vmem>>, vector<8192x128xf32>
    tpu.vector_store %arg10[%swap3A, %swap3A_45], %bitcast_convert_type3A_44 {strides = array<i32>} : memref<8192x128xf32, #tpu.memory_space<vmem>>, vector<8192x128xf32>,
    return
  }
  func.func @transform_0(%arg0: i32) -> (i32, i32) {
    %add3A = arith.constant 0 : i32
    %add3A_0 = arith.addi %add3A, %arg0 : i32
    %min3A = arith.constant 12 : i32
    %min3A_1 = arith.minsi %add3A_0, %min3A : i32
    %c0_i32 = arith.constant 0 : i32
    %c0_i32_2 = arith.constant 0 : i32
    return %c0_i32, %min3A_1 : i32, i32
  }
  func.func @transform_1(%arg0: i32) -> (i32, i32) {
    %add3A = arith.constant 2 : i32
    %add3A_0 = arith.addi %add3A, %arg0 : i32
    %min3A = arith.constant 12 : i32
    %min3A_1 = arith.minsi %add3A_0, %min3A : i32
    %c0_i32 = arith.constant 0 : i32
    %c0_i32_2 = arith.constant 0 : i32
    return %c0_i32, %min3A_1 : i32, i32
  }
  func.func @transform_2(%arg0: i32) -> (i32, i32) {
    %add3A = arith.constant 4 : i32
    %add3A_0 = arith.addi %add3A, %arg0 : i32
    %min3A = arith.constant 12 : i32
    %min3A_1 = arith.minsi %add3A_0, %min3A : i32
    %c0_i32 = arith.constant 0 : i32
    %c0_i32_2 = arith.constant 0 : i32
    return %c0_i32, %min3A_1 : i32, i32
  }
  func.func @transform_3(%arg0: i32) -> (i32, i32) {
    %add3A = arith.constant 6 : i32
    %add3A_0 = arith.addi %add3A, %arg0 : i32
    %min3A = arith.constant 12 : i32
    %min3A_1 = arith.minsi %add3A_0, %min3A : i32
    %c0_i32 = arith.constant 0 : i32
    %c0_i32_2 = arith.constant 0 : i32
    return %c0_i32, %min3A_1 : i32, i32
  }
  func.func @transform_4(%arg0: i32) -> (i32, i32) {
    %add3A = arith.constant 8 : i32
    %add3A_0 = arith.addi %add3A, %arg0 : i32
    %min3A = arith.constant 12 : i32
    %min3A_1 = arith.minsi %add3A_0, %min3A : i32
    %c0_i32 = arith.constant 0 : i32
    %c0_i32_2 = arith.constant 0 : i32
    return %c0_i32, %min3A_1 : i32, i32
  }
  func.func @transform_5(%arg0: i32) -> (i32, i32) {
    %add3A = arith.constant 10 : i32
    %add3A_0 = arith.addi %add3A, %arg0 : i32
    %min3A = arith.constant 12 : i32
    %min3A_1 = arith.minsi %add3A_0, %min3A : i32
    %c0_i32 = arith.constant 0 : i32
    %c0_i32_2 = arith.constant 0 : i32
    return %c0_i32, %min3A_1 : i32, i32
  }
  func.func @transform_6(%arg0: i32) -> (i32, i32) {
    %add3A = arith.constant 12 : i32
    %add3A_0 = arith.addi %add3A, %arg0 : i32
    %min3A = arith.constant 12 : i32
    %min3A_1 = arith.minsi %add3A_0, %min3A : i32
    %c0_i32 = arith.constant 0 : i32
    %c0_i32_2 = arith.constant 0 : i32
    return %c0_i32, %min3A_1 : i32, i32
  }
  func.func @transform_7(%arg0: i32) -> (i32, i32) {
    %add3A = arith.constant 14 : i32
    %add3A_0 = arith.addi %add3A, %arg0 : i32
    %min3A = arith.constant 12 : i32
    %min3A_1 = arith.minsi %add3A_0, %min3A : i32
    %c0_i32 = arith.constant 0 : i32
    %c0_i32_2 = arith.constant 0 : i32
    return %c0_i32, %min3A_1 : i32, i32
  }
  func.func @transform_8(%arg0: i32) -> (i32, i32) {
    %c0_i32 = arith.constant 0 : i32
    %c0_i32_0 = arith.constant 0 : i32
    %c0_i32_1 = arith.constant 0 : i32
    return %c0_i32, %c0_i32_0 : i32, i32
  }
  func.func @transform_9(%arg0: i32) -> (i32, i32) {
    %c0_i32 = arith.constant 0 : i32
    %c0_i32_0 = arith.constant 0 : i32
    return %arg0, %c0_i32 : i32, i32
  }
}

module attributes {stable_mosaic.version = 14 : i64} {
  func.func @_precompute_body(%arg0: i32, %arg1: memref<32x8192xf32, #tpu.memory_space<vmem>>, %arg2: memref<32x8192xf32, #tpu.memory_space<vmem>>, %arg3: memref<32x8192xf32, #tpu.memory_space<vmem>>, %arg4: memref<32x8192xf32, #tpu.memory_space<vmem>>, %arg5: memref<32x8192xf32, #tpu.memory_space<vmem>>, %arg6: memref<32x8192xf32, #tpu.memory_space<vmem>>, %arg7: memref<32x8192xf32, #tpu.memory_space<vmem>>, %arg8: memref<32x8192xf32, #tpu.memory_space<vmem>>, %arg9: memref<128x128xbf16, #tpu.memory_space<vmem>>, %arg10: memref<8192x128xf32, #tpu.memory_space<vmem>>) attributes {dimension_semantics = [#tpu.dimension_semantics<arbitrary>], iteration_bounds = array<i64: 16>, scalar_prefetch = 0 : i64, scratch_operands = 0 : i64, tpu.core_type = #tpu.core_type<tc>, window_params = [{transform_indices = @transform_0, window_bounds = array<i64: 32, 8192>}, {transform_indices = @transform_1, window_bounds = array<i64: 32, 8192>}, {transform_indices = @transform_2, window_bounds = array<i64: 32, 8192>}, {transform_indices = @transform_3, window_bounds = array<i64: 32, 8192>}, {transform_indices = @transform_4, window_bounds = array<i64: 32, 8192>}, {transform_indices = @transform_5, window_bounds = array<i64: 32, 8192>}, {transform_indices = @transform_6, window_bounds = array<i64: 32, 8192>}, {transform_indices = @transform_7, window_bounds = array<i64: 32, 8192>}, {pipeline_mode = #tpu.pipeline_mode<synchronous>, transform_indices = @transform_8, window_bounds = array<i64: 128, 128>}, {transform_indices = @transform_9, window_bounds = array<i64: 8192, 128>}]} {
    %get3A = arith.constant 0 : index
    %get3A_0 = arith.constant 0 : index
    %get3A_1 = vector.load %arg1[%get3A, %get3A_0] : memref<32x8192xf32, #tpu.memory_space<vmem>>, vector<32x8192xf32>
    %get3A_2 = arith.constant 0 : index
    %get3A_3 = arith.constant 0 : index
    %get3A_4 = vector.load %arg2[%get3A_2, %get3A_3] : memref<32x8192xf32, #tpu.memory_space<vmem>>, vector<32x8192xf32>
    %get3A_5 = arith.constant 0 : index
    %get3A_6 = arith.constant 0 : index
    %get3A_7 = vector.load %arg3[%get3A_5, %get3A_6] : memref<32x8192xf32, #tpu.memory_space<vmem>>, vector<32x8192xf32>
    %get3A_8 = arith.constant 0 : index
    %get3A_9 = arith.constant 0 : index
    %get3A_10 = vector.load %arg4[%get3A_8, %get3A_9] : memref<32x8192xf32, #tpu.memory_space<vmem>>, vector<32x8192xf32>
    %concatenate3A = tpu.concatenate %get3A_1, %get3A_4, %get3A_7, %get3A_10 in 0 : vector<32x8192xf32>, vector<32x8192xf32>, vector<32x8192xf32>, vector<32x8192xf32> -> vector<128x8192xf32>
    %convert_element_type3A = arith.truncf %concatenate3A : vector<128x8192xf32> to vector<128x8192xbf16>
    %get3A_11 = arith.constant 0 : index
    %get3A_12 = arith.constant 0 : index
    %get3A_13 = vector.load %arg5[%get3A_11, %get3A_12] : memref<32x8192xf32, #tpu.memory_space<vmem>>, vector<32x8192xf32>
    %get3A_14 = arith.constant 0 : index
    %get3A_15 = arith.constant 0 : index
    %get3A_16 = vector.load %arg6[%get3A_14, %get3A_15] : memref<32x8192xf32, #tpu.memory_space<vmem>>, vector<32x8192xf32>
    %get3A_17 = arith.constant 0 : index
    %get3A_18 = arith.constant 0 : index
    %get3A_19 = vector.load %arg7[%get3A_17, %get3A_18] : memref<32x8192xf32, #tpu.memory_space<vmem>>, vector<32x8192xf32>
    %get3A_20 = arith.constant 0 : index
    %get3A_21 = arith.constant 0 : index
    %get3A_22 = vector.load %arg8[%get3A_20, %get3A_21] : memref<32x8192xf32, #tpu.memory_space<vmem>>, vector<32x8192xf32>
    %concatenate3A_23 = tpu.concatenate %get3A_13, %get3A_16, %get3A_19, %get3A_22 in 0 : vector<32x8192xf32>, vector<32x8192xf32>, vector<32x8192xf32>, vector<32x8192xf32> -> vector<128x8192xf32>
    %convert_element_type3A_24 = arith.truncf %concatenate3A_23 : vector<128x8192xf32> to vector<128x8192xbf16>
    %get3A_25 = arith.constant 0 : index
    %get3A_26 = arith.constant 0 : index
    %get3A_27 = vector.load %arg9[%get3A_25, %get3A_26] : memref<128x128xbf16, #tpu.memory_space<vmem>>, vector<128x128xbf16>
    %dot_general3A = arith.constant dense<0.000000e+00> : vector<8192x128xf32>
    %dot_general3A_28 = tpu.matmul %convert_element_type3A, %get3A_27, %dot_general3A {dimension_numbers = #tpu.dot_dimension_numbers<[0], [0], [1], [1], [0, 1, 1, 1], [], []>, transpose_lhs_hint = false} : vector<128x8192xbf16>, vector<128x128xbf16>, vector<8192x128xf32> -> vector<8192x128xf32>
    %get3A_29 = arith.constant 0 : index
    %get3A_30 = arith.constant 0 : index
    %get3A_31 = vector.load %arg9[%get3A_29, %get3A_30] : memref<128x128xbf16, #tpu.memory_space<vmem>>, vector<128x128xbf16>
    %dot_general3A_32 = arith.constant dense<0.000000e+00> : vector<8192x128xf32>
    %dot_general3A_33 = tpu.matmul %convert_element_type3A_24, %get3A_31, %dot_general3A_32 {dimension_numbers = #tpu.dot_dimension_numbers<[0], [0], [1], [1], [0, 1, 1, 1], [], []>, transpose_lhs_hint = false} : vector<128x8192xbf16>, vector<128x128xbf16>, vector<8192x128xf32> -> vector<8192x128xf32>
    %bitcast_convert_type3A = tpu.bitcast %dot_general3A_28 : vector<8192x128xf32> -> vector<8192x128xi32>
    %add3A = arith.constant 32768 : i32
    %add3A_34 = vector.broadcast %add3A : i32 to vector<8192x128xi32>
    %add3A_35 = arith.addi %bitcast_convert_type3A, %add3A_34 : vector<8192x128xi32>
    %bitcast_convert_type3A_36 = tpu.bitcast %dot_general3A_33 : vector<8192x128xf32> -> vector<8192x128xi32>
    %add3A_37 = arith.constant 32768 : i32
    %add3A_38 = vector.broadcast %add3A_37 : i32 to vector<8192x128xi32>
    %add3A_39 = arith.addi %bitcast_convert_type3A_36, %add3A_38 : vector<8192x128xi32>
    %and3A = arith.constant -65536 : i32
    %and3A_40 = vector.broadcast %and3A : i32 to vector<8192x128xi32>
    %and3A_41 = arith.andi %add3A_35, %and3A_40 : vector<8192x128xi32>
    %shift_right_logical3A = arith.constant 16 : i32
    %shift_right_logical3A_42 = vector.broadcast %shift_right_logical3A : i32 to vector<8192x128xi32>
    %shift_right_logical3A_43 = arith.shrui %add3A_39, %shift_right_logical3A_42 : vector<8192x128xi32>
    %or3A = arith.ori %and3A_41, %shift_right_logical3A_43 : vector<8192x128xi32>
    %bitcast_convert_type3A_44 = tpu.bitcast %or3A : vector<8192x128xi32> -> vector<8192x128xf32>
    %swap3A = arith.constant 0 : index
    %swap3A_45 = arith.constant 0 : index
    %swap3A_46 = vector.load %arg10[%swap3A, %swap3A_45] : memref<8192x128xf32, #tpu.memory_space<vmem>>, vector<8192x128xf32>
    tpu.vector_store %arg10[%swap3A, %swap3A_45], %bitcast_convert_type3A_44 {strides = array<i32>} : memref<8192x128xf32, #tpu.memory_space<vmem>>, vector<8192x128xf32>,
    return
  }
  func.func @transform_0(%arg0: i32) -> (i32, i32) {
    %add3A = arith.constant 0 : i32
    %add3A_0 = arith.addi %add3A, %arg0 : i32
    %min3A = arith.constant 122 : i32
    %min3A_1 = arith.minsi %add3A_0, %min3A : i32
    %c0_i32 = arith.constant 0 : i32
    %c0_i32_2 = arith.constant 0 : i32
    return %c0_i32, %min3A_1 : i32, i32
  }
  func.func @transform_1(%arg0: i32) -> (i32, i32) {
    %add3A = arith.constant 16 : i32
    %add3A_0 = arith.addi %add3A, %arg0 : i32
    %min3A = arith.constant 122 : i32
    %min3A_1 = arith.minsi %add3A_0, %min3A : i32
    %c0_i32 = arith.constant 0 : i32
    %c0_i32_2 = arith.constant 0 : i32
    return %c0_i32, %min3A_1 : i32, i32
  }
  func.func @transform_2(%arg0: i32) -> (i32, i32) {
    %add3A = arith.constant 32 : i32
    %add3A_0 = arith.addi %add3A, %arg0 : i32
    %min3A = arith.constant 122 : i32
    %min3A_1 = arith.minsi %add3A_0, %min3A : i32
    %c0_i32 = arith.constant 0 : i32
    %c0_i32_2 = arith.constant 0 : i32
    return %c0_i32, %min3A_1 : i32, i32
  }
  func.func @transform_3(%arg0: i32) -> (i32, i32) {
    %add3A = arith.constant 48 : i32
    %add3A_0 = arith.addi %add3A, %arg0 : i32
    %min3A = arith.constant 122 : i32
    %min3A_1 = arith.minsi %add3A_0, %min3A : i32
    %c0_i32 = arith.constant 0 : i32
    %c0_i32_2 = arith.constant 0 : i32
    return %c0_i32, %min3A_1 : i32, i32
  }
  func.func @transform_4(%arg0: i32) -> (i32, i32) {
    %add3A = arith.constant 64 : i32
    %add3A_0 = arith.addi %add3A, %arg0 : i32
    %min3A = arith.constant 122 : i32
    %min3A_1 = arith.minsi %add3A_0, %min3A : i32
    %c0_i32 = arith.constant 0 : i32
    %c0_i32_2 = arith.constant 0 : i32
    return %c0_i32, %min3A_1 : i32, i32
  }
  func.func @transform_5(%arg0: i32) -> (i32, i32) {
    %add3A = arith.constant 80 : i32
    %add3A_0 = arith.addi %add3A, %arg0 : i32
    %min3A = arith.constant 122 : i32
    %min3A_1 = arith.minsi %add3A_0, %min3A : i32
    %c0_i32 = arith.constant 0 : i32
    %c0_i32_2 = arith.constant 0 : i32
    return %c0_i32, %min3A_1 : i32, i32
  }
  func.func @transform_6(%arg0: i32) -> (i32, i32) {
    %add3A = arith.constant 96 : i32
    %add3A_0 = arith.addi %add3A, %arg0 : i32
    %min3A = arith.constant 122 : i32
    %min3A_1 = arith.minsi %add3A_0, %min3A : i32
    %c0_i32 = arith.constant 0 : i32
    %c0_i32_2 = arith.constant 0 : i32
    return %c0_i32, %min3A_1 : i32, i32
  }
  func.func @transform_7(%arg0: i32) -> (i32, i32) {
    %add3A = arith.constant 112 : i32
    %add3A_0 = arith.addi %add3A, %arg0 : i32
    %min3A = arith.constant 122 : i32
    %min3A_1 = arith.minsi %add3A_0, %min3A : i32
    %c0_i32 = arith.constant 0 : i32
    %c0_i32_2 = arith.constant 0 : i32
    return %c0_i32, %min3A_1 : i32, i32
  }
  func.func @transform_8(%arg0: i32) -> (i32, i32) {
    %c0_i32 = arith.constant 0 : i32
    %c0_i32_0 = arith.constant 0 : i32
    %c0_i32_1 = arith.constant 0 : i32
    return %c0_i32, %c0_i32_0 : i32, i32
  }
  func.func @transform_9(%arg0: i32) -> (i32, i32) {
    %c0_i32 = arith.constant 0 : i32
    %c0_i32_0 = arith.constant 0 : i32
    return %arg0, %c0_i32 : i32, i32
  }
}

module attributes {stable_mosaic.version = 14 : i64} {
  func.func @_mlp_body(%arg0: i32, %arg1: memref<1x4096xi32, #tpu.memory_space<vmem>>, %arg2: memref<1x4096xi32, #tpu.memory_space<vmem>>, %arg3: memref<4096x128xf32, #tpu.memory_space<vmem>>, %arg4: memref<4096x128xf32, #tpu.memory_space<vmem>>, %arg5: memref<128x32xf32, #tpu.memory_space<vmem>>, %arg6: memref<1x32xf32, #tpu.memory_space<vmem>>, %arg7: memref<1x32xf32, #tpu.memory_space<vmem>>, %arg8: memref<1x1xf32, #tpu.memory_space<vmem>>, %arg9: memref<1x4096xf32, #tpu.memory_space<vmem>>) attributes {dimension_semantics = [#tpu.dimension_semantics<arbitrary>], iteration_bounds = array<i64: 4>, scalar_prefetch = 0 : i64, scratch_operands = 0 : i64, tpu.core_type = #tpu.core_type<tc>, window_params = [{transform_indices = @transform_0, window_bounds = array<i64: 1, 4096>}, {transform_indices = @transform_1, window_bounds = array<i64: 1, 4096>}, {transform_indices = @transform_2, window_bounds = array<i64: 4096, 128>}, {transform_indices = @transform_3, window_bounds = array<i64: 4096, 128>}, {pipeline_mode = #tpu.pipeline_mode<synchronous>, transform_indices = @transform_4, window_bounds = array<i64: 128, 32>}, {pipeline_mode = #tpu.pipeline_mode<synchronous>, transform_indices = @transform_5, window_bounds = array<i64: 1, 32>}, {pipeline_mode = #tpu.pipeline_mode<synchronous>, transform_indices = @transform_6, window_bounds = array<i64: 1, 32>}, {pipeline_mode = #tpu.pipeline_mode<synchronous>, transform_indices = @transform_7, window_bounds = array<i64: 1, 1>}, {transform_indices = @transform_8, window_bounds = array<i64: 1, 4096>}]} {
    %get3A = arith.constant 0 : index
    %get3A_0 = arith.constant 0 : index
    %get3A_1 = vector.load %arg1[%get3A, %get3A_0] : memref<1x4096xi32, #tpu.memory_space<vmem>>, vector<1x4096xi32>
    %iota3A = tpu.iota {dimensions = array<i32: 0>} : vector<8x1xi32>
    %ge3A = arith.constant 131072 : i32
    %ge3A_2 = vector.broadcast %ge3A : i32 to vector<1x4096xi32>
    %ge3A_3 = arith.cmpi sge, %get3A_1, %ge3A_2 : vector<1x4096xi32>
    %jit3A = arith.constant 1 : i32
    %jit3A_4 = arith.constant 0 : i32
    %broadcast_in_dim3A = vector.broadcast %jit3A : i32 to vector<1x4096xi32>
    %broadcast_in_dim3A_5 = vector.broadcast %jit3A_4 : i32 to vector<1x4096xi32>
    %select_n3A = arith.select %ge3A_3, %broadcast_in_dim3A, %broadcast_in_dim3A_5 : vector<1x4096xi1>, vector<1x4096xi32>
    %ge3A_6 = arith.constant 262144 : i32
    %ge3A_7 = vector.broadcast %ge3A_6 : i32 to vector<1x4096xi32>
    %ge3A_8 = arith.cmpi sge, %get3A_1, %ge3A_7 : vector<1x4096xi32>
    %jit3A_9 = arith.constant 1 : i32
    %jit3A_10 = arith.constant 0 : i32
    %broadcast_in_dim3A_11 = vector.broadcast %jit3A_9 : i32 to vector<1x4096xi32>
    %broadcast_in_dim3A_12 = vector.broadcast %jit3A_10 : i32 to vector<1x4096xi32>
    %select_n3A_13 = arith.select %ge3A_8, %broadcast_in_dim3A_11, %broadcast_in_dim3A_12 : vector<1x4096xi1>, vector<1x4096xi32>
    %add3A = arith.addi %select_n3A, %select_n3A_13 : vector<1x4096xi32>
    %ge3A_14 = arith.constant 393216 : i32
    %ge3A_15 = vector.broadcast %ge3A_14 : i32 to vector<1x4096xi32>
    %ge3A_16 = arith.cmpi sge, %get3A_1, %ge3A_15 : vector<1x4096xi32>
    %jit3A_17 = arith.constant 1 : i32
    %jit3A_18 = arith.constant 0 : i32
    %broadcast_in_dim3A_19 = vector.broadcast %jit3A_17 : i32 to vector<1x4096xi32>
    %broadcast_in_dim3A_20 = vector.broadcast %jit3A_18 : i32 to vector<1x4096xi32>
    %select_n3A_21 = arith.select %ge3A_16, %broadcast_in_dim3A_19, %broadcast_in_dim3A_20 : vector<1x4096xi1>, vector<1x4096xi32>
    %add3A_22 = arith.addi %add3A, %select_n3A_21 : vector<1x4096xi32>
    %ge3A_23 = arith.constant 524288 : i32
    %ge3A_24 = vector.broadcast %ge3A_23 : i32 to vector<1x4096xi32>
    %ge3A_25 = arith.cmpi sge, %get3A_1, %ge3A_24 : vector<1x4096xi32>
    %jit3A_26 = arith.constant 1 : i32
    %jit3A_27 = arith.constant 0 : i32
    %broadcast_in_dim3A_28 = vector.broadcast %jit3A_26 : i32 to vector<1x4096xi32>
    %broadcast_in_dim3A_29 = vector.broadcast %jit3A_27 : i32 to vector<1x4096xi32>
    %select_n3A_30 = arith.select %ge3A_25, %broadcast_in_dim3A_28, %broadcast_in_dim3A_29 : vector<1x4096xi1>, vector<1x4096xi32>
    %add3A_31 = arith.addi %add3A_22, %select_n3A_30 : vector<1x4096xi32>
    %ge3A_32 = arith.constant 655360 : i32
    %ge3A_33 = vector.broadcast %ge3A_32 : i32 to vector<1x4096xi32>
    %ge3A_34 = arith.cmpi sge, %get3A_1, %ge3A_33 : vector<1x4096xi32>
    %jit3A_35 = arith.constant 1 : i32
    %jit3A_36 = arith.constant 0 : i32
    %broadcast_in_dim3A_37 = vector.broadcast %jit3A_35 : i32 to vector<1x4096xi32>
    %broadcast_in_dim3A_38 = vector.broadcast %jit3A_36 : i32 to vector<1x4096xi32>
    %select_n3A_39 = arith.select %ge3A_34, %broadcast_in_dim3A_37, %broadcast_in_dim3A_38 : vector<1x4096xi1>, vector<1x4096xi32>
    %add3A_40 = arith.addi %add3A_31, %select_n3A_39 : vector<1x4096xi32>
    %ge3A_41 = arith.constant 786432 : i32
    %ge3A_42 = vector.broadcast %ge3A_41 : i32 to vector<1x4096xi32>
    %ge3A_43 = arith.cmpi sge, %get3A_1, %ge3A_42 : vector<1x4096xi32>
    %jit3A_44 = arith.constant 1 : i32
    %jit3A_45 = arith.constant 0 : i32
    %broadcast_in_dim3A_46 = vector.broadcast %jit3A_44 : i32 to vector<1x4096xi32>
    %broadcast_in_dim3A_47 = vector.broadcast %jit3A_45 : i32 to vector<1x4096xi32>
    %select_n3A_48 = arith.select %ge3A_43, %broadcast_in_dim3A_46, %broadcast_in_dim3A_47 : vector<1x4096xi1>, vector<1x4096xi32>
    %add3A_49 = arith.addi %add3A_40, %select_n3A_48 : vector<1x4096xi32>
    %ge3A_50 = arith.constant 917504 : i32
    %ge3A_51 = vector.broadcast %ge3A_50 : i32 to vector<1x4096xi32>
    %ge3A_52 = arith.cmpi sge, %get3A_1, %ge3A_51 : vector<1x4096xi32>
    %jit3A_53 = arith.constant 1 : i32
    %jit3A_54 = arith.constant 0 : i32
    %broadcast_in_dim3A_55 = vector.broadcast %jit3A_53 : i32 to vector<1x4096xi32>
    %broadcast_in_dim3A_56 = vector.broadcast %jit3A_54 : i32 to vector<1x4096xi32>
    %select_n3A_57 = arith.select %ge3A_52, %broadcast_in_dim3A_55, %broadcast_in_dim3A_56 : vector<1x4096xi1>, vector<1x4096xi32>
    %add3A_58 = arith.addi %add3A_49, %select_n3A_57 : vector<1x4096xi32>
    %eq3A = vector.broadcast %iota3A : vector<8x1xi32> to vector<8x4096xi32>
    %eq3A_59 = vector.broadcast %add3A_58 : vector<1x4096xi32> to vector<8x4096xi32>
    %eq3A_60 = arith.cmpi eq, %eq3A, %eq3A_59 : vector<8x4096xi32>
    %convert_element_type3A = arith.extui %eq3A_60 : vector<8x4096xi1> to vector<8x4096xi32>
    %convert_element_type3A_61 = arith.sitofp %convert_element_type3A : vector<8x4096xi32> to vector<8x4096xf32>
    %iota3A_62 = tpu.iota {dimensions = array<i32: 1>} : vector<8x128xi32>
    %jit3A_63 = arith.constant 32 : i32
    %div3A = vector.broadcast %jit3A_63 : i32 to vector<8x128xi32>
    %div3A_64 = arith.divsi %iota3A_62, %div3A : vector<8x128xi32>
    %sign3A = arith.constant 0 : i32
    %sign3A_65 = vector.broadcast %sign3A : i32 to vector<8x128xi32>
    %sign3A_66 = arith.cmpi sgt, %iota3A_62, %sign3A_65 : vector<8x128xi32>
    %sign3A_67 = arith.extui %sign3A_66 : vector<8x128xi1> to vector<8x128xi32>
    %sign3A_68 = arith.constant 0 : i32
    %sign3A_69 = vector.broadcast %sign3A_68 : i32 to vector<8x128xi32>
    %sign3A_70 = arith.cmpi slt, %iota3A_62, %sign3A_69 : vector<8x128xi32>
    %sign3A_71 = arith.extui %sign3A_70 : vector<8x128xi1> to vector<8x128xi32>
    %sign3A_72 = arith.subi %sign3A_67, %sign3A_71 : vector<8x128xi32>
    %sign3A_73 = arith.constant 0 : i32
    %sign3A_74 = arith.cmpi sgt, %jit3A_63, %sign3A_73 : i32
    %sign3A_75 = arith.extui %sign3A_74 : i1 to i32
    %sign3A_76 = arith.constant 0 : i32
    %sign3A_77 = arith.cmpi slt, %jit3A_63, %sign3A_76 : i32
    %sign3A_78 = arith.extui %sign3A_77 : i1 to i32
    %sign3A_79 = arith.subi %sign3A_75, %sign3A_78 : i32
    %ne3A = vector.broadcast %sign3A_79 : i32 to vector<8x128xi32>
    %ne3A_80 = arith.cmpi ne, %sign3A_72, %ne3A : vector<8x128xi32>
    %rem3A = vector.broadcast %jit3A_63 : i32 to vector<8x128xi32>
    %rem3A_81 = arith.remsi %iota3A_62, %rem3A : vector<8x128xi32>
    %ne3A_82 = arith.constant 0 : i32
    %ne3A_83 = vector.broadcast %ne3A_82 : i32 to vector<8x128xi32>
    %ne3A_84 = arith.cmpi ne, %rem3A_81, %ne3A_83 : vector<8x128xi32>
    %and3A = arith.andi %ne3A_80, %ne3A_84 : vector<8x128xi1>
    %sub3A = arith.constant 1 : i32
    %sub3A_85 = vector.broadcast %sub3A : i32 to vector<8x128xi32>
    %sub3A_86 = arith.subi %div3A_64, %sub3A_85 : vector<8x128xi32>
    %select_n3A_87 = arith.select %and3A, %sub3A_86, %div3A_64 : vector<8x128xi1>, vector<8x128xi32>
    %lt3A = arith.constant 4 : i32
    %lt3A_88 = vector.broadcast %lt3A : i32 to vector<8x1xi32>
    %lt3A_89 = arith.cmpi slt, %iota3A, %lt3A_88 : vector<8x1xi32>
    %eq3A_90 = vector.broadcast %iota3A : vector<8x1xi32> to vector<8x128xi32>
    %eq3A_91 = arith.cmpi eq, %select_n3A_87, %eq3A_90 : vector<8x128xi32>
    %and3A_92 = vector.broadcast %lt3A_89 : vector<8x1xi1> to vector<8x128xi1>
    %and3A_93 = arith.andi %eq3A_91, %and3A_92 : vector<8x128xi1>
    %convert_element_type3A_94 = arith.extui %and3A_93 : vector<8x128xi1> to vector<8x128xi32>
    %convert_element_type3A_95 = arith.sitofp %convert_element_type3A_94 : vector<8x128xi32> to vector<8x128xf32>
    %sub3A_96 = arith.constant 4 : i32
    %sub3A_97 = vector.broadcast %sub3A_96 : i32 to vector<8x1xi32>
    %sub3A_98 = arith.subi %iota3A, %sub3A_97 : vector<8x1xi32>
    %eq3A_99 = vector.broadcast %sub3A_98 : vector<8x1xi32> to vector<8x128xi32>
    %eq3A_100 = arith.cmpi eq, %select_n3A_87, %eq3A_99 : vector<8x128xi32>
    %not3A = arith.constant dense<true> : vector<8x1xi1>
    %not3A_101 = arith.xori %lt3A_89, %not3A : vector<8x1xi1>
    %and3A_102 = vector.broadcast %not3A_101 : vector<8x1xi1> to vector<8x128xi1>
    %and3A_103 = arith.andi %eq3A_100, %and3A_102 : vector<8x128xi1>
    %convert_element_type3A_104 = arith.extui %and3A_103 : vector<8x128xi1> to vector<8x128xi32>
    %convert_element_type3A_105 = arith.sitofp %convert_element_type3A_104 : vector<8x128xi32> to vector<8x128xf32>
    %dot_general3A = arith.constant dense<0.000000e+00> : vector<4096x128xf32>
    %dot_general3A_106 = tpu.matmul %convert_element_type3A_61, %convert_element_type3A_95, %dot_general3A {dimension_numbers = #tpu.dot_dimension_numbers<[0], [0], [1], [1], [0, 1, 1, 1], [], []>, transpose_lhs_hint = false} : vector<8x4096xf32>, vector<8x128xf32>, vector<4096x128xf32> -> vector<4096x128xf32>
    %dot_general3A_107 = arith.constant dense<0.000000e+00> : vector<4096x128xf32>
    %dot_general3A_108 = tpu.matmul %convert_element_type3A_61, %convert_element_type3A_105, %dot_general3A_107 {dimension_numbers = #tpu.dot_dimension_numbers<[0], [0], [1], [1], [0, 1, 1, 1], [], []>, transpose_lhs_hint = false} : vector<8x4096xf32>, vector<8x128xf32>, vector<4096x128xf32> -> vector<4096x128xf32>
    %get3A_109 = arith.constant 0 : index
    %get3A_110 = arith.constant 0 : index
    %get3A_111 = vector.load %arg3[%get3A_109, %get3A_110] : memref<4096x128xf32, #tpu.memory_space<vmem>>, vector<4096x128xf32>
    %bitcast_convert_type3A = tpu.bitcast %get3A_111 : vector<4096x128xf32> -> vector<4096x128xi32>
    %and3A_112 = arith.constant -65536 : i32
    %and3A_113 = vector.broadcast %and3A_112 : i32 to vector<4096x128xi32>
    %and3A_114 = arith.andi %bitcast_convert_type3A, %and3A_113 : vector<4096x128xi32>
    %bitcast_convert_type3A_115 = tpu.bitcast %and3A_114 : vector<4096x128xi32> -> vector<4096x128xf32>
    %shift_left3A = arith.constant 16 : i32
    %shift_left3A_116 = vector.broadcast %shift_left3A : i32 to vector<4096x128xi32>
    %shift_left3A_117 = arith.shli %bitcast_convert_type3A, %shift_left3A_116 : vector<4096x128xi32>
    %bitcast_convert_type3A_118 = tpu.bitcast %shift_left3A_117 : vector<4096x128xi32> -> vector<4096x128xf32>
    %mul3A = arith.mulf %bitcast_convert_type3A_115, %dot_general3A_106 : vector<4096x128xf32>
    %mul3A_119 = arith.mulf %bitcast_convert_type3A_118, %dot_general3A_108 : vector<4096x128xf32>
    %add3A_120 = arith.addf %mul3A, %mul3A_119 : vector<4096x128xf32>
    %get3A_121 = arith.constant 0 : index
    %get3A_122 = arith.constant 0 : index
    %get3A_123 = vector.load %arg2[%get3A_121, %get3A_122] : memref<1x4096xi32, #tpu.memory_space<vmem>>, vector<1x4096xi32>
    %iota3A_124 = tpu.iota {dimensions = array<i32: 0>} : vector<8x1xi32>
    %ge3A_125 = arith.constant 16384 : i32
    %ge3A_126 = vector.broadcast %ge3A_125 : i32 to vector<1x4096xi32>
    %ge3A_127 = arith.cmpi sge, %get3A_123, %ge3A_126 : vector<1x4096xi32>
    %jit3A_128 = arith.constant 1 : i32
    %jit3A_129 = arith.constant 0 : i32
    %broadcast_in_dim3A_130 = vector.broadcast %jit3A_128 : i32 to vector<1x4096xi32>
    %broadcast_in_dim3A_131 = vector.broadcast %jit3A_129 : i32 to vector<1x4096xi32>
    %select_n3A_132 = arith.select %ge3A_127, %broadcast_in_dim3A_130, %broadcast_in_dim3A_131 : vector<1x4096xi1>, vector<1x4096xi32>
    %ge3A_133 = arith.constant 32768 : i32
    %ge3A_134 = vector.broadcast %ge3A_133 : i32 to vector<1x4096xi32>
    %ge3A_135 = arith.cmpi sge, %get3A_123, %ge3A_134 : vector<1x4096xi32>
    %jit3A_136 = arith.constant 1 : i32
    %jit3A_137 = arith.constant 0 : i32
    %broadcast_in_dim3A_138 = vector.broadcast %jit3A_136 : i32 to vector<1x4096xi32>
    %broadcast_in_dim3A_139 = vector.broadcast %jit3A_137 : i32 to vector<1x4096xi32>
    %select_n3A_140 = arith.select %ge3A_135, %broadcast_in_dim3A_138, %broadcast_in_dim3A_139 : vector<1x4096xi1>, vector<1x4096xi32>
    %add3A_141 = arith.addi %select_n3A_132, %select_n3A_140 : vector<1x4096xi32>
    %ge3A_142 = arith.constant 49152 : i32
    %ge3A_143 = vector.broadcast %ge3A_142 : i32 to vector<1x4096xi32>
    %ge3A_144 = arith.cmpi sge, %get3A_123, %ge3A_143 : vector<1x4096xi32>
    %jit3A_145 = arith.constant 1 : i32
    %jit3A_146 = arith.constant 0 : i32
    %broadcast_in_dim3A_147 = vector.broadcast %jit3A_145 : i32 to vector<1x4096xi32>
    %broadcast_in_dim3A_148 = vector.broadcast %jit3A_146 : i32 to vector<1x4096xi32>
    %select_n3A_149 = arith.select %ge3A_144, %broadcast_in_dim3A_147, %broadcast_in_dim3A_148 : vector<1x4096xi1>, vector<1x4096xi32>
    %add3A_150 = arith.addi %add3A_141, %select_n3A_149 : vector<1x4096xi32>
    %ge3A_151 = arith.constant 65536 : i32
    %ge3A_152 = vector.broadcast %ge3A_151 : i32 to vector<1x4096xi32>
    %ge3A_153 = arith.cmpi sge, %get3A_123, %ge3A_152 : vector<1x4096xi32>
    %jit3A_154 = arith.constant 1 : i32
    %jit3A_155 = arith.constant 0 : i32
    %broadcast_in_dim3A_156 = vector.broadcast %jit3A_154 : i32 to vector<1x4096xi32>
    %broadcast_in_dim3A_157 = vector.broadcast %jit3A_155 : i32 to vector<1x4096xi32>
    %select_n3A_158 = arith.select %ge3A_153, %broadcast_in_dim3A_156, %broadcast_in_dim3A_157 : vector<1x4096xi1>, vector<1x4096xi32>
    %add3A_159 = arith.addi %add3A_150, %select_n3A_158 : vector<1x4096xi32>
    %ge3A_160 = arith.constant 81920 : i32
    %ge3A_161 = vector.broadcast %ge3A_160 : i32 to vector<1x4096xi32>
    %ge3A_162 = arith.cmpi sge, %get3A_123, %ge3A_161 : vector<1x4096xi32>
    %jit3A_163 = arith.constant 1 : i32
    %jit3A_164 = arith.constant 0 : i32
    %broadcast_in_dim3A_165 = vector.broadcast %jit3A_163 : i32 to vector<1x4096xi32>
    %broadcast_in_dim3A_166 = vector.broadcast %jit3A_164 : i32 to vector<1x4096xi32>
    %select_n3A_167 = arith.select %ge3A_162, %broadcast_in_dim3A_165, %broadcast_in_dim3A_166 : vector<1x4096xi1>, vector<1x4096xi32>
    %add3A_168 = arith.addi %add3A_159, %select_n3A_167 : vector<1x4096xi32>
    %ge3A_169 = arith.constant 98304 : i32
    %ge3A_170 = vector.broadcast %ge3A_169 : i32 to vector<1x4096xi32>
    %ge3A_171 = arith.cmpi sge, %get3A_123, %ge3A_170 : vector<1x4096xi32>
    %jit3A_172 = arith.constant 1 : i32
    %jit3A_173 = arith.constant 0 : i32
    %broadcast_in_dim3A_174 = vector.broadcast %jit3A_172 : i32 to vector<1x4096xi32>
    %broadcast_in_dim3A_175 = vector.broadcast %jit3A_173 : i32 to vector<1x4096xi32>
    %select_n3A_176 = arith.select %ge3A_171, %broadcast_in_dim3A_174, %broadcast_in_dim3A_175 : vector<1x4096xi1>, vector<1x4096xi32>
    %add3A_177 = arith.addi %add3A_168, %select_n3A_176 : vector<1x4096xi32>
    %ge3A_178 = arith.constant 114688 : i32
    %ge3A_179 = vector.broadcast %ge3A_178 : i32 to vector<1x4096xi32>
    %ge3A_180 = arith.cmpi sge, %get3A_123, %ge3A_179 : vector<1x4096xi32>
    %jit3A_181 = arith.constant 1 : i32
    %jit3A_182 = arith.constant 0 : i32
    %broadcast_in_dim3A_183 = vector.broadcast %jit3A_181 : i32 to vector<1x4096xi32>
    %broadcast_in_dim3A_184 = vector.broadcast %jit3A_182 : i32 to vector<1x4096xi32>
    %select_n3A_185 = arith.select %ge3A_180, %broadcast_in_dim3A_183, %broadcast_in_dim3A_184 : vector<1x4096xi1>, vector<1x4096xi32>
    %add3A_186 = arith.addi %add3A_177, %select_n3A_185 : vector<1x4096xi32>
    %eq3A_187 = vector.broadcast %iota3A_124 : vector<8x1xi32> to vector<8x4096xi32>
    %eq3A_188 = vector.broadcast %add3A_186 : vector<1x4096xi32> to vector<8x4096xi32>
    %eq3A_189 = arith.cmpi eq, %eq3A_187, %eq3A_188 : vector<8x4096xi32>
    %convert_element_type3A_190 = arith.extui %eq3A_189 : vector<8x4096xi1> to vector<8x4096xi32>
    %convert_element_type3A_191 = arith.sitofp %convert_element_type3A_190 : vector<8x4096xi32> to vector<8x4096xf32>
    %iota3A_192 = tpu.iota {dimensions = array<i32: 1>} : vector<8x128xi32>
    %jit3A_193 = arith.constant 32 : i32
    %div3A_194 = vector.broadcast %jit3A_193 : i32 to vector<8x128xi32>
    %div3A_195 = arith.divsi %iota3A_192, %div3A_194 : vector<8x128xi32>
    %sign3A_196 = arith.constant 0 : i32
    %sign3A_197 = vector.broadcast %sign3A_196 : i32 to vector<8x128xi32>
    %sign3A_198 = arith.cmpi sgt, %iota3A_192, %sign3A_197 : vector<8x128xi32>
    %sign3A_199 = arith.extui %sign3A_198 : vector<8x128xi1> to vector<8x128xi32>
    %sign3A_200 = arith.constant 0 : i32
    %sign3A_201 = vector.broadcast %sign3A_200 : i32 to vector<8x128xi32>
    %sign3A_202 = arith.cmpi slt, %iota3A_192, %sign3A_201 : vector<8x128xi32>
    %sign3A_203 = arith.extui %sign3A_202 : vector<8x128xi1> to vector<8x128xi32>
    %sign3A_204 = arith.subi %sign3A_199, %sign3A_203 : vector<8x128xi32>
    %sign3A_205 = arith.constant 0 : i32
    %sign3A_206 = arith.cmpi sgt, %jit3A_193, %sign3A_205 : i32
    %sign3A_207 = arith.extui %sign3A_206 : i1 to i32
    %sign3A_208 = arith.constant 0 : i32
    %sign3A_209 = arith.cmpi slt, %jit3A_193, %sign3A_208 : i32
    %sign3A_210 = arith.extui %sign3A_209 : i1 to i32
    %sign3A_211 = arith.subi %sign3A_207, %sign3A_210 : i32
    %ne3A_212 = vector.broadcast %sign3A_211 : i32 to vector<8x128xi32>
    %ne3A_213 = arith.cmpi ne, %sign3A_204, %ne3A_212 : vector<8x128xi32>
    %rem3A_214 = vector.broadcast %jit3A_193 : i32 to vector<8x128xi32>
    %rem3A_215 = arith.remsi %iota3A_192, %rem3A_214 : vector<8x128xi32>
    %ne3A_216 = arith.constant 0 : i32
    %ne3A_217 = vector.broadcast %ne3A_216 : i32 to vector<8x128xi32>
    %ne3A_218 = arith.cmpi ne, %rem3A_215, %ne3A_217 : vector<8x128xi32>
    %and3A_219 = arith.andi %ne3A_213, %ne3A_218 : vector<8x128xi1>
    %sub3A_220 = arith.constant 1 : i32
    %sub3A_221 = vector.broadcast %sub3A_220 : i32 to vector<8x128xi32>
    %sub3A_222 = arith.subi %div3A_195, %sub3A_221 : vector<8x128xi32>
    %select_n3A_223 = arith.select %and3A_219, %sub3A_222, %div3A_195 : vector<8x128xi1>, vector<8x128xi32>
    %lt3A_224 = arith.constant 4 : i32
    %lt3A_225 = vector.broadcast %lt3A_224 : i32 to vector<8x1xi32>
    %lt3A_226 = arith.cmpi slt, %iota3A_124, %lt3A_225 : vector<8x1xi32>
    %eq3A_227 = vector.broadcast %iota3A_124 : vector<8x1xi32> to vector<8x128xi32>
    %eq3A_228 = arith.cmpi eq, %select_n3A_223, %eq3A_227 : vector<8x128xi32>
    %and3A_229 = vector.broadcast %lt3A_226 : vector<8x1xi1> to vector<8x128xi1>
    %and3A_230 = arith.andi %eq3A_228, %and3A_229 : vector<8x128xi1>
    %convert_element_type3A_231 = arith.extui %and3A_230 : vector<8x128xi1> to vector<8x128xi32>
    %convert_element_type3A_232 = arith.sitofp %convert_element_type3A_231 : vector<8x128xi32> to vector<8x128xf32>
    %sub3A_233 = arith.constant 4 : i32
    %sub3A_234 = vector.broadcast %sub3A_233 : i32 to vector<8x1xi32>
    %sub3A_235 = arith.subi %iota3A_124, %sub3A_234 : vector<8x1xi32>
    %eq3A_236 = vector.broadcast %sub3A_235 : vector<8x1xi32> to vector<8x128xi32>
    %eq3A_237 = arith.cmpi eq, %select_n3A_223, %eq3A_236 : vector<8x128xi32>
    %not3A_238 = arith.constant dense<true> : vector<8x1xi1>
    %not3A_239 = arith.xori %lt3A_226, %not3A_238 : vector<8x1xi1>
    %and3A_240 = vector.broadcast %not3A_239 : vector<8x1xi1> to vector<8x128xi1>
    %and3A_241 = arith.andi %eq3A_237, %and3A_240 : vector<8x128xi1>
    %convert_element_type3A_242 = arith.extui %and3A_241 : vector<8x128xi1> to vector<8x128xi32>
    %convert_element_type3A_243 = arith.sitofp %convert_element_type3A_242 : vector<8x128xi32> to vector<8x128xf32>
    %dot_general3A_244 = arith.constant dense<0.000000e+00> : vector<4096x128xf32>
    %dot_general3A_245 = tpu.matmul %convert_element_type3A_191, %convert_element_type3A_232, %dot_general3A_244 {dimension_numbers = #tpu.dot_dimension_numbers<[0], [0], [1], [1], [0, 1, 1, 1], [], []>, transpose_lhs_hint = false} : vector<8x4096xf32>, vector<8x128xf32>, vector<4096x128xf32> -> vector<4096x128xf32>
    %dot_general3A_246 = arith.constant dense<0.000000e+00> : vector<4096x128xf32>
    %dot_general3A_247 = tpu.matmul %convert_element_type3A_191, %convert_element_type3A_243, %dot_general3A_246 {dimension_numbers = #tpu.dot_dimension_numbers<[0], [0], [1], [1], [0, 1, 1, 1], [], []>, transpose_lhs_hint = false} : vector<8x4096xf32>, vector<8x128xf32>, vector<4096x128xf32> -> vector<4096x128xf32>
    %get3A_248 = arith.constant 0 : index
    %get3A_249 = arith.constant 0 : index
    %get3A_250 = vector.load %arg4[%get3A_248, %get3A_249] : memref<4096x128xf32, #tpu.memory_space<vmem>>, vector<4096x128xf32>
    %bitcast_convert_type3A_251 = tpu.bitcast %get3A_250 : vector<4096x128xf32> -> vector<4096x128xi32>
    %and3A_252 = arith.constant -65536 : i32
    %and3A_253 = vector.broadcast %and3A_252 : i32 to vector<4096x128xi32>
    %and3A_254 = arith.andi %bitcast_convert_type3A_251, %and3A_253 : vector<4096x128xi32>
    %bitcast_convert_type3A_255 = tpu.bitcast %and3A_254 : vector<4096x128xi32> -> vector<4096x128xf32>
    %shift_left3A_256 = arith.constant 16 : i32
    %shift_left3A_257 = vector.broadcast %shift_left3A_256 : i32 to vector<4096x128xi32>
    %shift_left3A_258 = arith.shli %bitcast_convert_type3A_251, %shift_left3A_257 : vector<4096x128xi32>
    %bitcast_convert_type3A_259 = tpu.bitcast %shift_left3A_258 : vector<4096x128xi32> -> vector<4096x128xf32>
    %mul3A_260 = arith.mulf %bitcast_convert_type3A_255, %dot_general3A_245 : vector<4096x128xf32>
    %mul3A_261 = arith.mulf %bitcast_convert_type3A_259, %dot_general3A_247 : vector<4096x128xf32>
    %add3A_262 = arith.addf %mul3A_260, %mul3A_261 : vector<4096x128xf32>
    %add3A_263 = arith.addf %add3A_120, %add3A_262 : vector<4096x128xf32>
    %get3A_264 = arith.constant 0 : index
    %get3A_265 = arith.constant 0 : index
    %get3A_266 = vector.load %arg5[%get3A_264, %get3A_265] : memref<128x32xf32, #tpu.memory_space<vmem>>, vector<128x32xf32>
    %dot_general3A_267 = arith.constant dense<0.000000e+00> : vector<4096x32xf32>
    %dot_general3A_268 = tpu.matmul %add3A_263, %get3A_266, %dot_general3A_267 {dimension_numbers = #tpu.dot_dimension_numbers<[1], [0], [0], [1], [0, 0, 1, 1], [], []>, transpose_lhs_hint = false} : vector<4096x128xf32>, vector<128x32xf32>, vector<4096x32xf32> -> vector<4096x32xf32>
    %get3A_269 = arith.constant 0 : index
    %get3A_270 = arith.constant 0 : index
    %get3A_271 = vector.load %arg6[%get3A_269, %get3A_270] : memref<1x32xf32, #tpu.memory_space<vmem>>, vector<1x32xf32>
    %add3A_272 = vector.broadcast %get3A_271 : vector<1x32xf32> to vector<4096x32xf32>
    %add3A_273 = arith.addf %dot_general3A_268, %add3A_272 : vector<4096x32xf32>
    %max3A = arith.constant 0.000000e+00 : f32
    %max3A_274 = vector.broadcast %max3A : f32 to vector<4096x32xf32>
    %max3A_275 = arith.maximumf %add3A_273, %max3A_274 : vector<4096x32xf32>
    %get3A_276 = arith.constant 0 : index
    %get3A_277 = arith.constant 0 : index
    %get3A_278 = vector.load %arg7[%get3A_276, %get3A_277] : memref<1x32xf32, #tpu.memory_space<vmem>>, vector<1x32xf32>
    %dot_general3A_279 = arith.constant dense<0.000000e+00> : vector<1x4096xf32>
    %dot_general3A_280 = tpu.matmul %get3A_278, %max3A_275, %dot_general3A_279 {dimension_numbers = #tpu.dot_dimension_numbers<[1], [1], [0], [0], [0, 0, 1, 0], [], []>, transpose_lhs_hint = false} : vector<1x32xf32>, vector<4096x32xf32>, vector<1x4096xf32> -> vector<1x4096xf32>
    %get3A_281 = arith.constant 0 : index
    %get3A_282 = arith.constant 0 : index
    %get3A_283 = vector.load %arg8[%get3A_281, %get3A_282] : memref<1x1xf32, #tpu.memory_space<vmem>>, vector<1x1xf32>
    %add3A_284 = vector.broadcast %get3A_283 : vector<1x1xf32> to vector<1x4096xf32>
    %add3A_285 = arith.addf %dot_general3A_280, %add3A_284 : vector<1x4096xf32>
    %swap3A = arith.constant 0 : index
    %swap3A_286 = arith.constant 0 : index
    %swap3A_287 = vector.load %arg9[%swap3A, %swap3A_286] : memref<1x4096xf32, #tpu.memory_space<vmem>>, vector<1x4096xf32>
    tpu.vector_store %arg9[%swap3A, %swap3A_286], %add3A_285 {strides = array<i32>} : memref<1x4096xf32, #tpu.memory_space<vmem>>, vector<1x4096xf32>,
    return
  }
  func.func @transform_0(%arg0: i32) -> (i32, i32) {
    %c0_i32 = arith.constant 0 : i32
    %c0_i32_0 = arith.constant 0 : i32
    return %c0_i32, %arg0 : i32, i32
  }
  func.func @transform_1(%arg0: i32) -> (i32, i32) {
    %c0_i32 = arith.constant 0 : i32
    %c0_i32_0 = arith.constant 0 : i32
    return %c0_i32, %arg0 : i32, i32
  }
  func.func @transform_2(%arg0: i32) -> (i32, i32) {
    %c0_i32 = arith.constant 0 : i32
    %c0_i32_0 = arith.constant 0 : i32
    return %arg0, %c0_i32 : i32, i32
  }
  func.func @transform_3(%arg0: i32) -> (i32, i32) {
    %c0_i32 = arith.constant 0 : i32
    %c0_i32_0 = arith.constant 0 : i32
    return %arg0, %c0_i32 : i32, i32
  }
  func.func @transform_4(%arg0: i32) -> (i32, i32) {
    %c0_i32 = arith.constant 0 : i32
    %c0_i32_0 = arith.constant 0 : i32
    %c0_i32_1 = arith.constant 0 : i32
    return %c0_i32, %c0_i32_0 : i32, i32
  }
  func.func @transform_5(%arg0: i32) -> (i32, i32) {
    %c0_i32 = arith.constant 0 : i32
    %c0_i32_0 = arith.constant 0 : i32
    %c0_i32_1 = arith.constant 0 : i32
    return %c0_i32, %c0_i32_0 : i32, i32
  }
  func.func @transform_6(%arg0: i32) -> (i32, i32) {
    %c0_i32 = arith.constant 0 : i32
    %c0_i32_0 = arith.constant 0 : i32
    %c0_i32_1 = arith.constant 0 : i32
    return %c0_i32, %c0_i32_0 : i32, i32
  }
  func.func @transform_7(%arg0: i32) -> (i32, i32) {
    %c0_i32 = arith.constant 0 : i32
    %c0_i32_0 = arith.constant 0 : i32
    %c0_i32_1 = arith.constant 0 : i32
    return %c0_i32, %c0_i32_0 : i32, i32
  }
  func.func @transform_8(%arg0: i32) -> (i32, i32) {
    %c0_i32 = arith.constant 0 : i32
    %c0_i32_0 = arith.constant 0 : i32
    return %c0_i32, %arg0 : i32, i32
  }
}

</mosaic_0001>

<sc_bundles>
// kernel: kernel.10.cloned.1.call-start
scs
__scs_entry_jumppad:
0x0: {  	(pc) =	sbr.rel $0x88, $3  }
0x1: {  	(tag) =	ssettag $0x0;
	lr =	simm.s32 $0x1  }
0x2: {  	[smem:$0x3F99] =	sst lr;
	_ =	strace $0xD0000000  }
0x3: {  	_ = 	snop  }
0x4: {  	_ = 	snop  }
0x5: {  	_ = 	snop  }
0x6: {  	_ = 	snop  }
0x7: {  	_ = 	snop  }
__scs_overlays_trampoline_lowered:
0x8: {  	[smem:$0x3FA8] =	sst s0  }
0x9: {  	[smem:$0x3FA9] =	sst s1  }
0xa: {  	[smem:$0x3FAA] =	sst s2  }
0xb: {  	[smem:$0x3FAB] =	sst s3  }
0xc: {  	[smem:$0x3FAC] =	sst s4  }
0xd: {  	[smem:$0x3FAD] =	sst s5  }
0xe: {  	[smem:$0x3FAE] =	sst s6  }
0xf: {  	[smem:$0x3FAF] =	sst s7  }
0x10: {  	[smem:$0x3FB0] =	sst s8  }
0x11: {  	[smem:$0x3FB1] =	sst s9;
	s0 =	simm.s32 @!p0 $0x0  }
0x12: {  	s1 =	sld [smem:$0x3F97];
	s0 =	simm.s32 @p0 $0x1  }
0x13: {  	[smem:$0x3FB2] =	sst s0;
	s0 =	simm.s32 @!p1 $0x0  }
0x14: {  	s2 =	sld [smem:$0x3F96];
	s0 =	simm.s32 @p1 $0x1  }
0x15: {  	[smem:$0x3FB3] =	sst s0;
	s0 =	simm.s32 @!p2 $0x0  }
0x16: {  	s3 =	sld [smem:$0x3FDB];
	s0 =	simm.s32 @p2 $0x1  }
0x17: {  	s4 =	simm.s32 $0x1BF5;
	[smem:$0x3FB5] =	sst s0  }
0x18: {  	s0 =	sld [smem:$0x3F98];
	_ =	swait.ge [sflag:s4], $0x0  }
0x19: {  	s7 =	sld [smem:$0x3F99]  }
0x1a: {  	s8 =	sadd.s32 $0xFFFFE003, lr  }
0x1b: {  	s9 =	sadd.s32 $0xFFFFFEF7, lr;
	s5 =	simm.s32 $0xFFFFFFFF;
	p2 =	slt.u32 s8, $0xFFFFF086  }
0x1c: {  	p1 =	slt.u32 s9, $0xF7A;
	s5 =	simm.s32 @!p2 $0x0  }
0x1d: {  	s5 =	simm.s32 @p1 $0x1;
	p0 =	seq.s32 s7, s2  }
0x1e: {  	s7 =	smul.u32 @!p0 $0xF7A, s2;
	p2 =	seq.s32 @!p0 s5, $0x0  }
0x1f: {  	s9 =	smul.u32 $0xF7A, s1;
	s8 =	simm.s32 @!p0 $0x1BF5;
	p2 =	por !p2, p0  }
0x20: {  	[sflag:s8] =	ssyncset.s32 @!p0 $0xFFFFF086;
	s6 =	sadd.s32 @!p0 s3, s7;
	s7 =	simm.s32 @!p0 $0x108  }
0x21: {  	s3 =	sadd.s32 s3, s9;
	s6 =	sadd.s32 @!p0 $0x88, s6;
	s7 =	simm.s32 @p2 $0x1082  }
0x22: {  	[simem:s7], [sflag:s8] =	dma.local @!p0 [hbm:s6], $0xF7A  }
0x23: {  	s9 =	sor.u32 $0xD0000000, s2;
	s6 =	simm.s32 $0x108;
	_ =	swait.ge @!p0 [sflag:s8], $0x0  }
0x24: {  	s3 =	sadd.s32 $0x88, s3;
	s6 =	simm.s32 @!p1 $0x1082;
	[sflag:s4] =	ssyncset.s32 $0xFFFFF086  }
0x25: {  	[simem:s6], [sflag:s4] =	dma.local [hbm:s3], $0xF7A  }
0x26: {  	[smem:$0x3F99] =	sst s1;
	(tag) =	ssettag s2;
	_ =	strace s9  }
0x27: {  	s1 =	sld [smem:$0x3FA9]  }
0x28: {  	s2 =	sld [smem:$0x3FAA]  }
0x29: {  	s4 =	sld [smem:$0x3FAC]  }
0x2a: {  	p0 =	seq.s32 s5, $0x0;
	s5 =	sld [smem:$0x3FAD]  }
0x2b: {  	s6 =	sld [smem:$0x3FAE]  }
0x2c: {  	s7 =	sld [smem:$0x3FAF]  }
0x2d: {  	s3 =	simm.s32 $0x108;
	s8 =	sld [smem:$0x3FB0]  }
0x2e: {  	s3 =	simm.s32 @!p0 $0x1082;
	s9 =	sld [smem:$0x3FB1]  }
0x2f: {  	lr =	sadd.s32 s0, s3;
	s0 =	sld [smem:$0x3FA8]  }
0x30: {  	s3 =	sld [smem:$0x3FAB]  }
0x31: {  	[smem:$0x3FB4] =	sst s10  }
0x32: {  	s10 =	sld [smem:$0x3FB2];
	_ =	sdelay $0x3  }
0x33: {  	p0 =	seq.s32 s10, $0x1;
	s10 =	sld [smem:$0x3FB4];
	_ =	sdelay $0x3  }
0x34: {  	[smem:$0x3FB4] =	sst s10  }
0x35: {  	s10 =	sld [smem:$0x3FB3];
	_ =	sdelay $0x3  }
0x36: {  	p1 =	seq.s32 s10, $0x1;
	s10 =	sld [smem:$0x3FB4];
	_ =	sdelay $0x3  }
0x37: {  	[smem:$0x3FB4] =	sst s10  }
0x38: {  	s10 =	sld [smem:$0x3FB5]  }
0x39: {  	_ = 	snop;
	(pc) =	sbr.ind lr, $3  }
0x3a: {  	_ = 	snop  }
0x3b: {  	_ = 	snop  }
0x3c: {  	p2 =	seq.s32 s10, $0x1;
	s10 =	sld [smem:$0x3FB4]  }
0x3d: {  	_ =	shalt  }
0x3e: {  	_ =	shalt  }
0x3f: {  	_ =	shalt  }
0x40: {  	_ =	shalt  }
0x41: {  	_ =	shalt  }
0x42: {  	_ =	shalt  }
0x43: {  	_ =	shalt  }
0x44: {  	_ =	shalt  }
0x45: {  	_ =	shalt  }
0x46: {  	_ =	shalt  }
0x47: {  	_ =	shalt  }
0x48: {  	_ =	shalt  }
0x49: {  	_ =	shalt  }
0x4a: {  	_ =	shalt  }
0x4b: {  	_ =	shalt  }
0x4c: {  	_ =	shalt  }
0x4d: {  	_ =	shalt  }
0x4e: {  	_ =	shalt  }
0x4f: {  	_ =	shalt  }
0x50: {  	_ =	shalt  }
0x51: {  	_ =	shalt  }
0x52: {  	_ =	shalt  }
0x53: {  	_ =	shalt  }
0x54: {  	_ =	shalt  }
0x55: {  	_ =	shalt  }
0x56: {  	_ =	shalt  }
0x57: {  	_ =	shalt  }
0x58: {  	_ =	shalt  }
0x59: {  	_ =	shalt  }
0x5a: {  	_ =	shalt  }
0x5b: {  	_ =	shalt  }
0x5c: {  	_ =	shalt  }
0x5d: {  	_ =	shalt  }
0x5e: {  	_ =	shalt  }
0x5f: {  	_ =	shalt  }
0x60: {  	_ =	shalt  }
0x61: {  	_ =	shalt  }
0x62: {  	_ =	shalt  }
0x63: {  	_ =	shalt  }
0x64: {  	_ =	shalt  }
0x65: {  	_ =	shalt  }
0x66: {  	_ =	shalt  }
0x67: {  	_ =	shalt  }
0x68: {  	_ =	shalt  }
0x69: {  	_ =	shalt  }
0x6a: {  	_ =	shalt  }
0x6b: {  	_ =	shalt  }
0x6c: {  	_ =	shalt  }
0x6d: {  	_ =	shalt  }
0x6e: {  	_ =	shalt  }
0x6f: {  	_ =	shalt  }
0x70: {  	_ =	shalt  }
0x71: {  	_ =	shalt  }
0x72: {  	_ =	shalt  }
0x73: {  	_ =	shalt  }
0x74: {  	_ =	shalt  }
0x75: {  	_ =	shalt  }
0x76: {  	_ =	shalt  }
0x77: {  	_ =	shalt  }
0x78: {  	_ =	shalt  }
0x79: {  	_ =	shalt  }
0x7a: {  	_ =	shalt  }
0x7b: {  	_ =	shalt  }
0x7c: {  	_ =	shalt  }
0x7d: {  	_ =	shalt  }
0x7e: {  	_ =	shalt  }
0x7f: {  	_ =	shalt  }
0x80: {  	_ =	shalt  }
0x81: {  	_ =	shalt  }
0x82: {  	_ =	shalt  }
0x83: {  	_ =	shalt  }
0x84: {  	_ =	shalt  }
0x85: {  	_ =	shalt  }
0x86: {  	_ =	shalt  }
0x87: {  	_ =	shalt  }
.Lfunc_end0:
.L_simem_size_0:
called_computation.1_lowered:
.L_overlay_start_0:
0x88: {  	s2 =	sld [smem:$0x3FD9]  }
0x89: {  	s3 =	sld [smem:$0x3FFE];
	_ =	sdelay $0x1  }
0x8a: {  	s1 =	srdreg.scid  }
0x8b: {  	s0 =	sand.u32 $0x1, s1  }
0x8c: {  	s17 =	sshll.u32 s0, $0xA;
	s2 =	sadd.s32 s3, s2  }
0x8d: {  	s2 =	sadd.s32 s2, s17  }
0x8e: {  	[smem:$0x3FC0] =	sst s2  }
0x8f: {  	_ = 	snop  }
0x90: {  	s2 =	sld [smem:$0x3FC9];
	(tm) =	ssettm $0x1  }
0x91: {  	s18 =	sld [smem:$0x3FFB];
	_ =	sdelay $0x3  }
0x92: {  	_ =	strace s18  }
0x93: {  	s3 =	sld [smem:$0x3FFC];
	_ =	sdelay $0x3  }
0x94: {  	_ =	strace s3  }
0x95: {  	s3 =	sld [smem:$0x3FFD];
	_ =	sdelay $0x3  }
0x96: {  	_ =	strace s3  }
0x97: {  	_ =	strace $0x8FFFFFFF  }
0x98: {  	s19 =	sld [smem:$0x3FDB];
	_ =	sdelay $0x1  }
0x99: {  	s4 =	simm.s32 $_scs_section_size  }
0x9a: {  	s5 =	simm.s32 $_size__tile_overlayer_lowered;
	s6 =	simm.s32 $_tile_overlayer_lowered  }
0x9b: {  	s22 =	simm.s32 $0x1BFF;
	s21 =	sshll.u32 s6, $0x1;
	s3 =	sadd.s32 s4, s19  }
0x9c: {  	s7 =	simm.s32 $0x0;
	s20 =	sshll.u32 s5, $0x1;
	s5 =	sadd.s32 s21, s3  }
0x9d: {  	[timem:s7], [sflag:s22] =	dma.local [hbm:s5], s20  }
0x9e: {  	_ =	swait.ge [sflag:s22], s20  }
0x9f: {  	s4 =	ssub.s32 $0x0, s20;
	[sflag:s22] =	ssyncset.done $0x0  }
0xa0: {  	[sflag:s22] =	ssyncadd.s32 s4;
	_ =	sdelay $0x1  }
0xa1: {  	s23 =	simm.s32 $0x1B8B  }
0xa2: {  	_ =	swait.ge [sflag:s23], $0x1  }
0xa3: {  	[sflag:s23] =	ssyncset.done $0x0  }
0xa4: {  	s25 =	simm.s32 $0x1B8E;
	s24 =	sld [smem:$0x3FFE];
	[sflag:s23] =	ssyncadd.s32 $0xFFFFFFFF  }
0xa5: {  	s26 =	simm.s32 $execute0_lowered;
	[smem:$0x3FD2] =	sst s25  }
0xa6: {  	s5 =	sshll.u32 s26, $0x1;
	_ =	strace $0x80000046;
	[dreg:$0x1] =	wrdreg $0xFFFFFFFF  }
0xa7: {  	s28 =	simm.s32 $_size_execute0_lowered;
	s3 =	sadd.s32 s3, s5;
	[dreg:$0x0] =	wrdreg $0x0  }
0xa8: {  	s5 =	sshll.u32 s28, $0x1;
	[dreg:$0x2] =	wrdreg s3  }
0xa9: {  	[dreg:$0x3] =	wrdreg s5  }
0xaa: {  	[dreg:$0x4] =	wrdreg $0xC0  }
0xab: {  	_ =	task [dreg:s7], $0x5FFFF  }
0xac: {  	[dreg:$0x1] =	wrdreg $0xFFFFFFFF  }
0xad: {  	[dreg:$0x0] =	wrdreg $0x60  }
0xae: {  	[dreg:$0x2] =	wrdreg s2  }
0xaf: {  	[dreg:$0x3] =	wrdreg s24  }
0xb0: {  	[dreg:$0x4] =	wrdreg $0xA  }
0xb1: {  	_ =	task.clear_ibuf [dreg:s7], $0x5FFFF;
	_ =	strace $0x90000046  }
0xb2: {  	s29 =	simm.s32 $0xA;
	_ =	strace $0x80000048  }
0xb3: {  	_ =	swait.ge [sflag:s29], $0x1  }
0xb4: {  	[sflag:s29] =	ssyncadd.s32 $0xFFFFFFFF  }
0xb5: {  	_ =	strace $0x90000048  }
0xb6: {  	_ =	sfence  }
0xb7: {  	s30 =	sld [smem:$0x0];
	_ =	sdelay $0x2  }
0xb8: {  	s31 =	sshll.u32 s1, $0xD;
	s1 =	sshrl.u32 s1, $0x2  }
0xb9: {  	s3 =	sand.u32 $0x4000, s31;
	s1 =	sadd.s32 s1, s30  }
0xba: {  	s0 =	sor.u32 s3, s0;
	s1 =	sshll.u32 s1, $0x11  }
0xbb: {  	s0 =	sor.u32 s1, s0  }
0xbc: {  	s0 =	sadd.s32 $0x8F2B, s0  }
0xbd: {  	[sflag:s0] =	ssyncadd.remote.s32 $0x1  }
0xbe: {  	_ =	sfence.sel $0xFFFF  }
0xbf: {  	[dreg:$0x0] =	wrdreg $0xFFFFFFFF;
	(pc) =	sbr.abs _section_cstart, $3  }
0xc0: {  	[dreg:$0x1] =	wrdreg $0xFFFFFFFF  }
0xc1: {  	_ =	task.clear_ibuf [dreg:s7], $0x2FFFF;
	_ =	strace $0x9FFFFFFF  }
0xc2: {  	(tm) =	ssettm $0x7FFFFFFF  }
0xc3: {  	_ =	shalt  }
tec
execute0_lowered:
.L_overlay_start_1:
0x0: {  	(tag) =	ssettag $0x1  }
0x1: {  	s5 =	rddreg [dreg:$0x0]  }
0x2: {  	s4 =	rddreg [dreg:$0x1];
	s2 =	srdreg.scid  }
0x3: {  	s0 =	rddreg [dreg:$0x2];
	s1 =	stileid.u32  }
0x4: {  	s11 =	simm.s32 $0x80;
	s12 =	simm.s32 $0x200;
	s13 =	simm.s32 $0x4200  }
0x5: {  	s14 =	simm.s32 $0x100;
	s15 =	simm.s32 $0x8200;
	s16 =	simm.s32 $0x180  }
0x6: {  	s17 =	simm.s32 $0xC200;
	s18 =	simm.s32 $0x1;
	s3 =	sand.u32 $0x1, s2  }
0x7: {  	s2 =	simm.s32 $0x0;
	s6 =	sshll.u32 s1, $0xA;
	s7 =	sshll.u32 s3, $0x9  }
0x8: {  	s19 =	simm.s32 $0x2;
	[smem:$0x7FF] =	sst s2;
	s6 =	sor.u32 s7, s6  }
0x9: {  	s8 =	ssub.s32 $0x2, s3;
	s3 =	sadd.s32 $0x2E00, s4;
	s7 =	sshll.u32 s6, $0x4  }
0xa: {  	_ =	strace $0x80000047;
	s31 =	sshrl.u32 s8, $0x1;
	s9 =	sadd.s32 s7, s4  }
0xb: {  	s10 =	ssub.s32 s8, s31;
	s6 =	sshrl.u32 s6, $0x3;
	s4 =	sadd.s32 $0x202E00, s9  }
0xc: {  	s5 =	sadd.s32 s5, s6;
	s6 =	sadd.s32 $0x203600, s9;
	s7 =	sadd.s32 $0x203E00, s9  }
0xd: {  	v0 =	vimm.s32 $0x0;
	s8 =	sadd.s32 $0x204600, s9;
	s9 =	smax.u32 s10, $0x1;
	s10 =	simm.s32 $0x3  }
.LBB2_1:
0xe: {  	[tilespmem:s2], [sflag:$0x3] =	stream.linear.gather [hbm4b:s5+s2], $0x200, $0x38;
	[tilespmem:$0x10200] =	vst v63  }
0xf: {  	_ =	swait.ge [sflag:s10], $0x200  }
0x10: {  	[sflag:s10] =	ssyncset.done $0x0  }
0x11: {  	[sflag:s10] =	ssyncadd.s32 $0xFFFFFE00  }
0x12: {  	v1 =	vld [tilespmem:$0x0];
	_ =	sdelay $0x1  }
0x13: {  	v4 =	vld [tilespmem:$0x10];
	_ =	sdelay $0x2  }
0x14: {  	vm0 =	vgt.s32 v1, $0x1FFFF;
	vm1 =	vgt.s32 v1, $0x3FFFF  }
0x15: {  	v6 =	vld [tilespmem:$0x20];
	vm10 =	vgt.s32 v1, $0x5FFFF;
	vm11 =	vgt.s32 v1, $0x7FFFF;
	vm12 =	vgt.s32 v1, $0x9FFFF  }
0x16: {  	v7 =	vld [tilespmem:$0x30];
	vm13 =	vgt.s32 v1, $0xBFFFF;
	vm14 =	vgt.s32 v1, $0xDFFFF;
	vm15 =	vgt.s32 v4, $0x1FFFF  }
0x17: {  	vm4 =	vgt.s32 v4, $0x3FFFF;
	vm5 =	vgt.s32 v4, $0x5FFFF;
	vm6 =	vgt.s32 v4, $0x7FFFF  }
0x18: {  	v63 =	vld [tilespmem:$0x40];
	vm7 =	vgt.s32 v4, $0x9FFFF;
	vm8 =	vgt.s32 v4, $0xBFFFF;
	vm9 =	vgt.s32 v4, $0xDFFFF  }
0x19: {  	v9 =	vld [tilespmem:$0x50];
	v2 =	vsel vm0, $0xFFFFFFFF, v0;
	v3 =	vsel vm1, $0xFFFFFFFF, v0;
	v5 =	vsel vm4, $0xFFFFFFFF, v0  }
0x1a: {  	v53 =	vsel vm6, $0xFFFFFFFF, v0;
	v54 =	vsel vm8, $0xFFFFFFFF, v0;
	vm4 =	vgt.s32 v6, $0xDFFFF  }
0x1b: {  	vm6 =	vgt.s32 v7, $0x3FFFF;
	vm8 =	vgt.s32 v7, $0x7FFFF;
	v2 =	vadd.s32 v3, v2  }
0x1c: {  	v10 =	vld [tilespmem:$0x60];
	v3 =	vsel vm10, $0xFFFFFFFF, v0;
	vm10 =	vgt.s32 v6, $0x1FFFF;
	v60 =	vsel vm4, $0xFFFFFFFF, v0  }
0x1d: {  	v62 =	vsel vm6, $0xFFFFFFFF, v0;
	v13 =	vsel vm8, $0xFFFFFFFF, v0;
	vm4 =	vgt.s32 v63, $0x9FFFF  }
0x1e: {  	vm6 =	vgt.s32 v63, $0xDFFFF;
	vm8 =	vgt.s32 v9, $0x3FFFF;
	v2 =	vadd.s32 v3, v2  }
0x1f: {  	v3 =	vsel vm11, $0xFFFFFFFF, v0;
	v55 =	vsel vm10, $0xFFFFFFFF, v0;
	vm11 =	vgt.s32 v6, $0x3FFFF  }
0x20: {  	vm10 =	vgt.s32 v7, $0xBFFFF;
	v20 =	vsel vm4, $0xFFFFFFFF, v0;
	v22 =	vsel vm6, $0xFFFFFFFF, v0  }
0x21: {  	v24 =	vsel vm8, $0xFFFFFFFF, v0;
	vm4 =	vgt.s32 v10, $0x5FFFF;
	vm6 =	vgt.s32 v10, $0x9FFFF  }
0x22: {  	v33 =	vld [tilespmem:$0x70];
	vm8 =	vgt.s32 v10, $0xDFFFF;
	v2 =	vadd.s32 v3, v2;
	v3 =	vsel vm12, $0xFFFFFFFF, v0  }
0x23: {  	vm12 =	vgt.s32 v6, $0x5FFFF;
	v15 =	vsel vm10, $0xFFFFFFFF, v0;
	vm10 =	vgt.s32 v9, $0x7FFFF  }
0x24: {  	v34 =	vsel vm4, $0xFFFFFFFF, v0;
	v36 =	vsel vm6, $0xFFFFFFFF, v0;
	v38 =	vsel vm8, $0xFFFFFFFF, v0  }
0x25: {  	v2 =	vadd.s32 v3, v2;
	v3 =	vsel vm13, $0xFFFFFFFF, v0;
	v56 =	vsel vm12, $0xFFFFFFFF, v0  }
0x26: {  	vm13 =	vgt.s32 v6, $0x7FFFF;
	vm12 =	vgt.s32 v63, $0x1FFFF;
	v26 =	vsel vm10, $0xFFFFFFFF, v0  }
0x27: {  	vm10 =	vgt.s32 v33, $0x3FFFF;
	v2 =	vadd.s32 v3, v2;
	v3 =	vsel vm14, $0xFFFFFFFF, v0  }
0x28: {  	v57 =	vsel vm13, $0xFFFFFFFF, v0;
	vm14 =	vgt.s32 v6, $0x9FFFF;
	v17 =	vsel vm12, $0xFFFFFFFF, v0  }
0x29: {  	vm13 =	vgt.s32 v63, $0x3FFFF;
	vm12 =	vgt.s32 v9, $0xBFFFF;
	v11 =	vsel vm10, $0xFFFFFFFF, v0  }
0x2a: {  	v2 =	vadd.s32 v3, v2;
	v3 =	vsel vm15, $0xFFFFFFFF, v0;
	v58 =	vsel vm14, $0xFFFFFFFF, v0  }
0x2b: {  	vm15 =	vgt.s32 v6, $0xBFFFF;
	v8 =	vsel vm13, $0xFFFFFFFF, v0;
	vm14 =	vgt.s32 v63, $0x5FFFF  }
0x2c: {  	v28 =	vsel vm12, $0xFFFFFFFF, v0;
	vm13 =	vgt.s32 v9, $0xDFFFF;
	vm12 =	vgt.s32 v33, $0x7FFFF  }
0x2d: {  	v2 =	vshll.u32 v2, $0x11;
	v3 =	vadd.s32 v5, v3;
	v59 =	vsel vm15, $0xFFFFFFFF, v0  }
0x2e: {  	v18 =	vsel vm14, $0xFFFFFFFF, v0;
	vm15 =	vgt.s32 v63, $0x7FFFF;
	v5 =	vadd.s32 v8, v17  }
0x2f: {  	v29 =	vsel vm13, $0xFFFFFFFF, v0;
	vm14 =	vgt.s32 v10, $0x1FFFF;
	v41 =	vsel vm12, $0xFFFFFFFF, v0  }
0x30: {  	vm13 =	vgt.s32 v33, $0x9FFFF;
	v1 =	vadd.s32 v1, v2;
	v2 =	vsel vm5, $0xFFFFFFFF, v0  }
0x31: {  	vm5 =	vgt.s32 v7, $0x1FFFF;
	v19 =	vsel vm15, $0xFFFFFFFF, v0;
	v5 =	vadd.s32 v18, v5  }
0x32: {  	v31 =	vsel vm14, $0xFFFFFFFF, v0;
	vm15 =	vgt.s32 v10, $0x3FFFF;
	v42 =	vsel vm13, $0xFFFFFFFF, v0  }
0x33: {  	vm14 =	vgt.s32 v33, $0xBFFFF;
	v2 =	vadd.s32 v2, v3;
	v3 =	vsel vm7, $0xFFFFFFFF, v0  }
0x34: {  	v61 =	vsel vm5, $0xFFFFFFFF, v0;
	vm7 =	vgt.s32 v7, $0x5FFFF;
	vm5 =	vgt.s32 v63, $0xBFFFF  }
0x35: {  	v5 =	vadd.s32 v19, v5;
	v32 =	vsel vm15, $0xFFFFFFFF, v0;
	v43 =	vsel vm14, $0xFFFFFFFF, v0  }
0x36: {  	vm15 =	vgt.s32 v33, $0xDFFFF;
	v2 =	vadd.s32 v53, v2;
	v12 =	vsel vm7, $0xFFFFFFFF, v0  }
0x37: {  	v21 =	vsel vm5, $0xFFFFFFFF, v0;
	v5 =	vadd.s32 v20, v5;
	vm7 =	vgt.s32 v9, $0x1FFFF  }
0x38: {  	vm5 =	vgt.s32 v10, $0x7FFFF;
	v44 =	vsel vm15, $0xFFFFFFFF, v0;
	v2 =	vadd.s32 v3, v2  }
0x39: {  	v3 =	vsel vm9, $0xFFFFFFFF, v0;
	vm9 =	vgt.s32 v7, $0x9FFFF;
	v5 =	vadd.s32 v21, v5  }
0x3a: {  	v23 =	vsel vm7, $0xFFFFFFFF, v0;
	v35 =	vsel vm5, $0xFFFFFFFF, v0;
	vm7 =	vgt.s32 v10, $0xBFFFF  }
0x3b: {  	v2 =	vadd.s32 v54, v2;
	v14 =	vsel vm9, $0xFFFFFFFF, v0;
	v5 =	vadd.s32 v22, v5  }
0x3c: {  	vm9 =	vgt.s32 v9, $0x5FFFF;
	v37 =	vsel vm7, $0xFFFFFFFF, v0;
	v2 =	vadd.s32 v3, v2  }
0x3d: {  	v3 =	vsel vm11, $0xFFFFFFFF, v0;
	vm11 =	vgt.s32 v7, $0xDFFFF;
	v25 =	vsel vm9, $0xFFFFFFFF, v0  }
0x3e: {  	v5 =	vshll.u32 v5, $0x11;
	vm9 =	vgt.s32 v33, $0x1FFFF;
	v3 =	vadd.s32 v3, v55  }
0x3f: {  	v2 =	vshll.u32 v2, $0x11;
	v16 =	vsel vm11, $0xFFFFFFFF, v0;
	vm11 =	vgt.s32 v9, $0x9FFFF  }
0x40: {  	v5 =	vadd.s32 v63, v5;
	v39 =	vsel vm9, $0xFFFFFFFF, v0;
	v3 =	vadd.s32 v56, v3  }
0x41: {  	v2 =	vadd.s32 v4, v2;
	v4 =	vadd.s32 v62, v61;
	v27 =	vsel vm11, $0xFFFFFFFF, v0  }
0x42: {  	vm11 =	vgt.s32 v33, $0x5FFFF;
	v8 =	vadd.s32 v11, v39;
	v3 =	vadd.s32 v57, v3  }
0x43: {  	v4 =	vadd.s32 v12, v4;
	v12 =	vld [tilespmem:$0x80];
	v40 =	vsel vm11, $0xFFFFFFFF, v0;
	v3 =	vadd.s32 v58, v3  }
0x44: {  	v4 =	vadd.s32 v13, v4;
	v8 =	vadd.s32 v40, v8;
	v3 =	vadd.s32 v59, v3  }
0x45: {  	v4 =	vadd.s32 v14, v4;
	v8 =	vadd.s32 v41, v8;
	v3 =	vadd.s32 v60, v3  }
0x46: {  	v4 =	vadd.s32 v15, v4;
	v8 =	vadd.s32 v42, v8;
	v3 =	vshll.u32 v3, $0x11  }
0x47: {  	v4 =	vadd.s32 v16, v4;
	v8 =	vadd.s32 v43, v8;
	v3 =	vadd.s32 v6, v3  }
0x48: {  	v4 =	vshll.u32 v4, $0x11;
	vm4 =	vgt.s32 v12, $0x1FFFF;
	vm5 =	vgt.s32 v12, $0x3FFFF  }
0x49: {  	v13 =	vld [tilespmem:$0x90];
	v8 =	vadd.s32 v44, v8;
	vm6 =	vgt.s32 v12, $0x5FFFF;
	vm7 =	vgt.s32 v12, $0x7FFFF  }
0x4a: {  	vm8 =	vgt.s32 v12, $0x9FFFF;
	vm9 =	vgt.s32 v12, $0xBFFFF;
	vm10 =	vgt.s32 v12, $0xDFFFF  }
0x4b: {  	v55 =	vld [tilespmem:$0xA0];
	v4 =	vadd.s32 v7, v4;
	v7 =	vadd.s32 v24, v23;
	v45 =	vsel vm4, $0xFFFFFFFF, v0  }
0x4c: {  	v46 =	vsel vm5, $0xFFFFFFFF, v0;
	v47 =	vsel vm6, $0xFFFFFFFF, v0;
	v48 =	vsel vm7, $0xFFFFFFFF, v0  }
0x4d: {  	v49 =	vsel vm8, $0xFFFFFFFF, v0;
	v50 =	vsel vm9, $0xFFFFFFFF, v0;
	v8 =	vshll.u32 v8, $0x11  }
0x4e: {  	v51 =	vsel vm10, $0xFFFFFFFF, v0;
	vm11 =	vgt.s32 v13, $0x1FFFF;
	vm12 =	vgt.s32 v13, $0x3FFFF  }
0x4f: {  	vm13 =	vgt.s32 v13, $0x5FFFF;
	vm14 =	vgt.s32 v13, $0x7FFFF;
	vm15 =	vgt.s32 v13, $0x9FFFF  }
0x50: {  	vm4 =	vgt.s32 v13, $0xBFFFF;
	vm5 =	vgt.s32 v13, $0xDFFFF;
	vm6 =	vgt.s32 v55, $0x1FFFF  }
0x51: {  	vm7 =	vgt.s32 v55, $0x3FFFF;
	vm8 =	vgt.s32 v55, $0x5FFFF;
	vm9 =	vgt.s32 v55, $0x7FFFF  }
0x52: {  	vm10 =	vgt.s32 v55, $0x9FFFF;
	v7 =	vadd.s32 v25, v7;
	v8 =	vadd.s32 v33, v8  }
0x53: {  	v53 =	vsel vm11, $0xFFFFFFFF, v0;
	v54 =	vsel vm12, $0xFFFFFFFF, v0;
	v56 =	vsel vm13, $0xFFFFFFFF, v0  }
0x54: {  	v15 =	vld [tilespmem:$0xB0];
	v57 =	vsel vm14, $0xFFFFFFFF, v0;
	v58 =	vsel vm15, $0xFFFFFFFF, v0;
	v59 =	vsel vm4, $0xFFFFFFFF, v0  }
0x55: {  	v60 =	vsel vm5, $0xFFFFFFFF, v0;
	v61 =	vsel vm6, $0xFFFFFFFF, v0;
	v14 =	vsel vm7, $0xFFFFFFFF, v0  }
0x56: {  	v62 =	vsel vm8, $0xFFFFFFFF, v0;
	v63 =	vsel vm9, $0xFFFFFFFF, v0;
	v16 =	vsel vm10, $0xFFFFFFFF, v0  }
0x57: {  	vm11 =	vgt.s32 v55, $0xBFFFF;
	vm12 =	vgt.s32 v55, $0xDFFFF;
	v7 =	vadd.s32 v26, v7  }
0x58: {  	v11 =	vadd.s32 v14, v61;
	v17 =	vsel vm11, $0xFFFFFFFF, v0;
	v18 =	vsel vm12, $0xFFFFFFFF, v0  }
0x59: {  	vm13 =	vgt.s32 v15, $0x1FFFF;
	vm14 =	vgt.s32 v15, $0x3FFFF;
	vm15 =	vgt.s32 v15, $0x5FFFF  }
0x5a: {  	vm4 =	vgt.s32 v15, $0x7FFFF;
	vm5 =	vgt.s32 v15, $0x9FFFF;
	vm6 =	vgt.s32 v15, $0xBFFFF  }
0x5b: {  	vm7 =	vgt.s32 v15, $0xDFFFF;
	v7 =	vadd.s32 v27, v7;
	v11 =	vadd.s32 v62, v11  }
0x5c: {  	v19 =	vsel vm13, $0xFFFFFFFF, v0;
	v20 =	vsel vm14, $0xFFFFFFFF, v0;
	v21 =	vsel vm15, $0xFFFFFFFF, v0  }
0x5d: {  	v22 =	vsel vm4, $0xFFFFFFFF, v0;
	v7 =	vadd.s32 v28, v7;
	v11 =	vadd.s32 v63, v11  }
0x5e: {  	v30 =	vadd.s32 v29, v7;
	v7 =	vadd.s32 v32, v31;
	v11 =	vadd.s32 v16, v11;
	v16 =	vld [tilespmem:$0xC0]  }
0x5f: {  	v23 =	vsel vm5, $0xFFFFFFFF, v0;
	v24 =	vsel vm6, $0xFFFFFFFF, v0;
	v7 =	vadd.s32 v34, v7  }
0x60: {  	v25 =	vsel vm7, $0xFFFFFFFF, v0;
	v11 =	vadd.s32 v17, v11;
	v7 =	vadd.s32 v35, v7  }
0x61: {  	v29 =	vld [tilespmem:$0xD0];
	v6 =	vshll.u32 v30, $0x11;
	v11 =	vadd.s32 v18, v11;
	v7 =	vadd.s32 v36, v7  }
0x62: {  	v6 =	vadd.s32 v9, v6;
	v11 =	vshll.u32 v11, $0x11;
	v7 =	vadd.s32 v37, v7  }
0x63: {  	v11 =	vadd.s32 v55, v11;
	v7 =	vadd.s32 v38, v7;
	vm8 =	vgt.s32 v16, $0x1FFFF  }
0x64: {  	vm9 =	vgt.s32 v16, $0x3FFFF;
	vm10 =	vgt.s32 v16, $0x5FFFF;
	vm11 =	vgt.s32 v16, $0x7FFFF  }
0x65: {  	vm12 =	vgt.s32 v16, $0x9FFFF;
	vm13 =	vgt.s32 v16, $0xBFFFF;
	vm14 =	vgt.s32 v16, $0xDFFFF  }
0x66: {  	vm15 =	vgt.s32 v29, $0x1FFFF;
	vm4 =	vgt.s32 v29, $0x3FFFF;
	vm5 =	vgt.s32 v29, $0x5FFFF  }
0x67: {  	vm6 =	vgt.s32 v29, $0x7FFFF;
	vm7 =	vgt.s32 v29, $0x9FFFF;
	v7 =	vshll.u32 v7, $0x11  }
0x68: {  	v27 =	vsel vm8, $0xFFFFFFFF, v0;
	v28 =	vsel vm9, $0xFFFFFFFF, v0;
	v30 =	vsel vm10, $0xFFFFFFFF, v0  }
0x69: {  	v18 =	vld [tilespmem:$0xE0];
	v31 =	vsel vm11, $0xFFFFFFFF, v0;
	v32 =	vsel vm12, $0xFFFFFFFF, v0;
	v33 =	vsel vm13, $0xFFFFFFFF, v0  }
0x6a: {  	v34 =	vsel vm14, $0xFFFFFFFF, v0;
	v35 =	vsel vm15, $0xFFFFFFFF, v0;
	v17 =	vsel vm4, $0xFFFFFFFF, v0  }
0x6b: {  	v36 =	vsel vm5, $0xFFFFFFFF, v0;
	v37 =	vsel vm6, $0xFFFFFFFF, v0;
	v38 =	vsel vm7, $0xFFFFFFFF, v0  }
0x6c: {  	vm8 =	vgt.s32 v29, $0xBFFFF;
	vm9 =	vgt.s32 v29, $0xDFFFF;
	v7 =	vadd.s32 v10, v7  }
0x6d: {  	v10 =	vadd.s32 v46, v45;
	v14 =	vadd.s32 v17, v35;
	v39 =	vsel vm8, $0xFFFFFFFF, v0  }
0x6e: {  	v40 =	vsel vm9, $0xFFFFFFFF, v0;
	vm10 =	vgt.s32 v18, $0x1FFFF;
	vm11 =	vgt.s32 v18, $0x3FFFF  }
0x6f: {  	vm12 =	vgt.s32 v18, $0x5FFFF;
	vm13 =	vgt.s32 v18, $0x7FFFF;
	vm14 =	vgt.s32 v18, $0x9FFFF  }
0x70: {  	vm15 =	vgt.s32 v18, $0xBFFFF;
	vm4 =	vgt.s32 v18, $0xDFFFF;
	v10 =	vadd.s32 v47, v10  }
0x71: {  	v14 =	vadd.s32 v36, v14;
	v41 =	vsel vm10, $0xFFFFFFFF, v0;
	v10 =	vadd.s32 v48, v10  }
0x72: {  	v42 =	vsel vm11, $0xFFFFFFFF, v0;
	v43 =	vsel vm12, $0xFFFFFFFF, v0;
	v10 =	vadd.s32 v49, v10  }
0x73: {  	v44 =	vsel vm13, $0xFFFFFFFF, v0;
	v45 =	vsel vm14, $0xFFFFFFFF, v0;
	v10 =	vadd.s32 v50, v10  }
0x74: {  	v14 =	vadd.s32 v37, v14;
	v52 =	vadd.s32 v51, v10;
	v10 =	vadd.s32 v54, v53;
	v51 =	vld [tilespmem:$0x100]  }
0x75: {  	v46 =	vsel vm15, $0xFFFFFFFF, v0;
	v14 =	vadd.s32 v38, v14;
	v10 =	vadd.s32 v56, v10  }
0x76: {  	v47 =	vsel vm4, $0xFFFFFFFF, v0;
	v14 =	vadd.s32 v39, v14;
	v10 =	vadd.s32 v57, v10  }
0x77: {  	v14 =	vadd.s32 v40, v14;
	v9 =	vshll.u32 v52, $0x11;
	v10 =	vadd.s32 v58, v10  }
0x78: {  	v14 =	vshll.u32 v14, $0x11;
	v9 =	vadd.s32 v12, v9;
	v10 =	vadd.s32 v59, v10  }
0x79: {  	v10 =	vadd.s32 v60, v10;
	vm12 =	vgt.s32 v51, $0x1FFFF;
	vm13 =	vgt.s32 v51, $0x3FFFF  }
0x7a: {  	vm14 =	vgt.s32 v51, $0x5FFFF;
	vm15 =	vgt.s32 v51, $0x7FFFF;
	v10 =	vshll.u32 v10, $0x11  }
0x7b: {  	vm4 =	vgt.s32 v51, $0x9FFFF;
	v10 =	vadd.s32 v13, v10;
	v13 =	vadd.s32 v20, v19  }
0x7c: {  	v57 =	vsel vm12, $0xFFFFFFFF, v0;
	v19 =	vld [tilespmem:$0xF0];
	v20 =	vsel vm13, $0xFFFFFFFF, v0;
	v13 =	vadd.s32 v21, v13  }
0x7d: {  	v58 =	vsel vm14, $0xFFFFFFFF, v0;
	v17 =	vadd.s32 v20, v57;
	v13 =	vadd.s32 v22, v13  }
0x7e: {  	v59 =	vsel vm15, $0xFFFFFFFF, v0;
	v17 =	vadd.s32 v58, v17;
	v13 =	vadd.s32 v23, v13  }
0x7f: {  	v60 =	vsel vm4, $0xFFFFFFFF, v0;
	v17 =	vadd.s32 v59, v17;
	v13 =	vadd.s32 v24, v13  }
0x80: {  	v14 =	vadd.s32 v29, v14;
	v17 =	vadd.s32 v60, v17;
	v26 =	vadd.s32 v25, v13  }
0x81: {  	v13 =	vadd.s32 v28, v27;
	vm5 =	vgt.s32 v19, $0x1FFFF;
	vm6 =	vgt.s32 v19, $0x3FFFF  }
0x82: {  	v21 =	vld [tilespmem:$0x110];
	vm7 =	vgt.s32 v19, $0x5FFFF;
	vm8 =	vgt.s32 v19, $0x7FFFF;
	vm9 =	vgt.s32 v19, $0x9FFFF  }
0x83: {  	vm10 =	vgt.s32 v19, $0xBFFFF;
	vm11 =	vgt.s32 v19, $0xDFFFF;
	v12 =	vshll.u32 v26, $0x11  }
0x84: {  	v13 =	vadd.s32 v30, v13;
	v49 =	vsel vm5, $0xFFFFFFFF, v0;
	v50 =	vsel vm6, $0xFFFFFFFF, v0  }
0x85: {  	v52 =	vsel vm7, $0xFFFFFFFF, v0;
	v53 =	vsel vm8, $0xFFFFFFFF, v0;
	v54 =	vsel vm9, $0xFFFFFFFF, v0  }
0x86: {  	v55 =	vsel vm10, $0xFFFFFFFF, v0;
	v56 =	vsel vm11, $0xFFFFFFFF, v0;
	vm5 =	vgt.s32 v51, $0xBFFFF  }
0x87: {  	vm6 =	vgt.s32 v51, $0xDFFFF;
	vm7 =	vgt.s32 v21, $0x1FFFF;
	vm8 =	vgt.s32 v21, $0x3FFFF  }
0x88: {  	v22 =	vld [tilespmem:$0x120];
	vm9 =	vgt.s32 v21, $0x5FFFF;
	vm10 =	vgt.s32 v21, $0x7FFFF;
	vm11 =	vgt.s32 v21, $0x9FFFF  }
0x89: {  	vm12 =	vgt.s32 v21, $0xBFFFF;
	vm13 =	vgt.s32 v21, $0xDFFFF;
	v12 =	vadd.s32 v15, v12  }
0x8a: {  	v13 =	vadd.s32 v31, v13;
	v61 =	vsel vm5, $0xFFFFFFFF, v0;
	v62 =	vsel vm6, $0xFFFFFFFF, v0  }
0x8b: {  	v63 =	vsel vm7, $0xFFFFFFFF, v0;
	v24 =	vsel vm8, $0xFFFFFFFF, v0;
	v25 =	vsel vm9, $0xFFFFFFFF, v0  }
0x8c: {  	v26 =	vsel vm10, $0xFFFFFFFF, v0;
	v27 =	vsel vm11, $0xFFFFFFFF, v0;
	v28 =	vsel vm12, $0xFFFFFFFF, v0  }
0x8d: {  	v29 =	vsel vm13, $0xFFFFFFFF, v0;
	vm14 =	vgt.s32 v22, $0x1FFFF;
	vm15 =	vgt.s32 v22, $0x3FFFF  }
0x8e: {  	vm4 =	vgt.s32 v22, $0x5FFFF;
	vm5 =	vgt.s32 v22, $0x7FFFF;
	v13 =	vadd.s32 v32, v13  }
0x8f: {  	vm6 =	vgt.s32 v22, $0x9FFFF;
	vm7 =	vgt.s32 v22, $0xBFFFF;
	v13 =	vadd.s32 v33, v13  }
0x90: {  	vm8 =	vgt.s32 v22, $0xDFFFF;
	v17 =	vadd.s32 v61, v17;
	v13 =	vadd.s32 v34, v13  }
0x91: {  	v31 =	vsel vm14, $0xFFFFFFFF, v0;
	v32 =	vsel vm15, $0xFFFFFFFF, v0;
	v33 =	vld [tilespmem:$0x130];
	v13 =	vshll.u32 v13, $0x11  }
0x92: {  	v35 =	vsel vm5, $0xFFFFFFFF, v0;
	v13 =	vadd.s32 v16, v13;
	v16 =	vadd.s32 v42, v41  }
0x93: {  	v36 =	vsel vm6, $0xFFFFFFFF, v0;
	v37 =	vsel vm7, $0xFFFFFFFF, v0;
	v16 =	vadd.s32 v43, v16  }
0x94: {  	v38 =	vsel vm8, $0xFFFFFFFF, v0;
	v17 =	vadd.s32 v62, v17;
	v16 =	vadd.s32 v44, v16  }
0x95: {  	v17 =	vshll.u32 v17, $0x11;
	v34 =	vsel vm4, $0xFFFFFFFF, v0;
	v16 =	vadd.s32 v45, v16  }
0x96: {  	v17 =	vadd.s32 v51, v17;
	vm9 =	vgt.s32 v33, $0x1FFFF;
	v16 =	vadd.s32 v46, v16  }
0x97: {  	vm10 =	vgt.s32 v33, $0x3FFFF;
	v48 =	vadd.s32 v47, v16;
	v16 =	vadd.s32 v50, v49  }
0x98: {  	vm11 =	vgt.s32 v33, $0x5FFFF;
	vm12 =	vgt.s32 v33, $0x7FFFF;
	v16 =	vadd.s32 v52, v16  }
0x99: {  	vm13 =	vgt.s32 v33, $0x9FFFF;
	vm14 =	vgt.s32 v33, $0xBFFFF;
	v16 =	vadd.s32 v53, v16  }
0x9a: {  	vm15 =	vgt.s32 v33, $0xDFFFF;
	v39 =	vsel vm9, $0xFFFFFFFF, v0;
	v16 =	vadd.s32 v54, v16  }
0x9b: {  	v23 =	vsel vm10, $0xFFFFFFFF, v0;
	v40 =	vsel vm11, $0xFFFFFFFF, v0;
	v16 =	vadd.s32 v55, v16  }
0x9c: {  	v41 =	vsel vm12, $0xFFFFFFFF, v0;
	v20 =	vadd.s32 v23, v39;
	v16 =	vadd.s32 v56, v16  }
0x9d: {  	v42 =	vsel vm13, $0xFFFFFFFF, v0;
	v20 =	vadd.s32 v40, v20;
	v16 =	vshll.u32 v16, $0x11  }
0x9e: {  	v20 =	vadd.s32 v41, v20;
	v16 =	vadd.s32 v19, v16;
	v19 =	vadd.s32 v24, v63  }
0x9f: {  	v43 =	vsel vm14, $0xFFFFFFFF, v0;
	v20 =	vadd.s32 v42, v20;
	v24 =	vld [tilespmem:$0x140];
	v19 =	vadd.s32 v25, v19  }
0xa0: {  	v44 =	vsel vm15, $0xFFFFFFFF, v0;
	v20 =	vadd.s32 v43, v20;
	v19 =	vadd.s32 v26, v19  }
0xa1: {  	v15 =	vshll.u32 v48, $0x11;
	v20 =	vadd.s32 v44, v20;
	v19 =	vadd.s32 v27, v19  }
0xa2: {  	v15 =	vadd.s32 v18, v15;
	v20 =	vshll.u32 v20, $0x11;
	v19 =	vadd.s32 v28, v19  }
0xa3: {  	v20 =	vadd.s32 v33, v20;
	v30 =	vadd.s32 v29, v19;
	v19 =	vadd.s32 v32, v31  }
0xa4: {  	v25 =	vld [tilespmem:$0x150];
	vm4 =	vgt.s32 v24, $0x1FFFF;
	vm5 =	vgt.s32 v24, $0x3FFFF;
	vm6 =	vgt.s32 v24, $0x5FFFF  }
0xa5: {  	vm7 =	vgt.s32 v24, $0x7FFFF;
	vm8 =	vgt.s32 v24, $0x9FFFF;
	vm9 =	vgt.s32 v24, $0xBFFFF  }
0xa6: {  	v55 =	vld [tilespmem:$0x160];
	vm10 =	vgt.s32 v24, $0xDFFFF;
	v18 =	vshll.u32 v30, $0x11;
	v19 =	vadd.s32 v34, v19  }
0xa7: {  	v45 =	vsel vm4, $0xFFFFFFFF, v0;
	v46 =	vsel vm5, $0xFFFFFFFF, v0;
	v47 =	vsel vm6, $0xFFFFFFFF, v0  }
0xa8: {  	v48 =	vsel vm7, $0xFFFFFFFF, v0;
	v49 =	vsel vm8, $0xFFFFFFFF, v0;
	v50 =	vsel vm9, $0xFFFFFFFF, v0  }
0xa9: {  	v51 =	vsel vm10, $0xFFFFFFFF, v0;
	vm11 =	vgt.s32 v25, $0x1FFFF;
	vm12 =	vgt.s32 v25, $0x3FFFF  }
0xaa: {  	vm13 =	vgt.s32 v25, $0x5FFFF;
	vm14 =	vgt.s32 v25, $0x7FFFF;
	vm15 =	vgt.s32 v25, $0x9FFFF  }
0xab: {  	vm4 =	vgt.s32 v25, $0xBFFFF;
	vm5 =	vgt.s32 v25, $0xDFFFF;
	vm6 =	vgt.s32 v55, $0x1FFFF  }
0xac: {  	vm7 =	vgt.s32 v55, $0x3FFFF;
	vm8 =	vgt.s32 v55, $0x5FFFF;
	vm9 =	vgt.s32 v55, $0x7FFFF  }
0xad: {  	vm10 =	vgt.s32 v55, $0x9FFFF;
	v18 =	vadd.s32 v21, v18;
	v19 =	vadd.s32 v35, v19  }
0xae: {  	v53 =	vsel vm11, $0xFFFFFFFF, v0;
	v54 =	vsel vm12, $0xFFFFFFFF, v0;
	v56 =	vsel vm13, $0xFFFFFFFF, v0  }
0xaf: {  	v27 =	vld [tilespmem:$0x170];
	v57 =	vsel vm14, $0xFFFFFFFF, v0;
	v58 =	vsel vm15, $0xFFFFFFFF, v0;
	v59 =	vsel vm4, $0xFFFFFFFF, v0  }
0xb0: {  	v60 =	vsel vm5, $0xFFFFFFFF, v0;
	v61 =	vsel vm6, $0xFFFFFFFF, v0;
	v26 =	vsel vm7, $0xFFFFFFFF, v0  }
0xb1: {  	v62 =	vsel vm8, $0xFFFFFFFF, v0;
	v63 =	vsel vm9, $0xFFFFFFFF, v0;
	v28 =	vsel vm10, $0xFFFFFFFF, v0  }
0xb2: {  	vm11 =	vgt.s32 v55, $0xBFFFF;
	vm12 =	vgt.s32 v55, $0xDFFFF;
	v19 =	vadd.s32 v36, v19  }
0xb3: {  	v23 =	vadd.s32 v26, v61;
	v29 =	vsel vm11, $0xFFFFFFFF, v0;
	v30 =	vsel vm12, $0xFFFFFFFF, v0  }
0xb4: {  	v41 =	vld [tilespmem:$0x190];
	vm13 =	vgt.s32 v27, $0x1FFFF;
	vm14 =	vgt.s32 v27, $0x3FFFF;
	vm15 =	vgt.s32 v27, $0x5FFFF  }
0xb5: {  	vm4 =	vgt.s32 v27, $0x7FFFF;
	vm5 =	vgt.s32 v27, $0x9FFFF;
	vm6 =	vgt.s32 v27, $0xBFFFF  }
0xb6: {  	vm7 =	vgt.s32 v27, $0xDFFFF;
	v19 =	vadd.s32 v37, v19;
	v23 =	vadd.s32 v62, v23  }
0xb7: {  	v31 =	vsel vm13, $0xFFFFFFFF, v0;
	v32 =	vsel vm14, $0xFFFFFFFF, v0;
	v33 =	vsel vm15, $0xFFFFFFFF, v0  }
0xb8: {  	v34 =	vsel vm4, $0xFFFFFFFF, v0;
	v35 =	vsel vm5, $0xFFFFFFFF, v0;
	v36 =	vsel vm6, $0xFFFFFFFF, v0  }
0xb9: {  	v37 =	vsel vm7, $0xFFFFFFFF, v0;
	vm15 =	vgt.s32 v41, $0x1FFFF;
	vm4 =	vgt.s32 v41, $0x3FFFF  }
0xba: {  	vm5 =	vgt.s32 v41, $0x5FFFF;
	vm6 =	vgt.s32 v41, $0x7FFFF;
	v19 =	vadd.s32 v38, v19  }
0xbb: {  	vm7 =	vgt.s32 v41, $0x9FFFF;
	v23 =	vadd.s32 v63, v23;
	v19 =	vshll.u32 v19, $0x11  }
0xbc: {  	v23 =	vadd.s32 v28, v23;
	v28 =	vld [tilespmem:$0x180];
	v19 =	vadd.s32 v22, v19;
	v22 =	vadd.s32 v46, v45  }
0xbd: {  	v23 =	vadd.s32 v29, v23;
	v29 =	vsel vm4, $0xFFFFFFFF, v0;
	v22 =	vadd.s32 v47, v22  }
0xbe: {  	v23 =	vadd.s32 v30, v23;
	v47 =	vsel vm15, $0xFFFFFFFF, v0;
	v22 =	vadd.s32 v48, v22  }
0xbf: {  	v23 =	vshll.u32 v23, $0x11;
	v48 =	vsel vm5, $0xFFFFFFFF, v0;
	v26 =	vadd.s32 v29, v47  }
0xc0: {  	v22 =	vadd.s32 v49, v22;
	v23 =	vadd.s32 v55, v23;
	v49 =	vsel vm6, $0xFFFFFFFF, v0  }
0xc1: {  	v26 =	vadd.s32 v48, v26;
	v22 =	vadd.s32 v50, v22;
	vm8 =	vgt.s32 v28, $0x1FFFF  }
0xc2: {  	vm9 =	vgt.s32 v28, $0x3FFFF;
	vm10 =	vgt.s32 v28, $0x5FFFF;
	vm11 =	vgt.s32 v28, $0x7FFFF  }
0xc3: {  	vm12 =	vgt.s32 v28, $0x9FFFF;
	vm13 =	vgt.s32 v28, $0xBFFFF;
	vm14 =	vgt.s32 v28, $0xDFFFF  }
0xc4: {  	v50 =	vsel vm7, $0xFFFFFFFF, v0;
	v26 =	vadd.s32 v49, v26;
	v52 =	vadd.s32 v51, v22  }
0xc5: {  	v30 =	vld [tilespmem:$0x1A0];
	v22 =	vadd.s32 v54, v53;
	v39 =	vsel vm8, $0xFFFFFFFF, v0;
	v40 =	vsel vm9, $0xFFFFFFFF, v0  }
0xc6: {  	v42 =	vsel vm10, $0xFFFFFFFF, v0;
	v43 =	vsel vm11, $0xFFFFFFFF, v0;
	v44 =	vsel vm12, $0xFFFFFFFF, v0  }
0xc7: {  	v45 =	vsel vm13, $0xFFFFFFFF, v0;
	v46 =	vsel vm14, $0xFFFFFFFF, v0;
	vm8 =	vgt.s32 v41, $0xBFFFF  }
0xc8: {  	vm9 =	vgt.s32 v41, $0xDFFFF;
	v26 =	vadd.s32 v50, v26;
	v21 =	vshll.u32 v52, $0x11  }
0xc9: {  	v22 =	vadd.s32 v56, v22;
	v51 =	vsel vm8, $0xFFFFFFFF, v0;
	v52 =	vsel vm9, $0xFFFFFFFF, v0  }
0xca: {  	vm10 =	vgt.s32 v30, $0x1FFFF;
	vm11 =	vgt.s32 v30, $0x3FFFF;
	vm12 =	vgt.s32 v30, $0x5FFFF  }
0xcb: {  	v63 =	vld [tilespmem:$0x1C0];
	vm13 =	vgt.s32 v30, $0x7FFFF;
	vm14 =	vgt.s32 v30, $0x9FFFF;
	vm15 =	vgt.s32 v30, $0xBFFFF  }
0xcc: {  	vm4 =	vgt.s32 v30, $0xDFFFF;
	v21 =	vadd.s32 v24, v21;
	v22 =	vadd.s32 v57, v22  }
0xcd: {  	v26 =	vadd.s32 v51, v26;
	v53 =	vsel vm10, $0xFFFFFFFF, v0;
	v22 =	vadd.s32 v58, v22  }
0xce: {  	v54 =	vsel vm11, $0xFFFFFFFF, v0;
	v55 =	vsel vm12, $0xFFFFFFFF, v0;
	v22 =	vadd.s32 v59, v22  }
0xcf: {  	v56 =	vsel vm13, $0xFFFFFFFF, v0;
	v57 =	vsel vm14, $0xFFFFFFFF, v0;
	v22 =	vadd.s32 v60, v22  }
0xd0: {  	vm12 =	vgt.s32 v63, $0x1FFFF;
	vm13 =	vgt.s32 v63, $0x3FFFF;
	v22 =	vshll.u32 v22, $0x11  }
0xd1: {  	vm14 =	vgt.s32 v63, $0x5FFFF;
	v22 =	vadd.s32 v25, v22;
	v25 =	vadd.s32 v32, v31  }
0xd2: {  	[tilespmem:$0x10] =	vst v2;
	v26 =	vadd.s32 v52, v26;
	v58 =	vsel vm15, $0xFFFFFFFF, v0;
	v31 =	vld [tilespmem:$0x1B0];
	v25 =	vadd.s32 v33, v25  }
0xd3: {  	[tilespmem:$0x20] =	vst v3;
	v2 =	vsel vm13, $0xFFFFFFFF, v0;
	v3 =	vsel vm14, $0xFFFFFFFF, v0;
	v25 =	vadd.s32 v34, v25  }
0xd4: {  	vm15 =	vgt.s32 v63, $0x7FFFF;
	v26 =	vshll.u32 v26, $0x11;
	v25 =	vadd.s32 v35, v25  }
0xd5: {  	v59 =	vsel vm4, $0xFFFFFFFF, v0;
	vm4 =	vgt.s32 v63, $0x9FFFF;
	v25 =	vadd.s32 v36, v25  }
0xd6: {  	v26 =	vadd.s32 v41, v26;
	v38 =	vadd.s32 v37, v25;
	v25 =	vadd.s32 v40, v39  }
0xd7: {  	vm5 =	vgt.s32 v31, $0x1FFFF;
	vm6 =	vgt.s32 v31, $0x3FFFF;
	vm7 =	vgt.s32 v31, $0x5FFFF  }
0xd8: {  	vm8 =	vgt.s32 v31, $0x7FFFF;
	vm9 =	vgt.s32 v31, $0x9FFFF;
	vm10 =	vgt.s32 v31, $0xBFFFF  }
0xd9: {  	vm11 =	vgt.s32 v31, $0xDFFFF;
	v40 =	vsel vm15, $0xFFFFFFFF, v0;
	v24 =	vshll.u32 v38, $0x11  }
0xda: {  	v25 =	vadd.s32 v42, v25;
	v61 =	vsel vm5, $0xFFFFFFFF, v0;
	v62 =	vsel vm6, $0xFFFFFFFF, v0  }
0xdb: {  	v33 =	vsel vm7, $0xFFFFFFFF, v0;
	v34 =	vsel vm8, $0xFFFFFFFF, v0;
	v35 =	vsel vm9, $0xFFFFFFFF, v0  }
0xdc: {  	v39 =	vld [tilespmem:$0x1D0];
	v36 =	vsel vm10, $0xFFFFFFFF, v0;
	v37 =	vsel vm11, $0xFFFFFFFF, v0;
	v38 =	vsel vm12, $0xFFFFFFFF, v0  }
0xdd: {  	vm5 =	vgt.s32 v63, $0xBFFFF;
	vm6 =	vgt.s32 v63, $0xDFFFF;
	v25 =	vadd.s32 v43, v25  }
0xde: {  	v24 =	vadd.s32 v27, v24;
	v2 =	vadd.s32 v2, v38;
	v25 =	vadd.s32 v44, v25  }
0xdf: {  	v41 =	vsel vm5, $0xFFFFFFFF, v0;
	v2 =	vadd.s32 v3, v2;
	v25 =	vadd.s32 v45, v25  }
0xe0: {  	v3 =	vsel vm4, $0xFFFFFFFF, v0;
	v2 =	vadd.s32 v40, v2;
	v25 =	vadd.s32 v46, v25  }
0xe1: {  	v51 =	vld [tilespmem:$0x1F0];
	v2 =	vadd.s32 v3, v2;
	v3 =	vsel vm6, $0xFFFFFFFF, v0;
	vm7 =	vgt.s32 v39, $0x1FFFF  }
0xe2: {  	vm8 =	vgt.s32 v39, $0x3FFFF;
	vm9 =	vgt.s32 v39, $0x5FFFF;
	vm10 =	vgt.s32 v39, $0x7FFFF  }
0xe3: {  	[tilespmem:$0x0] =	vst v1;
	vm11 =	vgt.s32 v39, $0x9FFFF;
	vm12 =	vgt.s32 v39, $0xBFFFF;
	vm13 =	vgt.s32 v39, $0xDFFFF  }
0xe4: {  	[tilespmem:$0x40] =	vst v5;
	v43 =	vld [tilespmem:$0x1E0];
	v25 =	vshll.u32 v25, $0x11;
	v2 =	vadd.s32 v41, v2;
	v42 =	vsel vm7, $0xFFFFFFFF, v0  }
0xe5: {  	[tilespmem:$0x30] =	vst v4;
	v44 =	vsel vm9, $0xFFFFFFFF, v0;
	v45 =	vsel vm10, $0xFFFFFFFF, v0;
	v46 =	vsel vm11, $0xFFFFFFFF, v0  }
0xe6: {  	[tilespmem:$0x70] =	vst v8;
	v47 =	vsel vm12, $0xFFFFFFFF, v0;
	v48 =	vsel vm13, $0xFFFFFFFF, v0;
	vm9 =	vgt.s32 v51, $0x1FFFF  }
0xe7: {  	[tilespmem:$0x50] =	vst v6;
	vm10 =	vgt.s32 v51, $0x3FFFF;
	vm11 =	vgt.s32 v51, $0x5FFFF;
	vm12 =	vgt.s32 v51, $0x7FFFF  }
0xe8: {  	[tilespmem:$0xA0] =	vst v11;
	vm13 =	vgt.s32 v51, $0x9FFFF;
	v25 =	vadd.s32 v28, v25;
	v28 =	vadd.s32 v54, v53  }
0xe9: {  	[tilespmem:$0x60] =	vst v7;
	v2 =	vadd.s32 v3, v2;
	v3 =	vsel vm8, $0xFFFFFFFF, v0;
	vm14 =	vgt.s32 v43, $0x1FFFF  }
0xea: {  	[tilespmem:$0x80] =	vst v9;
	vm15 =	vgt.s32 v43, $0x3FFFF;
	vm4 =	vgt.s32 v43, $0x5FFFF;
	vm5 =	vgt.s32 v43, $0x7FFFF  }
0xeb: {  	[tilespmem:$0xD0] =	vst v14;
	vm6 =	vgt.s32 v43, $0x9FFFF;
	vm7 =	vgt.s32 v43, $0xBFFFF;
	vm8 =	vgt.s32 v43, $0xDFFFF  }
0xec: {  	[tilespmem:$0x90] =	vst v10;
	v28 =	vadd.s32 v55, v28;
	v2 =	vshll.u32 v2, $0x11;
	v3 =	vadd.s32 v3, v42  }
0xed: {  	[tilespmem:$0xB0] =	vst v12;
	v49 =	vsel vm14, $0xFFFFFFFF, v0;
	v50 =	vsel vm15, $0xFFFFFFFF, v0;
	v52 =	vsel vm4, $0xFFFFFFFF, v0  }
0xee: {  	[tilespmem:$0x100] =	vst v17;
	v53 =	vsel vm5, $0xFFFFFFFF, v0;
	v54 =	vsel vm6, $0xFFFFFFFF, v0;
	v55 =	vsel vm7, $0xFFFFFFFF, v0  }
0xef: {  	[tilespmem:$0xC0] =	vst v13;
	vm14 =	vgt.s32 v51, $0xBFFFF;
	vm15 =	vgt.s32 v51, $0xDFFFF;
	v28 =	vadd.s32 v56, v28  }
0xf0: {  	[tilespmem:$0xE0] =	vst v15;
	v2 =	vadd.s32 v63, v2;
	v3 =	vadd.s32 v44, v3;
	v4 =	vadd.s32 v50, v49  }
0xf1: {  	[tilespmem:$0x130] =	vst v20;
	v56 =	vsel vm8, $0xFFFFFFFF, v0;
	v63 =	vsel vm15, $0xFFFFFFFF, v0;
	v28 =	vadd.s32 v57, v28  }
0xf2: {  	[tilespmem:$0xF0] =	vst v16;
	v3 =	vadd.s32 v45, v3;
	v4 =	vadd.s32 v52, v4;
	v57 =	vsel vm9, $0xFFFFFFFF, v0  }
0xf3: {  	[tilespmem:$0x110] =	vst v18;
	v28 =	vadd.s32 v58, v28;
	v3 =	vadd.s32 v46, v3;
	v4 =	vadd.s32 v53, v4  }
0xf4: {  	[tilespmem:$0x120] =	vst v19;
	v58 =	vsel vm10, $0xFFFFFFFF, v0;
	v60 =	vadd.s32 v59, v28;
	v28 =	vadd.s32 v62, v61  }
0xf5: {  	[tilespmem:$0x160] =	vst v23;
	v3 =	vadd.s32 v47, v3;
	v4 =	vadd.s32 v54, v4;
	v28 =	vadd.s32 v33, v28  }
0xf6: {  	[tilespmem:$0x140] =	vst v21;
	v6 =	vadd.s32 v58, v57;
	v59 =	vsel vm11, $0xFFFFFFFF, v0;
	v28 =	vadd.s32 v34, v28  }
0xf7: {  	[tilespmem:$0x190] =	vst v26;
	v61 =	vsel vm13, $0xFFFFFFFF, v0;
	v62 =	vsel vm14, $0xFFFFFFFF, v0;
	v28 =	vadd.s32 v35, v28  }
0xf8: {  	[tilespmem:$0x150] =	vst v22;
	v27 =	vshll.u32 v60, $0x11;
	v3 =	vadd.s32 v48, v3;
	v28 =	vadd.s32 v36, v28  }
0xf9: {  	[tilespmem:$0x170] =	vst v24;
	v6 =	vadd.s32 v59, v6;
	v60 =	vsel vm12, $0xFFFFFFFF, v0;
	v1 =	vadd.s32 v37, v28  }
0xfa: {  	[tilespmem:$0x180] =	vst v25;
	v4 =	vadd.s32 v55, v4;
	v6 =	vadd.s32 v60, v6;
	v1 =	vshll.u32 v1, $0x11  }
0xfb: {  	[tilespmem:$0x1C0] =	vst v2;
	v27 =	vadd.s32 v30, v27;
	v6 =	vadd.s32 v61, v6;
	v1 =	vadd.s32 v31, v1  }
0xfc: {  	v4 =	vadd.s32 v56, v4;
	v3 =	vshll.u32 v3, $0x11;
	[tilespmem:$0x1B0] =	vst v1;
	v1 =	vadd.s32 v62, v6  }
0xfd: {  	[tilespmem:$0x1A0] =	vst v27;
	v2 =	vadd.s32 v39, v3;
	v3 =	vshll.u32 v4, $0x11;
	v1 =	vadd.s32 v63, v1  }
0xfe: {  	[tilespmem:$0x1D0] =	vst v2;
	v2 =	vadd.s32 v43, v3;
	v1 =	vshll.u32 v1, $0x11  }
0xff: {  	[tilespmem:$0x1E0] =	vst v2;
	v1 =	vadd.s32 v51, v1  }
0x100: {  	[tilespmem:$0x1F0] =	vst v1  }
0x101: {  	[tilespmem:s12], [sflag:$0x1] =	stream.indirect.gather [hbm4b:s3+s11], $0x80, s2, s11, $0xb8;
	[tilespmem:$0x10200] =	vst v63  }
0x102: {  	_ = 	snop  }
0x103: {  	[tilespmem:s13], [sflag:$0x1] =	stream.indirect.gather [hbm4b:s3+s11], $0x80, s11, s11, $0xb8;
	[tilespmem:$0x10200] =	vst v63  }
0x104: {  	_ = 	snop  }
0x105: {  	[tilespmem:s15], [sflag:$0x1] =	stream.indirect.gather [hbm4b:s3+s11], $0x80, s14, s11, $0xb8;
	[tilespmem:$0x10200] =	vst v63  }
0x106: {  	_ = 	snop  }
0x107: {  	[tilespmem:s17], [sflag:$0x1] =	stream.indirect.gather [hbm4b:s3+s11], $0x80, s16, s11, $0xb8;
	[tilespmem:$0x10200] =	vst v63  }
0x108: {  	_ =	swait.ge [sflag:s18], $0x4000  }
0x109: {  	[sflag:s18] =	ssyncset.done $0x0  }
0x10a: {  	[sflag:s18] =	ssyncadd.s32 $0xFFFFC000  }
0x10b: {  	_ =	swait.ge [sflag:s18], $0x4000  }
0x10c: {  	[sflag:s18] =	ssyncset.done $0x0  }
0x10d: {  	[sflag:s18] =	ssyncadd.s32 $0xFFFFC000  }
0x10e: {  	_ =	swait.ge [sflag:s18], $0x4000  }
0x10f: {  	[sflag:s18] =	ssyncset.done $0x0  }
0x110: {  	[sflag:s18] =	ssyncadd.s32 $0xFFFFC000  }
0x111: {  	_ =	swait.ge [sflag:s18], $0x4000  }
0x112: {  	[sflag:s18] =	ssyncset.done $0x0  }
0x113: {  	[sflag:s18] =	ssyncadd.s32 $0xFFFFC000  }
0x114: {  	[hbm4b:s4+s2] =	stream.linear.scatter [tilespmem:s12], [sflag:$0x2], $0x4000, $0x38;
	[tilespmem:$0x10200] =	vst v63  }
0x115: {  	_ = 	snop  }
0x116: {  	[hbm4b:s6+s2] =	stream.linear.scatter [tilespmem:s13], [sflag:$0x2], $0x4000, $0x38;
	[tilespmem:$0x10200] =	vst v63  }
0x117: {  	_ = 	snop  }
0x118: {  	[hbm4b:s7+s2] =	stream.linear.scatter [tilespmem:s15], [sflag:$0x2], $0x4000, $0x38;
	[tilespmem:$0x10200] =	vst v63  }
0x119: {  	_ = 	snop  }
0x11a: {  	[hbm4b:s8+s2] =	stream.linear.scatter [tilespmem:s17], [sflag:$0x2], $0x4000, $0x38;
	[tilespmem:$0x10200] =	vst v63  }
0x11b: {  	_ =	swait.ge [sflag:s19], $0x4000  }
0x11c: {  	[sflag:s19] =	ssyncset.done $0x0  }
0x11d: {  	[sflag:s19] =	ssyncadd.s32 $0xFFFFC000  }
0x11e: {  	_ =	swait.ge [sflag:s19], $0x4000  }
0x11f: {  	[sflag:s19] =	ssyncset.done $0x0  }
0x120: {  	[sflag:s19] =	ssyncadd.s32 $0xFFFFC000  }
0x121: {  	p0 =	sne.s32 s9, $0x1;
	_ =	swait.ge [sflag:s19], $0x4000  }
.Ltmp0:
0x122: {  	[sflag:s19] =	ssyncset.done $0x0;
	(pc) =	sbr.rel @p0 .LBB2_1-.Ltmp0, $4  }
0x123: {  	[sflag:s19] =	ssyncadd.s32 $0xFFFFC000  }
0x124: {  	_ =	swait.ge [sflag:s19], $0x4000  }
0x125: {  	[sflag:s19] =	ssyncset.done $0x0  }
0x126: {  	s9 =	sadd.s32 $0xFFFFFFFF, s9;
	[sflag:s19] =	ssyncadd.s32 $0xFFFFC000  }
0x127: {  	_ =	sfence.sel $0x180000  }
0x128: {  	[bflag:$0x0] =	sbarrier.arrive $0xFFFF  }
0x129: {  	p0 =	sne.s32 s1, $0x0;
	_ =	strace $0x90000047  }
0x12a: {  	s0 =	sadd.s32 @!p0 $0x100000, s0;
	[bflag:$0x2] =	sbarrier.arrive $0xFFFF  }
0x12b: {  	[sflag:s0] =	ssyncadd.tile.s32 @!p0 $0x1;
	_ =	shalt  }
.Lfunc_end2:
_tile_overlayer_lowered:
.L_overlay_start_2:
0x12c: {  	(tag) =	ssettag $0x2  }
0x12d: {  	s0 =	rddreg [dreg:$0x0];
	s2 =	stileid.u32  }
0x12e: {  	s1 =	rddreg [dreg:$0x1];
	p0 =	sne.s32 s2, $0x0  }
0x12f: {  	s3 =	rddreg [dreg:$0x2];
	[bflag:$0x3] =	sbarrier.arrive $0xFFFF;
	s2 =	simm.s32 @!p0 $0x1C03  }
0x130: {  	[timem:s3], [sflag:s2] =	dma.local @!p0 [hbm:s0], s1  }
0x131: {  	s0 =	simm.s32 @!p0 $0x3  }
0x132: {  	_ =	swait.ge @!p0 [sflag:s0], s1  }
0x133: {  	s1 =	ssub.s32 @!p0 $0x0, s1;
	[sflag:s0] =	ssyncset.done @!p0 $0x0  }
0x134: {  	[sflag:s0] =	ssyncadd.s32 @!p0 s1  }
0x135: {  	[bflag:$0x3] =	sbarrier.arrive $0xFFFF  }
0x136: {  	_ =	shalt  }

// kernel: kernel.7.cloned.1.call-start
scs
__scs_entry_jumppad:
0x0: {  	(pc) =	sbr.rel $0x88, $3  }
0x1: {  	(tag) =	ssettag $0x0;
	lr =	simm.s32 $0x1  }
0x2: {  	[smem:$0x3F99] =	sst lr;
	_ =	strace $0xD0000000  }
0x3: {  	_ = 	snop  }
0x4: {  	_ = 	snop  }
0x5: {  	_ = 	snop  }
0x6: {  	_ = 	snop  }
0x7: {  	_ = 	snop  }
__scs_overlays_trampoline_lowered:
0x8: {  	[smem:$0x3FA8] =	sst s0  }
0x9: {  	[smem:$0x3FA9] =	sst s1  }
0xa: {  	[smem:$0x3FAA] =	sst s2  }
0xb: {  	[smem:$0x3FAB] =	sst s3  }
0xc: {  	[smem:$0x3FAC] =	sst s4  }
0xd: {  	[smem:$0x3FAD] =	sst s5  }
0xe: {  	[smem:$0x3FAE] =	sst s6  }
0xf: {  	[smem:$0x3FAF] =	sst s7  }
0x10: {  	[smem:$0x3FB0] =	sst s8  }
0x11: {  	[smem:$0x3FB1] =	sst s9;
	s0 =	simm.s32 @!p0 $0x0  }
0x12: {  	s1 =	sld [smem:$0x3F97];
	s0 =	simm.s32 @p0 $0x1  }
0x13: {  	[smem:$0x3FB2] =	sst s0;
	s0 =	simm.s32 @!p1 $0x0  }
0x14: {  	s2 =	sld [smem:$0x3F96];
	s0 =	simm.s32 @p1 $0x1  }
0x15: {  	[smem:$0x3FB3] =	sst s0;
	s0 =	simm.s32 @!p2 $0x0  }
0x16: {  	s3 =	sld [smem:$0x3FDB];
	s0 =	simm.s32 @p2 $0x1  }
0x17: {  	s4 =	simm.s32 $0x1BF5;
	[smem:$0x3FB5] =	sst s0  }
0x18: {  	s0 =	sld [smem:$0x3F98];
	_ =	swait.ge [sflag:s4], $0x0  }
0x19: {  	s7 =	sld [smem:$0x3F99]  }
0x1a: {  	s8 =	sadd.s32 $0xFFFFE003, lr  }
0x1b: {  	s9 =	sadd.s32 $0xFFFFFEF7, lr;
	s5 =	simm.s32 $0xFFFFFFFF;
	p2 =	slt.u32 s8, $0xFFFFF086  }
0x1c: {  	p1 =	slt.u32 s9, $0xF7A;
	s5 =	simm.s32 @!p2 $0x0  }
0x1d: {  	s5 =	simm.s32 @p1 $0x1;
	p0 =	seq.s32 s7, s2  }
0x1e: {  	s7 =	smul.u32 @!p0 $0xF7A, s2;
	p2 =	seq.s32 @!p0 s5, $0x0  }
0x1f: {  	s9 =	smul.u32 $0xF7A, s1;
	s8 =	simm.s32 @!p0 $0x1BF5;
	p2 =	por !p2, p0  }
0x20: {  	[sflag:s8] =	ssyncset.s32 @!p0 $0xFFFFF086;
	s6 =	sadd.s32 @!p0 s3, s7;
	s7 =	simm.s32 @!p0 $0x108  }
0x21: {  	s3 =	sadd.s32 s3, s9;
	s6 =	sadd.s32 @!p0 $0x88, s6;
	s7 =	simm.s32 @p2 $0x1082  }
0x22: {  	[simem:s7], [sflag:s8] =	dma.local @!p0 [hbm:s6], $0xF7A  }
0x23: {  	s9 =	sor.u32 $0xD0000000, s2;
	s6 =	simm.s32 $0x108;
	_ =	swait.ge @!p0 [sflag:s8], $0x0  }
0x24: {  	s3 =	sadd.s32 $0x88, s3;
	s6 =	simm.s32 @!p1 $0x1082;
	[sflag:s4] =	ssyncset.s32 $0xFFFFF086  }
0x25: {  	[simem:s6], [sflag:s4] =	dma.local [hbm:s3], $0xF7A  }
0x26: {  	[smem:$0x3F99] =	sst s1;
	(tag) =	ssettag s2;
	_ =	strace s9  }
0x27: {  	s1 =	sld [smem:$0x3FA9]  }
0x28: {  	s2 =	sld [smem:$0x3FAA]  }
0x29: {  	s4 =	sld [smem:$0x3FAC]  }
0x2a: {  	p0 =	seq.s32 s5, $0x0;
	s5 =	sld [smem:$0x3FAD]  }
0x2b: {  	s6 =	sld [smem:$0x3FAE]  }
0x2c: {  	s7 =	sld [smem:$0x3FAF]  }
0x2d: {  	s3 =	simm.s32 $0x108;
	s8 =	sld [smem:$0x3FB0]  }
0x2e: {  	s3 =	simm.s32 @!p0 $0x1082;
	s9 =	sld [smem:$0x3FB1]  }
0x2f: {  	lr =	sadd.s32 s0, s3;
	s0 =	sld [smem:$0x3FA8]  }
0x30: {  	s3 =	sld [smem:$0x3FAB]  }
0x31: {  	[smem:$0x3FB4] =	sst s10  }
0x32: {  	s10 =	sld [smem:$0x3FB2];
	_ =	sdelay $0x3  }
0x33: {  	p0 =	seq.s32 s10, $0x1;
	s10 =	sld [smem:$0x3FB4];
	_ =	sdelay $0x3  }
0x34: {  	[smem:$0x3FB4] =	sst s10  }
0x35: {  	s10 =	sld [smem:$0x3FB3];
	_ =	sdelay $0x3  }
0x36: {  	p1 =	seq.s32 s10, $0x1;
	s10 =	sld [smem:$0x3FB4];
	_ =	sdelay $0x3  }
0x37: {  	[smem:$0x3FB4] =	sst s10  }
0x38: {  	s10 =	sld [smem:$0x3FB5]  }
0x39: {  	_ = 	snop;
	(pc) =	sbr.ind lr, $3  }
0x3a: {  	_ = 	snop  }
0x3b: {  	_ = 	snop  }
0x3c: {  	p2 =	seq.s32 s10, $0x1;
	s10 =	sld [smem:$0x3FB4]  }
0x3d: {  	_ =	shalt  }
0x3e: {  	_ =	shalt  }
0x3f: {  	_ =	shalt  }
0x40: {  	_ =	shalt  }
0x41: {  	_ =	shalt  }
0x42: {  	_ =	shalt  }
0x43: {  	_ =	shalt  }
0x44: {  	_ =	shalt  }
0x45: {  	_ =	shalt  }
0x46: {  	_ =	shalt  }
0x47: {  	_ =	shalt  }
0x48: {  	_ =	shalt  }
0x49: {  	_ =	shalt  }
0x4a: {  	_ =	shalt  }
0x4b: {  	_ =	shalt  }
0x4c: {  	_ =	shalt  }
0x4d: {  	_ =	shalt  }
0x4e: {  	_ =	shalt  }
0x4f: {  	_ =	shalt  }
0x50: {  	_ =	shalt  }
0x51: {  	_ =	shalt  }
0x52: {  	_ =	shalt  }
0x53: {  	_ =	shalt  }
0x54: {  	_ =	shalt  }
0x55: {  	_ =	shalt  }
0x56: {  	_ =	shalt  }
0x57: {  	_ =	shalt  }
0x58: {  	_ =	shalt  }
0x59: {  	_ =	shalt  }
0x5a: {  	_ =	shalt  }
0x5b: {  	_ =	shalt  }
0x5c: {  	_ =	shalt  }
0x5d: {  	_ =	shalt  }
0x5e: {  	_ =	shalt  }
0x5f: {  	_ =	shalt  }
0x60: {  	_ =	shalt  }
0x61: {  	_ =	shalt  }
0x62: {  	_ =	shalt  }
0x63: {  	_ =	shalt  }
0x64: {  	_ =	shalt  }
0x65: {  	_ =	shalt  }
0x66: {  	_ =	shalt  }
0x67: {  	_ =	shalt  }
0x68: {  	_ =	shalt  }
0x69: {  	_ =	shalt  }
0x6a: {  	_ =	shalt  }
0x6b: {  	_ =	shalt  }
0x6c: {  	_ =	shalt  }
0x6d: {  	_ =	shalt  }
0x6e: {  	_ =	shalt  }
0x6f: {  	_ =	shalt  }
0x70: {  	_ =	shalt  }
0x71: {  	_ =	shalt  }
0x72: {  	_ =	shalt  }
0x73: {  	_ =	shalt  }
0x74: {  	_ =	shalt  }
0x75: {  	_ =	shalt  }
0x76: {  	_ =	shalt  }
0x77: {  	_ =	shalt  }
0x78: {  	_ =	shalt  }
0x79: {  	_ =	shalt  }
0x7a: {  	_ =	shalt  }
0x7b: {  	_ =	shalt  }
0x7c: {  	_ =	shalt  }
0x7d: {  	_ =	shalt  }
0x7e: {  	_ =	shalt  }
0x7f: {  	_ =	shalt  }
0x80: {  	_ =	shalt  }
0x81: {  	_ =	shalt  }
0x82: {  	_ =	shalt  }
0x83: {  	_ =	shalt  }
0x84: {  	_ =	shalt  }
0x85: {  	_ =	shalt  }
0x86: {  	_ =	shalt  }
0x87: {  	_ =	shalt  }
.Lfunc_end0:
.L_simem_size_0:
called_computation_lowered:
.L_overlay_start_0:
0x88: {  	s2 =	sld [smem:$0x3FD9]  }
0x89: {  	s3 =	sld [smem:$0x3FFE];
	_ =	sdelay $0x1  }
0x8a: {  	s1 =	srdreg.scid  }
0x8b: {  	s0 =	sand.u32 $0x1, s1  }
0x8c: {  	s17 =	sshll.u32 s0, $0xA;
	s2 =	sadd.s32 s3, s2  }
0x8d: {  	s2 =	sadd.s32 s2, s17  }
0x8e: {  	[smem:$0x3FC0] =	sst s2  }
0x8f: {  	_ = 	snop  }
0x90: {  	s18 =	sld [smem:$0x3FC8];
	(tm) =	ssettm $0x1  }
0x91: {  	s19 =	sld [smem:$0x3FFB];
	_ =	sdelay $0x3  }
0x92: {  	_ =	strace s19  }
0x93: {  	s2 =	sld [smem:$0x3FFC];
	_ =	sdelay $0x3  }
0x94: {  	_ =	strace s2  }
0x95: {  	s2 =	sld [smem:$0x3FFD];
	_ =	sdelay $0x3  }
0x96: {  	_ =	strace s2  }
0x97: {  	_ =	strace $0x8FFFFFFF  }
0x98: {  	s20 =	sld [smem:$0x3FDB];
	_ =	sdelay $0x1  }
0x99: {  	s4 =	simm.s32 $_scs_section_size  }
0x9a: {  	s5 =	simm.s32 $_size__tile_overlayer_lowered;
	s6 =	simm.s32 $_tile_overlayer_lowered  }
0x9b: {  	s7 =	simm.s32 $0x1BFF;
	s21 =	sshll.u32 s6, $0x1;
	s4 =	sadd.s32 s4, s20  }
0x9c: {  	s22 =	simm.s32 $0x0;
	s5 =	sshll.u32 s5, $0x1;
	s6 =	sadd.s32 s21, s4  }
0x9d: {  	[timem:s22], [sflag:s7] =	dma.local [hbm:s6], s5  }
0x9e: {  	_ =	swait.ge [sflag:s7], s5  }
0x9f: {  	s5 =	ssub.s32 $0x0, s5;
	[sflag:s7] =	ssyncset.done $0x0  }
0xa0: {  	[sflag:s7] =	ssyncadd.s32 s5;
	_ =	sdelay $0x1  }
0xa1: {  	s23 =	simm.s32 $0x1B8B  }
0xa2: {  	_ =	swait.ge [sflag:s23], $0x1  }
0xa3: {  	[sflag:s23] =	ssyncset.done $0x0  }
0xa4: {  	[sflag:s23] =	ssyncadd.s32 $0xFFFFFFFF  }
0xa5: {  	s5 =	sld [smem:$0x0]  }
0xa6: {  	s6 =	sand.u32 $0xFFFFFFFE, s1  }
0xa7: {  	p0 =	sne.s32 s1, s6  }
0xa8: {  	s6 =	sshll.u32 @p0 s6, $0xE  }
0xa9: {  	s6 =	sadd.s32 @p0 $0x11B8D, s6;
	s7 =	sshll.u32 @p0 s5, $0x11  }
0xaa: {  	s6 =	sor.u32 @p0 s7, s6  }
0xab: {  	[sflag:s6] =	ssyncadd.remote.s32 @p0 $0x1;
	_ =	sdelay $0x1  }
0xac: {  	s6 =	simm.s32 @p0 $0x1B8D  }
0xad: {  	_ =	swait.eq @p0 [sflag:s6], $0x1  }
0xae: {  	[sflag:s6] =	ssyncadd.s32 @p0 $0xFFFFFFFF  }
0xaf: {  	s7 =	sshll.u32 @!p0 s1, $0xE  }
0xb0: {  	s7 =	sor.u32 @!p0 $0x4000, s7;
	s6 =	simm.s32 @!p0 $0x1B8D  }
0xb1: {  	s5 =	sshll.u32 @!p0 s5, $0x11;
	s7 =	sadd.s32 @!p0 $0x11B8D, s7;
	_ =	swait.eq @!p0 [sflag:s6], $0x1  }
0xb2: {  	s5 =	sor.u32 @!p0 s5, s7;
	[sflag:s6] =	ssyncadd.s32 @!p0 $0xFFFFFFFF  }
0xb3: {  	s25 =	simm.s32 $0x1B8E;
	s24 =	sld [smem:$0x3FFE];
	[sflag:s5] =	ssyncadd.remote.s32 @!p0 $0x1  }
0xb4: {  	s26 =	simm.s32 $execute0_lowered;
	[smem:$0x3FD2] =	sst s25  }
0xb5: {  	s6 =	sshll.u32 s26, $0x1;
	_ =	strace $0x80000049;
	[dreg:$0x1] =	wrdreg $0xFFFFFFFF  }
0xb6: {  	s28 =	simm.s32 $_size_execute0_lowered;
	s4 =	sadd.s32 s4, s6;
	[dreg:$0x0] =	wrdreg $0x0  }
0xb7: {  	s6 =	sshll.u32 s28, $0x1;
	[dreg:$0x2] =	wrdreg s4  }
0xb8: {  	[dreg:$0x3] =	wrdreg s6  }
0xb9: {  	[dreg:$0x4] =	wrdreg $0xC0  }
0xba: {  	_ =	task [dreg:s22], $0x5FFFF  }
0xbb: {  	[dreg:$0x1] =	wrdreg $0xFFFFFFFF  }
0xbc: {  	[dreg:$0x0] =	wrdreg $0x60  }
0xbd: {  	[dreg:$0x2] =	wrdreg s18  }
0xbe: {  	[dreg:$0x3] =	wrdreg s24  }
0xbf: {  	[dreg:$0x4] =	wrdreg $0x9  }
0xc0: {  	_ =	task.clear_ibuf [dreg:s22], $0x5FFFF;
	_ =	strace $0x90000049  }
0xc1: {  	s29 =	simm.s32 $0x9;
	_ =	strace $0x8000004B  }
0xc2: {  	_ =	swait.ge [sflag:s29], $0x1  }
0xc3: {  	[sflag:s29] =	ssyncadd.s32 $0xFFFFFFFF  }
0xc4: {  	_ =	strace $0x9000004B  }
0xc5: {  	_ =	sfence  }
0xc6: {  	s30 =	sld [smem:$0x0];
	_ =	sdelay $0x2  }
0xc7: {  	s31 =	sshll.u32 s1, $0xD;
	s1 =	sshrl.u32 s1, $0x2  }
0xc8: {  	s4 =	sand.u32 $0x4000, s31;
	s1 =	sadd.s32 s1, s30  }
0xc9: {  	s0 =	sor.u32 s4, s0;
	s1 =	sshll.u32 s1, $0x11  }
0xca: {  	s0 =	sor.u32 s1, s0  }
0xcb: {  	s0 =	sadd.s32 $0x8F2B, s0  }
0xcc: {  	[sflag:s0] =	ssyncadd.remote.s32 $0x1  }
0xcd: {  	_ =	sfence.sel $0xFFFF  }
0xce: {  	[dreg:$0x0] =	wrdreg $0xFFFFFFFF;
	(pc) =	sbr.abs _section_cstart, $3  }
0xcf: {  	[dreg:$0x1] =	wrdreg $0xFFFFFFFF  }
0xd0: {  	_ =	task.clear_ibuf [dreg:s22], $0x2FFFF;
	_ =	strace $0x9FFFFFFF  }
0xd1: {  	(tm) =	ssettm $0x7FFFFFFF  }
tec
execute0_lowered:
.L_overlay_start_1:
0x0: {  	(tag) =	ssettag $0x1  }
0x1: {  	s5 =	rddreg [dreg:$0x0]  }
0x2: {  	s4 =	rddreg [dreg:$0x1];
	s2 =	srdreg.scid  }
0x3: {  	s0 =	rddreg [dreg:$0x2];
	s1 =	stileid.u32  }
0x4: {  	s11 =	simm.s32 $0x80;
	s12 =	simm.s32 $0x200;
	s13 =	simm.s32 $0x4200  }
0x5: {  	s14 =	simm.s32 $0x100;
	s15 =	simm.s32 $0x8200;
	s16 =	simm.s32 $0x180  }
0x6: {  	s17 =	simm.s32 $0xC200;
	s18 =	simm.s32 $0x1;
	s3 =	sand.u32 $0x1, s2  }
0x7: {  	s2 =	simm.s32 $0x0;
	s6 =	sshll.u32 s1, $0xA;
	s7 =	sshll.u32 s3, $0x9  }
0x8: {  	s19 =	simm.s32 $0x2;
	[smem:$0x7FF] =	sst s2;
	s6 =	sor.u32 s7, s6  }
0x9: {  	s8 =	ssub.s32 $0x2, s3;
	s3 =	sadd.s32 $0x242E00, s4;
	s7 =	sshll.u32 s6, $0x4  }
0xa: {  	_ =	strace $0x8000004A;
	s31 =	sshrl.u32 s8, $0x1;
	s9 =	sadd.s32 s7, s4  }
0xb: {  	s10 =	ssub.s32 s8, s31;
	s6 =	sshrl.u32 s6, $0x3;
	s4 =	sadd.s32 $0x282E00, s9  }
0xc: {  	s5 =	sadd.s32 s5, s6;
	s6 =	sadd.s32 $0x283600, s9;
	s7 =	sadd.s32 $0x283E00, s9  }
0xd: {  	v0 =	vimm.s32 $0x0;
	s8 =	sadd.s32 $0x284600, s9;
	s9 =	smax.u32 s10, $0x1;
	s10 =	simm.s32 $0x3  }
.LBB2_1:
0xe: {  	[tilespmem:s2], [sflag:$0x3] =	stream.linear.gather [hbm4b:s5+s2], $0x200, $0x38;
	[tilespmem:$0x10200] =	vst v63  }
0xf: {  	_ =	swait.ge [sflag:s10], $0x200  }
0x10: {  	[sflag:s10] =	ssyncset.done $0x0  }
0x11: {  	[sflag:s10] =	ssyncadd.s32 $0xFFFFFE00  }
0x12: {  	v1 =	vld [tilespmem:$0x0];
	_ =	sdelay $0x1  }
0x13: {  	v4 =	vld [tilespmem:$0x10];
	_ =	sdelay $0x2  }
0x14: {  	vm0 =	vgt.s32 v1, $0x3FFF;
	vm1 =	vgt.s32 v1, $0x7FFF  }
0x15: {  	v6 =	vld [tilespmem:$0x20];
	vm10 =	vgt.s32 v1, $0xBFFF;
	vm11 =	vgt.s32 v1, $0xFFFF;
	vm12 =	vgt.s32 v1, $0x13FFF  }
0x16: {  	v7 =	vld [tilespmem:$0x30];
	vm13 =	vgt.s32 v1, $0x17FFF;
	vm14 =	vgt.s32 v1, $0x1BFFF;
	vm15 =	vgt.s32 v4, $0x3FFF  }
0x17: {  	vm4 =	vgt.s32 v4, $0x7FFF;
	vm5 =	vgt.s32 v4, $0xBFFF;
	vm6 =	vgt.s32 v4, $0xFFFF  }
0x18: {  	v63 =	vld [tilespmem:$0x40];
	vm7 =	vgt.s32 v4, $0x13FFF;
	vm8 =	vgt.s32 v4, $0x17FFF;
	vm9 =	vgt.s32 v4, $0x1BFFF  }
0x19: {  	v9 =	vld [tilespmem:$0x50];
	v2 =	vsel vm0, $0xFFFFFFFF, v0;
	v3 =	vsel vm1, $0xFFFFFFFF, v0;
	v5 =	vsel vm4, $0xFFFFFFFF, v0  }
0x1a: {  	v53 =	vsel vm6, $0xFFFFFFFF, v0;
	v54 =	vsel vm8, $0xFFFFFFFF, v0;
	vm4 =	vgt.s32 v6, $0x1BFFF  }
0x1b: {  	vm6 =	vgt.s32 v7, $0x7FFF;
	vm8 =	vgt.s32 v7, $0xFFFF;
	v2 =	vadd.s32 v3, v2  }
0x1c: {  	v10 =	vld [tilespmem:$0x60];
	v3 =	vsel vm10, $0xFFFFFFFF, v0;
	vm10 =	vgt.s32 v6, $0x3FFF;
	v60 =	vsel vm4, $0xFFFFFFFF, v0  }
0x1d: {  	v62 =	vsel vm6, $0xFFFFFFFF, v0;
	v13 =	vsel vm8, $0xFFFFFFFF, v0;
	vm4 =	vgt.s32 v63, $0x13FFF  }
0x1e: {  	vm6 =	vgt.s32 v63, $0x1BFFF;
	vm8 =	vgt.s32 v9, $0x7FFF;
	v2 =	vadd.s32 v3, v2  }
0x1f: {  	v3 =	vsel vm11, $0xFFFFFFFF, v0;
	v55 =	vsel vm10, $0xFFFFFFFF, v0;
	vm11 =	vgt.s32 v6, $0x7FFF  }
0x20: {  	vm10 =	vgt.s32 v7, $0x17FFF;
	v20 =	vsel vm4, $0xFFFFFFFF, v0;
	v22 =	vsel vm6, $0xFFFFFFFF, v0  }
0x21: {  	v24 =	vsel vm8, $0xFFFFFFFF, v0;
	vm4 =	vgt.s32 v10, $0xBFFF;
	vm6 =	vgt.s32 v10, $0x13FFF  }
0x22: {  	v33 =	vld [tilespmem:$0x70];
	vm8 =	vgt.s32 v10, $0x1BFFF;
	v2 =	vadd.s32 v3, v2;
	v3 =	vsel vm12, $0xFFFFFFFF, v0  }
0x23: {  	vm12 =	vgt.s32 v6, $0xBFFF;
	v15 =	vsel vm10, $0xFFFFFFFF, v0;
	vm10 =	vgt.s32 v9, $0xFFFF  }
0x24: {  	v34 =	vsel vm4, $0xFFFFFFFF, v0;
	v36 =	vsel vm6, $0xFFFFFFFF, v0;
	v38 =	vsel vm8, $0xFFFFFFFF, v0  }
0x25: {  	v2 =	vadd.s32 v3, v2;
	v3 =	vsel vm13, $0xFFFFFFFF, v0;
	v56 =	vsel vm12, $0xFFFFFFFF, v0  }
0x26: {  	vm13 =	vgt.s32 v6, $0xFFFF;
	vm12 =	vgt.s32 v63, $0x3FFF;
	v26 =	vsel vm10, $0xFFFFFFFF, v0  }
0x27: {  	vm10 =	vgt.s32 v33, $0x7FFF;
	v2 =	vadd.s32 v3, v2;
	v3 =	vsel vm14, $0xFFFFFFFF, v0  }
0x28: {  	v57 =	vsel vm13, $0xFFFFFFFF, v0;
	vm14 =	vgt.s32 v6, $0x13FFF;
	v17 =	vsel vm12, $0xFFFFFFFF, v0  }
0x29: {  	vm13 =	vgt.s32 v63, $0x7FFF;
	vm12 =	vgt.s32 v9, $0x17FFF;
	v11 =	vsel vm10, $0xFFFFFFFF, v0  }
0x2a: {  	v2 =	vadd.s32 v3, v2;
	v3 =	vsel vm15, $0xFFFFFFFF, v0;
	v58 =	vsel vm14, $0xFFFFFFFF, v0  }
0x2b: {  	vm15 =	vgt.s32 v6, $0x17FFF;
	v8 =	vsel vm13, $0xFFFFFFFF, v0;
	vm14 =	vgt.s32 v63, $0xBFFF  }
0x2c: {  	v28 =	vsel vm12, $0xFFFFFFFF, v0;
	vm13 =	vgt.s32 v9, $0x1BFFF;
	vm12 =	vgt.s32 v33, $0xFFFF  }
0x2d: {  	v2 =	vshll.u32 v2, $0xE;
	v3 =	vadd.s32 v5, v3;
	v59 =	vsel vm15, $0xFFFFFFFF, v0  }
0x2e: {  	v18 =	vsel vm14, $0xFFFFFFFF, v0;
	vm15 =	vgt.s32 v63, $0xFFFF;
	v5 =	vadd.s32 v8, v17  }
0x2f: {  	v29 =	vsel vm13, $0xFFFFFFFF, v0;
	vm14 =	vgt.s32 v10, $0x3FFF;
	v41 =	vsel vm12, $0xFFFFFFFF, v0  }
0x30: {  	vm13 =	vgt.s32 v33, $0x13FFF;
	v1 =	vadd.s32 v1, v2;
	v2 =	vsel vm5, $0xFFFFFFFF, v0  }
0x31: {  	vm5 =	vgt.s32 v7, $0x3FFF;
	v19 =	vsel vm15, $0xFFFFFFFF, v0;
	v5 =	vadd.s32 v18, v5  }
0x32: {  	v31 =	vsel vm14, $0xFFFFFFFF, v0;
	vm15 =	vgt.s32 v10, $0x7FFF;
	v42 =	vsel vm13, $0xFFFFFFFF, v0  }
0x33: {  	vm14 =	vgt.s32 v33, $0x17FFF;
	v2 =	vadd.s32 v2, v3;
	v3 =	vsel vm7, $0xFFFFFFFF, v0  }
0x34: {  	v61 =	vsel vm5, $0xFFFFFFFF, v0;
	vm7 =	vgt.s32 v7, $0xBFFF;
	vm5 =	vgt.s32 v63, $0x17FFF  }
0x35: {  	v5 =	vadd.s32 v19, v5;
	v32 =	vsel vm15, $0xFFFFFFFF, v0;
	v43 =	vsel vm14, $0xFFFFFFFF, v0  }
0x36: {  	vm15 =	vgt.s32 v33, $0x1BFFF;
	v2 =	vadd.s32 v53, v2;
	v12 =	vsel vm7, $0xFFFFFFFF, v0  }
0x37: {  	v21 =	vsel vm5, $0xFFFFFFFF, v0;
	v5 =	vadd.s32 v20, v5;
	vm7 =	vgt.s32 v9, $0x3FFF  }
0x38: {  	vm5 =	vgt.s32 v10, $0xFFFF;
	v44 =	vsel vm15, $0xFFFFFFFF, v0;
	v2 =	vadd.s32 v3, v2  }
0x39: {  	v3 =	vsel vm9, $0xFFFFFFFF, v0;
	vm9 =	vgt.s32 v7, $0x13FFF;
	v5 =	vadd.s32 v21, v5  }
0x3a: {  	v23 =	vsel vm7, $0xFFFFFFFF, v0;
	v35 =	vsel vm5, $0xFFFFFFFF, v0;
	vm7 =	vgt.s32 v10, $0x17FFF  }
0x3b: {  	v2 =	vadd.s32 v54, v2;
	v14 =	vsel vm9, $0xFFFFFFFF, v0;
	v5 =	vadd.s32 v22, v5  }
0x3c: {  	vm9 =	vgt.s32 v9, $0xBFFF;
	v37 =	vsel vm7, $0xFFFFFFFF, v0;
	v2 =	vadd.s32 v3, v2  }
0x3d: {  	v3 =	vsel vm11, $0xFFFFFFFF, v0;
	vm11 =	vgt.s32 v7, $0x1BFFF;
	v25 =	vsel vm9, $0xFFFFFFFF, v0  }
0x3e: {  	v5 =	vshll.u32 v5, $0xE;
	vm9 =	vgt.s32 v33, $0x3FFF;
	v3 =	vadd.s32 v3, v55  }
0x3f: {  	v2 =	vshll.u32 v2, $0xE;
	v16 =	vsel vm11, $0xFFFFFFFF, v0;
	vm11 =	vgt.s32 v9, $0x13FFF  }
0x40: {  	v5 =	vadd.s32 v63, v5;
	v39 =	vsel vm9, $0xFFFFFFFF, v0;
	v3 =	vadd.s32 v56, v3  }
0x41: {  	v2 =	vadd.s32 v4, v2;
	v4 =	vadd.s32 v62, v61;
	v27 =	vsel vm11, $0xFFFFFFFF, v0  }
0x42: {  	vm11 =	vgt.s32 v33, $0xBFFF;
	v8 =	vadd.s32 v11, v39;
	v3 =	vadd.s32 v57, v3  }
0x43: {  	v4 =	vadd.s32 v12, v4;
	v12 =	vld [tilespmem:$0x80];
	v40 =	vsel vm11, $0xFFFFFFFF, v0;
	v3 =	vadd.s32 v58, v3  }
0x44: {  	v4 =	vadd.s32 v13, v4;
	v8 =	vadd.s32 v40, v8;
	v3 =	vadd.s32 v59, v3  }
0x45: {  	v4 =	vadd.s32 v14, v4;
	v8 =	vadd.s32 v41, v8;
	v3 =	vadd.s32 v60, v3  }
0x46: {  	v4 =	vadd.s32 v15, v4;
	v8 =	vadd.s32 v42, v8;
	v3 =	vshll.u32 v3, $0xE  }
0x47: {  	v4 =	vadd.s32 v16, v4;
	v8 =	vadd.s32 v43, v8;
	v3 =	vadd.s32 v6, v3  }
0x48: {  	v4 =	vshll.u32 v4, $0xE;
	vm4 =	vgt.s32 v12, $0x3FFF;
	vm5 =	vgt.s32 v12, $0x7FFF  }
0x49: {  	v13 =	vld [tilespmem:$0x90];
	v8 =	vadd.s32 v44, v8;
	vm6 =	vgt.s32 v12, $0xBFFF;
	vm7 =	vgt.s32 v12, $0xFFFF  }
0x4a: {  	vm8 =	vgt.s32 v12, $0x13FFF;
	vm9 =	vgt.s32 v12, $0x17FFF;
	vm10 =	vgt.s32 v12, $0x1BFFF  }
0x4b: {  	v55 =	vld [tilespmem:$0xA0];
	v4 =	vadd.s32 v7, v4;
	v7 =	vadd.s32 v24, v23;
	v45 =	vsel vm4, $0xFFFFFFFF, v0  }
0x4c: {  	v46 =	vsel vm5, $0xFFFFFFFF, v0;
	v47 =	vsel vm6, $0xFFFFFFFF, v0;
	v48 =	vsel vm7, $0xFFFFFFFF, v0  }
0x4d: {  	v49 =	vsel vm8, $0xFFFFFFFF, v0;
	v50 =	vsel vm9, $0xFFFFFFFF, v0;
	v8 =	vshll.u32 v8, $0xE  }
0x4e: {  	v51 =	vsel vm10, $0xFFFFFFFF, v0;
	vm11 =	vgt.s32 v13, $0x3FFF;
	vm12 =	vgt.s32 v13, $0x7FFF  }
0x4f: {  	vm13 =	vgt.s32 v13, $0xBFFF;
	vm14 =	vgt.s32 v13, $0xFFFF;
	vm15 =	vgt.s32 v13, $0x13FFF  }
0x50: {  	vm4 =	vgt.s32 v13, $0x17FFF;
	vm5 =	vgt.s32 v13, $0x1BFFF;
	vm6 =	vgt.s32 v55, $0x3FFF  }
0x51: {  	vm7 =	vgt.s32 v55, $0x7FFF;
	vm8 =	vgt.s32 v55, $0xBFFF;
	vm9 =	vgt.s32 v55, $0xFFFF  }
0x52: {  	vm10 =	vgt.s32 v55, $0x13FFF;
	v7 =	vadd.s32 v25, v7;
	v8 =	vadd.s32 v33, v8  }
0x53: {  	v53 =	vsel vm11, $0xFFFFFFFF, v0;
	v54 =	vsel vm12, $0xFFFFFFFF, v0;
	v56 =	vsel vm13, $0xFFFFFFFF, v0  }
0x54: {  	v15 =	vld [tilespmem:$0xB0];
	v57 =	vsel vm14, $0xFFFFFFFF, v0;
	v58 =	vsel vm15, $0xFFFFFFFF, v0;
	v59 =	vsel vm4, $0xFFFFFFFF, v0  }
0x55: {  	v60 =	vsel vm5, $0xFFFFFFFF, v0;
	v61 =	vsel vm6, $0xFFFFFFFF, v0;
	v14 =	vsel vm7, $0xFFFFFFFF, v0  }
0x56: {  	v62 =	vsel vm8, $0xFFFFFFFF, v0;
	v63 =	vsel vm9, $0xFFFFFFFF, v0;
	v16 =	vsel vm10, $0xFFFFFFFF, v0  }
0x57: {  	vm11 =	vgt.s32 v55, $0x17FFF;
	vm12 =	vgt.s32 v55, $0x1BFFF;
	v7 =	vadd.s32 v26, v7  }
0x58: {  	v11 =	vadd.s32 v14, v61;
	v17 =	vsel vm11, $0xFFFFFFFF, v0;
	v18 =	vsel vm12, $0xFFFFFFFF, v0  }
0x59: {  	vm13 =	vgt.s32 v15, $0x3FFF;
	vm14 =	vgt.s32 v15, $0x7FFF;
	vm15 =	vgt.s32 v15, $0xBFFF  }
0x5a: {  	vm4 =	vgt.s32 v15, $0xFFFF;
	vm5 =	vgt.s32 v15, $0x13FFF;
	vm6 =	vgt.s32 v15, $0x17FFF  }
0x5b: {  	vm7 =	vgt.s32 v15, $0x1BFFF;
	v7 =	vadd.s32 v27, v7;
	v11 =	vadd.s32 v62, v11  }
0x5c: {  	v19 =	vsel vm13, $0xFFFFFFFF, v0;
	v20 =	vsel vm14, $0xFFFFFFFF, v0;
	v21 =	vsel vm15, $0xFFFFFFFF, v0  }
0x5d: {  	v22 =	vsel vm4, $0xFFFFFFFF, v0;
	v7 =	vadd.s32 v28, v7;
	v11 =	vadd.s32 v63, v11  }
0x5e: {  	v30 =	vadd.s32 v29, v7;
	v7 =	vadd.s32 v32, v31;
	v11 =	vadd.s32 v16, v11;
	v16 =	vld [tilespmem:$0xC0]  }
0x5f: {  	v23 =	vsel vm5, $0xFFFFFFFF, v0;
	v24 =	vsel vm6, $0xFFFFFFFF, v0;
	v7 =	vadd.s32 v34, v7  }
0x60: {  	v25 =	vsel vm7, $0xFFFFFFFF, v0;
	v11 =	vadd.s32 v17, v11;
	v7 =	vadd.s32 v35, v7  }
0x61: {  	v29 =	vld [tilespmem:$0xD0];
	v6 =	vshll.u32 v30, $0xE;
	v11 =	vadd.s32 v18, v11;
	v7 =	vadd.s32 v36, v7  }
0x62: {  	v6 =	vadd.s32 v9, v6;
	v11 =	vshll.u32 v11, $0xE;
	v7 =	vadd.s32 v37, v7  }
0x63: {  	v11 =	vadd.s32 v55, v11;
	v7 =	vadd.s32 v38, v7;
	vm8 =	vgt.s32 v16, $0x3FFF  }
0x64: {  	vm9 =	vgt.s32 v16, $0x7FFF;
	vm10 =	vgt.s32 v16, $0xBFFF;
	vm11 =	vgt.s32 v16, $0xFFFF  }
0x65: {  	vm12 =	vgt.s32 v16, $0x13FFF;
	vm13 =	vgt.s32 v16, $0x17FFF;
	vm14 =	vgt.s32 v16, $0x1BFFF  }
0x66: {  	vm15 =	vgt.s32 v29, $0x3FFF;
	vm4 =	vgt.s32 v29, $0x7FFF;
	vm5 =	vgt.s32 v29, $0xBFFF  }
0x67: {  	vm6 =	vgt.s32 v29, $0xFFFF;
	vm7 =	vgt.s32 v29, $0x13FFF;
	v7 =	vshll.u32 v7, $0xE  }
0x68: {  	v27 =	vsel vm8, $0xFFFFFFFF, v0;
	v28 =	vsel vm9, $0xFFFFFFFF, v0;
	v30 =	vsel vm10, $0xFFFFFFFF, v0  }
0x69: {  	v18 =	vld [tilespmem:$0xE0];
	v31 =	vsel vm11, $0xFFFFFFFF, v0;
	v32 =	vsel vm12, $0xFFFFFFFF, v0;
	v33 =	vsel vm13, $0xFFFFFFFF, v0  }
0x6a: {  	v34 =	vsel vm14, $0xFFFFFFFF, v0;
	v35 =	vsel vm15, $0xFFFFFFFF, v0;
	v17 =	vsel vm4, $0xFFFFFFFF, v0  }
0x6b: {  	v36 =	vsel vm5, $0xFFFFFFFF, v0;
	v37 =	vsel vm6, $0xFFFFFFFF, v0;
	v38 =	vsel vm7, $0xFFFFFFFF, v0  }
0x6c: {  	vm8 =	vgt.s32 v29, $0x17FFF;
	vm9 =	vgt.s32 v29, $0x1BFFF;
	v7 =	vadd.s32 v10, v7  }
0x6d: {  	v10 =	vadd.s32 v46, v45;
	v14 =	vadd.s32 v17, v35;
	v39 =	vsel vm8, $0xFFFFFFFF, v0  }
0x6e: {  	v40 =	vsel vm9, $0xFFFFFFFF, v0;
	vm10 =	vgt.s32 v18, $0x3FFF;
	vm11 =	vgt.s32 v18, $0x7FFF  }
0x6f: {  	vm12 =	vgt.s32 v18, $0xBFFF;
	vm13 =	vgt.s32 v18, $0xFFFF;
	vm14 =	vgt.s32 v18, $0x13FFF  }
0x70: {  	vm15 =	vgt.s32 v18, $0x17FFF;
	vm4 =	vgt.s32 v18, $0x1BFFF;
	v10 =	vadd.s32 v47, v10  }
0x71: {  	v14 =	vadd.s32 v36, v14;
	v41 =	vsel vm10, $0xFFFFFFFF, v0;
	v10 =	vadd.s32 v48, v10  }
0x72: {  	v42 =	vsel vm11, $0xFFFFFFFF, v0;
	v43 =	vsel vm12, $0xFFFFFFFF, v0;
	v10 =	vadd.s32 v49, v10  }
0x73: {  	v44 =	vsel vm13, $0xFFFFFFFF, v0;
	v45 =	vsel vm14, $0xFFFFFFFF, v0;
	v10 =	vadd.s32 v50, v10  }
0x74: {  	v14 =	vadd.s32 v37, v14;
	v52 =	vadd.s32 v51, v10;
	v10 =	vadd.s32 v54, v53;
	v51 =	vld [tilespmem:$0x100]  }
0x75: {  	v46 =	vsel vm15, $0xFFFFFFFF, v0;
	v14 =	vadd.s32 v38, v14;
	v10 =	vadd.s32 v56, v10  }
0x76: {  	v47 =	vsel vm4, $0xFFFFFFFF, v0;
	v14 =	vadd.s32 v39, v14;
	v10 =	vadd.s32 v57, v10  }
0x77: {  	v14 =	vadd.s32 v40, v14;
	v9 =	vshll.u32 v52, $0xE;
	v10 =	vadd.s32 v58, v10  }
0x78: {  	v14 =	vshll.u32 v14, $0xE;
	v9 =	vadd.s32 v12, v9;
	v10 =	vadd.s32 v59, v10  }
0x79: {  	v10 =	vadd.s32 v60, v10;
	vm12 =	vgt.s32 v51, $0x3FFF;
	vm13 =	vgt.s32 v51, $0x7FFF  }
0x7a: {  	vm14 =	vgt.s32 v51, $0xBFFF;
	vm15 =	vgt.s32 v51, $0xFFFF;
	v10 =	vshll.u32 v10, $0xE  }
0x7b: {  	vm4 =	vgt.s32 v51, $0x13FFF;
	v10 =	vadd.s32 v13, v10;
	v13 =	vadd.s32 v20, v19  }
0x7c: {  	v57 =	vsel vm12, $0xFFFFFFFF, v0;
	v19 =	vld [tilespmem:$0xF0];
	v20 =	vsel vm13, $0xFFFFFFFF, v0;
	v13 =	vadd.s32 v21, v13  }
0x7d: {  	v58 =	vsel vm14, $0xFFFFFFFF, v0;
	v17 =	vadd.s32 v20, v57;
	v13 =	vadd.s32 v22, v13  }
0x7e: {  	v59 =	vsel vm15, $0xFFFFFFFF, v0;
	v17 =	vadd.s32 v58, v17;
	v13 =	vadd.s32 v23, v13  }
0x7f: {  	v60 =	vsel vm4, $0xFFFFFFFF, v0;
	v17 =	vadd.s32 v59, v17;
	v13 =	vadd.s32 v24, v13  }
0x80: {  	v14 =	vadd.s32 v29, v14;
	v17 =	vadd.s32 v60, v17;
	v26 =	vadd.s32 v25, v13  }
0x81: {  	v13 =	vadd.s32 v28, v27;
	vm5 =	vgt.s32 v19, $0x3FFF;
	vm6 =	vgt.s32 v19, $0x7FFF  }
0x82: {  	v21 =	vld [tilespmem:$0x110];
	vm7 =	vgt.s32 v19, $0xBFFF;
	vm8 =	vgt.s32 v19, $0xFFFF;
	vm9 =	vgt.s32 v19, $0x13FFF  }
0x83: {  	vm10 =	vgt.s32 v19, $0x17FFF;
	vm11 =	vgt.s32 v19, $0x1BFFF;
	v12 =	vshll.u32 v26, $0xE  }
0x84: {  	v13 =	vadd.s32 v30, v13;
	v49 =	vsel vm5, $0xFFFFFFFF, v0;
	v50 =	vsel vm6, $0xFFFFFFFF, v0  }
0x85: {  	v52 =	vsel vm7, $0xFFFFFFFF, v0;
	v53 =	vsel vm8, $0xFFFFFFFF, v0;
	v54 =	vsel vm9, $0xFFFFFFFF, v0  }
0x86: {  	v55 =	vsel vm10, $0xFFFFFFFF, v0;
	v56 =	vsel vm11, $0xFFFFFFFF, v0;
	vm5 =	vgt.s32 v51, $0x17FFF  }
0x87: {  	vm6 =	vgt.s32 v51, $0x1BFFF;
	vm7 =	vgt.s32 v21, $0x3FFF;
	vm8 =	vgt.s32 v21, $0x7FFF  }
0x88: {  	v22 =	vld [tilespmem:$0x120];
	vm9 =	vgt.s32 v21, $0xBFFF;
	vm10 =	vgt.s32 v21, $0xFFFF;
	vm11 =	vgt.s32 v21, $0x13FFF  }
0x89: {  	vm12 =	vgt.s32 v21, $0x17FFF;
	vm13 =	vgt.s32 v21, $0x1BFFF;
	v12 =	vadd.s32 v15, v12  }
0x8a: {  	v13 =	vadd.s32 v31, v13;
	v61 =	vsel vm5, $0xFFFFFFFF, v0;
	v62 =	vsel vm6, $0xFFFFFFFF, v0  }
0x8b: {  	v63 =	vsel vm7, $0xFFFFFFFF, v0;
	v24 =	vsel vm8, $0xFFFFFFFF, v0;
	v25 =	vsel vm9, $0xFFFFFFFF, v0  }
0x8c: {  	v26 =	vsel vm10, $0xFFFFFFFF, v0;
	v27 =	vsel vm11, $0xFFFFFFFF, v0;
	v28 =	vsel vm12, $0xFFFFFFFF, v0  }
0x8d: {  	v29 =	vsel vm13, $0xFFFFFFFF, v0;
	vm14 =	vgt.s32 v22, $0x3FFF;
	vm15 =	vgt.s32 v22, $0x7FFF  }
0x8e: {  	vm4 =	vgt.s32 v22, $0xBFFF;
	vm5 =	vgt.s32 v22, $0xFFFF;
	v13 =	vadd.s32 v32, v13  }
0x8f: {  	vm6 =	vgt.s32 v22, $0x13FFF;
	vm7 =	vgt.s32 v22, $0x17FFF;
	v13 =	vadd.s32 v33, v13  }
0x90: {  	vm8 =	vgt.s32 v22, $0x1BFFF;
	v17 =	vadd.s32 v61, v17;
	v13 =	vadd.s32 v34, v13  }
0x91: {  	v31 =	vsel vm14, $0xFFFFFFFF, v0;
	v32 =	vsel vm15, $0xFFFFFFFF, v0;
	v33 =	vld [tilespmem:$0x130];
	v13 =	vshll.u32 v13, $0xE  }
0x92: {  	v35 =	vsel vm5, $0xFFFFFFFF, v0;
	v13 =	vadd.s32 v16, v13;
	v16 =	vadd.s32 v42, v41  }
0x93: {  	v36 =	vsel vm6, $0xFFFFFFFF, v0;
	v37 =	vsel vm7, $0xFFFFFFFF, v0;
	v16 =	vadd.s32 v43, v16  }
0x94: {  	v38 =	vsel vm8, $0xFFFFFFFF, v0;
	v17 =	vadd.s32 v62, v17;
	v16 =	vadd.s32 v44, v16  }
0x95: {  	v17 =	vshll.u32 v17, $0xE;
	v34 =	vsel vm4, $0xFFFFFFFF, v0;
	v16 =	vadd.s32 v45, v16  }
0x96: {  	v17 =	vadd.s32 v51, v17;
	vm9 =	vgt.s32 v33, $0x3FFF;
	v16 =	vadd.s32 v46, v16  }
0x97: {  	vm10 =	vgt.s32 v33, $0x7FFF;
	v48 =	vadd.s32 v47, v16;
	v16 =	vadd.s32 v50, v49  }
0x98: {  	vm11 =	vgt.s32 v33, $0xBFFF;
	vm12 =	vgt.s32 v33, $0xFFFF;
	v16 =	vadd.s32 v52, v16  }
0x99: {  	vm13 =	vgt.s32 v33, $0x13FFF;
	vm14 =	vgt.s32 v33, $0x17FFF;
	v16 =	vadd.s32 v53, v16  }
0x9a: {  	vm15 =	vgt.s32 v33, $0x1BFFF;
	v39 =	vsel vm9, $0xFFFFFFFF, v0;
	v16 =	vadd.s32 v54, v16  }
0x9b: {  	v23 =	vsel vm10, $0xFFFFFFFF, v0;
	v40 =	vsel vm11, $0xFFFFFFFF, v0;
	v16 =	vadd.s32 v55, v16  }
0x9c: {  	v41 =	vsel vm12, $0xFFFFFFFF, v0;
	v20 =	vadd.s32 v23, v39;
	v16 =	vadd.s32 v56, v16  }
0x9d: {  	v42 =	vsel vm13, $0xFFFFFFFF, v0;
	v20 =	vadd.s32 v40, v20;
	v16 =	vshll.u32 v16, $0xE  }
0x9e: {  	v20 =	vadd.s32 v41, v20;
	v16 =	vadd.s32 v19, v16;
	v19 =	vadd.s32 v24, v63  }
0x9f: {  	v43 =	vsel vm14, $0xFFFFFFFF, v0;
	v20 =	vadd.s32 v42, v20;
	v24 =	vld [tilespmem:$0x140];
	v19 =	vadd.s32 v25, v19  }
0xa0: {  	v44 =	vsel vm15, $0xFFFFFFFF, v0;
	v20 =	vadd.s32 v43, v20;
	v19 =	vadd.s32 v26, v19  }
0xa1: {  	v15 =	vshll.u32 v48, $0xE;
	v20 =	vadd.s32 v44, v20;
	v19 =	vadd.s32 v27, v19  }
0xa2: {  	v15 =	vadd.s32 v18, v15;
	v20 =	vshll.u32 v20, $0xE;
	v19 =	vadd.s32 v28, v19  }
0xa3: {  	v20 =	vadd.s32 v33, v20;
	v30 =	vadd.s32 v29, v19;
	v19 =	vadd.s32 v32, v31  }
0xa4: {  	v25 =	vld [tilespmem:$0x150];
	vm4 =	vgt.s32 v24, $0x3FFF;
	vm5 =	vgt.s32 v24, $0x7FFF;
	vm6 =	vgt.s32 v24, $0xBFFF  }
0xa5: {  	vm7 =	vgt.s32 v24, $0xFFFF;
	vm8 =	vgt.s32 v24, $0x13FFF;
	vm9 =	vgt.s32 v24, $0x17FFF  }
0xa6: {  	v55 =	vld [tilespmem:$0x160];
	vm10 =	vgt.s32 v24, $0x1BFFF;
	v18 =	vshll.u32 v30, $0xE;
	v19 =	vadd.s32 v34, v19  }
0xa7: {  	v45 =	vsel vm4, $0xFFFFFFFF, v0;
	v46 =	vsel vm5, $0xFFFFFFFF, v0;
	v47 =	vsel vm6, $0xFFFFFFFF, v0  }
0xa8: {  	v48 =	vsel vm7, $0xFFFFFFFF, v0;
	v49 =	vsel vm8, $0xFFFFFFFF, v0;
	v50 =	vsel vm9, $0xFFFFFFFF, v0  }
0xa9: {  	v51 =	vsel vm10, $0xFFFFFFFF, v0;
	vm11 =	vgt.s32 v25, $0x3FFF;
	vm12 =	vgt.s32 v25, $0x7FFF  }
0xaa: {  	vm13 =	vgt.s32 v25, $0xBFFF;
	vm14 =	vgt.s32 v25, $0xFFFF;
	vm15 =	vgt.s32 v25, $0x13FFF  }
0xab: {  	vm4 =	vgt.s32 v25, $0x17FFF;
	vm5 =	vgt.s32 v25, $0x1BFFF;
	vm6 =	vgt.s32 v55, $0x3FFF  }
0xac: {  	vm7 =	vgt.s32 v55, $0x7FFF;
	vm8 =	vgt.s32 v55, $0xBFFF;
	vm9 =	vgt.s32 v55, $0xFFFF  }
0xad: {  	vm10 =	vgt.s32 v55, $0x13FFF;
	v18 =	vadd.s32 v21, v18;
	v19 =	vadd.s32 v35, v19  }
0xae: {  	v53 =	vsel vm11, $0xFFFFFFFF, v0;
	v54 =	vsel vm12, $0xFFFFFFFF, v0;
	v56 =	vsel vm13, $0xFFFFFFFF, v0  }
0xaf: {  	v27 =	vld [tilespmem:$0x170];
	v57 =	vsel vm14, $0xFFFFFFFF, v0;
	v58 =	vsel vm15, $0xFFFFFFFF, v0;
	v59 =	vsel vm4, $0xFFFFFFFF, v0  }
0xb0: {  	v60 =	vsel vm5, $0xFFFFFFFF, v0;
	v61 =	vsel vm6, $0xFFFFFFFF, v0;
	v26 =	vsel vm7, $0xFFFFFFFF, v0  }
0xb1: {  	v62 =	vsel vm8, $0xFFFFFFFF, v0;
	v63 =	vsel vm9, $0xFFFFFFFF, v0;
	v28 =	vsel vm10, $0xFFFFFFFF, v0  }
0xb2: {  	vm11 =	vgt.s32 v55, $0x17FFF;
	vm12 =	vgt.s32 v55, $0x1BFFF;
	v19 =	vadd.s32 v36, v19  }
0xb3: {  	v23 =	vadd.s32 v26, v61;
	v29 =	vsel vm11, $0xFFFFFFFF, v0;
	v30 =	vsel vm12, $0xFFFFFFFF, v0  }
0xb4: {  	v41 =	vld [tilespmem:$0x190];
	vm13 =	vgt.s32 v27, $0x3FFF;
	vm14 =	vgt.s32 v27, $0x7FFF;
	vm15 =	vgt.s32 v27, $0xBFFF  }
0xb5: {  	vm4 =	vgt.s32 v27, $0xFFFF;
	vm5 =	vgt.s32 v27, $0x13FFF;
	vm6 =	vgt.s32 v27, $0x17FFF  }
0xb6: {  	vm7 =	vgt.s32 v27, $0x1BFFF;
	v19 =	vadd.s32 v37, v19;
	v23 =	vadd.s32 v62, v23  }
0xb7: {  	v31 =	vsel vm13, $0xFFFFFFFF, v0;
	v32 =	vsel vm14, $0xFFFFFFFF, v0;
	v33 =	vsel vm15, $0xFFFFFFFF, v0  }
0xb8: {  	v34 =	vsel vm4, $0xFFFFFFFF, v0;
	v35 =	vsel vm5, $0xFFFFFFFF, v0;
	v36 =	vsel vm6, $0xFFFFFFFF, v0  }
0xb9: {  	v37 =	vsel vm7, $0xFFFFFFFF, v0;
	vm15 =	vgt.s32 v41, $0x3FFF;
	vm4 =	vgt.s32 v41, $0x7FFF  }
0xba: {  	vm5 =	vgt.s32 v41, $0xBFFF;
	vm6 =	vgt.s32 v41, $0xFFFF;
	v19 =	vadd.s32 v38, v19  }
0xbb: {  	vm7 =	vgt.s32 v41, $0x13FFF;
	v23 =	vadd.s32 v63, v23;
	v19 =	vshll.u32 v19, $0xE  }
0xbc: {  	v23 =	vadd.s32 v28, v23;
	v28 =	vld [tilespmem:$0x180];
	v19 =	vadd.s32 v22, v19;
	v22 =	vadd.s32 v46, v45  }
0xbd: {  	v23 =	vadd.s32 v29, v23;
	v29 =	vsel vm4, $0xFFFFFFFF, v0;
	v22 =	vadd.s32 v47, v22  }
0xbe: {  	v23 =	vadd.s32 v30, v23;
	v47 =	vsel vm15, $0xFFFFFFFF, v0;
	v22 =	vadd.s32 v48, v22  }
0xbf: {  	v23 =	vshll.u32 v23, $0xE;
	v48 =	vsel vm5, $0xFFFFFFFF, v0;
	v26 =	vadd.s32 v29, v47  }
0xc0: {  	v22 =	vadd.s32 v49, v22;
	v23 =	vadd.s32 v55, v23;
	v49 =	vsel vm6, $0xFFFFFFFF, v0  }
0xc1: {  	v26 =	vadd.s32 v48, v26;
	v22 =	vadd.s32 v50, v22;
	vm8 =	vgt.s32 v28, $0x3FFF  }
0xc2: {  	vm9 =	vgt.s32 v28, $0x7FFF;
	vm10 =	vgt.s32 v28, $0xBFFF;
	vm11 =	vgt.s32 v28, $0xFFFF  }
0xc3: {  	vm12 =	vgt.s32 v28, $0x13FFF;
	vm13 =	vgt.s32 v28, $0x17FFF;
	vm14 =	vgt.s32 v28, $0x1BFFF  }
0xc4: {  	v50 =	vsel vm7, $0xFFFFFFFF, v0;
	v26 =	vadd.s32 v49, v26;
	v52 =	vadd.s32 v51, v22  }
0xc5: {  	v30 =	vld [tilespmem:$0x1A0];
	v22 =	vadd.s32 v54, v53;
	v39 =	vsel vm8, $0xFFFFFFFF, v0;
	v40 =	vsel vm9, $0xFFFFFFFF, v0  }
0xc6: {  	v42 =	vsel vm10, $0xFFFFFFFF, v0;
	v43 =	vsel vm11, $0xFFFFFFFF, v0;
	v44 =	vsel vm12, $0xFFFFFFFF, v0  }
0xc7: {  	v45 =	vsel vm13, $0xFFFFFFFF, v0;
	v46 =	vsel vm14, $0xFFFFFFFF, v0;
	vm8 =	vgt.s32 v41, $0x17FFF  }
0xc8: {  	vm9 =	vgt.s32 v41, $0x1BFFF;
	v26 =	vadd.s32 v50, v26;
	v21 =	vshll.u32 v52, $0xE  }
0xc9: {  	v22 =	vadd.s32 v56, v22;
	v51 =	vsel vm8, $0xFFFFFFFF, v0;
	v52 =	vsel vm9, $0xFFFFFFFF, v0  }
0xca: {  	vm10 =	vgt.s32 v30, $0x3FFF;
	vm11 =	vgt.s32 v30, $0x7FFF;
	vm12 =	vgt.s32 v30, $0xBFFF  }
0xcb: {  	v63 =	vld [tilespmem:$0x1C0];
	vm13 =	vgt.s32 v30, $0xFFFF;
	vm14 =	vgt.s32 v30, $0x13FFF;
	vm15 =	vgt.s32 v30, $0x17FFF  }
0xcc: {  	vm4 =	vgt.s32 v30, $0x1BFFF;
	v21 =	vadd.s32 v24, v21;
	v22 =	vadd.s32 v57, v22  }
0xcd: {  	v26 =	vadd.s32 v51, v26;
	v53 =	vsel vm10, $0xFFFFFFFF, v0;
	v22 =	vadd.s32 v58, v22  }
0xce: {  	v54 =	vsel vm11, $0xFFFFFFFF, v0;
	v55 =	vsel vm12, $0xFFFFFFFF, v0;
	v22 =	vadd.s32 v59, v22  }
0xcf: {  	v56 =	vsel vm13, $0xFFFFFFFF, v0;
	v57 =	vsel vm14, $0xFFFFFFFF, v0;
	v22 =	vadd.s32 v60, v22  }
0xd0: {  	vm12 =	vgt.s32 v63, $0x3FFF;
	vm13 =	vgt.s32 v63, $0x7FFF;
	v22 =	vshll.u32 v22, $0xE  }
0xd1: {  	vm14 =	vgt.s32 v63, $0xBFFF;
	v22 =	vadd.s32 v25, v22;
	v25 =	vadd.s32 v32, v31  }
0xd2: {  	[tilespmem:$0x10] =	vst v2;
	v26 =	vadd.s32 v52, v26;
	v58 =	vsel vm15, $0xFFFFFFFF, v0;
	v31 =	vld [tilespmem:$0x1B0];
	v25 =	vadd.s32 v33, v25  }
0xd3: {  	[tilespmem:$0x20] =	vst v3;
	v2 =	vsel vm13, $0xFFFFFFFF, v0;
	v3 =	vsel vm14, $0xFFFFFFFF, v0;
	v25 =	vadd.s32 v34, v25  }
0xd4: {  	vm15 =	vgt.s32 v63, $0xFFFF;
	v26 =	vshll.u32 v26, $0xE;
	v25 =	vadd.s32 v35, v25  }
0xd5: {  	v59 =	vsel vm4, $0xFFFFFFFF, v0;
	vm4 =	vgt.s32 v63, $0x13FFF;
	v25 =	vadd.s32 v36, v25  }
0xd6: {  	v26 =	vadd.s32 v41, v26;
	v38 =	vadd.s32 v37, v25;
	v25 =	vadd.s32 v40, v39  }
0xd7: {  	vm5 =	vgt.s32 v31, $0x3FFF;
	vm6 =	vgt.s32 v31, $0x7FFF;
	vm7 =	vgt.s32 v31, $0xBFFF  }
0xd8: {  	vm8 =	vgt.s32 v31, $0xFFFF;
	vm9 =	vgt.s32 v31, $0x13FFF;
	vm10 =	vgt.s32 v31, $0x17FFF  }
0xd9: {  	vm11 =	vgt.s32 v31, $0x1BFFF;
	v40 =	vsel vm15, $0xFFFFFFFF, v0;
	v24 =	vshll.u32 v38, $0xE  }
0xda: {  	v25 =	vadd.s32 v42, v25;
	v61 =	vsel vm5, $0xFFFFFFFF, v0;
	v62 =	vsel vm6, $0xFFFFFFFF, v0  }
0xdb: {  	v33 =	vsel vm7, $0xFFFFFFFF, v0;
	v34 =	vsel vm8, $0xFFFFFFFF, v0;
	v35 =	vsel vm9, $0xFFFFFFFF, v0  }
0xdc: {  	v39 =	vld [tilespmem:$0x1D0];
	v36 =	vsel vm10, $0xFFFFFFFF, v0;
	v37 =	vsel vm11, $0xFFFFFFFF, v0;
	v38 =	vsel vm12, $0xFFFFFFFF, v0  }
0xdd: {  	vm5 =	vgt.s32 v63, $0x17FFF;
	vm6 =	vgt.s32 v63, $0x1BFFF;
	v25 =	vadd.s32 v43, v25  }
0xde: {  	v24 =	vadd.s32 v27, v24;
	v2 =	vadd.s32 v2, v38;
	v25 =	vadd.s32 v44, v25  }
0xdf: {  	v41 =	vsel vm5, $0xFFFFFFFF, v0;
	v2 =	vadd.s32 v3, v2;
	v25 =	vadd.s32 v45, v25  }
0xe0: {  	v3 =	vsel vm4, $0xFFFFFFFF, v0;
	v2 =	vadd.s32 v40, v2;
	v25 =	vadd.s32 v46, v25  }
0xe1: {  	v51 =	vld [tilespmem:$0x1F0];
	v2 =	vadd.s32 v3, v2;
	v3 =	vsel vm6, $0xFFFFFFFF, v0;
	vm7 =	vgt.s32 v39, $0x3FFF  }
0xe2: {  	vm8 =	vgt.s32 v39, $0x7FFF;
	vm9 =	vgt.s32 v39, $0xBFFF;
	vm10 =	vgt.s32 v39, $0xFFFF  }
0xe3: {  	[tilespmem:$0x0] =	vst v1;
	vm11 =	vgt.s32 v39, $0x13FFF;
	vm12 =	vgt.s32 v39, $0x17FFF;
	vm13 =	vgt.s32 v39, $0x1BFFF  }
0xe4: {  	[tilespmem:$0x40] =	vst v5;
	v43 =	vld [tilespmem:$0x1E0];
	v25 =	vshll.u32 v25, $0xE;
	v2 =	vadd.s32 v41, v2;
	v42 =	vsel vm7, $0xFFFFFFFF, v0  }
0xe5: {  	[tilespmem:$0x30] =	vst v4;
	v44 =	vsel vm9, $0xFFFFFFFF, v0;
	v45 =	vsel vm10, $0xFFFFFFFF, v0;
	v46 =	vsel vm11, $0xFFFFFFFF, v0  }
0xe6: {  	[tilespmem:$0x70] =	vst v8;
	v47 =	vsel vm12, $0xFFFFFFFF, v0;
	v48 =	vsel vm13, $0xFFFFFFFF, v0;
	vm9 =	vgt.s32 v51, $0x3FFF  }
0xe7: {  	[tilespmem:$0x50] =	vst v6;
	vm10 =	vgt.s32 v51, $0x7FFF;
	vm11 =	vgt.s32 v51, $0xBFFF;
	vm12 =	vgt.s32 v51, $0xFFFF  }
0xe8: {  	[tilespmem:$0xA0] =	vst v11;
	vm13 =	vgt.s32 v51, $0x13FFF;
	v25 =	vadd.s32 v28, v25;
	v28 =	vadd.s32 v54, v53  }
0xe9: {  	[tilespmem:$0x60] =	vst v7;
	v2 =	vadd.s32 v3, v2;
	v3 =	vsel vm8, $0xFFFFFFFF, v0;
	vm14 =	vgt.s32 v43, $0x3FFF  }
0xea: {  	[tilespmem:$0x80] =	vst v9;
	vm15 =	vgt.s32 v43, $0x7FFF;
	vm4 =	vgt.s32 v43, $0xBFFF;
	vm5 =	vgt.s32 v43, $0xFFFF  }
0xeb: {  	[tilespmem:$0xD0] =	vst v14;
	vm6 =	vgt.s32 v43, $0x13FFF;
	vm7 =	vgt.s32 v43, $0x17FFF;
	vm8 =	vgt.s32 v43, $0x1BFFF  }
0xec: {  	[tilespmem:$0x90] =	vst v10;
	v28 =	vadd.s32 v55, v28;
	v2 =	vshll.u32 v2, $0xE;
	v3 =	vadd.s32 v3, v42  }
0xed: {  	[tilespmem:$0xB0] =	vst v12;
	v49 =	vsel vm14, $0xFFFFFFFF, v0;
	v50 =	vsel vm15, $0xFFFFFFFF, v0;
	v52 =	vsel vm4, $0xFFFFFFFF, v0  }
0xee: {  	[tilespmem:$0x100] =	vst v17;
	v53 =	vsel vm5, $0xFFFFFFFF, v0;
	v54 =	vsel vm6, $0xFFFFFFFF, v0;
	v55 =	vsel vm7, $0xFFFFFFFF, v0  }
0xef: {  	[tilespmem:$0xC0] =	vst v13;
	vm14 =	vgt.s32 v51, $0x17FFF;
	vm15 =	vgt.s32 v51, $0x1BFFF;
	v28 =	vadd.s32 v56, v28  }
0xf0: {  	[tilespmem:$0xE0] =	vst v15;
	v2 =	vadd.s32 v63, v2;
	v3 =	vadd.s32 v44, v3;
	v4 =	vadd.s32 v50, v49  }
0xf1: {  	[tilespmem:$0x130] =	vst v20;
	v56 =	vsel vm8, $0xFFFFFFFF, v0;
	v63 =	vsel vm15, $0xFFFFFFFF, v0;
	v28 =	vadd.s32 v57, v28  }
0xf2: {  	[tilespmem:$0xF0] =	vst v16;
	v3 =	vadd.s32 v45, v3;
	v4 =	vadd.s32 v52, v4;
	v57 =	vsel vm9, $0xFFFFFFFF, v0  }
0xf3: {  	[tilespmem:$0x110] =	vst v18;
	v28 =	vadd.s32 v58, v28;
	v3 =	vadd.s32 v46, v3;
	v4 =	vadd.s32 v53, v4  }
0xf4: {  	[tilespmem:$0x120] =	vst v19;
	v58 =	vsel vm10, $0xFFFFFFFF, v0;
	v60 =	vadd.s32 v59, v28;
	v28 =	vadd.s32 v62, v61  }
0xf5: {  	[tilespmem:$0x160] =	vst v23;
	v3 =	vadd.s32 v47, v3;
	v4 =	vadd.s32 v54, v4;
	v28 =	vadd.s32 v33, v28  }
0xf6: {  	[tilespmem:$0x140] =	vst v21;
	v6 =	vadd.s32 v58, v57;
	v59 =	vsel vm11, $0xFFFFFFFF, v0;
	v28 =	vadd.s32 v34, v28  }
0xf7: {  	[tilespmem:$0x190] =	vst v26;
	v61 =	vsel vm13, $0xFFFFFFFF, v0;
	v62 =	vsel vm14, $0xFFFFFFFF, v0;
	v28 =	vadd.s32 v35, v28  }
0xf8: {  	[tilespmem:$0x150] =	vst v22;
	v27 =	vshll.u32 v60, $0xE;
	v3 =	vadd.s32 v48, v3;
	v28 =	vadd.s32 v36, v28  }
0xf9: {  	[tilespmem:$0x170] =	vst v24;
	v6 =	vadd.s32 v59, v6;
	v60 =	vsel vm12, $0xFFFFFFFF, v0;
	v1 =	vadd.s32 v37, v28  }
0xfa: {  	[tilespmem:$0x180] =	vst v25;
	v4 =	vadd.s32 v55, v4;
	v6 =	vadd.s32 v60, v6;
	v1 =	vshll.u32 v1, $0xE  }
0xfb: {  	[tilespmem:$0x1C0] =	vst v2;
	v27 =	vadd.s32 v30, v27;
	v6 =	vadd.s32 v61, v6;
	v1 =	vadd.s32 v31, v1  }
0xfc: {  	v4 =	vadd.s32 v56, v4;
	v3 =	vshll.u32 v3, $0xE;
	[tilespmem:$0x1B0] =	vst v1;
	v1 =	vadd.s32 v62, v6  }
0xfd: {  	[tilespmem:$0x1A0] =	vst v27;
	v2 =	vadd.s32 v39, v3;
	v3 =	vshll.u32 v4, $0xE;
	v1 =	vadd.s32 v63, v1  }
0xfe: {  	[tilespmem:$0x1D0] =	vst v2;
	v2 =	vadd.s32 v43, v3;
	v1 =	vshll.u32 v1, $0xE  }
0xff: {  	[tilespmem:$0x1E0] =	vst v2;
	v1 =	vadd.s32 v51, v1  }
0x100: {  	[tilespmem:$0x1F0] =	vst v1  }
0x101: {  	[tilespmem:s12], [sflag:$0x1] =	stream.indirect.gather [hbm4b:s3+s11], $0x80, s2, s11, $0xb8;
	[tilespmem:$0x10200] =	vst v63  }
0x102: {  	_ = 	snop  }
0x103: {  	[tilespmem:s13], [sflag:$0x1] =	stream.indirect.gather [hbm4b:s3+s11], $0x80, s11, s11, $0xb8;
	[tilespmem:$0x10200] =	vst v63  }
0x104: {  	_ = 	snop  }
0x105: {  	[tilespmem:s15], [sflag:$0x1] =	stream.indirect.gather [hbm4b:s3+s11], $0x80, s14, s11, $0xb8;
	[tilespmem:$0x10200] =	vst v63  }
0x106: {  	_ = 	snop  }
0x107: {  	[tilespmem:s17], [sflag:$0x1] =	stream.indirect.gather [hbm4b:s3+s11], $0x80, s16, s11, $0xb8;
	[tilespmem:$0x10200] =	vst v63  }
0x108: {  	_ =	swait.ge [sflag:s18], $0x4000  }
0x109: {  	[sflag:s18] =	ssyncset.done $0x0  }
0x10a: {  	[sflag:s18] =	ssyncadd.s32 $0xFFFFC000  }
0x10b: {  	_ =	swait.ge [sflag:s18], $0x4000  }
0x10c: {  	[sflag:s18] =	ssyncset.done $0x0  }
0x10d: {  	[sflag:s18] =	ssyncadd.s32 $0xFFFFC000  }
0x10e: {  	_ =	swait.ge [sflag:s18], $0x4000  }
0x10f: {  	[sflag:s18] =	ssyncset.done $0x0  }
0x110: {  	[sflag:s18] =	ssyncadd.s32 $0xFFFFC000  }
0x111: {  	_ =	swait.ge [sflag:s18], $0x4000  }
0x112: {  	[sflag:s18] =	ssyncset.done $0x0  }
0x113: {  	[sflag:s18] =	ssyncadd.s32 $0xFFFFC000  }
0x114: {  	[hbm4b:s4+s2] =	stream.linear.scatter [tilespmem:s12], [sflag:$0x2], $0x4000, $0x38;
	[tilespmem:$0x10200] =	vst v63  }
0x115: {  	_ = 	snop  }
0x116: {  	[hbm4b:s6+s2] =	stream.linear.scatter [tilespmem:s13], [sflag:$0x2], $0x4000, $0x38;
	[tilespmem:$0x10200] =	vst v63  }
0x117: {  	_ = 	snop  }
0x118: {  	[hbm4b:s7+s2] =	stream.linear.scatter [tilespmem:s15], [sflag:$0x2], $0x4000, $0x38;
	[tilespmem:$0x10200] =	vst v63  }
0x119: {  	_ = 	snop  }
0x11a: {  	[hbm4b:s8+s2] =	stream.linear.scatter [tilespmem:s17], [sflag:$0x2], $0x4000, $0x38;
	[tilespmem:$0x10200] =	vst v63  }
0x11b: {  	_ =	swait.ge [sflag:s19], $0x4000  }
0x11c: {  	[sflag:s19] =	ssyncset.done $0x0  }
0x11d: {  	[sflag:s19] =	ssyncadd.s32 $0xFFFFC000  }
0x11e: {  	_ =	swait.ge [sflag:s19], $0x4000  }
0x11f: {  	[sflag:s19] =	ssyncset.done $0x0  }
0x120: {  	[sflag:s19] =	ssyncadd.s32 $0xFFFFC000  }
0x121: {  	p0 =	sne.s32 s9, $0x1;
	_ =	swait.ge [sflag:s19], $0x4000  }
.Ltmp0:
0x122: {  	[sflag:s19] =	ssyncset.done $0x0;
	(pc) =	sbr.rel @p0 .LBB2_1-.Ltmp0, $4  }
0x123: {  	[sflag:s19] =	ssyncadd.s32 $0xFFFFC000  }
0x124: {  	_ =	swait.ge [sflag:s19], $0x4000  }
0x125: {  	[sflag:s19] =	ssyncset.done $0x0  }
0x126: {  	s9 =	sadd.s32 $0xFFFFFFFF, s9;
	[sflag:s19] =	ssyncadd.s32 $0xFFFFC000  }
0x127: {  	_ =	sfence.sel $0x180000  }
0x128: {  	[bflag:$0x0] =	sbarrier.arrive $0xFFFF  }
0x129: {  	p0 =	sne.s32 s1, $0x0;
	_ =	strace $0x9000004A  }
0x12a: {  	s0 =	sadd.s32 @!p0 $0x100000, s0;
	[bflag:$0x2] =	sbarrier.arrive $0xFFFF  }
0x12b: {  	[sflag:s0] =	ssyncadd.tile.s32 @!p0 $0x1;
	_ =	shalt  }
.Lfunc_end2:
_tile_overlayer_lowered:
.L_overlay_start_2:
0x12c: {  	(tag) =	ssettag $0x2  }
0x12d: {  	s0 =	rddreg [dreg:$0x0];
	s2 =	stileid.u32  }
0x12e: {  	s1 =	rddreg [dreg:$0x1];
	p0 =	sne.s32 s2, $0x0  }
0x12f: {  	s3 =	rddreg [dreg:$0x2];
	[bflag:$0x3] =	sbarrier.arrive $0xFFFF;
	s2 =	simm.s32 @!p0 $0x1C03  }
0x130: {  	[timem:s3], [sflag:s2] =	dma.local @!p0 [hbm:s0], s1  }
0x131: {  	s0 =	simm.s32 @!p0 $0x3  }
0x132: {  	_ =	swait.ge @!p0 [sflag:s0], s1  }
0x133: {  	s1 =	ssub.s32 @!p0 $0x0, s1;
	[sflag:s0] =	ssyncset.done @!p0 $0x0  }
0x134: {  	[sflag:s0] =	ssyncadd.s32 @!p0 s1  }
0x135: {  	[bflag:$0x3] =	sbarrier.arrive $0xFFFF  }
0x136: {  	_ =	shalt  }

</sc_bundles>
